<compile_context>
chip_gen: v7x
topology: tpu7x:2x2x1
jax: 0.10.2.dev20260603
libtpu: 0.0.44.dev20260713+nightly
codegen_flags: <defaults>
</compile_context>

<pallas_src>
import functools

import jax
import jax.numpy as jnp
from jax.experimental import pallas as pl

_WS = 14
_TOPK = 8
_DH = 32
_EPS = 1e-6

_call = pl.pallas_call


def _elu1(x):
    return jnp.where(x > 0, x + 1.0, jnp.exp(jnp.where(x > 0, 0.0, x)))


def _blockdiag(p_aug, d, hh, dh):
    r_h = jax.lax.broadcasted_iota(jnp.int32, (d, d), 0) // dh
    c_h = jax.lax.broadcasted_iota(jnp.int32, (d, d), 1) // dh
    bd = p_aug[:, 0:d] * (r_h == c_h).astype(jnp.float32)
    rs_h = jax.lax.broadcasted_iota(jnp.int32, (d, hh), 0) // dh
    cs_h = jax.lax.broadcasted_iota(jnp.int32, (d, hh), 1)
    s = p_aug[:, d:d + 1] * (rs_h == cs_h).astype(jnp.float32)
    pad = jnp.zeros((d, 128 - d - hh), jnp.float32)
    return jnp.concatenate([bd, s, pad], axis=1)


def _stats_body(qw_ref, kw_ref, vw_ref, qm_ref, km_ref, vm_ref, pd_ref,
                *, wb, hh, dh, t, d):
    mean_row = jnp.full((1, t), 1.0 / t, dtype=jnp.float32)
    ones_row = jnp.ones((1, t), dtype=jnp.float32)
    for w in range(wb):
        qwin = qw_ref[0, w]
        kwin = kw_ref[0, w]
        vwin = vw_ref[0, w]
        kf = _elu1(kwin)
        v_aug = jnp.concatenate([vwin, ones_row], axis=0)
        p = jax.lax.dot_general(kf, v_aug, (((1,), (1,)), ((), ())),
                                preferred_element_type=jnp.float32)
        pd_ref[0, w] = _blockdiag(p, d, hh, dh).astype(jnp.bfloat16)
        qk = jnp.concatenate([qwin, kwin], axis=0)
        hi = jax.lax.bitcast_convert_type(
            jax.lax.bitcast_convert_type(qk, jnp.int32)
            & jnp.int32(-65536), jnp.float32)
        rem = qk - hi
        mid = jax.lax.bitcast_convert_type(
            jax.lax.bitcast_convert_type(rem, jnp.int32)
            & jnp.int32(-65536), jnp.float32)
        lo = rem - mid
        cat = jnp.concatenate([hi, mid, lo, vwin], axis=0)
        r = jax.lax.dot_general(ones_row, cat, (((1,), (1,)), ((), ())),
                                preferred_element_type=jnp.float32)
        inv_t = jnp.float32(1.0 / t)
        qm_ref[0, w:w + 1, :] = (
            (r[:, 0:d] + r[:, 2 * d:3 * d]) + r[:, 4 * d:5 * d]) * inv_t
        km_ref[0, w:w + 1, :] = (
            (r[:, d:2 * d] + r[:, 3 * d:4 * d]) + r[:, 5 * d:6 * d]) * inv_t
        vm_ref[0, w:w + 1, :] = r[:, 6 * d:7 * d] * inv_t


def _route_body(qm_ref, km_ref, vm_ref, pdf_ref, kvg_ref, ckv_ref,
                *, nw, topk, hh, dh, d):
    qm = qm_ref[0]
    km = km_ref[0]
    vm = vm_ref[0]
    sim = jax.lax.dot_general(qm, km, (((1,), (1,)), ((), ())),
                              preferred_element_type=jnp.float32)
    li = jax.lax.broadcasted_iota(jnp.int32, (nw, nw), 1)
    msum = jnp.zeros((nw, nw), jnp.float32)
    cur = sim
    for _ in range(topk):
        mx = jnp.max(cur, axis=1, keepdims=True)
        ismax = cur == mx
        first = jnp.min(jnp.where(ismax, li, nw), axis=1, keepdims=True)
        sel = li == first
        msum = msum + sel.astype(jnp.float32)
        cur = jnp.where(sel, -jnp.inf, cur)
    kfm = _elu1(km)
    vm_aug = jnp.concatenate([vm, jnp.ones((nw, 1), jnp.float32)], axis=1)
    cp = jax.lax.dot_general(kfm, vm_aug, (((0,), (0,)), ((), ())),
                             preferred_element_type=jnp.float32)
    ckv_ref[0] = _blockdiag(cp, d, hh, dh)
    kvg_ref[0] = jax.lax.dot_general(
        msum.astype(jnp.bfloat16), pdf_ref[0], (((1,), (0,)), ((), ())),
        preferred_element_type=jnp.float32).astype(jnp.bfloat16)


def _attn_body(qw_ref, kv_ref, ckv_ref, out_ref, *, wb, hh, dh, d):
    ch = jax.lax.broadcasted_iota(jnp.int32, (hh, d), 1) // dh
    rh = jax.lax.broadcasted_iota(jnp.int32, (hh, d), 0)
    expand = (ch == rh).astype(jnp.float32)
    central = ckv_ref[0]
    for w in range(wb):
        qf = _elu1(qw_ref[0, w])
        r = jax.lax.dot_general(
            kv_ref[0, w].astype(jnp.float32) + central, qf,
            (((0,), (0,)), ((), ())),
            preferred_element_type=jnp.float32)
        den = jax.lax.dot_general(
            expand, r[d:d + hh, :], (((0,), (0,)), ((), ())),
            preferred_element_type=jnp.float32) + _EPS
        out_ref[0, w] = r[0:d, :] / den


def kernel(q, k, v):
    b, d, H, W = q.shape
    ws = _WS
    m, n = H // ws, W // ws
    nw = m * n
    t = ws * ws
    hh = d // _DH
    dh = _DH
    topk = _TOPK
    da = 128
    f32 = jnp.float32

    def to_win(x):
        x = x.reshape(b, d, m, ws, n, ws)
        x = jnp.transpose(x, (0, 2, 4, 1, 3, 5))
        return x.reshape(b, nw, d, t)

    qw, kw, vw = to_win(q), to_win(k), to_win(v)

    wbs = 16
    wba = 8
    stats = _call(
        functools.partial(_stats_body, wb=wbs, hh=hh, dh=dh, t=t, d=d),
        grid=(b, nw // wbs),
        in_specs=[pl.BlockSpec((1, wbs, d, t), lambda i, j: (i, j, 0, 0))] * 3,
        out_specs=[
            pl.BlockSpec((1, wbs, d), lambda i, j: (i, j, 0)),
            pl.BlockSpec((1, wbs, d), lambda i, j: (i, j, 0)),
            pl.BlockSpec((1, wbs, d), lambda i, j: (i, j, 0)),
            pl.BlockSpec((1, wbs, d, da), lambda i, j: (i, j, 0, 0)),
        ],
        out_shape=[
            jax.ShapeDtypeStruct((b, nw, d), f32),
            jax.ShapeDtypeStruct((b, nw, d), f32),
            jax.ShapeDtypeStruct((b, nw, d), f32),
            jax.ShapeDtypeStruct((b, nw, d, da), jnp.bfloat16),
        ],
    )(qw, kw, vw)
    qm, km, vm, pd = stats

    pdf = pd.reshape(b, nw, d * da)

    kvg, ckv = _call(
        functools.partial(_route_body, nw=nw, topk=topk, hh=hh, dh=dh, d=d),
        grid=(b,),
        in_specs=[
            pl.BlockSpec((1, nw, d), lambda i: (i, 0, 0)),
            pl.BlockSpec((1, nw, d), lambda i: (i, 0, 0)),
            pl.BlockSpec((1, nw, d), lambda i: (i, 0, 0)),
            pl.BlockSpec((1, nw, d * da), lambda i: (i, 0, 0)),
        ],
        out_specs=[
            pl.BlockSpec((1, nw, d * da), lambda i: (i, 0, 0)),
            pl.BlockSpec((1, d, da), lambda i: (i, 0, 0)),
        ],
        out_shape=[
            jax.ShapeDtypeStruct((b, nw, d * da), jnp.bfloat16),
            jax.ShapeDtypeStruct((b, d, da), f32),
        ],
    )(qm, km, vm, pdf)

    kv4 = kvg.reshape(b, nw, d, da)

    msg = _call(
        functools.partial(_attn_body, wb=wba, hh=hh, dh=dh, d=d),
        grid=(b, nw // wba),
        in_specs=[
            pl.BlockSpec((1, wba, d, t), lambda i, j: (i, j, 0, 0)),
            pl.BlockSpec((1, wba, d, da), lambda i, j: (i, j, 0, 0)),
            pl.BlockSpec((1, d, da), lambda i, j: (i, 0, 0)),
        ],
        out_specs=pl.BlockSpec((1, wba, d, t), lambda i, j: (i, j, 0, 0)),
        out_shape=jax.ShapeDtypeStruct((b, nw, d, t), f32),
    )(qw, kv4, ckv)

    out = msg.reshape(b, m, n, d, ws, ws)
    out = jnp.transpose(out, (0, 3, 1, 4, 2, 5))
    return out.reshape(b, d, H, W)

# --- scband reference (transcript-rebuilt; emitter-appended) ---
"""Pipeline reference for scband-top-kwindow-attention-27839978012822 (READ-ONLY COPY).

The authoritative reference and input builder live on the scoring server;
editing this copy changes nothing except your own understanding.
"""

import jax, jax.numpy as jnp
import numpy as np

W_SIZE = 14
TOPK = 8
D_HEAD = 32
EPS = 1e-6


def setup_inputs(seed: int = 0) -> dict:
    key = jax.random.key(seed)
    k1, k2, k3 = jax.random.split(key, 3)
    shape = (2, 96, 224, 224)
    return {
        "q": jax.random.normal(k1, shape, dtype=jnp.float32),
        "k": jax.random.normal(k2, shape, dtype=jnp.float32),
        "v": jax.random.normal(k3, shape, dtype=jnp.float32),
    }


def reference(q, k, v):
    ws = W_SIZE
    topk = TOPK
    dh = D_HEAD
    b, d, H, W = q.shape
    m, n = H // ws, W // ws
    nw = m * n

    def to_win(x):
        # b d (m w1) (n w2) -> b (m n) (w1 w2) d
        x = x.reshape(b, d, m, ws, n, ws)
        x = jnp.transpose(x, (0, 2, 4, 3, 5, 1))
        return x.reshape(b, nw, ws * ws, d)

    qw, kw, vw = to_win(q), to_win(k), to_win(v)
    qm = qw.mean(axis=2)
    km = kw.mean(axis=2)
    vm = vw.mean(axis=2)
    sim = jnp.einsum('bmd,bnd->bmn', qm, km)
    _, idx = jax.lax.top_k(sim, topk)  # [b, nw, topk]
    gather = jax.vmap(lambda w_i, i_i: w_i[i_i])
    fine_k = gather(kw, idx).reshape(b, nw, topk * ws * ws, d)
    fine_v = gather(vw, idx).reshape(b, nw, topk * ws * ws, d)
    km_t = jnp.broadcast_to(km[:, None, :, :], (b, nw, nw, d))
    vm_t = jnp.broadcast_to(vm[:, None, :, :], (b, nw, nw, d))
    keys = jnp.concatenate([fine_k, km_t], axis=2)
    values = jnp.concatenate([fine_v, vm_t], axis=2)
    hh = d // dh
    Q = qw.reshape(b * nw, ws * ws, hh, dh)
    K = keys.reshape(b * nw, keys.shape[2], hh, dh)
    V = values.reshape(b * nw, values.shape[2], hh, dh)
    # LinearAttention (elu feature map)
    Qf = jax.nn.elu(Q) + 1.0
    Kf = jax.nn.elu(K) + 1.0
    v_len = V.shape[1]
    Vn = V / v_len
    KV = jnp.einsum('nshd,nshv->nhdv', Kf, Vn)
    Z = 1.0 / (jnp.einsum('nlhd,nhd->nlh', Qf, Kf.sum(axis=1)) + EPS)
    msg = jnp.einsum('nlhd,nhdv,nlh->nlhv', Qf, KV, Z) * v_len
    # (b m n) (w1 w2) h d -> b (h d) (m w1) (n w2)
    msg = msg.reshape(b, m, n, ws, ws, hh, dh)
    msg = jnp.transpose(msg, (0, 5, 6, 1, 3, 2, 4))
    return msg.reshape(b, hh * dh, m * ws, n * ws)

if __name__ == "__main__":
    import jax
    _d = setup_inputs()
    print(jax.jit(kernel)(*tuple(_d.values())))

</pallas_src>

<mosaic_0001>
module attributes {stable_mosaic.version = 14 : i64} {
  func.func @_stats_body(%arg0: i32, %arg1: i32, %arg2: memref<1x16x96x196xf32, #tpu.memory_space<vmem>>, %arg3: memref<1x16x96x196xf32, #tpu.memory_space<vmem>>, %arg4: memref<1x16x96x196xf32, #tpu.memory_space<vmem>>, %arg5: memref<1x16x96xf32, #tpu.memory_space<vmem>>, %arg6: memref<1x16x96xf32, #tpu.memory_space<vmem>>, %arg7: memref<1x16x96xf32, #tpu.memory_space<vmem>>, %arg8: memref<1x16x96x128xbf16, #tpu.memory_space<vmem>>) attributes {dimension_semantics = [#tpu.dimension_semantics<arbitrary>, #tpu.dimension_semantics<arbitrary>], iteration_bounds = array<i64: 2, 16>, scalar_prefetch = 0 : i64, scratch_operands = 0 : i64, tpu.core_type = #tpu.core_type<tc>, window_params = [{transform_indices = @transform_0, window_bounds = array<i64: 1, 16, 96, 196>}, {transform_indices = @transform_1, window_bounds = array<i64: 1, 16, 96, 196>}, {transform_indices = @transform_2, window_bounds = array<i64: 1, 16, 96, 196>}, {transform_indices = @transform_3, window_bounds = array<i64: 1, 16, 96>}, {transform_indices = @transform_4, window_bounds = array<i64: 1, 16, 96>}, {transform_indices = @transform_5, window_bounds = array<i64: 1, 16, 96>}, {transform_indices = @transform_6, window_bounds = array<i64: 1, 16, 96, 128>}]} {
    %broadcast_in_dim3A = arith.constant 1.000000e+00 : f32
    %broadcast_in_dim3A_0 = vector.broadcast %broadcast_in_dim3A : f32 to vector<1x196xf32>
    %get3A = arith.constant 0 : index
    %get3A_1 = arith.constant 0 : index
    %get3A_2 = arith.constant 0 : index
    %get3A_3 = arith.constant 0 : index
    %get3A_4 = vector.load %arg2[%get3A, %get3A_1, %get3A_2, %get3A_3] : memref<1x16x96x196xf32, #tpu.memory_space<vmem>>, vector<1x1x96x196xf32>
    %get3A_5 = vector.shape_cast %get3A_4 : vector<1x1x96x196xf32> to vector<96x196xf32>
    %get3A_6 = arith.constant 0 : index
    %get3A_7 = arith.constant 0 : index
    %get3A_8 = arith.constant 0 : index
    %get3A_9 = arith.constant 0 : index
    %get3A_10 = vector.load %arg3[%get3A_6, %get3A_7, %get3A_8, %get3A_9] : memref<1x16x96x196xf32, #tpu.memory_space<vmem>>, vector<1x1x96x196xf32>
    %get3A_11 = vector.shape_cast %get3A_10 : vector<1x1x96x196xf32> to vector<96x196xf32>
    %get3A_12 = arith.constant 0 : index
    %get3A_13 = arith.constant 0 : index
    %get3A_14 = arith.constant 0 : index
    %get3A_15 = arith.constant 0 : index
    %get3A_16 = vector.load %arg4[%get3A_12, %get3A_13, %get3A_14, %get3A_15] : memref<1x16x96x196xf32, #tpu.memory_space<vmem>>, vector<1x1x96x196xf32>
    %get3A_17 = vector.shape_cast %get3A_16 : vector<1x1x96x196xf32> to vector<96x196xf32>
    %gt3A = arith.constant 0.000000e+00 : f32
    %gt3A_18 = vector.broadcast %gt3A : f32 to vector<96x196xf32>
    %gt3A_19 = arith.cmpf ogt, %get3A_11, %gt3A_18 : vector<96x196xf32>
    %add3A = arith.constant 1.000000e+00 : f32
    %add3A_20 = vector.broadcast %add3A : f32 to vector<96x196xf32>
    %add3A_21 = arith.addf %get3A_11, %add3A_20 : vector<96x196xf32>
    %gt3A_22 = arith.constant 0.000000e+00 : f32
    %gt3A_23 = vector.broadcast %gt3A_22 : f32 to vector<96x196xf32>
    %gt3A_24 = arith.cmpf ogt, %get3A_11, %gt3A_23 : vector<96x196xf32>
    %jit3A = arith.constant 0.000000e+00 : f32
    %broadcast_in_dim3A_25 = vector.broadcast %jit3A : f32 to vector<96x196xf32>
    %select_n3A = arith.select %gt3A_24, %broadcast_in_dim3A_25, %get3A_11 : vector<96x196xi1>, vector<96x196xf32>
    %exp3A = math.exp %select_n3A : vector<96x196xf32>
    %select_n3A_26 = arith.select %gt3A_19, %add3A_21, %exp3A : vector<96x196xi1>, vector<96x196xf32>
    %concatenate3A = tpu.concatenate %get3A_17, %broadcast_in_dim3A_0 in 0 : vector<96x196xf32>, vector<1x196xf32> -> vector<97x196xf32>
    %dot_general3A = arith.constant dense<0.000000e+00> : vector<96x97xf32>
    %dot_general3A_27 = tpu.matmul %select_n3A_26, %concatenate3A, %dot_general3A {dimension_numbers = #tpu.dot_dimension_numbers<[1], [1], [0], [0], [0, 0, 1, 0], [], []>, transpose_lhs_hint = false} : vector<96x196xf32>, vector<97x196xf32>, vector<96x97xf32> -> vector<96x97xf32>
    %iota3A = tpu.iota {dimensions = array<i32: 0>} : vector<96x96xi32>
    %jit3A_28 = arith.constant 32 : i32
    %div3A = vector.broadcast %jit3A_28 : i32 to vector<96x96xi32>
    %div3A_29 = arith.divsi %iota3A, %div3A : vector<96x96xi32>
    %sign3A = arith.constant 0 : i32
    %sign3A_30 = vector.broadcast %sign3A : i32 to vector<96x96xi32>
    %sign3A_31 = arith.cmpi sgt, %iota3A, %sign3A_30 : vector<96x96xi32>
    %sign3A_32 = arith.extui %sign3A_31 : vector<96x96xi1> to vector<96x96xi32>
    %sign3A_33 = arith.constant 0 : i32
    %sign3A_34 = vector.broadcast %sign3A_33 : i32 to vector<96x96xi32>
    %sign3A_35 = arith.cmpi slt, %iota3A, %sign3A_34 : vector<96x96xi32>
    %sign3A_36 = arith.extui %sign3A_35 : vector<96x96xi1> to vector<96x96xi32>
    %sign3A_37 = arith.subi %sign3A_32, %sign3A_36 : vector<96x96xi32>
    %sign3A_38 = arith.constant 0 : i32
    %sign3A_39 = arith.cmpi sgt, %jit3A_28, %sign3A_38 : i32
    %sign3A_40 = arith.extui %sign3A_39 : i1 to i32
    %sign3A_41 = arith.constant 0 : i32
    %sign3A_42 = arith.cmpi slt, %jit3A_28, %sign3A_41 : i32
    %sign3A_43 = arith.extui %sign3A_42 : i1 to i32
    %sign3A_44 = arith.subi %sign3A_40, %sign3A_43 : i32
    %ne3A = vector.broadcast %sign3A_44 : i32 to vector<96x96xi32>
    %ne3A_45 = arith.cmpi ne, %sign3A_37, %ne3A : vector<96x96xi32>
    %rem3A = vector.broadcast %jit3A_28 : i32 to vector<96x96xi32>
    %rem3A_46 = arith.remsi %iota3A, %rem3A : vector<96x96xi32>
    %ne3A_47 = arith.constant 0 : i32
    %ne3A_48 = vector.broadcast %ne3A_47 : i32 to vector<96x96xi32>
    %ne3A_49 = arith.cmpi ne, %rem3A_46, %ne3A_48 : vector<96x96xi32>
    %and3A = arith.andi %ne3A_45, %ne3A_49 : vector<96x96xi1>
    %sub3A = arith.constant 1 : i32
    %sub3A_50 = vector.broadcast %sub3A : i32 to vector<96x96xi32>
    %sub3A_51 = arith.subi %div3A_29, %sub3A_50 : vector<96x96xi32>
    %select_n3A_52 = arith.select %and3A, %sub3A_51, %div3A_29 : vector<96x96xi1>, vector<96x96xi32>
    %iota3A_53 = tpu.iota {dimensions = array<i32: 1>} : vector<96x96xi32>
    %jit3A_54 = arith.constant 32 : i32
    %div3A_55 = vector.broadcast %jit3A_54 : i32 to vector<96x96xi32>
    %div3A_56 = arith.divsi %iota3A_53, %div3A_55 : vector<96x96xi32>
    %sign3A_57 = arith.constant 0 : i32
    %sign3A_58 = vector.broadcast %sign3A_57 : i32 to vector<96x96xi32>
    %sign3A_59 = arith.cmpi sgt, %iota3A_53, %sign3A_58 : vector<96x96xi32>
    %sign3A_60 = arith.extui %sign3A_59 : vector<96x96xi1> to vector<96x96xi32>
    %sign3A_61 = arith.constant 0 : i32
    %sign3A_62 = vector.broadcast %sign3A_61 : i32 to vector<96x96xi32>
    %sign3A_63 = arith.cmpi slt, %iota3A_53, %sign3A_62 : vector<96x96xi32>
    %sign3A_64 = arith.extui %sign3A_63 : vector<96x96xi1> to vector<96x96xi32>
    %sign3A_65 = arith.subi %sign3A_60, %sign3A_64 : vector<96x96xi32>
    %sign3A_66 = arith.constant 0 : i32
    %sign3A_67 = arith.cmpi sgt, %jit3A_54, %sign3A_66 : i32
    %sign3A_68 = arith.extui %sign3A_67 : i1 to i32
    %sign3A_69 = arith.constant 0 : i32
    %sign3A_70 = arith.cmpi slt, %jit3A_54, %sign3A_69 : i32
    %sign3A_71 = arith.extui %sign3A_70 : i1 to i32
    %sign3A_72 = arith.subi %sign3A_68, %sign3A_71 : i32
    %ne3A_73 = vector.broadcast %sign3A_72 : i32 to vector<96x96xi32>
    %ne3A_74 = arith.cmpi ne, %sign3A_65, %ne3A_73 : vector<96x96xi32>
    %rem3A_75 = vector.broadcast %jit3A_54 : i32 to vector<96x96xi32>
    %rem3A_76 = arith.remsi %iota3A_53, %rem3A_75 : vector<96x96xi32>
    %ne3A_77 = arith.constant 0 : i32
    %ne3A_78 = vector.broadcast %ne3A_77 : i32 to vector<96x96xi32>
    %ne3A_79 = arith.cmpi ne, %rem3A_76, %ne3A_78 : vector<96x96xi32>
    %and3A_80 = arith.andi %ne3A_74, %ne3A_79 : vector<96x96xi1>
    %sub3A_81 = arith.constant 1 : i32
    %sub3A_82 = vector.broadcast %sub3A_81 : i32 to vector<96x96xi32>
    %sub3A_83 = arith.subi %div3A_56, %sub3A_82 : vector<96x96xi32>
    %select_n3A_84 = arith.select %and3A_80, %sub3A_83, %div3A_56 : vector<96x96xi1>, vector<96x96xi32>
    %slice3A = vector.extract_strided_slice %dot_general3A_27 {offsets = [0, 0], sizes = [96, 96], strides = [1, 1]} : vector<96x97xf32> to vector<96x96xf32>
    %eq3A = arith.cmpi eq, %select_n3A_52, %select_n3A_84 : vector<96x96xi32>
    %convert_element_type3A = arith.extui %eq3A : vector<96x96xi1> to vector<96x96xi32>
    %convert_element_type3A_85 = arith.sitofp %convert_element_type3A : vector<96x96xi32> to vector<96x96xf32>
    %mul3A = arith.mulf %slice3A, %convert_element_type3A_85 : vector<96x96xf32>
    %iota3A_86 = tpu.iota {dimensions = array<i32: 0>} : vector<96x3xi32>
    %jit3A_87 = arith.constant 32 : i32
    %div3A_88 = vector.broadcast %jit3A_87 : i32 to vector<96x3xi32>
    %div3A_89 = arith.divsi %iota3A_86, %div3A_88 : vector<96x3xi32>
    %sign3A_90 = arith.constant 0 : i32
    %sign3A_91 = vector.broadcast %sign3A_90 : i32 to vector<96x3xi32>
    %sign3A_92 = arith.cmpi sgt, %iota3A_86, %sign3A_91 : vector<96x3xi32>
    %sign3A_93 = arith.extui %sign3A_92 : vector<96x3xi1> to vector<96x3xi32>
    %sign3A_94 = arith.constant 0 : i32
    %sign3A_95 = vector.broadcast %sign3A_94 : i32 to vector<96x3xi32>
    %sign3A_96 = arith.cmpi slt, %iota3A_86, %sign3A_95 : vector<96x3xi32>
    %sign3A_97 = arith.extui %sign3A_96 : vector<96x3xi1> to vector<96x3xi32>
    %sign3A_98 = arith.subi %sign3A_93, %sign3A_97 : vector<96x3xi32>
    %sign3A_99 = arith.constant 0 : i32
    %sign3A_100 = arith.cmpi sgt, %jit3A_87, %sign3A_99 : i32
    %sign3A_101 = arith.extui %sign3A_100 : i1 to i32
    %sign3A_102 = arith.constant 0 : i32
    %sign3A_103 = arith.cmpi slt, %jit3A_87, %sign3A_102 : i32
    %sign3A_104 = arith.extui %sign3A_103 : i1 to i32
    %sign3A_105 = arith.subi %sign3A_101, %sign3A_104 : i32
    %ne3A_106 = vector.broadcast %sign3A_105 : i32 to vector<96x3xi32>
    %ne3A_107 = arith.cmpi ne, %sign3A_98, %ne3A_106 : vector<96x3xi32>
    %rem3A_108 = vector.broadcast %jit3A_87 : i32 to vector<96x3xi32>
    %rem3A_109 = arith.remsi %iota3A_86, %rem3A_108 : vector<96x3xi32>
    %ne3A_110 = arith.constant 0 : i32
    %ne3A_111 = vector.broadcast %ne3A_110 : i32 to vector<96x3xi32>
    %ne3A_112 = arith.cmpi ne, %rem3A_109, %ne3A_111 : vector<96x3xi32>
    %and3A_113 = arith.andi %ne3A_107, %ne3A_112 : vector<96x3xi1>
    %sub3A_114 = arith.constant 1 : i32
    %sub3A_115 = vector.broadcast %sub3A_114 : i32 to vector<96x3xi32>
    %sub3A_116 = arith.subi %div3A_89, %sub3A_115 : vector<96x3xi32>
    %select_n3A_117 = arith.select %and3A_113, %sub3A_116, %div3A_89 : vector<96x3xi1>, vector<96x3xi32>
    %iota3A_118 = tpu.iota {dimensions = array<i32: 1>} : vector<96x3xi32>
    %slice3A_119 = vector.extract_strided_slice %dot_general3A_27 {offsets = [0, 96], sizes = [96, 1], strides = [1, 1]} : vector<96x97xf32> to vector<96x1xf32>
    %eq3A_120 = arith.cmpi eq, %select_n3A_117, %iota3A_118 : vector<96x3xi32>
    %convert_element_type3A_121 = arith.extui %eq3A_120 : vector<96x3xi1> to vector<96x3xi32>
    %convert_element_type3A_122 = arith.sitofp %convert_element_type3A_121 : vector<96x3xi32> to vector<96x3xf32>
    %mul3A_123 = vector.broadcast %slice3A_119 : vector<96x1xf32> to vector<96x3xf32>
    %mul3A_124 = arith.mulf %mul3A_123, %convert_element_type3A_122 : vector<96x3xf32>
    %broadcast_in_dim3A_125 = arith.constant 0.000000e+00 : f32
    %broadcast_in_dim3A_126 = vector.broadcast %broadcast_in_dim3A_125 : f32 to vector<96x29xf32>
    %concatenate3A_127 = tpu.concatenate %mul3A, %mul3A_124, %broadcast_in_dim3A_126 in 1 : vector<96x96xf32>, vector<96x3xf32>, vector<96x29xf32> -> vector<96x128xf32>
    %convert_element_type3A_128 = arith.truncf %concatenate3A_127 : vector<96x128xf32> to vector<96x128xbf16>
    %swap3A = arith.constant 0 : index
    %swap3A_129 = arith.constant 0 : index
    %swap3A_130 = arith.constant 0 : index
    %swap3A_131 = arith.constant 0 : index
    %swap3A_132 = vector.load %arg8[%swap3A, %swap3A_129, %swap3A_130, %swap3A_131] : memref<1x16x96x128xbf16, #tpu.memory_space<vmem>>, vector<1x1x96x128xbf16>
    %swap3A_133 = vector.shape_cast %swap3A_132 : vector<1x1x96x128xbf16> to vector<96x128xbf16>
    %swap3A_134 = vector.shape_cast %convert_element_type3A_128 : vector<96x128xbf16> to vector<1x1x96x128xbf16>
    tpu.vector_store %arg8[%swap3A, %swap3A_129, %swap3A_130, %swap3A_131], %swap3A_134 {strides = array<i32>} : memref<1x16x96x128xbf16, #tpu.memory_space<vmem>>, vector<1x1x96x128xbf16>,
    %concatenate3A_135 = tpu.concatenate %get3A_5, %get3A_11 in 0 : vector<96x196xf32>, vector<96x196xf32> -> vector<192x196xf32>
    %bitcast_convert_type3A = tpu.bitcast %concatenate3A_135 : vector<192x196xf32> -> vector<192x196xi32>
    %and3A_136 = arith.constant -65536 : i32
    %and3A_137 = vector.broadcast %and3A_136 : i32 to vector<192x196xi32>
    %and3A_138 = arith.andi %bitcast_convert_type3A, %and3A_137 : vector<192x196xi32>
    %bitcast_convert_type3A_139 = tpu.bitcast %and3A_138 : vector<192x196xi32> -> vector<192x196xf32>
    %sub3A_140 = arith.subf %concatenate3A_135, %bitcast_convert_type3A_139 : vector<192x196xf32>
    %bitcast_convert_type3A_141 = tpu.bitcast %sub3A_140 : vector<192x196xf32> -> vector<192x196xi32>
    %and3A_142 = arith.constant -65536 : i32
    %and3A_143 = vector.broadcast %and3A_142 : i32 to vector<192x196xi32>
    %and3A_144 = arith.andi %bitcast_convert_type3A_141, %and3A_143 : vector<192x196xi32>
    %bitcast_convert_type3A_145 = tpu.bitcast %and3A_144 : vector<192x196xi32> -> vector<192x196xf32>
    %sub3A_146 = arith.subf %sub3A_140, %bitcast_convert_type3A_145 : vector<192x196xf32>
    %concatenate3A_147 = tpu.concatenate %bitcast_convert_type3A_139, %bitcast_convert_type3A_145, %sub3A_146, %get3A_17 in 0 : vector<192x196xf32>, vector<192x196xf32>, vector<192x196xf32>, vector<96x196xf32> -> vector<672x196xf32>
    %dot_general3A_148 = arith.constant dense<0.000000e+00> : vector<1x672xf32>
    %dot_general3A_149 = tpu.matmul %broadcast_in_dim3A_0, %concatenate3A_147, %dot_general3A_148 {dimension_numbers = #tpu.dot_dimension_numbers<[1], [1], [0], [0], [0, 0, 1, 0], [], []>, transpose_lhs_hint = false} : vector<1x196xf32>, vector<672x196xf32>, vector<1x672xf32> -> vector<1x672xf32>
    %slice3A_150 = vector.extract_strided_slice %dot_general3A_149 {offsets = [0, 0], sizes = [1, 96], strides = [1, 1]} : vector<1x672xf32> to vector<1x96xf32>
    %slice3A_151 = vector.extract_strided_slice %dot_general3A_149 {offsets = [0, 192], sizes = [1, 96], strides = [1, 1]} : vector<1x672xf32> to vector<1x96xf32>
    %add3A_152 = arith.addf %slice3A_150, %slice3A_151 : vector<1x96xf32>
    %slice3A_153 = vector.extract_strided_slice %dot_general3A_149 {offsets = [0, 384], sizes = [1, 96], strides = [1, 1]} : vector<1x672xf32> to vector<1x96xf32>
    %add3A_154 = arith.addf %add3A_152, %slice3A_153 : vector<1x96xf32>
    %mul3A_155 = arith.constant 0.00510204071 : f32
    %mul3A_156 = vector.broadcast %mul3A_155 : f32 to vector<1x96xf32>
    %mul3A_157 = arith.mulf %add3A_154, %mul3A_156 : vector<1x96xf32>
    %swap3A_158 = arith.constant 0 : index
    %swap3A_159 = arith.constant 0 : index
    %swap3A_160 = arith.constant 0 : index
    %swap3A_161 = vector.load %arg5[%swap3A_158, %swap3A_159, %swap3A_160] : memref<1x16x96xf32, #tpu.memory_space<vmem>>, vector<1x1x96xf32>
    %swap3A_162 = vector.shape_cast %swap3A_161 : vector<1x1x96xf32> to vector<1x96xf32>
    %swap3A_163 = vector.shape_cast %mul3A_157 : vector<1x96xf32> to vector<1x1x96xf32>
    tpu.vector_store %arg5[%swap3A_158, %swap3A_159, %swap3A_160], %swap3A_163 {strides = array<i32>} : memref<1x16x96xf32, #tpu.memory_space<vmem>>, vector<1x1x96xf32>,
    %slice3A_164 = vector.extract_strided_slice %dot_general3A_149 {offsets = [0, 96], sizes = [1, 96], strides = [1, 1]} : vector<1x672xf32> to vector<1x96xf32>
    %slice3A_165 = vector.extract_strided_slice %dot_general3A_149 {offsets = [0, 288], sizes = [1, 96], strides = [1, 1]} : vector<1x672xf32> to vector<1x96xf32>
    %add3A_166 = arith.addf %slice3A_164, %slice3A_165 : vector<1x96xf32>
    %slice3A_167 = vector.extract_strided_slice %dot_general3A_149 {offsets = [0, 480], sizes = [1, 96], strides = [1, 1]} : vector<1x672xf32> to vector<1x96xf32>
    %add3A_168 = arith.addf %add3A_166, %slice3A_167 : vector<1x96xf32>
    %mul3A_169 = arith.constant 0.00510204071 : f32
    %mul3A_170 = vector.broadcast %mul3A_169 : f32 to vector<1x96xf32>
    %mul3A_171 = arith.mulf %add3A_168, %mul3A_170 : vector<1x96xf32>
    %swap3A_172 = arith.constant 0 : index
    %swap3A_173 = arith.constant 0 : index
    %swap3A_174 = arith.constant 0 : index
    %swap3A_175 = vector.load %arg6[%swap3A_172, %swap3A_173, %swap3A_174] : memref<1x16x96xf32, #tpu.memory_space<vmem>>, vector<1x1x96xf32>
    %swap3A_176 = vector.shape_cast %swap3A_175 : vector<1x1x96xf32> to vector<1x96xf32>
    %swap3A_177 = vector.shape_cast %mul3A_171 : vector<1x96xf32> to vector<1x1x96xf32>
    tpu.vector_store %arg6[%swap3A_172, %swap3A_173, %swap3A_174], %swap3A_177 {strides = array<i32>} : memref<1x16x96xf32, #tpu.memory_space<vmem>>, vector<1x1x96xf32>,
    %slice3A_178 = vector.extract_strided_slice %dot_general3A_149 {offsets = [0, 576], sizes = [1, 96], strides = [1, 1]} : vector<1x672xf32> to vector<1x96xf32>
    %mul3A_179 = arith.constant 0.00510204071 : f32
    %mul3A_180 = vector.broadcast %mul3A_179 : f32 to vector<1x96xf32>
    %mul3A_181 = arith.mulf %slice3A_178, %mul3A_180 : vector<1x96xf32>
    %swap3A_182 = arith.constant 0 : index
    %swap3A_183 = arith.constant 0 : index
    %swap3A_184 = arith.constant 0 : index
    %swap3A_185 = vector.load %arg7[%swap3A_182, %swap3A_183, %swap3A_184] : memref<1x16x96xf32, #tpu.memory_space<vmem>>, vector<1x1x96xf32>
    %swap3A_186 = vector.shape_cast %swap3A_185 : vector<1x1x96xf32> to vector<1x96xf32>
    %swap3A_187 = vector.shape_cast %mul3A_181 : vector<1x96xf32> to vector<1x1x96xf32>
    tpu.vector_store %arg7[%swap3A_182, %swap3A_183, %swap3A_184], %swap3A_187 {strides = array<i32>} : memref<1x16x96xf32, #tpu.memory_space<vmem>>, vector<1x1x96xf32>,
    %get3A_188 = arith.constant 0 : index
    %get3A_189 = arith.constant 1 : index
    %get3A_190 = arith.constant 0 : index
    %get3A_191 = arith.constant 0 : index
    %get3A_192 = vector.load %arg2[%get3A_188, %get3A_189, %get3A_190, %get3A_191] : memref<1x16x96x196xf32, #tpu.memory_space<vmem>>, vector<1x1x96x196xf32>
    %get3A_193 = vector.shape_cast %get3A_192 : vector<1x1x96x196xf32> to vector<96x196xf32>
    %get3A_194 = arith.constant 0 : index
    %get3A_195 = arith.constant 1 : index
    %get3A_196 = arith.constant 0 : index
    %get3A_197 = arith.constant 0 : index
    %get3A_198 = vector.load %arg3[%get3A_194, %get3A_195, %get3A_196, %get3A_197] : memref<1x16x96x196xf32, #tpu.memory_space<vmem>>, vector<1x1x96x196xf32>
    %get3A_199 = vector.shape_cast %get3A_198 : vector<1x1x96x196xf32> to vector<96x196xf32>
    %get3A_200 = arith.constant 0 : index
    %get3A_201 = arith.constant 1 : index
    %get3A_202 = arith.constant 0 : index
    %get3A_203 = arith.constant 0 : index
    %get3A_204 = vector.load %arg4[%get3A_200, %get3A_201, %get3A_202, %get3A_203] : memref<1x16x96x196xf32, #tpu.memory_space<vmem>>, vector<1x1x96x196xf32>
    %get3A_205 = vector.shape_cast %get3A_204 : vector<1x1x96x196xf32> to vector<96x196xf32>
    %gt3A_206 = arith.constant 0.000000e+00 : f32
    %gt3A_207 = vector.broadcast %gt3A_206 : f32 to vector<96x196xf32>
    %gt3A_208 = arith.cmpf ogt, %get3A_199, %gt3A_207 : vector<96x196xf32>
    %add3A_209 = arith.constant 1.000000e+00 : f32
    %add3A_210 = vector.broadcast %add3A_209 : f32 to vector<96x196xf32>
    %add3A_211 = arith.addf %get3A_199, %add3A_210 : vector<96x196xf32>
    %gt3A_212 = arith.constant 0.000000e+00 : f32
    %gt3A_213 = vector.broadcast %gt3A_212 : f32 to vector<96x196xf32>
    %gt3A_214 = arith.cmpf ogt, %get3A_199, %gt3A_213 : vector<96x196xf32>
    %jit3A_215 = arith.constant 0.000000e+00 : f32
    %broadcast_in_dim3A_216 = vector.broadcast %jit3A_215 : f32 to vector<96x196xf32>
    %select_n3A_217 = arith.select %gt3A_214, %broadcast_in_dim3A_216, %get3A_199 : vector<96x196xi1>, vector<96x196xf32>
    %exp3A_218 = math.exp %select_n3A_217 : vector<96x196xf32>
    %select_n3A_219 = arith.select %gt3A_208, %add3A_211, %exp3A_218 : vector<96x196xi1>, vector<96x196xf32>
    %concatenate3A_220 = tpu.concatenate %get3A_205, %broadcast_in_dim3A_0 in 0 : vector<96x196xf32>, vector<1x196xf32> -> vector<97x196xf32>
    %dot_general3A_221 = arith.constant dense<0.000000e+00> : vector<96x97xf32>
    %dot_general3A_222 = tpu.matmul %select_n3A_219, %concatenate3A_220, %dot_general3A_221 {dimension_numbers = #tpu.dot_dimension_numbers<[1], [1], [0], [0], [0, 0, 1, 0], [], []>, transpose_lhs_hint = false} : vector<96x196xf32>, vector<97x196xf32>, vector<96x97xf32> -> vector<96x97xf32>
    %iota3A_223 = tpu.iota {dimensions = array<i32: 0>} : vector<96x96xi32>
    %jit3A_224 = arith.constant 32 : i32
    %div3A_225 = vector.broadcast %jit3A_224 : i32 to vector<96x96xi32>
    %div3A_226 = arith.divsi %iota3A_223, %div3A_225 : vector<96x96xi32>
    %sign3A_227 = arith.constant 0 : i32
    %sign3A_228 = vector.broadcast %sign3A_227 : i32 to vector<96x96xi32>
    %sign3A_229 = arith.cmpi sgt, %iota3A_223, %sign3A_228 : vector<96x96xi32>
    %sign3A_230 = arith.extui %sign3A_229 : vector<96x96xi1> to vector<96x96xi32>
    %sign3A_231 = arith.constant 0 : i32
    %sign3A_232 = vector.broadcast %sign3A_231 : i32 to vector<96x96xi32>
    %sign3A_233 = arith.cmpi slt, %iota3A_223, %sign3A_232 : vector<96x96xi32>
    %sign3A_234 = arith.extui %sign3A_233 : vector<96x96xi1> to vector<96x96xi32>
    %sign3A_235 = arith.subi %sign3A_230, %sign3A_234 : vector<96x96xi32>
    %sign3A_236 = arith.constant 0 : i32
    %sign3A_237 = arith.cmpi sgt, %jit3A_224, %sign3A_236 : i32
    %sign3A_238 = arith.extui %sign3A_237 : i1 to i32
    %sign3A_239 = arith.constant 0 : i32
    %sign3A_240 = arith.cmpi slt, %jit3A_224, %sign3A_239 : i32
    %sign3A_241 = arith.extui %sign3A_240 : i1 to i32
    %sign3A_242 = arith.subi %sign3A_238, %sign3A_241 : i32
    %ne3A_243 = vector.broadcast %sign3A_242 : i32 to vector<96x96xi32>
    %ne3A_244 = arith.cmpi ne, %sign3A_235, %ne3A_243 : vector<96x96xi32>
    %rem3A_245 = vector.broadcast %jit3A_224 : i32 to vector<96x96xi32>
    %rem3A_246 = arith.remsi %iota3A_223, %rem3A_245 : vector<96x96xi32>
    %ne3A_247 = arith.constant 0 : i32
    %ne3A_248 = vector.broadcast %ne3A_247 : i32 to vector<96x96xi32>
    %ne3A_249 = arith.cmpi ne, %rem3A_246, %ne3A_248 : vector<96x96xi32>
    %and3A_250 = arith.andi %ne3A_244, %ne3A_249 : vector<96x96xi1>
    %sub3A_251 = arith.constant 1 : i32
    %sub3A_252 = vector.broadcast %sub3A_251 : i32 to vector<96x96xi32>
    %sub3A_253 = arith.subi %div3A_226, %sub3A_252 : vector<96x96xi32>
    %select_n3A_254 = arith.select %and3A_250, %sub3A_253, %div3A_226 : vector<96x96xi1>, vector<96x96xi32>
    %iota3A_255 = tpu.iota {dimensions = array<i32: 1>} : vector<96x96xi32>
    %jit3A_256 = arith.constant 32 : i32
    %div3A_257 = vector.broadcast %jit3A_256 : i32 to vector<96x96xi32>
    %div3A_258 = arith.divsi %iota3A_255, %div3A_257 : vector<96x96xi32>
    %sign3A_259 = arith.constant 0 : i32
    %sign3A_260 = vector.broadcast %sign3A_259 : i32 to vector<96x96xi32>
    %sign3A_261 = arith.cmpi sgt, %iota3A_255, %sign3A_260 : vector<96x96xi32>
    %sign3A_262 = arith.extui %sign3A_261 : vector<96x96xi1> to vector<96x96xi32>
    %sign3A_263 = arith.constant 0 : i32
    %sign3A_264 = vector.broadcast %sign3A_263 : i32 to vector<96x96xi32>
    %sign3A_265 = arith.cmpi slt, %iota3A_255, %sign3A_264 : vector<96x96xi32>
    %sign3A_266 = arith.extui %sign3A_265 : vector<96x96xi1> to vector<96x96xi32>
    %sign3A_267 = arith.subi %sign3A_262, %sign3A_266 : vector<96x96xi32>
    %sign3A_268 = arith.constant 0 : i32
    %sign3A_269 = arith.cmpi sgt, %jit3A_256, %sign3A_268 : i32
    %sign3A_270 = arith.extui %sign3A_269 : i1 to i32
    %sign3A_271 = arith.constant 0 : i32
    %sign3A_272 = arith.cmpi slt, %jit3A_256, %sign3A_271 : i32
    %sign3A_273 = arith.extui %sign3A_272 : i1 to i32
    %sign3A_274 = arith.subi %sign3A_270, %sign3A_273 : i32
    %ne3A_275 = vector.broadcast %sign3A_274 : i32 to vector<96x96xi32>
    %ne3A_276 = arith.cmpi ne, %sign3A_267, %ne3A_275 : vector<96x96xi32>
    %rem3A_277 = vector.broadcast %jit3A_256 : i32 to vector<96x96xi32>
    %rem3A_278 = arith.remsi %iota3A_255, %rem3A_277 : vector<96x96xi32>
    %ne3A_279 = arith.constant 0 : i32
    %ne3A_280 = vector.broadcast %ne3A_279 : i32 to vector<96x96xi32>
    %ne3A_281 = arith.cmpi ne, %rem3A_278, %ne3A_280 : vector<96x96xi32>
    %and3A_282 = arith.andi %ne3A_276, %ne3A_281 : vector<96x96xi1>
    %sub3A_283 = arith.constant 1 : i32
    %sub3A_284 = vector.broadcast %sub3A_283 : i32 to vector<96x96xi32>
    %sub3A_285 = arith.subi %div3A_258, %sub3A_284 : vector<96x96xi32>
    %select_n3A_286 = arith.select %and3A_282, %sub3A_285, %div3A_258 : vector<96x96xi1>, vector<96x96xi32>
    %slice3A_287 = vector.extract_strided_slice %dot_general3A_222 {offsets = [0, 0], sizes = [96, 96], strides = [1, 1]} : vector<96x97xf32> to vector<96x96xf32>
    %eq3A_288 = arith.cmpi eq, %select_n3A_254, %select_n3A_286 : vector<96x96xi32>
    %convert_element_type3A_289 = arith.extui %eq3A_288 : vector<96x96xi1> to vector<96x96xi32>
    %convert_element_type3A_290 = arith.sitofp %convert_element_type3A_289 : vector<96x96xi32> to vector<96x96xf32>
    %mul3A_291 = arith.mulf %slice3A_287, %convert_element_type3A_290 : vector<96x96xf32>
    %iota3A_292 = tpu.iota {dimensions = array<i32: 0>} : vector<96x3xi32>
    %jit3A_293 = arith.constant 32 : i32
    %div3A_294 = vector.broadcast %jit3A_293 : i32 to vector<96x3xi32>
    %div3A_295 = arith.divsi %iota3A_292, %div3A_294 : vector<96x3xi32>
    %sign3A_296 = arith.constant 0 : i32
    %sign3A_297 = vector.broadcast %sign3A_296 : i32 to vector<96x3xi32>
    %sign3A_298 = arith.cmpi sgt, %iota3A_292, %sign3A_297 : vector<96x3xi32>
    %sign3A_299 = arith.extui %sign3A_298 : vector<96x3xi1> to vector<96x3xi32>
    %sign3A_300 = arith.constant 0 : i32
    %sign3A_301 = vector.broadcast %sign3A_300 : i32 to vector<96x3xi32>
    %sign3A_302 = arith.cmpi slt, %iota3A_292, %sign3A_301 : vector<96x3xi32>
    %sign3A_303 = arith.extui %sign3A_302 : vector<96x3xi1> to vector<96x3xi32>
    %sign3A_304 = arith.subi %sign3A_299, %sign3A_303 : vector<96x3xi32>
    %sign3A_305 = arith.constant 0 : i32
    %sign3A_306 = arith.cmpi sgt, %jit3A_293, %sign3A_305 : i32
    %sign3A_307 = arith.extui %sign3A_306 : i1 to i32
    %sign3A_308 = arith.constant 0 : i32
    %sign3A_309 = arith.cmpi slt, %jit3A_293, %sign3A_308 : i32
    %sign3A_310 = arith.extui %sign3A_309 : i1 to i32
    %sign3A_311 = arith.subi %sign3A_307, %sign3A_310 : i32
    %ne3A_312 = vector.broadcast %sign3A_311 : i32 to vector<96x3xi32>
    %ne3A_313 = arith.cmpi ne, %sign3A_304, %ne3A_312 : vector<96x3xi32>
    %rem3A_314 = vector.broadcast %jit3A_293 : i32 to vector<96x3xi32>
    %rem3A_315 = arith.remsi %iota3A_292, %rem3A_314 : vector<96x3xi32>
    %ne3A_316 = arith.constant 0 : i32
    %ne3A_317 = vector.broadcast %ne3A_316 : i32 to vector<96x3xi32>
    %ne3A_318 = arith.cmpi ne, %rem3A_315, %ne3A_317 : vector<96x3xi32>
    %and3A_319 = arith.andi %ne3A_313, %ne3A_318 : vector<96x3xi1>
    %sub3A_320 = arith.constant 1 : i32
    %sub3A_321 = vector.broadcast %sub3A_320 : i32 to vector<96x3xi32>
    %sub3A_322 = arith.subi %div3A_295, %sub3A_321 : vector<96x3xi32>
    %select_n3A_323 = arith.select %and3A_319, %sub3A_322, %div3A_295 : vector<96x3xi1>, vector<96x3xi32>
    %iota3A_324 = tpu.iota {dimensions = array<i32: 1>} : vector<96x3xi32>
    %slice3A_325 = vector.extract_strided_slice %dot_general3A_222 {offsets = [0, 96], sizes = [96, 1], strides = [1, 1]} : vector<96x97xf32> to vector<96x1xf32>
    %eq3A_326 = arith.cmpi eq, %select_n3A_323, %iota3A_324 : vector<96x3xi32>
    %convert_element_type3A_327 = arith.extui %eq3A_326 : vector<96x3xi1> to vector<96x3xi32>
    %convert_element_type3A_328 = arith.sitofp %convert_element_type3A_327 : vector<96x3xi32> to vector<96x3xf32>
    %mul3A_329 = vector.broadcast %slice3A_325 : vector<96x1xf32> to vector<96x3xf32>
    %mul3A_330 = arith.mulf %mul3A_329, %convert_element_type3A_328 : vector<96x3xf32>
    %broadcast_in_dim3A_331 = arith.constant 0.000000e+00 : f32
    %broadcast_in_dim3A_332 = vector.broadcast %broadcast_in_dim3A_331 : f32 to vector<96x29xf32>
    %concatenate3A_333 = tpu.concatenate %mul3A_291, %mul3A_330, %broadcast_in_dim3A_332 in 1 : vector<96x96xf32>, vector<96x3xf32>, vector<96x29xf32> -> vector<96x128xf32>
    %convert_element_type3A_334 = arith.truncf %concatenate3A_333 : vector<96x128xf32> to vector<96x128xbf16>
    %swap3A_335 = arith.constant 0 : index
    %swap3A_336 = arith.constant 1 : index
    %swap3A_337 = arith.constant 0 : index
    %swap3A_338 = arith.constant 0 : index
    %swap3A_339 = vector.load %arg8[%swap3A_335, %swap3A_336, %swap3A_337, %swap3A_338] : memref<1x16x96x128xbf16, #tpu.memory_space<vmem>>, vector<1x1x96x128xbf16>
    %swap3A_340 = vector.shape_cast %swap3A_339 : vector<1x1x96x128xbf16> to vector<96x128xbf16>
    %swap3A_341 = vector.shape_cast %convert_element_type3A_334 : vector<96x128xbf16> to vector<1x1x96x128xbf16>
    tpu.vector_store %arg8[%swap3A_335, %swap3A_336, %swap3A_337, %swap3A_338], %swap3A_341 {strides = array<i32>} : memref<1x16x96x128xbf16, #tpu.memory_space<vmem>>, vector<1x1x96x128xbf16>,
    %concatenate3A_342 = tpu.concatenate %get3A_193, %get3A_199 in 0 : vector<96x196xf32>, vector<96x196xf32> -> vector<192x196xf32>
    %bitcast_convert_type3A_343 = tpu.bitcast %concatenate3A_342 : vector<192x196xf32> -> vector<192x196xi32>
    %and3A_344 = arith.constant -65536 : i32
    %and3A_345 = vector.broadcast %and3A_344 : i32 to vector<192x196xi32>
    %and3A_346 = arith.andi %bitcast_convert_type3A_343, %and3A_345 : vector<192x196xi32>
    %bitcast_convert_type3A_347 = tpu.bitcast %and3A_346 : vector<192x196xi32> -> vector<192x196xf32>
    %sub3A_348 = arith.subf %concatenate3A_342, %bitcast_convert_type3A_347 : vector<192x196xf32>
    %bitcast_convert_type3A_349 = tpu.bitcast %sub3A_348 : vector<192x196xf32> -> vector<192x196xi32>
    %and3A_350 = arith.constant -65536 : i32
    %and3A_351 = vector.broadcast %and3A_350 : i32 to vector<192x196xi32>
    %and3A_352 = arith.andi %bitcast_convert_type3A_349, %and3A_351 : vector<192x196xi32>
    %bitcast_convert_type3A_353 = tpu.bitcast %and3A_352 : vector<192x196xi32> -> vector<192x196xf32>
    %sub3A_354 = arith.subf %sub3A_348, %bitcast_convert_type3A_353 : vector<192x196xf32>
    %concatenate3A_355 = tpu.concatenate %bitcast_convert_type3A_347, %bitcast_convert_type3A_353, %sub3A_354, %get3A_205 in 0 : vector<192x196xf32>, vector<192x196xf32>, vector<192x196xf32>, vector<96x196xf32> -> vector<672x196xf32>
    %dot_general3A_356 = arith.constant dense<0.000000e+00> : vector<1x672xf32>
    %dot_general3A_357 = tpu.matmul %broadcast_in_dim3A_0, %concatenate3A_355, %dot_general3A_356 {dimension_numbers = #tpu.dot_dimension_numbers<[1], [1], [0], [0], [0, 0, 1, 0], [], []>, transpose_lhs_hint = false} : vector<1x196xf32>, vector<672x196xf32>, vector<1x672xf32> -> vector<1x672xf32>
    %slice3A_358 = vector.extract_strided_slice %dot_general3A_357 {offsets = [0, 0], sizes = [1, 96], strides = [1, 1]} : vector<1x672xf32> to vector<1x96xf32>
    %slice3A_359 = vector.extract_strided_slice %dot_general3A_357 {offsets = [0, 192], sizes = [1, 96], strides = [1, 1]} : vector<1x672xf32> to vector<1x96xf32>
    %add3A_360 = arith.addf %slice3A_358, %slice3A_359 : vector<1x96xf32>
    %slice3A_361 = vector.extract_strided_slice %dot_general3A_357 {offsets = [0, 384], sizes = [1, 96], strides = [1, 1]} : vector<1x672xf32> to vector<1x96xf32>
    %add3A_362 = arith.addf %add3A_360, %slice3A_361 : vector<1x96xf32>
    %mul3A_363 = arith.constant 0.00510204071 : f32
    %mul3A_364 = vector.broadcast %mul3A_363 : f32 to vector<1x96xf32>
    %mul3A_365 = arith.mulf %add3A_362, %mul3A_364 : vector<1x96xf32>
    %swap3A_366 = arith.constant 0 : index
    %swap3A_367 = arith.constant 1 : index
    %swap3A_368 = arith.constant 0 : index
    %swap3A_369 = vector.load %arg5[%swap3A_366, %swap3A_367, %swap3A_368] : memref<1x16x96xf32, #tpu.memory_space<vmem>>, vector<1x1x96xf32>
    %swap3A_370 = vector.shape_cast %swap3A_369 : vector<1x1x96xf32> to vector<1x96xf32>
    %swap3A_371 = vector.shape_cast %mul3A_365 : vector<1x96xf32> to vector<1x1x96xf32>
    tpu.vector_store %arg5[%swap3A_366, %swap3A_367, %swap3A_368], %swap3A_371 {strides = array<i32>} : memref<1x16x96xf32, #tpu.memory_space<vmem>>, vector<1x1x96xf32>,
    %slice3A_372 = vector.extract_strided_slice %dot_general3A_357 {offsets = [0, 96], sizes = [1, 96], strides = [1, 1]} : vector<1x672xf32> to vector<1x96xf32>
    %slice3A_373 = vector.extract_strided_slice %dot_general3A_357 {offsets = [0, 288], sizes = [1, 96], strides = [1, 1]} : vector<1x672xf32> to vector<1x96xf32>
    %add3A_374 = arith.addf %slice3A_372, %slice3A_373 : vector<1x96xf32>
    %slice3A_375 = vector.extract_strided_slice %dot_general3A_357 {offsets = [0, 480], sizes = [1, 96], strides = [1, 1]} : vector<1x672xf32> to vector<1x96xf32>
    %add3A_376 = arith.addf %add3A_374, %slice3A_375 : vector<1x96xf32>
    %mul3A_377 = arith.constant 0.00510204071 : f32
    %mul3A_378 = vector.broadcast %mul3A_377 : f32 to vector<1x96xf32>
    %mul3A_379 = arith.mulf %add3A_376, %mul3A_378 : vector<1x96xf32>
    %swap3A_380 = arith.constant 0 : index
    %swap3A_381 = arith.constant 1 : index
    %swap3A_382 = arith.constant 0 : index
    %swap3A_383 = vector.load %arg6[%swap3A_380, %swap3A_381, %swap3A_382] : memref<1x16x96xf32, #tpu.memory_space<vmem>>, vector<1x1x96xf32>
    %swap3A_384 = vector.shape_cast %swap3A_383 : vector<1x1x96xf32> to vector<1x96xf32>
    %swap3A_385 = vector.shape_cast %mul3A_379 : vector<1x96xf32> to vector<1x1x96xf32>
    tpu.vector_store %arg6[%swap3A_380, %swap3A_381, %swap3A_382], %swap3A_385 {strides = array<i32>} : memref<1x16x96xf32, #tpu.memory_space<vmem>>, vector<1x1x96xf32>,
    %slice3A_386 = vector.extract_strided_slice %dot_general3A_357 {offsets = [0, 576], sizes = [1, 96], strides = [1, 1]} : vector<1x672xf32> to vector<1x96xf32>
    %mul3A_387 = arith.constant 0.00510204071 : f32
    %mul3A_388 = vector.broadcast %mul3A_387 : f32 to vector<1x96xf32>
    %mul3A_389 = arith.mulf %slice3A_386, %mul3A_388 : vector<1x96xf32>
    %swap3A_390 = arith.constant 0 : index
    %swap3A_391 = arith.constant 1 : index
    %swap3A_392 = arith.constant 0 : index
    %swap3A_393 = vector.load %arg7[%swap3A_390, %swap3A_391, %swap3A_392] : memref<1x16x96xf32, #tpu.memory_space<vmem>>, vector<1x1x96xf32>
    %swap3A_394 = vector.shape_cast %swap3A_393 : vector<1x1x96xf32> to vector<1x96xf32>
    %swap3A_395 = vector.shape_cast %mul3A_389 : vector<1x96xf32> to vector<1x1x96xf32>
    tpu.vector_store %arg7[%swap3A_390, %swap3A_391, %swap3A_392], %swap3A_395 {strides = array<i32>} : memref<1x16x96xf32, #tpu.memory_space<vmem>>, vector<1x1x96xf32>,
    %get3A_396 = arith.constant 0 : index
    %get3A_397 = arith.constant 2 : index
    %get3A_398 = arith.constant 0 : index
    %get3A_399 = arith.constant 0 : index
    %get3A_400 = vector.load %arg2[%get3A_396, %get3A_397, %get3A_398, %get3A_399] : memref<1x16x96x196xf32, #tpu.memory_space<vmem>>, vector<1x1x96x196xf32>
    %get3A_401 = vector.shape_cast %get3A_400 : vector<1x1x96x196xf32> to vector<96x196xf32>
    %get3A_402 = arith.constant 0 : index
    %get3A_403 = arith.constant 2 : index
    %get3A_404 = arith.constant 0 : index
    %get3A_405 = arith.constant 0 : index
    %get3A_406 = vector.load %arg3[%get3A_402, %get3A_403, %get3A_404, %get3A_405] : memref<1x16x96x196xf32, #tpu.memory_space<vmem>>, vector<1x1x96x196xf32>
    %get3A_407 = vector.shape_cast %get3A_406 : vector<1x1x96x196xf32> to vector<96x196xf32>
    %get3A_408 = arith.constant 0 : index
    %get3A_409 = arith.constant 2 : index
    %get3A_410 = arith.constant 0 : index
    %get3A_411 = arith.constant 0 : index
    %get3A_412 = vector.load %arg4[%get3A_408, %get3A_409, %get3A_410, %get3A_411] : memref<1x16x96x196xf32, #tpu.memory_space<vmem>>, vector<1x1x96x196xf32>
    %get3A_413 = vector.shape_cast %get3A_412 : vector<1x1x96x196xf32> to vector<96x196xf32>
    %gt3A_414 = arith.constant 0.000000e+00 : f32
    %gt3A_415 = vector.broadcast %gt3A_414 : f32 to vector<96x196xf32>
    %gt3A_416 = arith.cmpf ogt, %get3A_407, %gt3A_415 : vector<96x196xf32>
    %add3A_417 = arith.constant 1.000000e+00 : f32
    %add3A_418 = vector.broadcast %add3A_417 : f32 to vector<96x196xf32>
    %add3A_419 = arith.addf %get3A_407, %add3A_418 : vector<96x196xf32>
    %gt3A_420 = arith.constant 0.000000e+00 : f32
    %gt3A_421 = vector.broadcast %gt3A_420 : f32 to vector<96x196xf32>
    %gt3A_422 = arith.cmpf ogt, %get3A_407, %gt3A_421 : vector<96x196xf32>
    %jit3A_423 = arith.constant 0.000000e+00 : f32
    %broadcast_in_dim3A_424 = vector.broadcast %jit3A_423 : f32 to vector<96x196xf32>
    %select_n3A_425 = arith.select %gt3A_422, %broadcast_in_dim3A_424, %get3A_407 : vector<96x196xi1>, vector<96x196xf32>
    %exp3A_426 = math.exp %select_n3A_425 : vector<96x196xf32>
    %select_n3A_427 = arith.select %gt3A_416, %add3A_419, %exp3A_426 : vector<96x196xi1>, vector<96x196xf32>
    %concatenate3A_428 = tpu.concatenate %get3A_413, %broadcast_in_dim3A_0 in 0 : vector<96x196xf32>, vector<1x196xf32> -> vector<97x196xf32>
    %dot_general3A_429 = arith.constant dense<0.000000e+00> : vector<96x97xf32>
    %dot_general3A_430 = tpu.matmul %select_n3A_427, %concatenate3A_428, %dot_general3A_429 {dimension_numbers = #tpu.dot_dimension_numbers<[1], [1], [0], [0], [0, 0, 1, 0], [], []>, transpose_lhs_hint = false} : vector<96x196xf32>, vector<97x196xf32>, vector<96x97xf32> -> vector<96x97xf32>
    %iota3A_431 = tpu.iota {dimensions = array<i32: 0>} : vector<96x96xi32>
    %jit3A_432 = arith.constant 32 : i32
    %div3A_433 = vector.broadcast %jit3A_432 : i32 to vector<96x96xi32>
    %div3A_434 = arith.divsi %iota3A_431, %div3A_433 : vector<96x96xi32>
    %sign3A_435 = arith.constant 0 : i32
    %sign3A_436 = vector.broadcast %sign3A_435 : i32 to vector<96x96xi32>
    %sign3A_437 = arith.cmpi sgt, %iota3A_431, %sign3A_436 : vector<96x96xi32>
    %sign3A_438 = arith.extui %sign3A_437 : vector<96x96xi1> to vector<96x96xi32>
    %sign3A_439 = arith.constant 0 : i32
    %sign3A_440 = vector.broadcast %sign3A_439 : i32 to vector<96x96xi32>
    %sign3A_441 = arith.cmpi slt, %iota3A_431, %sign3A_440 : vector<96x96xi32>
    %sign3A_442 = arith.extui %sign3A_441 : vector<96x96xi1> to vector<96x96xi32>
    %sign3A_443 = arith.subi %sign3A_438, %sign3A_442 : vector<96x96xi32>
    %sign3A_444 = arith.constant 0 : i32
    %sign3A_445 = arith.cmpi sgt, %jit3A_432, %sign3A_444 : i32
    %sign3A_446 = arith.extui %sign3A_445 : i1 to i32
    %sign3A_447 = arith.constant 0 : i32
    %sign3A_448 = arith.cmpi slt, %jit3A_432, %sign3A_447 : i32
    %sign3A_449 = arith.extui %sign3A_448 : i1 to i32
    %sign3A_450 = arith.subi %sign3A_446, %sign3A_449 : i32
    %ne3A_451 = vector.broadcast %sign3A_450 : i32 to vector<96x96xi32>
    %ne3A_452 = arith.cmpi ne, %sign3A_443, %ne3A_451 : vector<96x96xi32>
    %rem3A_453 = vector.broadcast %jit3A_432 : i32 to vector<96x96xi32>
    %rem3A_454 = arith.remsi %iota3A_431, %rem3A_453 : vector<96x96xi32>
    %ne3A_455 = arith.constant 0 : i32
    %ne3A_456 = vector.broadcast %ne3A_455 : i32 to vector<96x96xi32>
    %ne3A_457 = arith.cmpi ne, %rem3A_454, %ne3A_456 : vector<96x96xi32>
    %and3A_458 = arith.andi %ne3A_452, %ne3A_457 : vector<96x96xi1>
    %sub3A_459 = arith.constant 1 : i32
    %sub3A_460 = vector.broadcast %sub3A_459 : i32 to vector<96x96xi32>
    %sub3A_461 = arith.subi %div3A_434, %sub3A_460 : vector<96x96xi32>
    %select_n3A_462 = arith.select %and3A_458, %sub3A_461, %div3A_434 : vector<96x96xi1>, vector<96x96xi32>
    %iota3A_463 = tpu.iota {dimensions = array<i32: 1>} : vector<96x96xi32>
    %jit3A_464 = arith.constant 32 : i32
    %div3A_465 = vector.broadcast %jit3A_464 : i32 to vector<96x96xi32>
    %div3A_466 = arith.divsi %iota3A_463, %div3A_465 : vector<96x96xi32>
    %sign3A_467 = arith.constant 0 : i32
    %sign3A_468 = vector.broadcast %sign3A_467 : i32 to vector<96x96xi32>
    %sign3A_469 = arith.cmpi sgt, %iota3A_463, %sign3A_468 : vector<96x96xi32>
    %sign3A_470 = arith.extui %sign3A_469 : vector<96x96xi1> to vector<96x96xi32>
    %sign3A_471 = arith.constant 0 : i32
    %sign3A_472 = vector.broadcast %sign3A_471 : i32 to vector<96x96xi32>
    %sign3A_473 = arith.cmpi slt, %iota3A_463, %sign3A_472 : vector<96x96xi32>
    %sign3A_474 = arith.extui %sign3A_473 : vector<96x96xi1> to vector<96x96xi32>
    %sign3A_475 = arith.subi %sign3A_470, %sign3A_474 : vector<96x96xi32>
    %sign3A_476 = arith.constant 0 : i32
    %sign3A_477 = arith.cmpi sgt, %jit3A_464, %sign3A_476 : i32
    %sign3A_478 = arith.extui %sign3A_477 : i1 to i32
    %sign3A_479 = arith.constant 0 : i32
    %sign3A_480 = arith.cmpi slt, %jit3A_464, %sign3A_479 : i32
    %sign3A_481 = arith.extui %sign3A_480 : i1 to i32
    %sign3A_482 = arith.subi %sign3A_478, %sign3A_481 : i32
    %ne3A_483 = vector.broadcast %sign3A_482 : i32 to vector<96x96xi32>
    %ne3A_484 = arith.cmpi ne, %sign3A_475, %ne3A_483 : vector<96x96xi32>
    %rem3A_485 = vector.broadcast %jit3A_464 : i32 to vector<96x96xi32>
    %rem3A_486 = arith.remsi %iota3A_463, %rem3A_485 : vector<96x96xi32>
    %ne3A_487 = arith.constant 0 : i32
    %ne3A_488 = vector.broadcast %ne3A_487 : i32 to vector<96x96xi32>
    %ne3A_489 = arith.cmpi ne, %rem3A_486, %ne3A_488 : vector<96x96xi32>
    %and3A_490 = arith.andi %ne3A_484, %ne3A_489 : vector<96x96xi1>
    %sub3A_491 = arith.constant 1 : i32
    %sub3A_492 = vector.broadcast %sub3A_491 : i32 to vector<96x96xi32>
    %sub3A_493 = arith.subi %div3A_466, %sub3A_492 : vector<96x96xi32>
    %select_n3A_494 = arith.select %and3A_490, %sub3A_493, %div3A_466 : vector<96x96xi1>, vector<96x96xi32>
    %slice3A_495 = vector.extract_strided_slice %dot_general3A_430 {offsets = [0, 0], sizes = [96, 96], strides = [1, 1]} : vector<96x97xf32> to vector<96x96xf32>
    %eq3A_496 = arith.cmpi eq, %select_n3A_462, %select_n3A_494 : vector<96x96xi32>
    %convert_element_type3A_497 = arith.extui %eq3A_496 : vector<96x96xi1> to vector<96x96xi32>
    %convert_element_type3A_498 = arith.sitofp %convert_element_type3A_497 : vector<96x96xi32> to vector<96x96xf32>
    %mul3A_499 = arith.mulf %slice3A_495, %convert_element_type3A_498 : vector<96x96xf32>
    %iota3A_500 = tpu.iota {dimensions = array<i32: 0>} : vector<96x3xi32>
    %jit3A_501 = arith.constant 32 : i32
    %div3A_502 = vector.broadcast %jit3A_501 : i32 to vector<96x3xi32>
    %div3A_503 = arith.divsi %iota3A_500, %div3A_502 : vector<96x3xi32>
    %sign3A_504 = arith.constant 0 : i32
    %sign3A_505 = vector.broadcast %sign3A_504 : i32 to vector<96x3xi32>
    %sign3A_506 = arith.cmpi sgt, %iota3A_500, %sign3A_505 : vector<96x3xi32>
    %sign3A_507 = arith.extui %sign3A_506 : vector<96x3xi1> to vector<96x3xi32>
    %sign3A_508 = arith.constant 0 : i32
    %sign3A_509 = vector.broadcast %sign3A_508 : i32 to vector<96x3xi32>
    %sign3A_510 = arith.cmpi slt, %iota3A_500, %sign3A_509 : vector<96x3xi32>
    %sign3A_511 = arith.extui %sign3A_510 : vector<96x3xi1> to vector<96x3xi32>
    %sign3A_512 = arith.subi %sign3A_507, %sign3A_511 : vector<96x3xi32>
    %sign3A_513 = arith.constant 0 : i32
    %sign3A_514 = arith.cmpi sgt, %jit3A_501, %sign3A_513 : i32
    %sign3A_515 = arith.extui %sign3A_514 : i1 to i32
    %sign3A_516 = arith.constant 0 : i32
    %sign3A_517 = arith.cmpi slt, %jit3A_501, %sign3A_516 : i32
    %sign3A_518 = arith.extui %sign3A_517 : i1 to i32
    %sign3A_519 = arith.subi %sign3A_515, %sign3A_518 : i32
    %ne3A_520 = vector.broadcast %sign3A_519 : i32 to vector<96x3xi32>
    %ne3A_521 = arith.cmpi ne, %sign3A_512, %ne3A_520 : vector<96x3xi32>
    %rem3A_522 = vector.broadcast %jit3A_501 : i32 to vector<96x3xi32>
    %rem3A_523 = arith.remsi %iota3A_500, %rem3A_522 : vector<96x3xi32>
    %ne3A_524 = arith.constant 0 : i32
    %ne3A_525 = vector.broadcast %ne3A_524 : i32 to vector<96x3xi32>
    %ne3A_526 = arith.cmpi ne, %rem3A_523, %ne3A_525 : vector<96x3xi32>
    %and3A_527 = arith.andi %ne3A_521, %ne3A_526 : vector<96x3xi1>
    %sub3A_528 = arith.constant 1 : i32
    %sub3A_529 = vector.broadcast %sub3A_528 : i32 to vector<96x3xi32>
    %sub3A_530 = arith.subi %div3A_503, %sub3A_529 : vector<96x3xi32>
    %select_n3A_531 = arith.select %and3A_527, %sub3A_530, %div3A_503 : vector<96x3xi1>, vector<96x3xi32>
    %iota3A_532 = tpu.iota {dimensions = array<i32: 1>} : vector<96x3xi32>
    %slice3A_533 = vector.extract_strided_slice %dot_general3A_430 {offsets = [0, 96], sizes = [96, 1], strides = [1, 1]} : vector<96x97xf32> to vector<96x1xf32>
    %eq3A_534 = arith.cmpi eq, %select_n3A_531, %iota3A_532 : vector<96x3xi32>
    %convert_element_type3A_535 = arith.extui %eq3A_534 : vector<96x3xi1> to vector<96x3xi32>
    %convert_element_type3A_536 = arith.sitofp %convert_element_type3A_535 : vector<96x3xi32> to vector<96x3xf32>
    %mul3A_537 = vector.broadcast %slice3A_533 : vector<96x1xf32> to vector<96x3xf32>
    %mul3A_538 = arith.mulf %mul3A_537, %convert_element_type3A_536 : vector<96x3xf32>
    %broadcast_in_dim3A_539 = arith.constant 0.000000e+00 : f32
    %broadcast_in_dim3A_540 = vector.broadcast %broadcast_in_dim3A_539 : f32 to vector<96x29xf32>
    %concatenate3A_541 = tpu.concatenate %mul3A_499, %mul3A_538, %broadcast_in_dim3A_540 in 1 : vector<96x96xf32>, vector<96x3xf32>, vector<96x29xf32> -> vector<96x128xf32>
    %convert_element_type3A_542 = arith.truncf %concatenate3A_541 : vector<96x128xf32> to vector<96x128xbf16>
    %swap3A_543 = arith.constant 0 : index
    %swap3A_544 = arith.constant 2 : index
    %swap3A_545 = arith.constant 0 : index
    %swap3A_546 = arith.constant 0 : index
    %swap3A_547 = vector.load %arg8[%swap3A_543, %swap3A_544, %swap3A_545, %swap3A_546] : memref<1x16x96x128xbf16, #tpu.memory_space<vmem>>, vector<1x1x96x128xbf16>
    %swap3A_548 = vector.shape_cast %swap3A_547 : vector<1x1x96x128xbf16> to vector<96x128xbf16>
    %swap3A_549 = vector.shape_cast %convert_element_type3A_542 : vector<96x128xbf16> to vector<1x1x96x128xbf16>
    tpu.vector_store %arg8[%swap3A_543, %swap3A_544, %swap3A_545, %swap3A_546], %swap3A_549 {strides = array<i32>} : memref<1x16x96x128xbf16, #tpu.memory_space<vmem>>, vector<1x1x96x128xbf16>,
    %concatenate3A_550 = tpu.concatenate %get3A_401, %get3A_407 in 0 : vector<96x196xf32>, vector<96x196xf32> -> vector<192x196xf32>
    %bitcast_convert_type3A_551 = tpu.bitcast %concatenate3A_550 : vector<192x196xf32> -> vector<192x196xi32>
    %and3A_552 = arith.constant -65536 : i32
    %and3A_553 = vector.broadcast %and3A_552 : i32 to vector<192x196xi32>
    %and3A_554 = arith.andi %bitcast_convert_type3A_551, %and3A_553 : vector<192x196xi32>
    %bitcast_convert_type3A_555 = tpu.bitcast %and3A_554 : vector<192x196xi32> -> vector<192x196xf32>
    %sub3A_556 = arith.subf %concatenate3A_550, %bitcast_convert_type3A_555 : vector<192x196xf32>
    %bitcast_convert_type3A_557 = tpu.bitcast %sub3A_556 : vector<192x196xf32> -> vector<192x196xi32>
    %and3A_558 = arith.constant -65536 : i32
    %and3A_559 = vector.broadcast %and3A_558 : i32 to vector<192x196xi32>
    %and3A_560 = arith.andi %bitcast_convert_type3A_557, %and3A_559 : vector<192x196xi32>
    %bitcast_convert_type3A_561 = tpu.bitcast %and3A_560 : vector<192x196xi32> -> vector<192x196xf32>
    %sub3A_562 = arith.subf %sub3A_556, %bitcast_convert_type3A_561 : vector<192x196xf32>
    %concatenate3A_563 = tpu.concatenate %bitcast_convert_type3A_555, %bitcast_convert_type3A_561, %sub3A_562, %get3A_413 in 0 : vector<192x196xf32>, vector<192x196xf32>, vector<192x196xf32>, vector<96x196xf32> -> vector<672x196xf32>
    %dot_general3A_564 = arith.constant dense<0.000000e+00> : vector<1x672xf32>
    %dot_general3A_565 = tpu.matmul %broadcast_in_dim3A_0, %concatenate3A_563, %dot_general3A_564 {dimension_numbers = #tpu.dot_dimension_numbers<[1], [1], [0], [0], [0, 0, 1, 0], [], []>, transpose_lhs_hint = false} : vector<1x196xf32>, vector<672x196xf32>, vector<1x672xf32> -> vector<1x672xf32>
    %slice3A_566 = vector.extract_strided_slice %dot_general3A_565 {offsets = [0, 0], sizes = [1, 96], strides = [1, 1]} : vector<1x672xf32> to vector<1x96xf32>
    %slice3A_567 = vector.extract_strided_slice %dot_general3A_565 {offsets = [0, 192], sizes = [1, 96], strides = [1, 1]} : vector<1x672xf32> to vector<1x96xf32>
    %add3A_568 = arith.addf %slice3A_566, %slice3A_567 : vector<1x96xf32>
    %slice3A_569 = vector.extract_strided_slice %dot_general3A_565 {offsets = [0, 384], sizes = [1, 96], strides = [1, 1]} : vector<1x672xf32> to vector<1x96xf32>
    %add3A_570 = arith.addf %add3A_568, %slice3A_569 : vector<1x96xf32>
    %mul3A_571 = arith.constant 0.00510204071 : f32
    %mul3A_572 = vector.broadcast %mul3A_571 : f32 to vector<1x96xf32>
    %mul3A_573 = arith.mulf %add3A_570, %mul3A_572 : vector<1x96xf32>
    %swap3A_574 = arith.constant 0 : index
    %swap3A_575 = arith.constant 2 : index
    %swap3A_576 = arith.constant 0 : index
    %swap3A_577 = vector.load %arg5[%swap3A_574, %swap3A_575, %swap3A_576] : memref<1x16x96xf32, #tpu.memory_space<vmem>>, vector<1x1x96xf32>
    %swap3A_578 = vector.shape_cast %swap3A_577 : vector<1x1x96xf32> to vector<1x96xf32>
    %swap3A_579 = vector.shape_cast %mul3A_573 : vector<1x96xf32> to vector<1x1x96xf32>
    tpu.vector_store %arg5[%swap3A_574, %swap3A_575, %swap3A_576], %swap3A_579 {strides = array<i32>} : memref<1x16x96xf32, #tpu.memory_space<vmem>>, vector<1x1x96xf32>,
    %slice3A_580 = vector.extract_strided_slice %dot_general3A_565 {offsets = [0, 96], sizes = [1, 96], strides = [1, 1]} : vector<1x672xf32> to vector<1x96xf32>
    %slice3A_581 = vector.extract_strided_slice %dot_general3A_565 {offsets = [0, 288], sizes = [1, 96], strides = [1, 1]} : vector<1x672xf32> to vector<1x96xf32>
    %add3A_582 = arith.addf %slice3A_580, %slice3A_581 : vector<1x96xf32>
    %slice3A_583 = vector.extract_strided_slice %dot_general3A_565 {offsets = [0, 480], sizes = [1, 96], strides = [1, 1]} : vector<1x672xf32> to vector<1x96xf32>
    %add3A_584 = arith.addf %add3A_582, %slice3A_583 : vector<1x96xf32>
    %mul3A_585 = arith.constant 0.00510204071 : f32
    %mul3A_586 = vector.broadcast %mul3A_585 : f32 to vector<1x96xf32>
    %mul3A_587 = arith.mulf %add3A_584, %mul3A_586 : vector<1x96xf32>
    %swap3A_588 = arith.constant 0 : index
    %swap3A_589 = arith.constant 2 : index
    %swap3A_590 = arith.constant 0 : index
    %swap3A_591 = vector.load %arg6[%swap3A_588, %swap3A_589, %swap3A_590] : memref<1x16x96xf32, #tpu.memory_space<vmem>>, vector<1x1x96xf32>
    %swap3A_592 = vector.shape_cast %swap3A_591 : vector<1x1x96xf32> to vector<1x96xf32>
    %swap3A_593 = vector.shape_cast %mul3A_587 : vector<1x96xf32> to vector<1x1x96xf32>
    tpu.vector_store %arg6[%swap3A_588, %swap3A_589, %swap3A_590], %swap3A_593 {strides = array<i32>} : memref<1x16x96xf32, #tpu.memory_space<vmem>>, vector<1x1x96xf32>,
    %slice3A_594 = vector.extract_strided_slice %dot_general3A_565 {offsets = [0, 576], sizes = [1, 96], strides = [1, 1]} : vector<1x672xf32> to vector<1x96xf32>
    %mul3A_595 = arith.constant 0.00510204071 : f32
    %mul3A_596 = vector.broadcast %mul3A_595 : f32 to vector<1x96xf32>
    %mul3A_597 = arith.mulf %slice3A_594, %mul3A_596 : vector<1x96xf32>
    %swap3A_598 = arith.constant 0 : index
    %swap3A_599 = arith.constant 2 : index
    %swap3A_600 = arith.constant 0 : index
    %swap3A_601 = vector.load %arg7[%swap3A_598, %swap3A_599, %swap3A_600] : memref<1x16x96xf32, #tpu.memory_space<vmem>>, vector<1x1x96xf32>
    %swap3A_602 = vector.shape_cast %swap3A_601 : vector<1x1x96xf32> to vector<1x96xf32>
    %swap3A_603 = vector.shape_cast %mul3A_597 : vector<1x96xf32> to vector<1x1x96xf32>
    tpu.vector_store %arg7[%swap3A_598, %swap3A_599, %swap3A_600], %swap3A_603 {strides = array<i32>} : memref<1x16x96xf32, #tpu.memory_space<vmem>>, vector<1x1x96xf32>,
    %get3A_604 = arith.constant 0 : index
    %get3A_605 = arith.constant 3 : index
    %get3A_606 = arith.constant 0 : index
    %get3A_607 = arith.constant 0 : index
    %get3A_608 = vector.load %arg2[%get3A_604, %get3A_605, %get3A_606, %get3A_607] : memref<1x16x96x196xf32, #tpu.memory_space<vmem>>, vector<1x1x96x196xf32>
    %get3A_609 = vector.shape_cast %get3A_608 : vector<1x1x96x196xf32> to vector<96x196xf32>
    %get3A_610 = arith.constant 0 : index
    %get3A_611 = arith.constant 3 : index
    %get3A_612 = arith.constant 0 : index
    %get3A_613 = arith.constant 0 : index
    %get3A_614 = vector.load %arg3[%get3A_610, %get3A_611, %get3A_612, %get3A_613] : memref<1x16x96x196xf32, #tpu.memory_space<vmem>>, vector<1x1x96x196xf32>
    %get3A_615 = vector.shape_cast %get3A_614 : vector<1x1x96x196xf32> to vector<96x196xf32>
    %get3A_616 = arith.constant 0 : index
    %get3A_617 = arith.constant 3 : index
    %get3A_618 = arith.constant 0 : index
    %get3A_619 = arith.constant 0 : index
    %get3A_620 = vector.load %arg4[%get3A_616, %get3A_617, %get3A_618, %get3A_619] : memref<1x16x96x196xf32, #tpu.memory_space<vmem>>, vector<1x1x96x196xf32>
    %get3A_621 = vector.shape_cast %get3A_620 : vector<1x1x96x196xf32> to vector<96x196xf32>
    %gt3A_622 = arith.constant 0.000000e+00 : f32
    %gt3A_623 = vector.broadcast %gt3A_622 : f32 to vector<96x196xf32>
    %gt3A_624 = arith.cmpf ogt, %get3A_615, %gt3A_623 : vector<96x196xf32>
    %add3A_625 = arith.constant 1.000000e+00 : f32
    %add3A_626 = vector.broadcast %add3A_625 : f32 to vector<96x196xf32>
    %add3A_627 = arith.addf %get3A_615, %add3A_626 : vector<96x196xf32>
    %gt3A_628 = arith.constant 0.000000e+00 : f32
    %gt3A_629 = vector.broadcast %gt3A_628 : f32 to vector<96x196xf32>
    %gt3A_630 = arith.cmpf ogt, %get3A_615, %gt3A_629 : vector<96x196xf32>
    %jit3A_631 = arith.constant 0.000000e+00 : f32
    %broadcast_in_dim3A_632 = vector.broadcast %jit3A_631 : f32 to vector<96x196xf32>
    %select_n3A_633 = arith.select %gt3A_630, %broadcast_in_dim3A_632, %get3A_615 : vector<96x196xi1>, vector<96x196xf32>
    %exp3A_634 = math.exp %select_n3A_633 : vector<96x196xf32>
    %select_n3A_635 = arith.select %gt3A_624, %add3A_627, %exp3A_634 : vector<96x196xi1>, vector<96x196xf32>
    %concatenate3A_636 = tpu.concatenate %get3A_621, %broadcast_in_dim3A_0 in 0 : vector<96x196xf32>, vector<1x196xf32> -> vector<97x196xf32>
    %dot_general3A_637 = arith.constant dense<0.000000e+00> : vector<96x97xf32>
    %dot_general3A_638 = tpu.matmul %select_n3A_635, %concatenate3A_636, %dot_general3A_637 {dimension_numbers = #tpu.dot_dimension_numbers<[1], [1], [0], [0], [0, 0, 1, 0], [], []>, transpose_lhs_hint = false} : vector<96x196xf32>, vector<97x196xf32>, vector<96x97xf32> -> vector<96x97xf32>
    %iota3A_639 = tpu.iota {dimensions = array<i32: 0>} : vector<96x96xi32>
    %jit3A_640 = arith.constant 32 : i32
    %div3A_641 = vector.broadcast %jit3A_640 : i32 to vector<96x96xi32>
    %div3A_642 = arith.divsi %iota3A_639, %div3A_641 : vector<96x96xi32>
    %sign3A_643 = arith.constant 0 : i32
    %sign3A_644 = vector.broadcast %sign3A_643 : i32 to vector<96x96xi32>
    %sign3A_645 = arith.cmpi sgt, %iota3A_639, %sign3A_644 : vector<96x96xi32>
    %sign3A_646 = arith.extui %sign3A_645 : vector<96x96xi1> to vector<96x96xi32>
    %sign3A_647 = arith.constant 0 : i32
    %sign3A_648 = vector.broadcast %sign3A_647 : i32 to vector<96x96xi32>
    %sign3A_649 = arith.cmpi slt, %iota3A_639, %sign3A_648 : vector<96x96xi32>
    %sign3A_650 = arith.extui %sign3A_649 : vector<96x96xi1> to vector<96x96xi32>
    %sign3A_651 = arith.subi %sign3A_646, %sign3A_650 : vector<96x96xi32>
    %sign3A_652 = arith.constant 0 : i32
    %sign3A_653 = arith.cmpi sgt, %jit3A_640, %sign3A_652 : i32
    %sign3A_654 = arith.extui %sign3A_653 : i1 to i32
    %sign3A_655 = arith.constant 0 : i32
    %sign3A_656 = arith.cmpi slt, %jit3A_640, %sign3A_655 : i32
    %sign3A_657 = arith.extui %sign3A_656 : i1 to i32
    %sign3A_658 = arith.subi %sign3A_654, %sign3A_657 : i32
    %ne3A_659 = vector.broadcast %sign3A_658 : i32 to vector<96x96xi32>
    %ne3A_660 = arith.cmpi ne, %sign3A_651, %ne3A_659 : vector<96x96xi32>
    %rem3A_661 = vector.broadcast %jit3A_640 : i32 to vector<96x96xi32>
    %rem3A_662 = arith.remsi %iota3A_639, %rem3A_661 : vector<96x96xi32>
    %ne3A_663 = arith.constant 0 : i32
    %ne3A_664 = vector.broadcast %ne3A_663 : i32 to vector<96x96xi32>
    %ne3A_665 = arith.cmpi ne, %rem3A_662, %ne3A_664 : vector<96x96xi32>
    %and3A_666 = arith.andi %ne3A_660, %ne3A_665 : vector<96x96xi1>
    %sub3A_667 = arith.constant 1 : i32
    %sub3A_668 = vector.broadcast %sub3A_667 : i32 to vector<96x96xi32>
    %sub3A_669 = arith.subi %div3A_642, %sub3A_668 : vector<96x96xi32>
    %select_n3A_670 = arith.select %and3A_666, %sub3A_669, %div3A_642 : vector<96x96xi1>, vector<96x96xi32>
    %iota3A_671 = tpu.iota {dimensions = array<i32: 1>} : vector<96x96xi32>
    %jit3A_672 = arith.constant 32 : i32
    %div3A_673 = vector.broadcast %jit3A_672 : i32 to vector<96x96xi32>
    %div3A_674 = arith.divsi %iota3A_671, %div3A_673 : vector<96x96xi32>
    %sign3A_675 = arith.constant 0 : i32
    %sign3A_676 = vector.broadcast %sign3A_675 : i32 to vector<96x96xi32>
    %sign3A_677 = arith.cmpi sgt, %iota3A_671, %sign3A_676 : vector<96x96xi32>
    %sign3A_678 = arith.extui %sign3A_677 : vector<96x96xi1> to vector<96x96xi32>
    %sign3A_679 = arith.constant 0 : i32
    %sign3A_680 = vector.broadcast %sign3A_679 : i32 to vector<96x96xi32>
    %sign3A_681 = arith.cmpi slt, %iota3A_671, %sign3A_680 : vector<96x96xi32>
    %sign3A_682 = arith.extui %sign3A_681 : vector<96x96xi1> to vector<96x96xi32>
    %sign3A_683 = arith.subi %sign3A_678, %sign3A_682 : vector<96x96xi32>
    %sign3A_684 = arith.constant 0 : i32
    %sign3A_685 = arith.cmpi sgt, %jit3A_672, %sign3A_684 : i32
    %sign3A_686 = arith.extui %sign3A_685 : i1 to i32
    %sign3A_687 = arith.constant 0 : i32
    %sign3A_688 = arith.cmpi slt, %jit3A_672, %sign3A_687 : i32
    %sign3A_689 = arith.extui %sign3A_688 : i1 to i32
    %sign3A_690 = arith.subi %sign3A_686, %sign3A_689 : i32
    %ne3A_691 = vector.broadcast %sign3A_690 : i32 to vector<96x96xi32>
    %ne3A_692 = arith.cmpi ne, %sign3A_683, %ne3A_691 : vector<96x96xi32>
    %rem3A_693 = vector.broadcast %jit3A_672 : i32 to vector<96x96xi32>
    %rem3A_694 = arith.remsi %iota3A_671, %rem3A_693 : vector<96x96xi32>
    %ne3A_695 = arith.constant 0 : i32
    %ne3A_696 = vector.broadcast %ne3A_695 : i32 to vector<96x96xi32>
    %ne3A_697 = arith.cmpi ne, %rem3A_694, %ne3A_696 : vector<96x96xi32>
    %and3A_698 = arith.andi %ne3A_692, %ne3A_697 : vector<96x96xi1>
    %sub3A_699 = arith.constant 1 : i32
    %sub3A_700 = vector.broadcast %sub3A_699 : i32 to vector<96x96xi32>
    %sub3A_701 = arith.subi %div3A_674, %sub3A_700 : vector<96x96xi32>
    %select_n3A_702 = arith.select %and3A_698, %sub3A_701, %div3A_674 : vector<96x96xi1>, vector<96x96xi32>
    %slice3A_703 = vector.extract_strided_slice %dot_general3A_638 {offsets = [0, 0], sizes = [96, 96], strides = [1, 1]} : vector<96x97xf32> to vector<96x96xf32>
    %eq3A_704 = arith.cmpi eq, %select_n3A_670, %select_n3A_702 : vector<96x96xi32>
    %convert_element_type3A_705 = arith.extui %eq3A_704 : vector<96x96xi1> to vector<96x96xi32>
    %convert_element_type3A_706 = arith.sitofp %convert_element_type3A_705 : vector<96x96xi32> to vector<96x96xf32>
    %mul3A_707 = arith.mulf %slice3A_703, %convert_element_type3A_706 : vector<96x96xf32>
    %iota3A_708 = tpu.iota {dimensions = array<i32: 0>} : vector<96x3xi32>
    %jit3A_709 = arith.constant 32 : i32
    %div3A_710 = vector.broadcast %jit3A_709 : i32 to vector<96x3xi32>
    %div3A_711 = arith.divsi %iota3A_708, %div3A_710 : vector<96x3xi32>
    %sign3A_712 = arith.constant 0 : i32
    %sign3A_713 = vector.broadcast %sign3A_712 : i32 to vector<96x3xi32>
    %sign3A_714 = arith.cmpi sgt, %iota3A_708, %sign3A_713 : vector<96x3xi32>
    %sign3A_715 = arith.extui %sign3A_714 : vector<96x3xi1> to vector<96x3xi32>
    %sign3A_716 = arith.constant 0 : i32
    %sign3A_717 = vector.broadcast %sign3A_716 : i32 to vector<96x3xi32>
    %sign3A_718 = arith.cmpi slt, %iota3A_708, %sign3A_717 : vector<96x3xi32>
    %sign3A_719 = arith.extui %sign3A_718 : vector<96x3xi1> to vector<96x3xi32>
    %sign3A_720 = arith.subi %sign3A_715, %sign3A_719 : vector<96x3xi32>
    %sign3A_721 = arith.constant 0 : i32
    %sign3A_722 = arith.cmpi sgt, %jit3A_709, %sign3A_721 : i32
    %sign3A_723 = arith.extui %sign3A_722 : i1 to i32
    %sign3A_724 = arith.constant 0 : i32
    %sign3A_725 = arith.cmpi slt, %jit3A_709, %sign3A_724 : i32
    %sign3A_726 = arith.extui %sign3A_725 : i1 to i32
    %sign3A_727 = arith.subi %sign3A_723, %sign3A_726 : i32
    %ne3A_728 = vector.broadcast %sign3A_727 : i32 to vector<96x3xi32>
    %ne3A_729 = arith.cmpi ne, %sign3A_720, %ne3A_728 : vector<96x3xi32>
    %rem3A_730 = vector.broadcast %jit3A_709 : i32 to vector<96x3xi32>
    %rem3A_731 = arith.remsi %iota3A_708, %rem3A_730 : vector<96x3xi32>
    %ne3A_732 = arith.constant 0 : i32
    %ne3A_733 = vector.broadcast %ne3A_732 : i32 to vector<96x3xi32>
    %ne3A_734 = arith.cmpi ne, %rem3A_731, %ne3A_733 : vector<96x3xi32>
    %and3A_735 = arith.andi %ne3A_729, %ne3A_734 : vector<96x3xi1>
    %sub3A_736 = arith.constant 1 : i32
    %sub3A_737 = vector.broadcast %sub3A_736 : i32 to vector<96x3xi32>
    %sub3A_738 = arith.subi %div3A_711, %sub3A_737 : vector<96x3xi32>
    %select_n3A_739 = arith.select %and3A_735, %sub3A_738, %div3A_711 : vector<96x3xi1>, vector<96x3xi32>
    %iota3A_740 = tpu.iota {dimensions = array<i32: 1>} : vector<96x3xi32>
    %slice3A_741 = vector.extract_strided_slice %dot_general3A_638 {offsets = [0, 96], sizes = [96, 1], strides = [1, 1]} : vector<96x97xf32> to vector<96x1xf32>
    %eq3A_742 = arith.cmpi eq, %select_n3A_739, %iota3A_740 : vector<96x3xi32>
    %convert_element_type3A_743 = arith.extui %eq3A_742 : vector<96x3xi1> to vector<96x3xi32>
    %convert_element_type3A_744 = arith.sitofp %convert_element_type3A_743 : vector<96x3xi32> to vector<96x3xf32>
    %mul3A_745 = vector.broadcast %slice3A_741 : vector<96x1xf32> to vector<96x3xf32>
    %mul3A_746 = arith.mulf %mul3A_745, %convert_element_type3A_744 : vector<96x3xf32>
    %broadcast_in_dim3A_747 = arith.constant 0.000000e+00 : f32
    %broadcast_in_dim3A_748 = vector.broadcast %broadcast_in_dim3A_747 : f32 to vector<96x29xf32>
    %concatenate3A_749 = tpu.concatenate %mul3A_707, %mul3A_746, %broadcast_in_dim3A_748 in 1 : vector<96x96xf32>, vector<96x3xf32>, vector<96x29xf32> -> vector<96x128xf32>
    %convert_element_type3A_750 = arith.truncf %concatenate3A_749 : vector<96x128xf32> to vector<96x128xbf16>
    %swap3A_751 = arith.constant 0 : index
    %swap3A_752 = arith.constant 3 : index
    %swap3A_753 = arith.constant 0 : index
    %swap3A_754 = arith.constant 0 : index
    %swap3A_755 = vector.load %arg8[%swap3A_751, %swap3A_752, %swap3A_753, %swap3A_754] : memref<1x16x96x128xbf16, #tpu.memory_space<vmem>>, vector<1x1x96x128xbf16>
    %swap3A_756 = vector.shape_cast %swap3A_755 : vector<1x1x96x128xbf16> to vector<96x128xbf16>
    %swap3A_757 = vector.shape_cast %convert_element_type3A_750 : vector<96x128xbf16> to vector<1x1x96x128xbf16>
    tpu.vector_store %arg8[%swap3A_751, %swap3A_752, %swap3A_753, %swap3A_754], %swap3A_757 {strides = array<i32>} : memref<1x16x96x128xbf16, #tpu.memory_space<vmem>>, vector<1x1x96x128xbf16>,
    %concatenate3A_758 = tpu.concatenate %get3A_609, %get3A_615 in 0 : vector<96x196xf32>, vector<96x196xf32> -> vector<192x196xf32>
    %bitcast_convert_type3A_759 = tpu.bitcast %concatenate3A_758 : vector<192x196xf32> -> vector<192x196xi32>
    %and3A_760 = arith.constant -65536 : i32
    %and3A_761 = vector.broadcast %and3A_760 : i32 to vector<192x196xi32>
    %and3A_762 = arith.andi %bitcast_convert_type3A_759, %and3A_761 : vector<192x196xi32>
    %bitcast_convert_type3A_763 = tpu.bitcast %and3A_762 : vector<192x196xi32> -> vector<192x196xf32>
    %sub3A_764 = arith.subf %concatenate3A_758, %bitcast_convert_type3A_763 : vector<192x196xf32>
    %bitcast_convert_type3A_765 = tpu.bitcast %sub3A_764 : vector<192x196xf32> -> vector<192x196xi32>
    %and3A_766 = arith.constant -65536 : i32
    %and3A_767 = vector.broadcast %and3A_766 : i32 to vector<192x196xi32>
    %and3A_768 = arith.andi %bitcast_convert_type3A_765, %and3A_767 : vector<192x196xi32>
    %bitcast_convert_type3A_769 = tpu.bitcast %and3A_768 : vector<192x196xi32> -> vector<192x196xf32>
    %sub3A_770 = arith.subf %sub3A_764, %bitcast_convert_type3A_769 : vector<192x196xf32>
    %concatenate3A_771 = tpu.concatenate %bitcast_convert_type3A_763, %bitcast_convert_type3A_769, %sub3A_770, %get3A_621 in 0 : vector<192x196xf32>, vector<192x196xf32>, vector<192x196xf32>, vector<96x196xf32> -> vector<672x196xf32>
    %dot_general3A_772 = arith.constant dense<0.000000e+00> : vector<1x672xf32>
    %dot_general3A_773 = tpu.matmul %broadcast_in_dim3A_0, %concatenate3A_771, %dot_general3A_772 {dimension_numbers = #tpu.dot_dimension_numbers<[1], [1], [0], [0], [0, 0, 1, 0], [], []>, transpose_lhs_hint = false} : vector<1x196xf32>, vector<672x196xf32>, vector<1x672xf32> -> vector<1x672xf32>
    %slice3A_774 = vector.extract_strided_slice %dot_general3A_773 {offsets = [0, 0], sizes = [1, 96], strides = [1, 1]} : vector<1x672xf32> to vector<1x96xf32>
    %slice3A_775 = vector.extract_strided_slice %dot_general3A_773 {offsets = [0, 192], sizes = [1, 96], strides = [1, 1]} : vector<1x672xf32> to vector<1x96xf32>
    %add3A_776 = arith.addf %slice3A_774, %slice3A_775 : vector<1x96xf32>
    %slice3A_777 = vector.extract_strided_slice %dot_general3A_773 {offsets = [0, 384], sizes = [1, 96], strides = [1, 1]} : vector<1x672xf32> to vector<1x96xf32>
    %add3A_778 = arith.addf %add3A_776, %slice3A_777 : vector<1x96xf32>
    %mul3A_779 = arith.constant 0.00510204071 : f32
    %mul3A_780 = vector.broadcast %mul3A_779 : f32 to vector<1x96xf32>
    %mul3A_781 = arith.mulf %add3A_778, %mul3A_780 : vector<1x96xf32>
    %swap3A_782 = arith.constant 0 : index
    %swap3A_783 = arith.constant 3 : index
    %swap3A_784 = arith.constant 0 : index
    %swap3A_785 = vector.load %arg5[%swap3A_782, %swap3A_783, %swap3A_784] : memref<1x16x96xf32, #tpu.memory_space<vmem>>, vector<1x1x96xf32>
    %swap3A_786 = vector.shape_cast %swap3A_785 : vector<1x1x96xf32> to vector<1x96xf32>
    %swap3A_787 = vector.shape_cast %mul3A_781 : vector<1x96xf32> to vector<1x1x96xf32>
    tpu.vector_store %arg5[%swap3A_782, %swap3A_783, %swap3A_784], %swap3A_787 {strides = array<i32>} : memref<1x16x96xf32, #tpu.memory_space<vmem>>, vector<1x1x96xf32>,
    %slice3A_788 = vector.extract_strided_slice %dot_general3A_773 {offsets = [0, 96], sizes = [1, 96], strides = [1, 1]} : vector<1x672xf32> to vector<1x96xf32>
    %slice3A_789 = vector.extract_strided_slice %dot_general3A_773 {offsets = [0, 288], sizes = [1, 96], strides = [1, 1]} : vector<1x672xf32> to vector<1x96xf32>
    %add3A_790 = arith.addf %slice3A_788, %slice3A_789 : vector<1x96xf32>
    %slice3A_791 = vector.extract_strided_slice %dot_general3A_773 {offsets = [0, 480], sizes = [1, 96], strides = [1, 1]} : vector<1x672xf32> to vector<1x96xf32>
    %add3A_792 = arith.addf %add3A_790, %slice3A_791 : vector<1x96xf32>
    %mul3A_793 = arith.constant 0.00510204071 : f32
    %mul3A_794 = vector.broadcast %mul3A_793 : f32 to vector<1x96xf32>
    %mul3A_795 = arith.mulf %add3A_792, %mul3A_794 : vector<1x96xf32>
    %swap3A_796 = arith.constant 0 : index
    %swap3A_797 = arith.constant 3 : index
    %swap3A_798 = arith.constant 0 : index
    %swap3A_799 = vector.load %arg6[%swap3A_796, %swap3A_797, %swap3A_798] : memref<1x16x96xf32, #tpu.memory_space<vmem>>, vector<1x1x96xf32>
    %swap3A_800 = vector.shape_cast %swap3A_799 : vector<1x1x96xf32> to vector<1x96xf32>
    %swap3A_801 = vector.shape_cast %mul3A_795 : vector<1x96xf32> to vector<1x1x96xf32>
    tpu.vector_store %arg6[%swap3A_796, %swap3A_797, %swap3A_798], %swap3A_801 {strides = array<i32>} : memref<1x16x96xf32, #tpu.memory_space<vmem>>, vector<1x1x96xf32>,
    %slice3A_802 = vector.extract_strided_slice %dot_general3A_773 {offsets = [0, 576], sizes = [1, 96], strides = [1, 1]} : vector<1x672xf32> to vector<1x96xf32>
    %mul3A_803 = arith.constant 0.00510204071 : f32
    %mul3A_804 = vector.broadcast %mul3A_803 : f32 to vector<1x96xf32>
    %mul3A_805 = arith.mulf %slice3A_802, %mul3A_804 : vector<1x96xf32>
    %swap3A_806 = arith.constant 0 : index
    %swap3A_807 = arith.constant 3 : index
    %swap3A_808 = arith.constant 0 : index
    %swap3A_809 = vector.load %arg7[%swap3A_806, %swap3A_807, %swap3A_808] : memref<1x16x96xf32, #tpu.memory_space<vmem>>, vector<1x1x96xf32>
    %swap3A_810 = vector.shape_cast %swap3A_809 : vector<1x1x96xf32> to vector<1x96xf32>
    %swap3A_811 = vector.shape_cast %mul3A_805 : vector<1x96xf32> to vector<1x1x96xf32>
    tpu.vector_store %arg7[%swap3A_806, %swap3A_807, %swap3A_808], %swap3A_811 {strides = array<i32>} : memref<1x16x96xf32, #tpu.memory_space<vmem>>, vector<1x1x96xf32>,
    %get3A_812 = arith.constant 0 : index
    %get3A_813 = arith.constant 4 : index
    %get3A_814 = arith.constant 0 : index
    %get3A_815 = arith.constant 0 : index
    %get3A_816 = vector.load %arg2[%get3A_812, %get3A_813, %get3A_814, %get3A_815] : memref<1x16x96x196xf32, #tpu.memory_space<vmem>>, vector<1x1x96x196xf32>
    %get3A_817 = vector.shape_cast %get3A_816 : vector<1x1x96x196xf32> to vector<96x196xf32>
    %get3A_818 = arith.constant 0 : index
    %get3A_819 = arith.constant 4 : index
    %get3A_820 = arith.constant 0 : index
    %get3A_821 = arith.constant 0 : index
    %get3A_822 = vector.load %arg3[%get3A_818, %get3A_819, %get3A_820, %get3A_821] : memref<1x16x96x196xf32, #tpu.memory_space<vmem>>, vector<1x1x96x196xf32>
    %get3A_823 = vector.shape_cast %get3A_822 : vector<1x1x96x196xf32> to vector<96x196xf32>
    %get3A_824 = arith.constant 0 : index
    %get3A_825 = arith.constant 4 : index
    %get3A_826 = arith.constant 0 : index
    %get3A_827 = arith.constant 0 : index
    %get3A_828 = vector.load %arg4[%get3A_824, %get3A_825, %get3A_826, %get3A_827] : memref<1x16x96x196xf32, #tpu.memory_space<vmem>>, vector<1x1x96x196xf32>
    %get3A_829 = vector.shape_cast %get3A_828 : vector<1x1x96x196xf32> to vector<96x196xf32>
    %gt3A_830 = arith.constant 0.000000e+00 : f32
    %gt3A_831 = vector.broadcast %gt3A_830 : f32 to vector<96x196xf32>
    %gt3A_832 = arith.cmpf ogt, %get3A_823, %gt3A_831 : vector<96x196xf32>
    %add3A_833 = arith.constant 1.000000e+00 : f32
    %add3A_834 = vector.broadcast %add3A_833 : f32 to vector<96x196xf32>
    %add3A_835 = arith.addf %get3A_823, %add3A_834 : vector<96x196xf32>
    %gt3A_836 = arith.constant 0.000000e+00 : f32
    %gt3A_837 = vector.broadcast %gt3A_836 : f32 to vector<96x196xf32>
    %gt3A_838 = arith.cmpf ogt, %get3A_823, %gt3A_837 : vector<96x196xf32>
    %jit3A_839 = arith.constant 0.000000e+00 : f32
    %broadcast_in_dim3A_840 = vector.broadcast %jit3A_839 : f32 to vector<96x196xf32>
    %select_n3A_841 = arith.select %gt3A_838, %broadcast_in_dim3A_840, %get3A_823 : vector<96x196xi1>, vector<96x196xf32>
    %exp3A_842 = math.exp %select_n3A_841 : vector<96x196xf32>
    %select_n3A_843 = arith.select %gt3A_832, %add3A_835, %exp3A_842 : vector<96x196xi1>, vector<96x196xf32>
    %concatenate3A_844 = tpu.concatenate %get3A_829, %broadcast_in_dim3A_0 in 0 : vector<96x196xf32>, vector<1x196xf32> -> vector<97x196xf32>
    %dot_general3A_845 = arith.constant dense<0.000000e+00> : vector<96x97xf32>
    %dot_general3A_846 = tpu.matmul %select_n3A_843, %concatenate3A_844, %dot_general3A_845 {dimension_numbers = #tpu.dot_dimension_numbers<[1], [1], [0], [0], [0, 0, 1, 0], [], []>, transpose_lhs_hint = false} : vector<96x196xf32>, vector<97x196xf32>, vector<96x97xf32> -> vector<96x97xf32>
    %iota3A_847 = tpu.iota {dimensions = array<i32: 0>} : vector<96x96xi32>
    %jit3A_848 = arith.constant 32 : i32
    %div3A_849 = vector.broadcast %jit3A_848 : i32 to vector<96x96xi32>
    %div3A_850 = arith.divsi %iota3A_847, %div3A_849 : vector<96x96xi32>
    %sign3A_851 = arith.constant 0 : i32
    %sign3A_852 = vector.broadcast %sign3A_851 : i32 to vector<96x96xi32>
    %sign3A_853 = arith.cmpi sgt, %iota3A_847, %sign3A_852 : vector<96x96xi32>
    %sign3A_854 = arith.extui %sign3A_853 : vector<96x96xi1> to vector<96x96xi32>
    %sign3A_855 = arith.constant 0 : i32
    %sign3A_856 = vector.broadcast %sign3A_855 : i32 to vector<96x96xi32>
    %sign3A_857 = arith.cmpi slt, %iota3A_847, %sign3A_856 : vector<96x96xi32>
    %sign3A_858 = arith.extui %sign3A_857 : vector<96x96xi1> to vector<96x96xi32>
    %sign3A_859 = arith.subi %sign3A_854, %sign3A_858 : vector<96x96xi32>
    %sign3A_860 = arith.constant 0 : i32
    %sign3A_861 = arith.cmpi sgt, %jit3A_848, %sign3A_860 : i32
    %sign3A_862 = arith.extui %sign3A_861 : i1 to i32
    %sign3A_863 = arith.constant 0 : i32
    %sign3A_864 = arith.cmpi slt, %jit3A_848, %sign3A_863 : i32
    %sign3A_865 = arith.extui %sign3A_864 : i1 to i32
    %sign3A_866 = arith.subi %sign3A_862, %sign3A_865 : i32
    %ne3A_867 = vector.broadcast %sign3A_866 : i32 to vector<96x96xi32>
    %ne3A_868 = arith.cmpi ne, %sign3A_859, %ne3A_867 : vector<96x96xi32>
    %rem3A_869 = vector.broadcast %jit3A_848 : i32 to vector<96x96xi32>
    %rem3A_870 = arith.remsi %iota3A_847, %rem3A_869 : vector<96x96xi32>
    %ne3A_871 = arith.constant 0 : i32
    %ne3A_872 = vector.broadcast %ne3A_871 : i32 to vector<96x96xi32>
    %ne3A_873 = arith.cmpi ne, %rem3A_870, %ne3A_872 : vector<96x96xi32>
    %and3A_874 = arith.andi %ne3A_868, %ne3A_873 : vector<96x96xi1>
    %sub3A_875 = arith.constant 1 : i32
    %sub3A_876 = vector.broadcast %sub3A_875 : i32 to vector<96x96xi32>
    %sub3A_877 = arith.subi %div3A_850, %sub3A_876 : vector<96x96xi32>
    %select_n3A_878 = arith.select %and3A_874, %sub3A_877, %div3A_850 : vector<96x96xi1>, vector<96x96xi32>
    %iota3A_879 = tpu.iota {dimensions = array<i32: 1>} : vector<96x96xi32>
    %jit3A_880 = arith.constant 32 : i32
    %div3A_881 = vector.broadcast %jit3A_880 : i32 to vector<96x96xi32>
    %div3A_882 = arith.divsi %iota3A_879, %div3A_881 : vector<96x96xi32>
    %sign3A_883 = arith.constant 0 : i32
    %sign3A_884 = vector.broadcast %sign3A_883 : i32 to vector<96x96xi32>
    %sign3A_885 = arith.cmpi sgt, %iota3A_879, %sign3A_884 : vector<96x96xi32>
    %sign3A_886 = arith.extui %sign3A_885 : vector<96x96xi1> to vector<96x96xi32>
    %sign3A_887 = arith.constant 0 : i32
    %sign3A_888 = vector.broadcast %sign3A_887 : i32 to vector<96x96xi32>
    %sign3A_889 = arith.cmpi slt, %iota3A_879, %sign3A_888 : vector<96x96xi32>
    %sign3A_890 = arith.extui %sign3A_889 : vector<96x96xi1> to vector<96x96xi32>
    %sign3A_891 = arith.subi %sign3A_886, %sign3A_890 : vector<96x96xi32>
    %sign3A_892 = arith.constant 0 : i32
    %sign3A_893 = arith.cmpi sgt, %jit3A_880, %sign3A_892 : i32
    %sign3A_894 = arith.extui %sign3A_893 : i1 to i32
    %sign3A_895 = arith.constant 0 : i32
    %sign3A_896 = arith.cmpi slt, %jit3A_880, %sign3A_895 : i32
    %sign3A_897 = arith.extui %sign3A_896 : i1 to i32
    %sign3A_898 = arith.subi %sign3A_894, %sign3A_897 : i32
    %ne3A_899 = vector.broadcast %sign3A_898 : i32 to vector<96x96xi32>
    %ne3A_900 = arith.cmpi ne, %sign3A_891, %ne3A_899 : vector<96x96xi32>
    %rem3A_901 = vector.broadcast %jit3A_880 : i32 to vector<96x96xi32>
    %rem3A_902 = arith.remsi %iota3A_879, %rem3A_901 : vector<96x96xi32>
    %ne3A_903 = arith.constant 0 : i32
    %ne3A_904 = vector.broadcast %ne3A_903 : i32 to vector<96x96xi32>
    %ne3A_905 = arith.cmpi ne, %rem3A_902, %ne3A_904 : vector<96x96xi32>
    %and3A_906 = arith.andi %ne3A_900, %ne3A_905 : vector<96x96xi1>
    %sub3A_907 = arith.constant 1 : i32
    %sub3A_908 = vector.broadcast %sub3A_907 : i32 to vector<96x96xi32>
    %sub3A_909 = arith.subi %div3A_882, %sub3A_908 : vector<96x96xi32>
    %select_n3A_910 = arith.select %and3A_906, %sub3A_909, %div3A_882 : vector<96x96xi1>, vector<96x96xi32>
    %slice3A_911 = vector.extract_strided_slice %dot_general3A_846 {offsets = [0, 0], sizes = [96, 96], strides = [1, 1]} : vector<96x97xf32> to vector<96x96xf32>
    %eq3A_912 = arith.cmpi eq, %select_n3A_878, %select_n3A_910 : vector<96x96xi32>
    %convert_element_type3A_913 = arith.extui %eq3A_912 : vector<96x96xi1> to vector<96x96xi32>
    %convert_element_type3A_914 = arith.sitofp %convert_element_type3A_913 : vector<96x96xi32> to vector<96x96xf32>
    %mul3A_915 = arith.mulf %slice3A_911, %convert_element_type3A_914 : vector<96x96xf32>
    %iota3A_916 = tpu.iota {dimensions = array<i32: 0>} : vector<96x3xi32>
    %jit3A_917 = arith.constant 32 : i32
    %div3A_918 = vector.broadcast %jit3A_917 : i32 to vector<96x3xi32>
    %div3A_919 = arith.divsi %iota3A_916, %div3A_918 : vector<96x3xi32>
    %sign3A_920 = arith.constant 0 : i32
    %sign3A_921 = vector.broadcast %sign3A_920 : i32 to vector<96x3xi32>
    %sign3A_922 = arith.cmpi sgt, %iota3A_916, %sign3A_921 : vector<96x3xi32>
    %sign3A_923 = arith.extui %sign3A_922 : vector<96x3xi1> to vector<96x3xi32>
    %sign3A_924 = arith.constant 0 : i32
    %sign3A_925 = vector.broadcast %sign3A_924 : i32 to vector<96x3xi32>
    %sign3A_926 = arith.cmpi slt, %iota3A_916, %sign3A_925 : vector<96x3xi32>
    %sign3A_927 = arith.extui %sign3A_926 : vector<96x3xi1> to vector<96x3xi32>
    %sign3A_928 = arith.subi %sign3A_923, %sign3A_927 : vector<96x3xi32>
    %sign3A_929 = arith.constant 0 : i32
    %sign3A_930 = arith.cmpi sgt, %jit3A_917, %sign3A_929 : i32
    %sign3A_931 = arith.extui %sign3A_930 : i1 to i32
    %sign3A_932 = arith.constant 0 : i32
    %sign3A_933 = arith.cmpi slt, %jit3A_917, %sign3A_932 : i32
    %sign3A_934 = arith.extui %sign3A_933 : i1 to i32
    %sign3A_935 = arith.subi %sign3A_931, %sign3A_934 : i32
    %ne3A_936 = vector.broadcast %sign3A_935 : i32 to vector<96x3xi32>
    %ne3A_937 = arith.cmpi ne, %sign3A_928, %ne3A_936 : vector<96x3xi32>
    %rem3A_938 = vector.broadcast %jit3A_917 : i32 to vector<96x3xi32>
    %rem3A_939 = arith.remsi %iota3A_916, %rem3A_938 : vector<96x3xi32>
    %ne3A_940 = arith.constant 0 : i32
    %ne3A_941 = vector.broadcast %ne3A_940 : i32 to vector<96x3xi32>
    %ne3A_942 = arith.cmpi ne, %rem3A_939, %ne3A_941 : vector<96x3xi32>
    %and3A_943 = arith.andi %ne3A_937, %ne3A_942 : vector<96x3xi1>
    %sub3A_944 = arith.constant 1 : i32
    %sub3A_945 = vector.broadcast %sub3A_944 : i32 to vector<96x3xi32>
    %sub3A_946 = arith.subi %div3A_919, %sub3A_945 : vector<96x3xi32>
    %select_n3A_947 = arith.select %and3A_943, %sub3A_946, %div3A_919 : vector<96x3xi1>, vector<96x3xi32>
    %iota3A_948 = tpu.iota {dimensions = array<i32: 1>} : vector<96x3xi32>
    %slice3A_949 = vector.extract_strided_slice %dot_general3A_846 {offsets = [0, 96], sizes = [96, 1], strides = [1, 1]} : vector<96x97xf32> to vector<96x1xf32>
    %eq3A_950 = arith.cmpi eq, %select_n3A_947, %iota3A_948 : vector<96x3xi32>
    %convert_element_type3A_951 = arith.extui %eq3A_950 : vector<96x3xi1> to vector<96x3xi32>
    %convert_element_type3A_952 = arith.sitofp %convert_element_type3A_951 : vector<96x3xi32> to vector<96x3xf32>
    %mul3A_953 = vector.broadcast %slice3A_949 : vector<96x1xf32> to vector<96x3xf32>
    %mul3A_954 = arith.mulf %mul3A_953, %convert_element_type3A_952 : vector<96x3xf32>
    %broadcast_in_dim3A_955 = arith.constant 0.000000e+00 : f32
    %broadcast_in_dim3A_956 = vector.broadcast %broadcast_in_dim3A_955 : f32 to vector<96x29xf32>
    %concatenate3A_957 = tpu.concatenate %mul3A_915, %mul3A_954, %broadcast_in_dim3A_956 in 1 : vector<96x96xf32>, vector<96x3xf32>, vector<96x29xf32> -> vector<96x128xf32>
    %convert_element_type3A_958 = arith.truncf %concatenate3A_957 : vector<96x128xf32> to vector<96x128xbf16>
    %swap3A_959 = arith.constant 0 : index
    %swap3A_960 = arith.constant 4 : index
    %swap3A_961 = arith.constant 0 : index
    %swap3A_962 = arith.constant 0 : index
    %swap3A_963 = vector.load %arg8[%swap3A_959, %swap3A_960, %swap3A_961, %swap3A_962] : memref<1x16x96x128xbf16, #tpu.memory_space<vmem>>, vector<1x1x96x128xbf16>
    %swap3A_964 = vector.shape_cast %swap3A_963 : vector<1x1x96x128xbf16> to vector<96x128xbf16>
    %swap3A_965 = vector.shape_cast %convert_element_type3A_958 : vector<96x128xbf16> to vector<1x1x96x128xbf16>
    tpu.vector_store %arg8[%swap3A_959, %swap3A_960, %swap3A_961, %swap3A_962], %swap3A_965 {strides = array<i32>} : memref<1x16x96x128xbf16, #tpu.memory_space<vmem>>, vector<1x1x96x128xbf16>,
    %concatenate3A_966 = tpu.concatenate %get3A_817, %get3A_823 in 0 : vector<96x196xf32>, vector<96x196xf32> -> vector<192x196xf32>
    %bitcast_convert_type3A_967 = tpu.bitcast %concatenate3A_966 : vector<192x196xf32> -> vector<192x196xi32>
    %and3A_968 = arith.constant -65536 : i32
    %and3A_969 = vector.broadcast %and3A_968 : i32 to vector<192x196xi32>
    %and3A_970 = arith.andi %bitcast_convert_type3A_967, %and3A_969 : vector<192x196xi32>
    %bitcast_convert_type3A_971 = tpu.bitcast %and3A_970 : vector<192x196xi32> -> vector<192x196xf32>
    %sub3A_972 = arith.subf %concatenate3A_966, %bitcast_convert_type3A_971 : vector<192x196xf32>
    %bitcast_convert_type3A_973 = tpu.bitcast %sub3A_972 : vector<192x196xf32> -> vector<192x196xi32>
    %and3A_974 = arith.constant -65536 : i32
    %and3A_975 = vector.broadcast %and3A_974 : i32 to vector<192x196xi32>
    %and3A_976 = arith.andi %bitcast_convert_type3A_973, %and3A_975 : vector<192x196xi32>
    %bitcast_convert_type3A_977 = tpu.bitcast %and3A_976 : vector<192x196xi32> -> vector<192x196xf32>
    %sub3A_978 = arith.subf %sub3A_972, %bitcast_convert_type3A_977 : vector<192x196xf32>
    %concatenate3A_979 = tpu.concatenate %bitcast_convert_type3A_971, %bitcast_convert_type3A_977, %sub3A_978, %get3A_829 in 0 : vector<192x196xf32>, vector<192x196xf32>, vector<192x196xf32>, vector<96x196xf32> -> vector<672x196xf32>
    %dot_general3A_980 = arith.constant dense<0.000000e+00> : vector<1x672xf32>
    %dot_general3A_981 = tpu.matmul %broadcast_in_dim3A_0, %concatenate3A_979, %dot_general3A_980 {dimension_numbers = #tpu.dot_dimension_numbers<[1], [1], [0], [0], [0, 0, 1, 0], [], []>, transpose_lhs_hint = false} : vector<1x196xf32>, vector<672x196xf32>, vector<1x672xf32> -> vector<1x672xf32>
    %slice3A_982 = vector.extract_strided_slice %dot_general3A_981 {offsets = [0, 0], sizes = [1, 96], strides = [1, 1]} : vector<1x672xf32> to vector<1x96xf32>
    %slice3A_983 = vector.extract_strided_slice %dot_general3A_981 {offsets = [0, 192], sizes = [1, 96], strides = [1, 1]} : vector<1x672xf32> to vector<1x96xf32>
    %add3A_984 = arith.addf %slice3A_982, %slice3A_983 : vector<1x96xf32>
    %slice3A_985 = vector.extract_strided_slice %dot_general3A_981 {offsets = [0, 384], sizes = [1, 96], strides = [1, 1]} : vector<1x672xf32> to vector<1x96xf32>
    %add3A_986 = arith.addf %add3A_984, %slice3A_985 : vector<1x96xf32>
    %mul3A_987 = arith.constant 0.00510204071 : f32
    %mul3A_988 = vector.broadcast %mul3A_987 : f32 to vector<1x96xf32>
    %mul3A_989 = arith.mulf %add3A_986, %mul3A_988 : vector<1x96xf32>
    %swap3A_990 = arith.constant 0 : index
    %swap3A_991 = arith.constant 4 : index
    %swap3A_992 = arith.constant 0 : index
    %swap3A_993 = vector.load %arg5[%swap3A_990, %swap3A_991, %swap3A_992] : memref<1x16x96xf32, #tpu.memory_space<vmem>>, vector<1x1x96xf32>
    %swap3A_994 = vector.shape_cast %swap3A_993 : vector<1x1x96xf32> to vector<1x96xf32>
    %swap3A_995 = vector.shape_cast %mul3A_989 : vector<1x96xf32> to vector<1x1x96xf32>
    tpu.vector_store %arg5[%swap3A_990, %swap3A_991, %swap3A_992], %swap3A_995 {strides = array<i32>} : memref<1x16x96xf32, #tpu.memory_space<vmem>>, vector<1x1x96xf32>,
    %slice3A_996 = vector.extract_strided_slice %dot_general3A_981 {offsets = [0, 96], sizes = [1, 96], strides = [1, 1]} : vector<1x672xf32> to vector<1x96xf32>
    %slice3A_997 = vector.extract_strided_slice %dot_general3A_981 {offsets = [0, 288], sizes = [1, 96], strides = [1, 1]} : vector<1x672xf32> to vector<1x96xf32>
    %add3A_998 = arith.addf %slice3A_996, %slice3A_997 : vector<1x96xf32>
    %slice3A_999 = vector.extract_strided_slice %dot_general3A_981 {offsets = [0, 480], sizes = [1, 96], strides = [1, 1]} : vector<1x672xf32> to vector<1x96xf32>
    %add3A_1000 = arith.addf %add3A_998, %slice3A_999 : vector<1x96xf32>
    %mul3A_1001 = arith.constant 0.00510204071 : f32
    %mul3A_1002 = vector.broadcast %mul3A_1001 : f32 to vector<1x96xf32>
    %mul3A_1003 = arith.mulf %add3A_1000, %mul3A_1002 : vector<1x96xf32>
    %swap3A_1004 = arith.constant 0 : index
    %swap3A_1005 = arith.constant 4 : index
    %swap3A_1006 = arith.constant 0 : index
    %swap3A_1007 = vector.load %arg6[%swap3A_1004, %swap3A_1005, %swap3A_1006] : memref<1x16x96xf32, #tpu.memory_space<vmem>>, vector<1x1x96xf32>
    %swap3A_1008 = vector.shape_cast %swap3A_1007 : vector<1x1x96xf32> to vector<1x96xf32>
    %swap3A_1009 = vector.shape_cast %mul3A_1003 : vector<1x96xf32> to vector<1x1x96xf32>
    tpu.vector_store %arg6[%swap3A_1004, %swap3A_1005, %swap3A_1006], %swap3A_1009 {strides = array<i32>} : memref<1x16x96xf32, #tpu.memory_space<vmem>>, vector<1x1x96xf32>,
    %slice3A_1010 = vector.extract_strided_slice %dot_general3A_981 {offsets = [0, 576], sizes = [1, 96], strides = [1, 1]} : vector<1x672xf32> to vector<1x96xf32>
    %mul3A_1011 = arith.constant 0.00510204071 : f32
    %mul3A_1012 = vector.broadcast %mul3A_1011 : f32 to vector<1x96xf32>
    %mul3A_1013 = arith.mulf %slice3A_1010, %mul3A_1012 : vector<1x96xf32>
    %swap3A_1014 = arith.constant 0 : index
    %swap3A_1015 = arith.constant 4 : index
    %swap3A_1016 = arith.constant 0 : index
    %swap3A_1017 = vector.load %arg7[%swap3A_1014, %swap3A_1015, %swap3A_1016] : memref<1x16x96xf32, #tpu.memory_space<vmem>>, vector<1x1x96xf32>
    %swap3A_1018 = vector.shape_cast %swap3A_1017 : vector<1x1x96xf32> to vector<1x96xf32>
    %swap3A_1019 = vector.shape_cast %mul3A_1013 : vector<1x96xf32> to vector<1x1x96xf32>
    tpu.vector_store %arg7[%swap3A_1014, %swap3A_1015, %swap3A_1016], %swap3A_1019 {strides = array<i32>} : memref<1x16x96xf32, #tpu.memory_space<vmem>>, vector<1x1x96xf32>,
    %get3A_1020 = arith.constant 0 : index
    %get3A_1021 = arith.constant 5 : index
    %get3A_1022 = arith.constant 0 : index
    %get3A_1023 = arith.constant 0 : index
    %get3A_1024 = vector.load %arg2[%get3A_1020, %get3A_1021, %get3A_1022, %get3A_1023] : memref<1x16x96x196xf32, #tpu.memory_space<vmem>>, vector<1x1x96x196xf32>
    %get3A_1025 = vector.shape_cast %get3A_1024 : vector<1x1x96x196xf32> to vector<96x196xf32>
    %get3A_1026 = arith.constant 0 : index
    %get3A_1027 = arith.constant 5 : index
    %get3A_1028 = arith.constant 0 : index
    %get3A_1029 = arith.constant 0 : index
    %get3A_1030 = vector.load %arg3[%get3A_1026, %get3A_1027, %get3A_1028, %get3A_1029] : memref<1x16x96x196xf32, #tpu.memory_space<vmem>>, vector<1x1x96x196xf32>
    %get3A_1031 = vector.shape_cast %get3A_1030 : vector<1x1x96x196xf32> to vector<96x196xf32>
    %get3A_1032 = arith.constant 0 : index
    %get3A_1033 = arith.constant 5 : index
    %get3A_1034 = arith.constant 0 : index
    %get3A_1035 = arith.constant 0 : index
    %get3A_1036 = vector.load %arg4[%get3A_1032, %get3A_1033, %get3A_1034, %get3A_1035] : memref<1x16x96x196xf32, #tpu.memory_space<vmem>>, vector<1x1x96x196xf32>
    %get3A_1037 = vector.shape_cast %get3A_1036 : vector<1x1x96x196xf32> to vector<96x196xf32>
    %gt3A_1038 = arith.constant 0.000000e+00 : f32
    %gt3A_1039 = vector.broadcast %gt3A_1038 : f32 to vector<96x196xf32>
    %gt3A_1040 = arith.cmpf ogt, %get3A_1031, %gt3A_1039 : vector<96x196xf32>
    %add3A_1041 = arith.constant 1.000000e+00 : f32
    %add3A_1042 = vector.broadcast %add3A_1041 : f32 to vector<96x196xf32>
    %add3A_1043 = arith.addf %get3A_1031, %add3A_1042 : vector<96x196xf32>
    %gt3A_1044 = arith.constant 0.000000e+00 : f32
    %gt3A_1045 = vector.broadcast %gt3A_1044 : f32 to vector<96x196xf32>
    %gt3A_1046 = arith.cmpf ogt, %get3A_1031, %gt3A_1045 : vector<96x196xf32>
    %jit3A_1047 = arith.constant 0.000000e+00 : f32
    %broadcast_in_dim3A_1048 = vector.broadcast %jit3A_1047 : f32 to vector<96x196xf32>
    %select_n3A_1049 = arith.select %gt3A_1046, %broadcast_in_dim3A_1048, %get3A_1031 : vector<96x196xi1>, vector<96x196xf32>
    %exp3A_1050 = math.exp %select_n3A_1049 : vector<96x196xf32>
    %select_n3A_1051 = arith.select %gt3A_1040, %add3A_1043, %exp3A_1050 : vector<96x196xi1>, vector<96x196xf32>
    %concatenate3A_1052 = tpu.concatenate %get3A_1037, %broadcast_in_dim3A_0 in 0 : vector<96x196xf32>, vector<1x196xf32> -> vector<97x196xf32>
    %dot_general3A_1053 = arith.constant dense<0.000000e+00> : vector<96x97xf32>
    %dot_general3A_1054 = tpu.matmul %select_n3A_1051, %concatenate3A_1052, %dot_general3A_1053 {dimension_numbers = #tpu.dot_dimension_numbers<[1], [1], [0], [0], [0, 0, 1, 0], [], []>, transpose_lhs_hint = false} : vector<96x196xf32>, vector<97x196xf32>, vector<96x97xf32> -> vector<96x97xf32>
    %iota3A_1055 = tpu.iota {dimensions = array<i32: 0>} : vector<96x96xi32>
    %jit3A_1056 = arith.constant 32 : i32
    %div3A_1057 = vector.broadcast %jit3A_1056 : i32 to vector<96x96xi32>
    %div3A_1058 = arith.divsi %iota3A_1055, %div3A_1057 : vector<96x96xi32>
    %sign3A_1059 = arith.constant 0 : i32
    %sign3A_1060 = vector.broadcast %sign3A_1059 : i32 to vector<96x96xi32>
    %sign3A_1061 = arith.cmpi sgt, %iota3A_1055, %sign3A_1060 : vector<96x96xi32>
    %sign3A_1062 = arith.extui %sign3A_1061 : vector<96x96xi1> to vector<96x96xi32>
    %sign3A_1063 = arith.constant 0 : i32
    %sign3A_1064 = vector.broadcast %sign3A_1063 : i32 to vector<96x96xi32>
    %sign3A_1065 = arith.cmpi slt, %iota3A_1055, %sign3A_1064 : vector<96x96xi32>
    %sign3A_1066 = arith.extui %sign3A_1065 : vector<96x96xi1> to vector<96x96xi32>
    %sign3A_1067 = arith.subi %sign3A_1062, %sign3A_1066 : vector<96x96xi32>
    %sign3A_1068 = arith.constant 0 : i32
    %sign3A_1069 = arith.cmpi sgt, %jit3A_1056, %sign3A_1068 : i32
    %sign3A_1070 = arith.extui %sign3A_1069 : i1 to i32
    %sign3A_1071 = arith.constant 0 : i32
    %sign3A_1072 = arith.cmpi slt, %jit3A_1056, %sign3A_1071 : i32
    %sign3A_1073 = arith.extui %sign3A_1072 : i1 to i32
    %sign3A_1074 = arith.subi %sign3A_1070, %sign3A_1073 : i32
    %ne3A_1075 = vector.broadcast %sign3A_1074 : i32 to vector<96x96xi32>
    %ne3A_1076 = arith.cmpi ne, %sign3A_1067, %ne3A_1075 : vector<96x96xi32>
    %rem3A_1077 = vector.broadcast %jit3A_1056 : i32 to vector<96x96xi32>
    %rem3A_1078 = arith.remsi %iota3A_1055, %rem3A_1077 : vector<96x96xi32>
    %ne3A_1079 = arith.constant 0 : i32
    %ne3A_1080 = vector.broadcast %ne3A_1079 : i32 to vector<96x96xi32>
    %ne3A_1081 = arith.cmpi ne, %rem3A_1078, %ne3A_1080 : vector<96x96xi32>
    %and3A_1082 = arith.andi %ne3A_1076, %ne3A_1081 : vector<96x96xi1>
    %sub3A_1083 = arith.constant 1 : i32
    %sub3A_1084 = vector.broadcast %sub3A_1083 : i32 to vector<96x96xi32>
    %sub3A_1085 = arith.subi %div3A_1058, %sub3A_1084 : vector<96x96xi32>
    %select_n3A_1086 = arith.select %and3A_1082, %sub3A_1085, %div3A_1058 : vector<96x96xi1>, vector<96x96xi32>
    %iota3A_1087 = tpu.iota {dimensions = array<i32: 1>} : vector<96x96xi32>
    %jit3A_1088 = arith.constant 32 : i32
    %div3A_1089 = vector.broadcast %jit3A_1088 : i32 to vector<96x96xi32>
    %div3A_1090 = arith.divsi %iota3A_1087, %div3A_1089 : vector<96x96xi32>
    %sign3A_1091 = arith.constant 0 : i32
    %sign3A_1092 = vector.broadcast %sign3A_1091 : i32 to vector<96x96xi32>
    %sign3A_1093 = arith.cmpi sgt, %iota3A_1087, %sign3A_1092 : vector<96x96xi32>
    %sign3A_1094 = arith.extui %sign3A_1093 : vector<96x96xi1> to vector<96x96xi32>
    %sign3A_1095 = arith.constant 0 : i32
    %sign3A_1096 = vector.broadcast %sign3A_1095 : i32 to vector<96x96xi32>
    %sign3A_1097 = arith.cmpi slt, %iota3A_1087, %sign3A_1096 : vector<96x96xi32>
    %sign3A_1098 = arith.extui %sign3A_1097 : vector<96x96xi1> to vector<96x96xi32>
    %sign3A_1099 = arith.subi %sign3A_1094, %sign3A_1098 : vector<96x96xi32>
    %sign3A_1100 = arith.constant 0 : i32
    %sign3A_1101 = arith.cmpi sgt, %jit3A_1088, %sign3A_1100 : i32
    %sign3A_1102 = arith.extui %sign3A_1101 : i1 to i32
    %sign3A_1103 = arith.constant 0 : i32
    %sign3A_1104 = arith.cmpi slt, %jit3A_1088, %sign3A_1103 : i32
    %sign3A_1105 = arith.extui %sign3A_1104 : i1 to i32
    %sign3A_1106 = arith.subi %sign3A_1102, %sign3A_1105 : i32
    %ne3A_1107 = vector.broadcast %sign3A_1106 : i32 to vector<96x96xi32>
    %ne3A_1108 = arith.cmpi ne, %sign3A_1099, %ne3A_1107 : vector<96x96xi32>
    %rem3A_1109 = vector.broadcast %jit3A_1088 : i32 to vector<96x96xi32>
    %rem3A_1110 = arith.remsi %iota3A_1087, %rem3A_1109 : vector<96x96xi32>
    %ne3A_1111 = arith.constant 0 : i32
    %ne3A_1112 = vector.broadcast %ne3A_1111 : i32 to vector<96x96xi32>
    %ne3A_1113 = arith.cmpi ne, %rem3A_1110, %ne3A_1112 : vector<96x96xi32>
    %and3A_1114 = arith.andi %ne3A_1108, %ne3A_1113 : vector<96x96xi1>
    %sub3A_1115 = arith.constant 1 : i32
    %sub3A_1116 = vector.broadcast %sub3A_1115 : i32 to vector<96x96xi32>
    %sub3A_1117 = arith.subi %div3A_1090, %sub3A_1116 : vector<96x96xi32>
    %select_n3A_1118 = arith.select %and3A_1114, %sub3A_1117, %div3A_1090 : vector<96x96xi1>, vector<96x96xi32>
    %slice3A_1119 = vector.extract_strided_slice %dot_general3A_1054 {offsets = [0, 0], sizes = [96, 96], strides = [1, 1]} : vector<96x97xf32> to vector<96x96xf32>
    %eq3A_1120 = arith.cmpi eq, %select_n3A_1086, %select_n3A_1118 : vector<96x96xi32>
    %convert_element_type3A_1121 = arith.extui %eq3A_1120 : vector<96x96xi1> to vector<96x96xi32>
    %convert_element_type3A_1122 = arith.sitofp %convert_element_type3A_1121 : vector<96x96xi32> to vector<96x96xf32>
    %mul3A_1123 = arith.mulf %slice3A_1119, %convert_element_type3A_1122 : vector<96x96xf32>
    %iota3A_1124 = tpu.iota {dimensions = array<i32: 0>} : vector<96x3xi32>
    %jit3A_1125 = arith.constant 32 : i32
    %div3A_1126 = vector.broadcast %jit3A_1125 : i32 to vector<96x3xi32>
    %div3A_1127 = arith.divsi %iota3A_1124, %div3A_1126 : vector<96x3xi32>
    %sign3A_1128 = arith.constant 0 : i32
    %sign3A_1129 = vector.broadcast %sign3A_1128 : i32 to vector<96x3xi32>
    %sign3A_1130 = arith.cmpi sgt, %iota3A_1124, %sign3A_1129 : vector<96x3xi32>
    %sign3A_1131 = arith.extui %sign3A_1130 : vector<96x3xi1> to vector<96x3xi32>
    %sign3A_1132 = arith.constant 0 : i32
    %sign3A_1133 = vector.broadcast %sign3A_1132 : i32 to vector<96x3xi32>
    %sign3A_1134 = arith.cmpi slt, %iota3A_1124, %sign3A_1133 : vector<96x3xi32>
    %sign3A_1135 = arith.extui %sign3A_1134 : vector<96x3xi1> to vector<96x3xi32>
    %sign3A_1136 = arith.subi %sign3A_1131, %sign3A_1135 : vector<96x3xi32>
    %sign3A_1137 = arith.constant 0 : i32
    %sign3A_1138 = arith.cmpi sgt, %jit3A_1125, %sign3A_1137 : i32
    %sign3A_1139 = arith.extui %sign3A_1138 : i1 to i32
    %sign3A_1140 = arith.constant 0 : i32
    %sign3A_1141 = arith.cmpi slt, %jit3A_1125, %sign3A_1140 : i32
    %sign3A_1142 = arith.extui %sign3A_1141 : i1 to i32
    %sign3A_1143 = arith.subi %sign3A_1139, %sign3A_1142 : i32
    %ne3A_1144 = vector.broadcast %sign3A_1143 : i32 to vector<96x3xi32>
    %ne3A_1145 = arith.cmpi ne, %sign3A_1136, %ne3A_1144 : vector<96x3xi32>
    %rem3A_1146 = vector.broadcast %jit3A_1125 : i32 to vector<96x3xi32>
    %rem3A_1147 = arith.remsi %iota3A_1124, %rem3A_1146 : vector<96x3xi32>
    %ne3A_1148 = arith.constant 0 : i32
    %ne3A_1149 = vector.broadcast %ne3A_1148 : i32 to vector<96x3xi32>
    %ne3A_1150 = arith.cmpi ne, %rem3A_1147, %ne3A_1149 : vector<96x3xi32>
    %and3A_1151 = arith.andi %ne3A_1145, %ne3A_1150 : vector<96x3xi1>
    %sub3A_1152 = arith.constant 1 : i32
    %sub3A_1153 = vector.broadcast %sub3A_1152 : i32 to vector<96x3xi32>
    %sub3A_1154 = arith.subi %div3A_1127, %sub3A_1153 : vector<96x3xi32>
    %select_n3A_1155 = arith.select %and3A_1151, %sub3A_1154, %div3A_1127 : vector<96x3xi1>, vector<96x3xi32>
    %iota3A_1156 = tpu.iota {dimensions = array<i32: 1>} : vector<96x3xi32>
    %slice3A_1157 = vector.extract_strided_slice %dot_general3A_1054 {offsets = [0, 96], sizes = [96, 1], strides = [1, 1]} : vector<96x97xf32> to vector<96x1xf32>
    %eq3A_1158 = arith.cmpi eq, %select_n3A_1155, %iota3A_1156 : vector<96x3xi32>
    %convert_element_type3A_1159 = arith.extui %eq3A_1158 : vector<96x3xi1> to vector<96x3xi32>
    %convert_element_type3A_1160 = arith.sitofp %convert_element_type3A_1159 : vector<96x3xi32> to vector<96x3xf32>
    %mul3A_1161 = vector.broadcast %slice3A_1157 : vector<96x1xf32> to vector<96x3xf32>
    %mul3A_1162 = arith.mulf %mul3A_1161, %convert_element_type3A_1160 : vector<96x3xf32>
    %broadcast_in_dim3A_1163 = arith.constant 0.000000e+00 : f32
    %broadcast_in_dim3A_1164 = vector.broadcast %broadcast_in_dim3A_1163 : f32 to vector<96x29xf32>
    %concatenate3A_1165 = tpu.concatenate %mul3A_1123, %mul3A_1162, %broadcast_in_dim3A_1164 in 1 : vector<96x96xf32>, vector<96x3xf32>, vector<96x29xf32> -> vector<96x128xf32>
    %convert_element_type3A_1166 = arith.truncf %concatenate3A_1165 : vector<96x128xf32> to vector<96x128xbf16>
    %swap3A_1167 = arith.constant 0 : index
    %swap3A_1168 = arith.constant 5 : index
    %swap3A_1169 = arith.constant 0 : index
    %swap3A_1170 = arith.constant 0 : index
    %swap3A_1171 = vector.load %arg8[%swap3A_1167, %swap3A_1168, %swap3A_1169, %swap3A_1170] : memref<1x16x96x128xbf16, #tpu.memory_space<vmem>>, vector<1x1x96x128xbf16>
    %swap3A_1172 = vector.shape_cast %swap3A_1171 : vector<1x1x96x128xbf16> to vector<96x128xbf16>
    %swap3A_1173 = vector.shape_cast %convert_element_type3A_1166 : vector<96x128xbf16> to vector<1x1x96x128xbf16>
    tpu.vector_store %arg8[%swap3A_1167, %swap3A_1168, %swap3A_1169, %swap3A_1170], %swap3A_1173 {strides = array<i32>} : memref<1x16x96x128xbf16, #tpu.memory_space<vmem>>, vector<1x1x96x128xbf16>,
    %concatenate3A_1174 = tpu.concatenate %get3A_1025, %get3A_1031 in 0 : vector<96x196xf32>, vector<96x196xf32> -> vector<192x196xf32>
    %bitcast_convert_type3A_1175 = tpu.bitcast %concatenate3A_1174 : vector<192x196xf32> -> vector<192x196xi32>
    %and3A_1176 = arith.constant -65536 : i32
    %and3A_1177 = vector.broadcast %and3A_1176 : i32 to vector<192x196xi32>
    %and3A_1178 = arith.andi %bitcast_convert_type3A_1175, %and3A_1177 : vector<192x196xi32>
    %bitcast_convert_type3A_1179 = tpu.bitcast %and3A_1178 : vector<192x196xi32> -> vector<192x196xf32>
    %sub3A_1180 = arith.subf %concatenate3A_1174, %bitcast_convert_type3A_1179 : vector<192x196xf32>
    %bitcast_convert_type3A_1181 = tpu.bitcast %sub3A_1180 : vector<192x196xf32> -> vector<192x196xi32>
    %and3A_1182 = arith.constant -65536 : i32
    %and3A_1183 = vector.broadcast %and3A_1182 : i32 to vector<192x196xi32>
    %and3A_1184 = arith.andi %bitcast_convert_type3A_1181, %and3A_1183 : vector<192x196xi32>
    %bitcast_convert_type3A_1185 = tpu.bitcast %and3A_1184 : vector<192x196xi32> -> vector<192x196xf32>
    %sub3A_1186 = arith.subf %sub3A_1180, %bitcast_convert_type3A_1185 : vector<192x196xf32>
    %concatenate3A_1187 = tpu.concatenate %bitcast_convert_type3A_1179, %bitcast_convert_type3A_1185, %sub3A_1186, %get3A_1037 in 0 : vector<192x196xf32>, vector<192x196xf32>, vector<192x196xf32>, vector<96x196xf32> -> vector<672x196xf32>
    %dot_general3A_1188 = arith.constant dense<0.000000e+00> : vector<1x672xf32>
    %dot_general3A_1189 = tpu.matmul %broadcast_in_dim3A_0, %concatenate3A_1187, %dot_general3A_1188 {dimension_numbers = #tpu.dot_dimension_numbers<[1], [1], [0], [0], [0, 0, 1, 0], [], []>, transpose_lhs_hint = false} : vector<1x196xf32>, vector<672x196xf32>, vector<1x672xf32> -> vector<1x672xf32>
    %slice3A_1190 = vector.extract_strided_slice %dot_general3A_1189 {offsets = [0, 0], sizes = [1, 96], strides = [1, 1]} : vector<1x672xf32> to vector<1x96xf32>
    %slice3A_1191 = vector.extract_strided_slice %dot_general3A_1189 {offsets = [0, 192], sizes = [1, 96], strides = [1, 1]} : vector<1x672xf32> to vector<1x96xf32>
    %add3A_1192 = arith.addf %slice3A_1190, %slice3A_1191 : vector<1x96xf32>
    %slice3A_1193 = vector.extract_strided_slice %dot_general3A_1189 {offsets = [0, 384], sizes = [1, 96], strides = [1, 1]} : vector<1x672xf32> to vector<1x96xf32>
    %add3A_1194 = arith.addf %add3A_1192, %slice3A_1193 : vector<1x96xf32>
    %mul3A_1195 = arith.constant 0.00510204071 : f32
    %mul3A_1196 = vector.broadcast %mul3A_1195 : f32 to vector<1x96xf32>
    %mul3A_1197 = arith.mulf %add3A_1194, %mul3A_1196 : vector<1x96xf32>
    %swap3A_1198 = arith.constant 0 : index
    %swap3A_1199 = arith.constant 5 : index
    %swap3A_1200 = arith.constant 0 : index
    %swap3A_1201 = vector.load %arg5[%swap3A_1198, %swap3A_1199, %swap3A_1200] : memref<1x16x96xf32, #tpu.memory_space<vmem>>, vector<1x1x96xf32>
    %swap3A_1202 = vector.shape_cast %swap3A_1201 : vector<1x1x96xf32> to vector<1x96xf32>
    %swap3A_1203 = vector.shape_cast %mul3A_1197 : vector<1x96xf32> to vector<1x1x96xf32>
    tpu.vector_store %arg5[%swap3A_1198, %swap3A_1199, %swap3A_1200], %swap3A_1203 {strides = array<i32>} : memref<1x16x96xf32, #tpu.memory_space<vmem>>, vector<1x1x96xf32>,
    %slice3A_1204 = vector.extract_strided_slice %dot_general3A_1189 {offsets = [0, 96], sizes = [1, 96], strides = [1, 1]} : vector<1x672xf32> to vector<1x96xf32>
    %slice3A_1205 = vector.extract_strided_slice %dot_general3A_1189 {offsets = [0, 288], sizes = [1, 96], strides = [1, 1]} : vector<1x672xf32> to vector<1x96xf32>
    %add3A_1206 = arith.addf %slice3A_1204, %slice3A_1205 : vector<1x96xf32>
    %slice3A_1207 = vector.extract_strided_slice %dot_general3A_1189 {offsets = [0, 480], sizes = [1, 96], strides = [1, 1]} : vector<1x672xf32> to vector<1x96xf32>
    %add3A_1208 = arith.addf %add3A_1206, %slice3A_1207 : vector<1x96xf32>
    %mul3A_1209 = arith.constant 0.00510204071 : f32
    %mul3A_1210 = vector.broadcast %mul3A_1209 : f32 to vector<1x96xf32>
    %mul3A_1211 = arith.mulf %add3A_1208, %mul3A_1210 : vector<1x96xf32>
    %swap3A_1212 = arith.constant 0 : index
    %swap3A_1213 = arith.constant 5 : index
    %swap3A_1214 = arith.constant 0 : index
    %swap3A_1215 = vector.load %arg6[%swap3A_1212, %swap3A_1213, %swap3A_1214] : memref<1x16x96xf32, #tpu.memory_space<vmem>>, vector<1x1x96xf32>
    %swap3A_1216 = vector.shape_cast %swap3A_1215 : vector<1x1x96xf32> to vector<1x96xf32>
    %swap3A_1217 = vector.shape_cast %mul3A_1211 : vector<1x96xf32> to vector<1x1x96xf32>
    tpu.vector_store %arg6[%swap3A_1212, %swap3A_1213, %swap3A_1214], %swap3A_1217 {strides = array<i32>} : memref<1x16x96xf32, #tpu.memory_space<vmem>>, vector<1x1x96xf32>,
    %slice3A_1218 = vector.extract_strided_slice %dot_general3A_1189 {offsets = [0, 576], sizes = [1, 96], strides = [1, 1]} : vector<1x672xf32> to vector<1x96xf32>
    %mul3A_1219 = arith.constant 0.00510204071 : f32
    %mul3A_1220 = vector.broadcast %mul3A_1219 : f32 to vector<1x96xf32>
    %mul3A_1221 = arith.mulf %slice3A_1218, %mul3A_1220 : vector<1x96xf32>
    %swap3A_1222 = arith.constant 0 : index
    %swap3A_1223 = arith.constant 5 : index
    %swap3A_1224 = arith.constant 0 : index
    %swap3A_1225 = vector.load %arg7[%swap3A_1222, %swap3A_1223, %swap3A_1224] : memref<1x16x96xf32, #tpu.memory_space<vmem>>, vector<1x1x96xf32>
    %swap3A_1226 = vector.shape_cast %swap3A_1225 : vector<1x1x96xf32> to vector<1x96xf32>
    %swap3A_1227 = vector.shape_cast %mul3A_1221 : vector<1x96xf32> to vector<1x1x96xf32>
    tpu.vector_store %arg7[%swap3A_1222, %swap3A_1223, %swap3A_1224], %swap3A_1227 {strides = array<i32>} : memref<1x16x96xf32, #tpu.memory_space<vmem>>, vector<1x1x96xf32>,
    %get3A_1228 = arith.constant 0 : index
    %get3A_1229 = arith.constant 6 : index
    %get3A_1230 = arith.constant 0 : index
    %get3A_1231 = arith.constant 0 : index
    %get3A_1232 = vector.load %arg2[%get3A_1228, %get3A_1229, %get3A_1230, %get3A_1231] : memref<1x16x96x196xf32, #tpu.memory_space<vmem>>, vector<1x1x96x196xf32>
    %get3A_1233 = vector.shape_cast %get3A_1232 : vector<1x1x96x196xf32> to vector<96x196xf32>
    %get3A_1234 = arith.constant 0 : index
    %get3A_1235 = arith.constant 6 : index
    %get3A_1236 = arith.constant 0 : index
    %get3A_1237 = arith.constant 0 : index
    %get3A_1238 = vector.load %arg3[%get3A_1234, %get3A_1235, %get3A_1236, %get3A_1237] : memref<1x16x96x196xf32, #tpu.memory_space<vmem>>, vector<1x1x96x196xf32>
    %get3A_1239 = vector.shape_cast %get3A_1238 : vector<1x1x96x196xf32> to vector<96x196xf32>
    %get3A_1240 = arith.constant 0 : index
    %get3A_1241 = arith.constant 6 : index
    %get3A_1242 = arith.constant 0 : index
    %get3A_1243 = arith.constant 0 : index
    %get3A_1244 = vector.load %arg4[%get3A_1240, %get3A_1241, %get3A_1242, %get3A_1243] : memref<1x16x96x196xf32, #tpu.memory_space<vmem>>, vector<1x1x96x196xf32>
    %get3A_1245 = vector.shape_cast %get3A_1244 : vector<1x1x96x196xf32> to vector<96x196xf32>
    %gt3A_1246 = arith.constant 0.000000e+00 : f32
    %gt3A_1247 = vector.broadcast %gt3A_1246 : f32 to vector<96x196xf32>
    %gt3A_1248 = arith.cmpf ogt, %get3A_1239, %gt3A_1247 : vector<96x196xf32>
    %add3A_1249 = arith.constant 1.000000e+00 : f32
    %add3A_1250 = vector.broadcast %add3A_1249 : f32 to vector<96x196xf32>
    %add3A_1251 = arith.addf %get3A_1239, %add3A_1250 : vector<96x196xf32>
    %gt3A_1252 = arith.constant 0.000000e+00 : f32
    %gt3A_1253 = vector.broadcast %gt3A_1252 : f32 to vector<96x196xf32>
    %gt3A_1254 = arith.cmpf ogt, %get3A_1239, %gt3A_1253 : vector<96x196xf32>
    %jit3A_1255 = arith.constant 0.000000e+00 : f32
    %broadcast_in_dim3A_1256 = vector.broadcast %jit3A_1255 : f32 to vector<96x196xf32>
    %select_n3A_1257 = arith.select %gt3A_1254, %broadcast_in_dim3A_1256, %get3A_1239 : vector<96x196xi1>, vector<96x196xf32>
    %exp3A_1258 = math.exp %select_n3A_1257 : vector<96x196xf32>
    %select_n3A_1259 = arith.select %gt3A_1248, %add3A_1251, %exp3A_1258 : vector<96x196xi1>, vector<96x196xf32>
    %concatenate3A_1260 = tpu.concatenate %get3A_1245, %broadcast_in_dim3A_0 in 0 : vector<96x196xf32>, vector<1x196xf32> -> vector<97x196xf32>
    %dot_general3A_1261 = arith.constant dense<0.000000e+00> : vector<96x97xf32>
    %dot_general3A_1262 = tpu.matmul %select_n3A_1259, %concatenate3A_1260, %dot_general3A_1261 {dimension_numbers = #tpu.dot_dimension_numbers<[1], [1], [0], [0], [0, 0, 1, 0], [], []>, transpose_lhs_hint = false} : vector<96x196xf32>, vector<97x196xf32>, vector<96x97xf32> -> vector<96x97xf32>
    %iota3A_1263 = tpu.iota {dimensions = array<i32: 0>} : vector<96x96xi32>
    %jit3A_1264 = arith.constant 32 : i32
    %div3A_1265 = vector.broadcast %jit3A_1264 : i32 to vector<96x96xi32>
    %div3A_1266 = arith.divsi %iota3A_1263, %div3A_1265 : vector<96x96xi32>
    %sign3A_1267 = arith.constant 0 : i32
    %sign3A_1268 = vector.broadcast %sign3A_1267 : i32 to vector<96x96xi32>
    %sign3A_1269 = arith.cmpi sgt, %iota3A_1263, %sign3A_1268 : vector<96x96xi32>
    %sign3A_1270 = arith.extui %sign3A_1269 : vector<96x96xi1> to vector<96x96xi32>
    %sign3A_1271 = arith.constant 0 : i32
    %sign3A_1272 = vector.broadcast %sign3A_1271 : i32 to vector<96x96xi32>
    %sign3A_1273 = arith.cmpi slt, %iota3A_1263, %sign3A_1272 : vector<96x96xi32>
    %sign3A_1274 = arith.extui %sign3A_1273 : vector<96x96xi1> to vector<96x96xi32>
    %sign3A_1275 = arith.subi %sign3A_1270, %sign3A_1274 : vector<96x96xi32>
    %sign3A_1276 = arith.constant 0 : i32
    %sign3A_1277 = arith.cmpi sgt, %jit3A_1264, %sign3A_1276 : i32
    %sign3A_1278 = arith.extui %sign3A_1277 : i1 to i32
    %sign3A_1279 = arith.constant 0 : i32
    %sign3A_1280 = arith.cmpi slt, %jit3A_1264, %sign3A_1279 : i32
    %sign3A_1281 = arith.extui %sign3A_1280 : i1 to i32
    %sign3A_1282 = arith.subi %sign3A_1278, %sign3A_1281 : i32
    %ne3A_1283 = vector.broadcast %sign3A_1282 : i32 to vector<96x96xi32>
    %ne3A_1284 = arith.cmpi ne, %sign3A_1275, %ne3A_1283 : vector<96x96xi32>
    %rem3A_1285 = vector.broadcast %jit3A_1264 : i32 to vector<96x96xi32>
    %rem3A_1286 = arith.remsi %iota3A_1263, %rem3A_1285 : vector<96x96xi32>
    %ne3A_1287 = arith.constant 0 : i32
    %ne3A_1288 = vector.broadcast %ne3A_1287 : i32 to vector<96x96xi32>
    %ne3A_1289 = arith.cmpi ne, %rem3A_1286, %ne3A_1288 : vector<96x96xi32>
    %and3A_1290 = arith.andi %ne3A_1284, %ne3A_1289 : vector<96x96xi1>
    %sub3A_1291 = arith.constant 1 : i32
    %sub3A_1292 = vector.broadcast %sub3A_1291 : i32 to vector<96x96xi32>
    %sub3A_1293 = arith.subi %div3A_1266, %sub3A_1292 : vector<96x96xi32>
    %select_n3A_1294 = arith.select %and3A_1290, %sub3A_1293, %div3A_1266 : vector<96x96xi1>, vector<96x96xi32>
    %iota3A_1295 = tpu.iota {dimensions = array<i32: 1>} : vector<96x96xi32>
    %jit3A_1296 = arith.constant 32 : i32
    %div3A_1297 = vector.broadcast %jit3A_1296 : i32 to vector<96x96xi32>
    %div3A_1298 = arith.divsi %iota3A_1295, %div3A_1297 : vector<96x96xi32>
    %sign3A_1299 = arith.constant 0 : i32
    %sign3A_1300 = vector.broadcast %sign3A_1299 : i32 to vector<96x96xi32>
    %sign3A_1301 = arith.cmpi sgt, %iota3A_1295, %sign3A_1300 : vector<96x96xi32>
    %sign3A_1302 = arith.extui %sign3A_1301 : vector<96x96xi1> to vector<96x96xi32>
    %sign3A_1303 = arith.constant 0 : i32
    %sign3A_1304 = vector.broadcast %sign3A_1303 : i32 to vector<96x96xi32>
    %sign3A_1305 = arith.cmpi slt, %iota3A_1295, %sign3A_1304 : vector<96x96xi32>
    %sign3A_1306 = arith.extui %sign3A_1305 : vector<96x96xi1> to vector<96x96xi32>
    %sign3A_1307 = arith.subi %sign3A_1302, %sign3A_1306 : vector<96x96xi32>
    %sign3A_1308 = arith.constant 0 : i32
    %sign3A_1309 = arith.cmpi sgt, %jit3A_1296, %sign3A_1308 : i32
    %sign3A_1310 = arith.extui %sign3A_1309 : i1 to i32
    %sign3A_1311 = arith.constant 0 : i32
    %sign3A_1312 = arith.cmpi slt, %jit3A_1296, %sign3A_1311 : i32
    %sign3A_1313 = arith.extui %sign3A_1312 : i1 to i32
    %sign3A_1314 = arith.subi %sign3A_1310, %sign3A_1313 : i32
    %ne3A_1315 = vector.broadcast %sign3A_1314 : i32 to vector<96x96xi32>
    %ne3A_1316 = arith.cmpi ne, %sign3A_1307, %ne3A_1315 : vector<96x96xi32>
    %rem3A_1317 = vector.broadcast %jit3A_1296 : i32 to vector<96x96xi32>
    %rem3A_1318 = arith.remsi %iota3A_1295, %rem3A_1317 : vector<96x96xi32>
    %ne3A_1319 = arith.constant 0 : i32
    %ne3A_1320 = vector.broadcast %ne3A_1319 : i32 to vector<96x96xi32>
    %ne3A_1321 = arith.cmpi ne, %rem3A_1318, %ne3A_1320 : vector<96x96xi32>
    %and3A_1322 = arith.andi %ne3A_1316, %ne3A_1321 : vector<96x96xi1>
    %sub3A_1323 = arith.constant 1 : i32
    %sub3A_1324 = vector.broadcast %sub3A_1323 : i32 to vector<96x96xi32>
    %sub3A_1325 = arith.subi %div3A_1298, %sub3A_1324 : vector<96x96xi32>
    %select_n3A_1326 = arith.select %and3A_1322, %sub3A_1325, %div3A_1298 : vector<96x96xi1>, vector<96x96xi32>
    %slice3A_1327 = vector.extract_strided_slice %dot_general3A_1262 {offsets = [0, 0], sizes = [96, 96], strides = [1, 1]} : vector<96x97xf32> to vector<96x96xf32>
    %eq3A_1328 = arith.cmpi eq, %select_n3A_1294, %select_n3A_1326 : vector<96x96xi32>
    %convert_element_type3A_1329 = arith.extui %eq3A_1328 : vector<96x96xi1> to vector<96x96xi32>
    %convert_element_type3A_1330 = arith.sitofp %convert_element_type3A_1329 : vector<96x96xi32> to vector<96x96xf32>
    %mul3A_1331 = arith.mulf %slice3A_1327, %convert_element_type3A_1330 : vector<96x96xf32>
    %iota3A_1332 = tpu.iota {dimensions = array<i32: 0>} : vector<96x3xi32>
    %jit3A_1333 = arith.constant 32 : i32
    %div3A_1334 = vector.broadcast %jit3A_1333 : i32 to vector<96x3xi32>
    %div3A_1335 = arith.divsi %iota3A_1332, %div3A_1334 : vector<96x3xi32>
    %sign3A_1336 = arith.constant 0 : i32
    %sign3A_1337 = vector.broadcast %sign3A_1336 : i32 to vector<96x3xi32>
    %sign3A_1338 = arith.cmpi sgt, %iota3A_1332, %sign3A_1337 : vector<96x3xi32>
    %sign3A_1339 = arith.extui %sign3A_1338 : vector<96x3xi1> to vector<96x3xi32>
    %sign3A_1340 = arith.constant 0 : i32
    %sign3A_1341 = vector.broadcast %sign3A_1340 : i32 to vector<96x3xi32>
    %sign3A_1342 = arith.cmpi slt, %iota3A_1332, %sign3A_1341 : vector<96x3xi32>
    %sign3A_1343 = arith.extui %sign3A_1342 : vector<96x3xi1> to vector<96x3xi32>
    %sign3A_1344 = arith.subi %sign3A_1339, %sign3A_1343 : vector<96x3xi32>
    %sign3A_1345 = arith.constant 0 : i32
    %sign3A_1346 = arith.cmpi sgt, %jit3A_1333, %sign3A_1345 : i32
    %sign3A_1347 = arith.extui %sign3A_1346 : i1 to i32
    %sign3A_1348 = arith.constant 0 : i32
    %sign3A_1349 = arith.cmpi slt, %jit3A_1333, %sign3A_1348 : i32
    %sign3A_1350 = arith.extui %sign3A_1349 : i1 to i32
    %sign3A_1351 = arith.subi %sign3A_1347, %sign3A_1350 : i32
    %ne3A_1352 = vector.broadcast %sign3A_1351 : i32 to vector<96x3xi32>
    %ne3A_1353 = arith.cmpi ne, %sign3A_1344, %ne3A_1352 : vector<96x3xi32>
    %rem3A_1354 = vector.broadcast %jit3A_1333 : i32 to vector<96x3xi32>
    %rem3A_1355 = arith.remsi %iota3A_1332, %rem3A_1354 : vector<96x3xi32>
    %ne3A_1356 = arith.constant 0 : i32
    %ne3A_1357 = vector.broadcast %ne3A_1356 : i32 to vector<96x3xi32>
    %ne3A_1358 = arith.cmpi ne, %rem3A_1355, %ne3A_1357 : vector<96x3xi32>
    %and3A_1359 = arith.andi %ne3A_1353, %ne3A_1358 : vector<96x3xi1>
    %sub3A_1360 = arith.constant 1 : i32
    %sub3A_1361 = vector.broadcast %sub3A_1360 : i32 to vector<96x3xi32>
    %sub3A_1362 = arith.subi %div3A_1335, %sub3A_1361 : vector<96x3xi32>
    %select_n3A_1363 = arith.select %and3A_1359, %sub3A_1362, %div3A_1335 : vector<96x3xi1>, vector<96x3xi32>
    %iota3A_1364 = tpu.iota {dimensions = array<i32: 1>} : vector<96x3xi32>
    %slice3A_1365 = vector.extract_strided_slice %dot_general3A_1262 {offsets = [0, 96], sizes = [96, 1], strides = [1, 1]} : vector<96x97xf32> to vector<96x1xf32>
    %eq3A_1366 = arith.cmpi eq, %select_n3A_1363, %iota3A_1364 : vector<96x3xi32>
    %convert_element_type3A_1367 = arith.extui %eq3A_1366 : vector<96x3xi1> to vector<96x3xi32>
    %convert_element_type3A_1368 = arith.sitofp %convert_element_type3A_1367 : vector<96x3xi32> to vector<96x3xf32>
    %mul3A_1369 = vector.broadcast %slice3A_1365 : vector<96x1xf32> to vector<96x3xf32>
    %mul3A_1370 = arith.mulf %mul3A_1369, %convert_element_type3A_1368 : vector<96x3xf32>
    %broadcast_in_dim3A_1371 = arith.constant 0.000000e+00 : f32
    %broadcast_in_dim3A_1372 = vector.broadcast %broadcast_in_dim3A_1371 : f32 to vector<96x29xf32>
    %concatenate3A_1373 = tpu.concatenate %mul3A_1331, %mul3A_1370, %broadcast_in_dim3A_1372 in 1 : vector<96x96xf32>, vector<96x3xf32>, vector<96x29xf32> -> vector<96x128xf32>
    %convert_element_type3A_1374 = arith.truncf %concatenate3A_1373 : vector<96x128xf32> to vector<96x128xbf16>
    %swap3A_1375 = arith.constant 0 : index
    %swap3A_1376 = arith.constant 6 : index
    %swap3A_1377 = arith.constant 0 : index
    %swap3A_1378 = arith.constant 0 : index
    %swap3A_1379 = vector.load %arg8[%swap3A_1375, %swap3A_1376, %swap3A_1377, %swap3A_1378] : memref<1x16x96x128xbf16, #tpu.memory_space<vmem>>, vector<1x1x96x128xbf16>
    %swap3A_1380 = vector.shape_cast %swap3A_1379 : vector<1x1x96x128xbf16> to vector<96x128xbf16>
    %swap3A_1381 = vector.shape_cast %convert_element_type3A_1374 : vector<96x128xbf16> to vector<1x1x96x128xbf16>
    tpu.vector_store %arg8[%swap3A_1375, %swap3A_1376, %swap3A_1377, %swap3A_1378], %swap3A_1381 {strides = array<i32>} : memref<1x16x96x128xbf16, #tpu.memory_space<vmem>>, vector<1x1x96x128xbf16>,
    %concatenate3A_1382 = tpu.concatenate %get3A_1233, %get3A_1239 in 0 : vector<96x196xf32>, vector<96x196xf32> -> vector<192x196xf32>
    %bitcast_convert_type3A_1383 = tpu.bitcast %concatenate3A_1382 : vector<192x196xf32> -> vector<192x196xi32>
    %and3A_1384 = arith.constant -65536 : i32
    %and3A_1385 = vector.broadcast %and3A_1384 : i32 to vector<192x196xi32>
    %and3A_1386 = arith.andi %bitcast_convert_type3A_1383, %and3A_1385 : vector<192x196xi32>
    %bitcast_convert_type3A_1387 = tpu.bitcast %and3A_1386 : vector<192x196xi32> -> vector<192x196xf32>
    %sub3A_1388 = arith.subf %concatenate3A_1382, %bitcast_convert_type3A_1387 : vector<192x196xf32>
    %bitcast_convert_type3A_1389 = tpu.bitcast %sub3A_1388 : vector<192x196xf32> -> vector<192x196xi32>
    %and3A_1390 = arith.constant -65536 : i32
    %and3A_1391 = vector.broadcast %and3A_1390 : i32 to vector<192x196xi32>
    %and3A_1392 = arith.andi %bitcast_convert_type3A_1389, %and3A_1391 : vector<192x196xi32>
    %bitcast_convert_type3A_1393 = tpu.bitcast %and3A_1392 : vector<192x196xi32> -> vector<192x196xf32>
    %sub3A_1394 = arith.subf %sub3A_1388, %bitcast_convert_type3A_1393 : vector<192x196xf32>
    %concatenate3A_1395 = tpu.concatenate %bitcast_convert_type3A_1387, %bitcast_convert_type3A_1393, %sub3A_1394, %get3A_1245 in 0 : vector<192x196xf32>, vector<192x196xf32>, vector<192x196xf32>, vector<96x196xf32> -> vector<672x196xf32>
    %dot_general3A_1396 = arith.constant dense<0.000000e+00> : vector<1x672xf32>
    %dot_general3A_1397 = tpu.matmul %broadcast_in_dim3A_0, %concatenate3A_1395, %dot_general3A_1396 {dimension_numbers = #tpu.dot_dimension_numbers<[1], [1], [0], [0], [0, 0, 1, 0], [], []>, transpose_lhs_hint = false} : vector<1x196xf32>, vector<672x196xf32>, vector<1x672xf32> -> vector<1x672xf32>
    %slice3A_1398 = vector.extract_strided_slice %dot_general3A_1397 {offsets = [0, 0], sizes = [1, 96], strides = [1, 1]} : vector<1x672xf32> to vector<1x96xf32>
    %slice3A_1399 = vector.extract_strided_slice %dot_general3A_1397 {offsets = [0, 192], sizes = [1, 96], strides = [1, 1]} : vector<1x672xf32> to vector<1x96xf32>
    %add3A_1400 = arith.addf %slice3A_1398, %slice3A_1399 : vector<1x96xf32>
    %slice3A_1401 = vector.extract_strided_slice %dot_general3A_1397 {offsets = [0, 384], sizes = [1, 96], strides = [1, 1]} : vector<1x672xf32> to vector<1x96xf32>
    %add3A_1402 = arith.addf %add3A_1400, %slice3A_1401 : vector<1x96xf32>
    %mul3A_1403 = arith.constant 0.00510204071 : f32
    %mul3A_1404 = vector.broadcast %mul3A_1403 : f32 to vector<1x96xf32>
    %mul3A_1405 = arith.mulf %add3A_1402, %mul3A_1404 : vector<1x96xf32>
    %swap3A_1406 = arith.constant 0 : index
    %swap3A_1407 = arith.constant 6 : index
    %swap3A_1408 = arith.constant 0 : index
    %swap3A_1409 = vector.load %arg5[%swap3A_1406, %swap3A_1407, %swap3A_1408] : memref<1x16x96xf32, #tpu.memory_space<vmem>>, vector<1x1x96xf32>
    %swap3A_1410 = vector.shape_cast %swap3A_1409 : vector<1x1x96xf32> to vector<1x96xf32>
    %swap3A_1411 = vector.shape_cast %mul3A_1405 : vector<1x96xf32> to vector<1x1x96xf32>
    tpu.vector_store %arg5[%swap3A_1406, %swap3A_1407, %swap3A_1408], %swap3A_1411 {strides = array<i32>} : memref<1x16x96xf32, #tpu.memory_space<vmem>>, vector<1x1x96xf32>,
    %slice3A_1412 = vector.extract_strided_slice %dot_general3A_1397 {offsets = [0, 96], sizes = [1, 96], strides = [1, 1]} : vector<1x672xf32> to vector<1x96xf32>
    %slice3A_1413 = vector.extract_strided_slice %dot_general3A_1397 {offsets = [0, 288], sizes = [1, 96], strides = [1, 1]} : vector<1x672xf32> to vector<1x96xf32>
    %add3A_1414 = arith.addf %slice3A_1412, %slice3A_1413 : vector<1x96xf32>
    %slice3A_1415 = vector.extract_strided_slice %dot_general3A_1397 {offsets = [0, 480], sizes = [1, 96], strides = [1, 1]} : vector<1x672xf32> to vector<1x96xf32>
    %add3A_1416 = arith.addf %add3A_1414, %slice3A_1415 : vector<1x96xf32>
    %mul3A_1417 = arith.constant 0.00510204071 : f32
    %mul3A_1418 = vector.broadcast %mul3A_1417 : f32 to vector<1x96xf32>
    %mul3A_1419 = arith.mulf %add3A_1416, %mul3A_1418 : vector<1x96xf32>
    %swap3A_1420 = arith.constant 0 : index
    %swap3A_1421 = arith.constant 6 : index
    %swap3A_1422 = arith.constant 0 : index
    %swap3A_1423 = vector.load %arg6[%swap3A_1420, %swap3A_1421, %swap3A_1422] : memref<1x16x96xf32, #tpu.memory_space<vmem>>, vector<1x1x96xf32>
    %swap3A_1424 = vector.shape_cast %swap3A_1423 : vector<1x1x96xf32> to vector<1x96xf32>
    %swap3A_1425 = vector.shape_cast %mul3A_1419 : vector<1x96xf32> to vector<1x1x96xf32>
    tpu.vector_store %arg6[%swap3A_1420, %swap3A_1421, %swap3A_1422], %swap3A_1425 {strides = array<i32>} : memref<1x16x96xf32, #tpu.memory_space<vmem>>, vector<1x1x96xf32>,
    %slice3A_1426 = vector.extract_strided_slice %dot_general3A_1397 {offsets = [0, 576], sizes = [1, 96], strides = [1, 1]} : vector<1x672xf32> to vector<1x96xf32>
    %mul3A_1427 = arith.constant 0.00510204071 : f32
    %mul3A_1428 = vector.broadcast %mul3A_1427 : f32 to vector<1x96xf32>
    %mul3A_1429 = arith.mulf %slice3A_1426, %mul3A_1428 : vector<1x96xf32>
    %swap3A_1430 = arith.constant 0 : index
    %swap3A_1431 = arith.constant 6 : index
    %swap3A_1432 = arith.constant 0 : index
    %swap3A_1433 = vector.load %arg7[%swap3A_1430, %swap3A_1431, %swap3A_1432] : memref<1x16x96xf32, #tpu.memory_space<vmem>>, vector<1x1x96xf32>
    %swap3A_1434 = vector.shape_cast %swap3A_1433 : vector<1x1x96xf32> to vector<1x96xf32>
    %swap3A_1435 = vector.shape_cast %mul3A_1429 : vector<1x96xf32> to vector<1x1x96xf32>
    tpu.vector_store %arg7[%swap3A_1430, %swap3A_1431, %swap3A_1432], %swap3A_1435 {strides = array<i32>} : memref<1x16x96xf32, #tpu.memory_space<vmem>>, vector<1x1x96xf32>,
    %get3A_1436 = arith.constant 0 : index
    %get3A_1437 = arith.constant 7 : index
    %get3A_1438 = arith.constant 0 : index
    %get3A_1439 = arith.constant 0 : index
    %get3A_1440 = vector.load %arg2[%get3A_1436, %get3A_1437, %get3A_1438, %get3A_1439] : memref<1x16x96x196xf32, #tpu.memory_space<vmem>>, vector<1x1x96x196xf32>
    %get3A_1441 = vector.shape_cast %get3A_1440 : vector<1x1x96x196xf32> to vector<96x196xf32>
    %get3A_1442 = arith.constant 0 : index
    %get3A_1443 = arith.constant 7 : index
    %get3A_1444 = arith.constant 0 : index
    %get3A_1445 = arith.constant 0 : index
    %get3A_1446 = vector.load %arg3[%get3A_1442, %get3A_1443, %get3A_1444, %get3A_1445] : memref<1x16x96x196xf32, #tpu.memory_space<vmem>>, vector<1x1x96x196xf32>
    %get3A_1447 = vector.shape_cast %get3A_1446 : vector<1x1x96x196xf32> to vector<96x196xf32>
    %get3A_1448 = arith.constant 0 : index
    %get3A_1449 = arith.constant 7 : index
    %get3A_1450 = arith.constant 0 : index
    %get3A_1451 = arith.constant 0 : index
    %get3A_1452 = vector.load %arg4[%get3A_1448, %get3A_1449, %get3A_1450, %get3A_1451] : memref<1x16x96x196xf32, #tpu.memory_space<vmem>>, vector<1x1x96x196xf32>
    %get3A_1453 = vector.shape_cast %get3A_1452 : vector<1x1x96x196xf32> to vector<96x196xf32>
    %gt3A_1454 = arith.constant 0.000000e+00 : f32
    %gt3A_1455 = vector.broadcast %gt3A_1454 : f32 to vector<96x196xf32>
    %gt3A_1456 = arith.cmpf ogt, %get3A_1447, %gt3A_1455 : vector<96x196xf32>
    %add3A_1457 = arith.constant 1.000000e+00 : f32
    %add3A_1458 = vector.broadcast %add3A_1457 : f32 to vector<96x196xf32>
    %add3A_1459 = arith.addf %get3A_1447, %add3A_1458 : vector<96x196xf32>
    %gt3A_1460 = arith.constant 0.000000e+00 : f32
    %gt3A_1461 = vector.broadcast %gt3A_1460 : f32 to vector<96x196xf32>
    %gt3A_1462 = arith.cmpf ogt, %get3A_1447, %gt3A_1461 : vector<96x196xf32>
    %jit3A_1463 = arith.constant 0.000000e+00 : f32
    %broadcast_in_dim3A_1464 = vector.broadcast %jit3A_1463 : f32 to vector<96x196xf32>
    %select_n3A_1465 = arith.select %gt3A_1462, %broadcast_in_dim3A_1464, %get3A_1447 : vector<96x196xi1>, vector<96x196xf32>
    %exp3A_1466 = math.exp %select_n3A_1465 : vector<96x196xf32>
    %select_n3A_1467 = arith.select %gt3A_1456, %add3A_1459, %exp3A_1466 : vector<96x196xi1>, vector<96x196xf32>
    %concatenate3A_1468 = tpu.concatenate %get3A_1453, %broadcast_in_dim3A_0 in 0 : vector<96x196xf32>, vector<1x196xf32> -> vector<97x196xf32>
    %dot_general3A_1469 = arith.constant dense<0.000000e+00> : vector<96x97xf32>
    %dot_general3A_1470 = tpu.matmul %select_n3A_1467, %concatenate3A_1468, %dot_general3A_1469 {dimension_numbers = #tpu.dot_dimension_numbers<[1], [1], [0], [0], [0, 0, 1, 0], [], []>, transpose_lhs_hint = false} : vector<96x196xf32>, vector<97x196xf32>, vector<96x97xf32> -> vector<96x97xf32>
    %iota3A_1471 = tpu.iota {dimensions = array<i32: 0>} : vector<96x96xi32>
    %jit3A_1472 = arith.constant 32 : i32
    %div3A_1473 = vector.broadcast %jit3A_1472 : i32 to vector<96x96xi32>
    %div3A_1474 = arith.divsi %iota3A_1471, %div3A_1473 : vector<96x96xi32>
    %sign3A_1475 = arith.constant 0 : i32
    %sign3A_1476 = vector.broadcast %sign3A_1475 : i32 to vector<96x96xi32>
    %sign3A_1477 = arith.cmpi sgt, %iota3A_1471, %sign3A_1476 : vector<96x96xi32>
    %sign3A_1478 = arith.extui %sign3A_1477 : vector<96x96xi1> to vector<96x96xi32>
    %sign3A_1479 = arith.constant 0 : i32
    %sign3A_1480 = vector.broadcast %sign3A_1479 : i32 to vector<96x96xi32>
    %sign3A_1481 = arith.cmpi slt, %iota3A_1471, %sign3A_1480 : vector<96x96xi32>
    %sign3A_1482 = arith.extui %sign3A_1481 : vector<96x96xi1> to vector<96x96xi32>
    %sign3A_1483 = arith.subi %sign3A_1478, %sign3A_1482 : vector<96x96xi32>
    %sign3A_1484 = arith.constant 0 : i32
    %sign3A_1485 = arith.cmpi sgt, %jit3A_1472, %sign3A_1484 : i32
    %sign3A_1486 = arith.extui %sign3A_1485 : i1 to i32
    %sign3A_1487 = arith.constant 0 : i32
    %sign3A_1488 = arith.cmpi slt, %jit3A_1472, %sign3A_1487 : i32
    %sign3A_1489 = arith.extui %sign3A_1488 : i1 to i32
    %sign3A_1490 = arith.subi %sign3A_1486, %sign3A_1489 : i32
    %ne3A_1491 = vector.broadcast %sign3A_1490 : i32 to vector<96x96xi32>
    %ne3A_1492 = arith.cmpi ne, %sign3A_1483, %ne3A_1491 : vector<96x96xi32>
    %rem3A_1493 = vector.broadcast %jit3A_1472 : i32 to vector<96x96xi32>
    %rem3A_1494 = arith.remsi %iota3A_1471, %rem3A_1493 : vector<96x96xi32>
    %ne3A_1495 = arith.constant 0 : i32
    %ne3A_1496 = vector.broadcast %ne3A_1495 : i32 to vector<96x96xi32>
    %ne3A_1497 = arith.cmpi ne, %rem3A_1494, %ne3A_1496 : vector<96x96xi32>
    %and3A_1498 = arith.andi %ne3A_1492, %ne3A_1497 : vector<96x96xi1>
    %sub3A_1499 = arith.constant 1 : i32
    %sub3A_1500 = vector.broadcast %sub3A_1499 : i32 to vector<96x96xi32>
    %sub3A_1501 = arith.subi %div3A_1474, %sub3A_1500 : vector<96x96xi32>
    %select_n3A_1502 = arith.select %and3A_1498, %sub3A_1501, %div3A_1474 : vector<96x96xi1>, vector<96x96xi32>
    %iota3A_1503 = tpu.iota {dimensions = array<i32: 1>} : vector<96x96xi32>
    %jit3A_1504 = arith.constant 32 : i32
    %div3A_1505 = vector.broadcast %jit3A_1504 : i32 to vector<96x96xi32>
    %div3A_1506 = arith.divsi %iota3A_1503, %div3A_1505 : vector<96x96xi32>
    %sign3A_1507 = arith.constant 0 : i32
    %sign3A_1508 = vector.broadcast %sign3A_1507 : i32 to vector<96x96xi32>
    %sign3A_1509 = arith.cmpi sgt, %iota3A_1503, %sign3A_1508 : vector<96x96xi32>
    %sign3A_1510 = arith.extui %sign3A_1509 : vector<96x96xi1> to vector<96x96xi32>
    %sign3A_1511 = arith.constant 0 : i32
    %sign3A_1512 = vector.broadcast %sign3A_1511 : i32 to vector<96x96xi32>
    %sign3A_1513 = arith.cmpi slt, %iota3A_1503, %sign3A_1512 : vector<96x96xi32>
    %sign3A_1514 = arith.extui %sign3A_1513 : vector<96x96xi1> to vector<96x96xi32>
    %sign3A_1515 = arith.subi %sign3A_1510, %sign3A_1514 : vector<96x96xi32>
    %sign3A_1516 = arith.constant 0 : i32
    %sign3A_1517 = arith.cmpi sgt, %jit3A_1504, %sign3A_1516 : i32
    %sign3A_1518 = arith.extui %sign3A_1517 : i1 to i32
    %sign3A_1519 = arith.constant 0 : i32
    %sign3A_1520 = arith.cmpi slt, %jit3A_1504, %sign3A_1519 : i32
    %sign3A_1521 = arith.extui %sign3A_1520 : i1 to i32
    %sign3A_1522 = arith.subi %sign3A_1518, %sign3A_1521 : i32
    %ne3A_1523 = vector.broadcast %sign3A_1522 : i32 to vector<96x96xi32>
    %ne3A_1524 = arith.cmpi ne, %sign3A_1515, %ne3A_1523 : vector<96x96xi32>
    %rem3A_1525 = vector.broadcast %jit3A_1504 : i32 to vector<96x96xi32>
    %rem3A_1526 = arith.remsi %iota3A_1503, %rem3A_1525 : vector<96x96xi32>
    %ne3A_1527 = arith.constant 0 : i32
    %ne3A_1528 = vector.broadcast %ne3A_1527 : i32 to vector<96x96xi32>
    %ne3A_1529 = arith.cmpi ne, %rem3A_1526, %ne3A_1528 : vector<96x96xi32>
    %and3A_1530 = arith.andi %ne3A_1524, %ne3A_1529 : vector<96x96xi1>
    %sub3A_1531 = arith.constant 1 : i32
    %sub3A_1532 = vector.broadcast %sub3A_1531 : i32 to vector<96x96xi32>
    %sub3A_1533 = arith.subi %div3A_1506, %sub3A_1532 : vector<96x96xi32>
    %select_n3A_1534 = arith.select %and3A_1530, %sub3A_1533, %div3A_1506 : vector<96x96xi1>, vector<96x96xi32>
    %slice3A_1535 = vector.extract_strided_slice %dot_general3A_1470 {offsets = [0, 0], sizes = [96, 96], strides = [1, 1]} : vector<96x97xf32> to vector<96x96xf32>
    %eq3A_1536 = arith.cmpi eq, %select_n3A_1502, %select_n3A_1534 : vector<96x96xi32>
    %convert_element_type3A_1537 = arith.extui %eq3A_1536 : vector<96x96xi1> to vector<96x96xi32>
    %convert_element_type3A_1538 = arith.sitofp %convert_element_type3A_1537 : vector<96x96xi32> to vector<96x96xf32>
    %mul3A_1539 = arith.mulf %slice3A_1535, %convert_element_type3A_1538 : vector<96x96xf32>
    %iota3A_1540 = tpu.iota {dimensions = array<i32: 0>} : vector<96x3xi32>
    %jit3A_1541 = arith.constant 32 : i32
    %div3A_1542 = vector.broadcast %jit3A_1541 : i32 to vector<96x3xi32>
    %div3A_1543 = arith.divsi %iota3A_1540, %div3A_1542 : vector<96x3xi32>
    %sign3A_1544 = arith.constant 0 : i32
    %sign3A_1545 = vector.broadcast %sign3A_1544 : i32 to vector<96x3xi32>
    %sign3A_1546 = arith.cmpi sgt, %iota3A_1540, %sign3A_1545 : vector<96x3xi32>
    %sign3A_1547 = arith.extui %sign3A_1546 : vector<96x3xi1> to vector<96x3xi32>
    %sign3A_1548 = arith.constant 0 : i32
    %sign3A_1549 = vector.broadcast %sign3A_1548 : i32 to vector<96x3xi32>
    %sign3A_1550 = arith.cmpi slt, %iota3A_1540, %sign3A_1549 : vector<96x3xi32>
    %sign3A_1551 = arith.extui %sign3A_1550 : vector<96x3xi1> to vector<96x3xi32>
    %sign3A_1552 = arith.subi %sign3A_1547, %sign3A_1551 : vector<96x3xi32>
    %sign3A_1553 = arith.constant 0 : i32
    %sign3A_1554 = arith.cmpi sgt, %jit3A_1541, %sign3A_1553 : i32
    %sign3A_1555 = arith.extui %sign3A_1554 : i1 to i32
    %sign3A_1556 = arith.constant 0 : i32
    %sign3A_1557 = arith.cmpi slt, %jit3A_1541, %sign3A_1556 : i32
    %sign3A_1558 = arith.extui %sign3A_1557 : i1 to i32
    %sign3A_1559 = arith.subi %sign3A_1555, %sign3A_1558 : i32
    %ne3A_1560 = vector.broadcast %sign3A_1559 : i32 to vector<96x3xi32>
    %ne3A_1561 = arith.cmpi ne, %sign3A_1552, %ne3A_1560 : vector<96x3xi32>
    %rem3A_1562 = vector.broadcast %jit3A_1541 : i32 to vector<96x3xi32>
    %rem3A_1563 = arith.remsi %iota3A_1540, %rem3A_1562 : vector<96x3xi32>
    %ne3A_1564 = arith.constant 0 : i32
    %ne3A_1565 = vector.broadcast %ne3A_1564 : i32 to vector<96x3xi32>
    %ne3A_1566 = arith.cmpi ne, %rem3A_1563, %ne3A_1565 : vector<96x3xi32>
    %and3A_1567 = arith.andi %ne3A_1561, %ne3A_1566 : vector<96x3xi1>
    %sub3A_1568 = arith.constant 1 : i32
    %sub3A_1569 = vector.broadcast %sub3A_1568 : i32 to vector<96x3xi32>
    %sub3A_1570 = arith.subi %div3A_1543, %sub3A_1569 : vector<96x3xi32>
    %select_n3A_1571 = arith.select %and3A_1567, %sub3A_1570, %div3A_1543 : vector<96x3xi1>, vector<96x3xi32>
    %iota3A_1572 = tpu.iota {dimensions = array<i32: 1>} : vector<96x3xi32>
    %slice3A_1573 = vector.extract_strided_slice %dot_general3A_1470 {offsets = [0, 96], sizes = [96, 1], strides = [1, 1]} : vector<96x97xf32> to vector<96x1xf32>
    %eq3A_1574 = arith.cmpi eq, %select_n3A_1571, %iota3A_1572 : vector<96x3xi32>
    %convert_element_type3A_1575 = arith.extui %eq3A_1574 : vector<96x3xi1> to vector<96x3xi32>
    %convert_element_type3A_1576 = arith.sitofp %convert_element_type3A_1575 : vector<96x3xi32> to vector<96x3xf32>
    %mul3A_1577 = vector.broadcast %slice3A_1573 : vector<96x1xf32> to vector<96x3xf32>
    %mul3A_1578 = arith.mulf %mul3A_1577, %convert_element_type3A_1576 : vector<96x3xf32>
    %broadcast_in_dim3A_1579 = arith.constant 0.000000e+00 : f32
    %broadcast_in_dim3A_1580 = vector.broadcast %broadcast_in_dim3A_1579 : f32 to vector<96x29xf32>
    %concatenate3A_1581 = tpu.concatenate %mul3A_1539, %mul3A_1578, %broadcast_in_dim3A_1580 in 1 : vector<96x96xf32>, vector<96x3xf32>, vector<96x29xf32> -> vector<96x128xf32>
    %convert_element_type3A_1582 = arith.truncf %concatenate3A_1581 : vector<96x128xf32> to vector<96x128xbf16>
    %swap3A_1583 = arith.constant 0 : index
    %swap3A_1584 = arith.constant 7 : index
    %swap3A_1585 = arith.constant 0 : index
    %swap3A_1586 = arith.constant 0 : index
    %swap3A_1587 = vector.load %arg8[%swap3A_1583, %swap3A_1584, %swap3A_1585, %swap3A_1586] : memref<1x16x96x128xbf16, #tpu.memory_space<vmem>>, vector<1x1x96x128xbf16>
    %swap3A_1588 = vector.shape_cast %swap3A_1587 : vector<1x1x96x128xbf16> to vector<96x128xbf16>
    %swap3A_1589 = vector.shape_cast %convert_element_type3A_1582 : vector<96x128xbf16> to vector<1x1x96x128xbf16>
    tpu.vector_store %arg8[%swap3A_1583, %swap3A_1584, %swap3A_1585, %swap3A_1586], %swap3A_1589 {strides = array<i32>} : memref<1x16x96x128xbf16, #tpu.memory_space<vmem>>, vector<1x1x96x128xbf16>,
    %concatenate3A_1590 = tpu.concatenate %get3A_1441, %get3A_1447 in 0 : vector<96x196xf32>, vector<96x196xf32> -> vector<192x196xf32>
    %bitcast_convert_type3A_1591 = tpu.bitcast %concatenate3A_1590 : vector<192x196xf32> -> vector<192x196xi32>
    %and3A_1592 = arith.constant -65536 : i32
    %and3A_1593 = vector.broadcast %and3A_1592 : i32 to vector<192x196xi32>
    %and3A_1594 = arith.andi %bitcast_convert_type3A_1591, %and3A_1593 : vector<192x196xi32>
    %bitcast_convert_type3A_1595 = tpu.bitcast %and3A_1594 : vector<192x196xi32> -> vector<192x196xf32>
    %sub3A_1596 = arith.subf %concatenate3A_1590, %bitcast_convert_type3A_1595 : vector<192x196xf32>
    %bitcast_convert_type3A_1597 = tpu.bitcast %sub3A_1596 : vector<192x196xf32> -> vector<192x196xi32>
    %and3A_1598 = arith.constant -65536 : i32
    %and3A_1599 = vector.broadcast %and3A_1598 : i32 to vector<192x196xi32>
    %and3A_1600 = arith.andi %bitcast_convert_type3A_1597, %and3A_1599 : vector<192x196xi32>
    %bitcast_convert_type3A_1601 = tpu.bitcast %and3A_1600 : vector<192x196xi32> -> vector<192x196xf32>
    %sub3A_1602 = arith.subf %sub3A_1596, %bitcast_convert_type3A_1601 : vector<192x196xf32>
    %concatenate3A_1603 = tpu.concatenate %bitcast_convert_type3A_1595, %bitcast_convert_type3A_1601, %sub3A_1602, %get3A_1453 in 0 : vector<192x196xf32>, vector<192x196xf32>, vector<192x196xf32>, vector<96x196xf32> -> vector<672x196xf32>
    %dot_general3A_1604 = arith.constant dense<0.000000e+00> : vector<1x672xf32>
    %dot_general3A_1605 = tpu.matmul %broadcast_in_dim3A_0, %concatenate3A_1603, %dot_general3A_1604 {dimension_numbers = #tpu.dot_dimension_numbers<[1], [1], [0], [0], [0, 0, 1, 0], [], []>, transpose_lhs_hint = false} : vector<1x196xf32>, vector<672x196xf32>, vector<1x672xf32> -> vector<1x672xf32>
    %slice3A_1606 = vector.extract_strided_slice %dot_general3A_1605 {offsets = [0, 0], sizes = [1, 96], strides = [1, 1]} : vector<1x672xf32> to vector<1x96xf32>
    %slice3A_1607 = vector.extract_strided_slice %dot_general3A_1605 {offsets = [0, 192], sizes = [1, 96], strides = [1, 1]} : vector<1x672xf32> to vector<1x96xf32>
    %add3A_1608 = arith.addf %slice3A_1606, %slice3A_1607 : vector<1x96xf32>
    %slice3A_1609 = vector.extract_strided_slice %dot_general3A_1605 {offsets = [0, 384], sizes = [1, 96], strides = [1, 1]} : vector<1x672xf32> to vector<1x96xf32>
    %add3A_1610 = arith.addf %add3A_1608, %slice3A_1609 : vector<1x96xf32>
    %mul3A_1611 = arith.constant 0.00510204071 : f32
    %mul3A_1612 = vector.broadcast %mul3A_1611 : f32 to vector<1x96xf32>
    %mul3A_1613 = arith.mulf %add3A_1610, %mul3A_1612 : vector<1x96xf32>
    %swap3A_1614 = arith.constant 0 : index
    %swap3A_1615 = arith.constant 7 : index
    %swap3A_1616 = arith.constant 0 : index
    %swap3A_1617 = vector.load %arg5[%swap3A_1614, %swap3A_1615, %swap3A_1616] : memref<1x16x96xf32, #tpu.memory_space<vmem>>, vector<1x1x96xf32>
    %swap3A_1618 = vector.shape_cast %swap3A_1617 : vector<1x1x96xf32> to vector<1x96xf32>
    %swap3A_1619 = vector.shape_cast %mul3A_1613 : vector<1x96xf32> to vector<1x1x96xf32>
    tpu.vector_store %arg5[%swap3A_1614, %swap3A_1615, %swap3A_1616], %swap3A_1619 {strides = array<i32>} : memref<1x16x96xf32, #tpu.memory_space<vmem>>, vector<1x1x96xf32>,
    %slice3A_1620 = vector.extract_strided_slice %dot_general3A_1605 {offsets = [0, 96], sizes = [1, 96], strides = [1, 1]} : vector<1x672xf32> to vector<1x96xf32>
    %slice3A_1621 = vector.extract_strided_slice %dot_general3A_1605 {offsets = [0, 288], sizes = [1, 96], strides = [1, 1]} : vector<1x672xf32> to vector<1x96xf32>
    %add3A_1622 = arith.addf %slice3A_1620, %slice3A_1621 : vector<1x96xf32>
    %slice3A_1623 = vector.extract_strided_slice %dot_general3A_1605 {offsets = [0, 480], sizes = [1, 96], strides = [1, 1]} : vector<1x672xf32> to vector<1x96xf32>
    %add3A_1624 = arith.addf %add3A_1622, %slice3A_1623 : vector<1x96xf32>
    %mul3A_1625 = arith.constant 0.00510204071 : f32
    %mul3A_1626 = vector.broadcast %mul3A_1625 : f32 to vector<1x96xf32>
    %mul3A_1627 = arith.mulf %add3A_1624, %mul3A_1626 : vector<1x96xf32>
    %swap3A_1628 = arith.constant 0 : index
    %swap3A_1629 = arith.constant 7 : index
    %swap3A_1630 = arith.constant 0 : index
    %swap3A_1631 = vector.load %arg6[%swap3A_1628, %swap3A_1629, %swap3A_1630] : memref<1x16x96xf32, #tpu.memory_space<vmem>>, vector<1x1x96xf32>
    %swap3A_1632 = vector.shape_cast %swap3A_1631 : vector<1x1x96xf32> to vector<1x96xf32>
    %swap3A_1633 = vector.shape_cast %mul3A_1627 : vector<1x96xf32> to vector<1x1x96xf32>
    tpu.vector_store %arg6[%swap3A_1628, %swap3A_1629, %swap3A_1630], %swap3A_1633 {strides = array<i32>} : memref<1x16x96xf32, #tpu.memory_space<vmem>>, vector<1x1x96xf32>,
    %slice3A_1634 = vector.extract_strided_slice %dot_general3A_1605 {offsets = [0, 576], sizes = [1, 96], strides = [1, 1]} : vector<1x672xf32> to vector<1x96xf32>
    %mul3A_1635 = arith.constant 0.00510204071 : f32
    %mul3A_1636 = vector.broadcast %mul3A_1635 : f32 to vector<1x96xf32>
    %mul3A_1637 = arith.mulf %slice3A_1634, %mul3A_1636 : vector<1x96xf32>
    %swap3A_1638 = arith.constant 0 : index
    %swap3A_1639 = arith.constant 7 : index
    %swap3A_1640 = arith.constant 0 : index
    %swap3A_1641 = vector.load %arg7[%swap3A_1638, %swap3A_1639, %swap3A_1640] : memref<1x16x96xf32, #tpu.memory_space<vmem>>, vector<1x1x96xf32>
    %swap3A_1642 = vector.shape_cast %swap3A_1641 : vector<1x1x96xf32> to vector<1x96xf32>
    %swap3A_1643 = vector.shape_cast %mul3A_1637 : vector<1x96xf32> to vector<1x1x96xf32>
    tpu.vector_store %arg7[%swap3A_1638, %swap3A_1639, %swap3A_1640], %swap3A_1643 {strides = array<i32>} : memref<1x16x96xf32, #tpu.memory_space<vmem>>, vector<1x1x96xf32>,
    %get3A_1644 = arith.constant 0 : index
    %get3A_1645 = arith.constant 8 : index
    %get3A_1646 = arith.constant 0 : index
    %get3A_1647 = arith.constant 0 : index
    %get3A_1648 = vector.load %arg2[%get3A_1644, %get3A_1645, %get3A_1646, %get3A_1647] : memref<1x16x96x196xf32, #tpu.memory_space<vmem>>, vector<1x1x96x196xf32>
    %get3A_1649 = vector.shape_cast %get3A_1648 : vector<1x1x96x196xf32> to vector<96x196xf32>
    %get3A_1650 = arith.constant 0 : index
    %get3A_1651 = arith.constant 8 : index
    %get3A_1652 = arith.constant 0 : index
    %get3A_1653 = arith.constant 0 : index
    %get3A_1654 = vector.load %arg3[%get3A_1650, %get3A_1651, %get3A_1652, %get3A_1653] : memref<1x16x96x196xf32, #tpu.memory_space<vmem>>, vector<1x1x96x196xf32>
    %get3A_1655 = vector.shape_cast %get3A_1654 : vector<1x1x96x196xf32> to vector<96x196xf32>
    %get3A_1656 = arith.constant 0 : index
    %get3A_1657 = arith.constant 8 : index
    %get3A_1658 = arith.constant 0 : index
    %get3A_1659 = arith.constant 0 : index
    %get3A_1660 = vector.load %arg4[%get3A_1656, %get3A_1657, %get3A_1658, %get3A_1659] : memref<1x16x96x196xf32, #tpu.memory_space<vmem>>, vector<1x1x96x196xf32>
    %get3A_1661 = vector.shape_cast %get3A_1660 : vector<1x1x96x196xf32> to vector<96x196xf32>
    %gt3A_1662 = arith.constant 0.000000e+00 : f32
    %gt3A_1663 = vector.broadcast %gt3A_1662 : f32 to vector<96x196xf32>
    %gt3A_1664 = arith.cmpf ogt, %get3A_1655, %gt3A_1663 : vector<96x196xf32>
    %add3A_1665 = arith.constant 1.000000e+00 : f32
    %add3A_1666 = vector.broadcast %add3A_1665 : f32 to vector<96x196xf32>
    %add3A_1667 = arith.addf %get3A_1655, %add3A_1666 : vector<96x196xf32>
    %gt3A_1668 = arith.constant 0.000000e+00 : f32
    %gt3A_1669 = vector.broadcast %gt3A_1668 : f32 to vector<96x196xf32>
    %gt3A_1670 = arith.cmpf ogt, %get3A_1655, %gt3A_1669 : vector<96x196xf32>
    %jit3A_1671 = arith.constant 0.000000e+00 : f32
    %broadcast_in_dim3A_1672 = vector.broadcast %jit3A_1671 : f32 to vector<96x196xf32>
    %select_n3A_1673 = arith.select %gt3A_1670, %broadcast_in_dim3A_1672, %get3A_1655 : vector<96x196xi1>, vector<96x196xf32>
    %exp3A_1674 = math.exp %select_n3A_1673 : vector<96x196xf32>
    %select_n3A_1675 = arith.select %gt3A_1664, %add3A_1667, %exp3A_1674 : vector<96x196xi1>, vector<96x196xf32>
    %concatenate3A_1676 = tpu.concatenate %get3A_1661, %broadcast_in_dim3A_0 in 0 : vector<96x196xf32>, vector<1x196xf32> -> vector<97x196xf32>
    %dot_general3A_1677 = arith.constant dense<0.000000e+00> : vector<96x97xf32>
    %dot_general3A_1678 = tpu.matmul %select_n3A_1675, %concatenate3A_1676, %dot_general3A_1677 {dimension_numbers = #tpu.dot_dimension_numbers<[1], [1], [0], [0], [0, 0, 1, 0], [], []>, transpose_lhs_hint = false} : vector<96x196xf32>, vector<97x196xf32>, vector<96x97xf32> -> vector<96x97xf32>
    %iota3A_1679 = tpu.iota {dimensions = array<i32: 0>} : vector<96x96xi32>
    %jit3A_1680 = arith.constant 32 : i32
    %div3A_1681 = vector.broadcast %jit3A_1680 : i32 to vector<96x96xi32>
    %div3A_1682 = arith.divsi %iota3A_1679, %div3A_1681 : vector<96x96xi32>
    %sign3A_1683 = arith.constant 0 : i32
    %sign3A_1684 = vector.broadcast %sign3A_1683 : i32 to vector<96x96xi32>
    %sign3A_1685 = arith.cmpi sgt, %iota3A_1679, %sign3A_1684 : vector<96x96xi32>
    %sign3A_1686 = arith.extui %sign3A_1685 : vector<96x96xi1> to vector<96x96xi32>
    %sign3A_1687 = arith.constant 0 : i32
    %sign3A_1688 = vector.broadcast %sign3A_1687 : i32 to vector<96x96xi32>
    %sign3A_1689 = arith.cmpi slt, %iota3A_1679, %sign3A_1688 : vector<96x96xi32>
    %sign3A_1690 = arith.extui %sign3A_1689 : vector<96x96xi1> to vector<96x96xi32>
    %sign3A_1691 = arith.subi %sign3A_1686, %sign3A_1690 : vector<96x96xi32>
    %sign3A_1692 = arith.constant 0 : i32
    %sign3A_1693 = arith.cmpi sgt, %jit3A_1680, %sign3A_1692 : i32
    %sign3A_1694 = arith.extui %sign3A_1693 : i1 to i32
    %sign3A_1695 = arith.constant 0 : i32
    %sign3A_1696 = arith.cmpi slt, %jit3A_1680, %sign3A_1695 : i32
    %sign3A_1697 = arith.extui %sign3A_1696 : i1 to i32
    %sign3A_1698 = arith.subi %sign3A_1694, %sign3A_1697 : i32
    %ne3A_1699 = vector.broadcast %sign3A_1698 : i32 to vector<96x96xi32>
    %ne3A_1700 = arith.cmpi ne, %sign3A_1691, %ne3A_1699 : vector<96x96xi32>
    %rem3A_1701 = vector.broadcast %jit3A_1680 : i32 to vector<96x96xi32>
    %rem3A_1702 = arith.remsi %iota3A_1679, %rem3A_1701 : vector<96x96xi32>
    %ne3A_1703 = arith.constant 0 : i32
    %ne3A_1704 = vector.broadcast %ne3A_1703 : i32 to vector<96x96xi32>
    %ne3A_1705 = arith.cmpi ne, %rem3A_1702, %ne3A_1704 : vector<96x96xi32>
    %and3A_1706 = arith.andi %ne3A_1700, %ne3A_1705 : vector<96x96xi1>
    %sub3A_1707 = arith.constant 1 : i32
    %sub3A_1708 = vector.broadcast %sub3A_1707 : i32 to vector<96x96xi32>
    %sub3A_1709 = arith.subi %div3A_1682, %sub3A_1708 : vector<96x96xi32>
    %select_n3A_1710 = arith.select %and3A_1706, %sub3A_1709, %div3A_1682 : vector<96x96xi1>, vector<96x96xi32>
    %iota3A_1711 = tpu.iota {dimensions = array<i32: 1>} : vector<96x96xi32>
    %jit3A_1712 = arith.constant 32 : i32
    %div3A_1713 = vector.broadcast %jit3A_1712 : i32 to vector<96x96xi32>
    %div3A_1714 = arith.divsi %iota3A_1711, %div3A_1713 : vector<96x96xi32>
    %sign3A_1715 = arith.constant 0 : i32
    %sign3A_1716 = vector.broadcast %sign3A_1715 : i32 to vector<96x96xi32>
    %sign3A_1717 = arith.cmpi sgt, %iota3A_1711, %sign3A_1716 : vector<96x96xi32>
    %sign3A_1718 = arith.extui %sign3A_1717 : vector<96x96xi1> to vector<96x96xi32>
    %sign3A_1719 = arith.constant 0 : i32
    %sign3A_1720 = vector.broadcast %sign3A_1719 : i32 to vector<96x96xi32>
    %sign3A_1721 = arith.cmpi slt, %iota3A_1711, %sign3A_1720 : vector<96x96xi32>
    %sign3A_1722 = arith.extui %sign3A_1721 : vector<96x96xi1> to vector<96x96xi32>
    %sign3A_1723 = arith.subi %sign3A_1718, %sign3A_1722 : vector<96x96xi32>
    %sign3A_1724 = arith.constant 0 : i32
    %sign3A_1725 = arith.cmpi sgt, %jit3A_1712, %sign3A_1724 : i32
    %sign3A_1726 = arith.extui %sign3A_1725 : i1 to i32
    %sign3A_1727 = arith.constant 0 : i32
    %sign3A_1728 = arith.cmpi slt, %jit3A_1712, %sign3A_1727 : i32
    %sign3A_1729 = arith.extui %sign3A_1728 : i1 to i32
    %sign3A_1730 = arith.subi %sign3A_1726, %sign3A_1729 : i32
    %ne3A_1731 = vector.broadcast %sign3A_1730 : i32 to vector<96x96xi32>
    %ne3A_1732 = arith.cmpi ne, %sign3A_1723, %ne3A_1731 : vector<96x96xi32>
    %rem3A_1733 = vector.broadcast %jit3A_1712 : i32 to vector<96x96xi32>
    %rem3A_1734 = arith.remsi %iota3A_1711, %rem3A_1733 : vector<96x96xi32>
    %ne3A_1735 = arith.constant 0 : i32
    %ne3A_1736 = vector.broadcast %ne3A_1735 : i32 to vector<96x96xi32>
    %ne3A_1737 = arith.cmpi ne, %rem3A_1734, %ne3A_1736 : vector<96x96xi32>
    %and3A_1738 = arith.andi %ne3A_1732, %ne3A_1737 : vector<96x96xi1>
    %sub3A_1739 = arith.constant 1 : i32
    %sub3A_1740 = vector.broadcast %sub3A_1739 : i32 to vector<96x96xi32>
    %sub3A_1741 = arith.subi %div3A_1714, %sub3A_1740 : vector<96x96xi32>
    %select_n3A_1742 = arith.select %and3A_1738, %sub3A_1741, %div3A_1714 : vector<96x96xi1>, vector<96x96xi32>
    %slice3A_1743 = vector.extract_strided_slice %dot_general3A_1678 {offsets = [0, 0], sizes = [96, 96], strides = [1, 1]} : vector<96x97xf32> to vector<96x96xf32>
    %eq3A_1744 = arith.cmpi eq, %select_n3A_1710, %select_n3A_1742 : vector<96x96xi32>
    %convert_element_type3A_1745 = arith.extui %eq3A_1744 : vector<96x96xi1> to vector<96x96xi32>
    %convert_element_type3A_1746 = arith.sitofp %convert_element_type3A_1745 : vector<96x96xi32> to vector<96x96xf32>
    %mul3A_1747 = arith.mulf %slice3A_1743, %convert_element_type3A_1746 : vector<96x96xf32>
    %iota3A_1748 = tpu.iota {dimensions = array<i32: 0>} : vector<96x3xi32>
    %jit3A_1749 = arith.constant 32 : i32
    %div3A_1750 = vector.broadcast %jit3A_1749 : i32 to vector<96x3xi32>
    %div3A_1751 = arith.divsi %iota3A_1748, %div3A_1750 : vector<96x3xi32>
    %sign3A_1752 = arith.constant 0 : i32
    %sign3A_1753 = vector.broadcast %sign3A_1752 : i32 to vector<96x3xi32>
    %sign3A_1754 = arith.cmpi sgt, %iota3A_1748, %sign3A_1753 : vector<96x3xi32>
    %sign3A_1755 = arith.extui %sign3A_1754 : vector<96x3xi1> to vector<96x3xi32>
    %sign3A_1756 = arith.constant 0 : i32
    %sign3A_1757 = vector.broadcast %sign3A_1756 : i32 to vector<96x3xi32>
    %sign3A_1758 = arith.cmpi slt, %iota3A_1748, %sign3A_1757 : vector<96x3xi32>
    %sign3A_1759 = arith.extui %sign3A_1758 : vector<96x3xi1> to vector<96x3xi32>
    %sign3A_1760 = arith.subi %sign3A_1755, %sign3A_1759 : vector<96x3xi32>
    %sign3A_1761 = arith.constant 0 : i32
    %sign3A_1762 = arith.cmpi sgt, %jit3A_1749, %sign3A_1761 : i32
    %sign3A_1763 = arith.extui %sign3A_1762 : i1 to i32
    %sign3A_1764 = arith.constant 0 : i32
    %sign3A_1765 = arith.cmpi slt, %jit3A_1749, %sign3A_1764 : i32
    %sign3A_1766 = arith.extui %sign3A_1765 : i1 to i32
    %sign3A_1767 = arith.subi %sign3A_1763, %sign3A_1766 : i32
    %ne3A_1768 = vector.broadcast %sign3A_1767 : i32 to vector<96x3xi32>
    %ne3A_1769 = arith.cmpi ne, %sign3A_1760, %ne3A_1768 : vector<96x3xi32>
    %rem3A_1770 = vector.broadcast %jit3A_1749 : i32 to vector<96x3xi32>
    %rem3A_1771 = arith.remsi %iota3A_1748, %rem3A_1770 : vector<96x3xi32>
    %ne3A_1772 = arith.constant 0 : i32
    %ne3A_1773 = vector.broadcast %ne3A_1772 : i32 to vector<96x3xi32>
    %ne3A_1774 = arith.cmpi ne, %rem3A_1771, %ne3A_1773 : vector<96x3xi32>
    %and3A_1775 = arith.andi %ne3A_1769, %ne3A_1774 : vector<96x3xi1>
    %sub3A_1776 = arith.constant 1 : i32
    %sub3A_1777 = vector.broadcast %sub3A_1776 : i32 to vector<96x3xi32>
    %sub3A_1778 = arith.subi %div3A_1751, %sub3A_1777 : vector<96x3xi32>
    %select_n3A_1779 = arith.select %and3A_1775, %sub3A_1778, %div3A_1751 : vector<96x3xi1>, vector<96x3xi32>
    %iota3A_1780 = tpu.iota {dimensions = array<i32: 1>} : vector<96x3xi32>
    %slice3A_1781 = vector.extract_strided_slice %dot_general3A_1678 {offsets = [0, 96], sizes = [96, 1], strides = [1, 1]} : vector<96x97xf32> to vector<96x1xf32>
    %eq3A_1782 = arith.cmpi eq, %select_n3A_1779, %iota3A_1780 : vector<96x3xi32>
    %convert_element_type3A_1783 = arith.extui %eq3A_1782 : vector<96x3xi1> to vector<96x3xi32>
    %convert_element_type3A_1784 = arith.sitofp %convert_element_type3A_1783 : vector<96x3xi32> to vector<96x3xf32>
    %mul3A_1785 = vector.broadcast %slice3A_1781 : vector<96x1xf32> to vector<96x3xf32>
    %mul3A_1786 = arith.mulf %mul3A_1785, %convert_element_type3A_1784 : vector<96x3xf32>
    %broadcast_in_dim3A_1787 = arith.constant 0.000000e+00 : f32
    %broadcast_in_dim3A_1788 = vector.broadcast %broadcast_in_dim3A_1787 : f32 to vector<96x29xf32>
    %concatenate3A_1789 = tpu.concatenate %mul3A_1747, %mul3A_1786, %broadcast_in_dim3A_1788 in 1 : vector<96x96xf32>, vector<96x3xf32>, vector<96x29xf32> -> vector<96x128xf32>
    %convert_element_type3A_1790 = arith.truncf %concatenate3A_1789 : vector<96x128xf32> to vector<96x128xbf16>
    %swap3A_1791 = arith.constant 0 : index
    %swap3A_1792 = arith.constant 8 : index
    %swap3A_1793 = arith.constant 0 : index
    %swap3A_1794 = arith.constant 0 : index
    %swap3A_1795 = vector.load %arg8[%swap3A_1791, %swap3A_1792, %swap3A_1793, %swap3A_1794] : memref<1x16x96x128xbf16, #tpu.memory_space<vmem>>, vector<1x1x96x128xbf16>
    %swap3A_1796 = vector.shape_cast %swap3A_1795 : vector<1x1x96x128xbf16> to vector<96x128xbf16>
    %swap3A_1797 = vector.shape_cast %convert_element_type3A_1790 : vector<96x128xbf16> to vector<1x1x96x128xbf16>
    tpu.vector_store %arg8[%swap3A_1791, %swap3A_1792, %swap3A_1793, %swap3A_1794], %swap3A_1797 {strides = array<i32>} : memref<1x16x96x128xbf16, #tpu.memory_space<vmem>>, vector<1x1x96x128xbf16>,
    %concatenate3A_1798 = tpu.concatenate %get3A_1649, %get3A_1655 in 0 : vector<96x196xf32>, vector<96x196xf32> -> vector<192x196xf32>
    %bitcast_convert_type3A_1799 = tpu.bitcast %concatenate3A_1798 : vector<192x196xf32> -> vector<192x196xi32>
    %and3A_1800 = arith.constant -65536 : i32
    %and3A_1801 = vector.broadcast %and3A_1800 : i32 to vector<192x196xi32>
    %and3A_1802 = arith.andi %bitcast_convert_type3A_1799, %and3A_1801 : vector<192x196xi32>
    %bitcast_convert_type3A_1803 = tpu.bitcast %and3A_1802 : vector<192x196xi32> -> vector<192x196xf32>
    %sub3A_1804 = arith.subf %concatenate3A_1798, %bitcast_convert_type3A_1803 : vector<192x196xf32>
    %bitcast_convert_type3A_1805 = tpu.bitcast %sub3A_1804 : vector<192x196xf32> -> vector<192x196xi32>
    %and3A_1806 = arith.constant -65536 : i32
    %and3A_1807 = vector.broadcast %and3A_1806 : i32 to vector<192x196xi32>
    %and3A_1808 = arith.andi %bitcast_convert_type3A_1805, %and3A_1807 : vector<192x196xi32>
    %bitcast_convert_type3A_1809 = tpu.bitcast %and3A_1808 : vector<192x196xi32> -> vector<192x196xf32>
    %sub3A_1810 = arith.subf %sub3A_1804, %bitcast_convert_type3A_1809 : vector<192x196xf32>
    %concatenate3A_1811 = tpu.concatenate %bitcast_convert_type3A_1803, %bitcast_convert_type3A_1809, %sub3A_1810, %get3A_1661 in 0 : vector<192x196xf32>, vector<192x196xf32>, vector<192x196xf32>, vector<96x196xf32> -> vector<672x196xf32>
    %dot_general3A_1812 = arith.constant dense<0.000000e+00> : vector<1x672xf32>
    %dot_general3A_1813 = tpu.matmul %broadcast_in_dim3A_0, %concatenate3A_1811, %dot_general3A_1812 {dimension_numbers = #tpu.dot_dimension_numbers<[1], [1], [0], [0], [0, 0, 1, 0], [], []>, transpose_lhs_hint = false} : vector<1x196xf32>, vector<672x196xf32>, vector<1x672xf32> -> vector<1x672xf32>
    %slice3A_1814 = vector.extract_strided_slice %dot_general3A_1813 {offsets = [0, 0], sizes = [1, 96], strides = [1, 1]} : vector<1x672xf32> to vector<1x96xf32>
    %slice3A_1815 = vector.extract_strided_slice %dot_general3A_1813 {offsets = [0, 192], sizes = [1, 96], strides = [1, 1]} : vector<1x672xf32> to vector<1x96xf32>
    %add3A_1816 = arith.addf %slice3A_1814, %slice3A_1815 : vector<1x96xf32>
    %slice3A_1817 = vector.extract_strided_slice %dot_general3A_1813 {offsets = [0, 384], sizes = [1, 96], strides = [1, 1]} : vector<1x672xf32> to vector<1x96xf32>
    %add3A_1818 = arith.addf %add3A_1816, %slice3A_1817 : vector<1x96xf32>
    %mul3A_1819 = arith.constant 0.00510204071 : f32
    %mul3A_1820 = vector.broadcast %mul3A_1819 : f32 to vector<1x96xf32>
    %mul3A_1821 = arith.mulf %add3A_1818, %mul3A_1820 : vector<1x96xf32>
    %swap3A_1822 = arith.constant 0 : index
    %swap3A_1823 = arith.constant 8 : index
    %swap3A_1824 = arith.constant 0 : index
    %swap3A_1825 = vector.load %arg5[%swap3A_1822, %swap3A_1823, %swap3A_1824] : memref<1x16x96xf32, #tpu.memory_space<vmem>>, vector<1x1x96xf32>
    %swap3A_1826 = vector.shape_cast %swap3A_1825 : vector<1x1x96xf32> to vector<1x96xf32>
    %swap3A_1827 = vector.shape_cast %mul3A_1821 : vector<1x96xf32> to vector<1x1x96xf32>
    tpu.vector_store %arg5[%swap3A_1822, %swap3A_1823, %swap3A_1824], %swap3A_1827 {strides = array<i32>} : memref<1x16x96xf32, #tpu.memory_space<vmem>>, vector<1x1x96xf32>,
    %slice3A_1828 = vector.extract_strided_slice %dot_general3A_1813 {offsets = [0, 96], sizes = [1, 96], strides = [1, 1]} : vector<1x672xf32> to vector<1x96xf32>
    %slice3A_1829 = vector.extract_strided_slice %dot_general3A_1813 {offsets = [0, 288], sizes = [1, 96], strides = [1, 1]} : vector<1x672xf32> to vector<1x96xf32>
    %add3A_1830 = arith.addf %slice3A_1828, %slice3A_1829 : vector<1x96xf32>
    %slice3A_1831 = vector.extract_strided_slice %dot_general3A_1813 {offsets = [0, 480], sizes = [1, 96], strides = [1, 1]} : vector<1x672xf32> to vector<1x96xf32>
    %add3A_1832 = arith.addf %add3A_1830, %slice3A_1831 : vector<1x96xf32>
    %mul3A_1833 = arith.constant 0.00510204071 : f32
    %mul3A_1834 = vector.broadcast %mul3A_1833 : f32 to vector<1x96xf32>
    %mul3A_1835 = arith.mulf %add3A_1832, %mul3A_1834 : vector<1x96xf32>
    %swap3A_1836 = arith.constant 0 : index
    %swap3A_1837 = arith.constant 8 : index
    %swap3A_1838 = arith.constant 0 : index
    %swap3A_1839 = vector.load %arg6[%swap3A_1836, %swap3A_1837, %swap3A_1838] : memref<1x16x96xf32, #tpu.memory_space<vmem>>, vector<1x1x96xf32>
    %swap3A_1840 = vector.shape_cast %swap3A_1839 : vector<1x1x96xf32> to vector<1x96xf32>
    %swap3A_1841 = vector.shape_cast %mul3A_1835 : vector<1x96xf32> to vector<1x1x96xf32>
    tpu.vector_store %arg6[%swap3A_1836, %swap3A_1837, %swap3A_1838], %swap3A_1841 {strides = array<i32>} : memref<1x16x96xf32, #tpu.memory_space<vmem>>, vector<1x1x96xf32>,
    %slice3A_1842 = vector.extract_strided_slice %dot_general3A_1813 {offsets = [0, 576], sizes = [1, 96], strides = [1, 1]} : vector<1x672xf32> to vector<1x96xf32>
    %mul3A_1843 = arith.constant 0.00510204071 : f32
    %mul3A_1844 = vector.broadcast %mul3A_1843 : f32 to vector<1x96xf32>
    %mul3A_1845 = arith.mulf %slice3A_1842, %mul3A_1844 : vector<1x96xf32>
    %swap3A_1846 = arith.constant 0 : index
    %swap3A_1847 = arith.constant 8 : index
    %swap3A_1848 = arith.constant 0 : index
    %swap3A_1849 = vector.load %arg7[%swap3A_1846, %swap3A_1847, %swap3A_1848] : memref<1x16x96xf32, #tpu.memory_space<vmem>>, vector<1x1x96xf32>
    %swap3A_1850 = vector.shape_cast %swap3A_1849 : vector<1x1x96xf32> to vector<1x96xf32>
    %swap3A_1851 = vector.shape_cast %mul3A_1845 : vector<1x96xf32> to vector<1x1x96xf32>
    tpu.vector_store %arg7[%swap3A_1846, %swap3A_1847, %swap3A_1848], %swap3A_1851 {strides = array<i32>} : memref<1x16x96xf32, #tpu.memory_space<vmem>>, vector<1x1x96xf32>,
    %get3A_1852 = arith.constant 0 : index
    %get3A_1853 = arith.constant 9 : index
    %get3A_1854 = arith.constant 0 : index
    %get3A_1855 = arith.constant 0 : index
    %get3A_1856 = vector.load %arg2[%get3A_1852, %get3A_1853, %get3A_1854, %get3A_1855] : memref<1x16x96x196xf32, #tpu.memory_space<vmem>>, vector<1x1x96x196xf32>
    %get3A_1857 = vector.shape_cast %get3A_1856 : vector<1x1x96x196xf32> to vector<96x196xf32>
    %get3A_1858 = arith.constant 0 : index
    %get3A_1859 = arith.constant 9 : index
    %get3A_1860 = arith.constant 0 : index
    %get3A_1861 = arith.constant 0 : index
    %get3A_1862 = vector.load %arg3[%get3A_1858, %get3A_1859, %get3A_1860, %get3A_1861] : memref<1x16x96x196xf32, #tpu.memory_space<vmem>>, vector<1x1x96x196xf32>
    %get3A_1863 = vector.shape_cast %get3A_1862 : vector<1x1x96x196xf32> to vector<96x196xf32>
    %get3A_1864 = arith.constant 0 : index
    %get3A_1865 = arith.constant 9 : index
    %get3A_1866 = arith.constant 0 : index
    %get3A_1867 = arith.constant 0 : index
    %get3A_1868 = vector.load %arg4[%get3A_1864, %get3A_1865, %get3A_1866, %get3A_1867] : memref<1x16x96x196xf32, #tpu.memory_space<vmem>>, vector<1x1x96x196xf32>
    %get3A_1869 = vector.shape_cast %get3A_1868 : vector<1x1x96x196xf32> to vector<96x196xf32>
    %gt3A_1870 = arith.constant 0.000000e+00 : f32
    %gt3A_1871 = vector.broadcast %gt3A_1870 : f32 to vector<96x196xf32>
    %gt3A_1872 = arith.cmpf ogt, %get3A_1863, %gt3A_1871 : vector<96x196xf32>
    %add3A_1873 = arith.constant 1.000000e+00 : f32
    %add3A_1874 = vector.broadcast %add3A_1873 : f32 to vector<96x196xf32>
    %add3A_1875 = arith.addf %get3A_1863, %add3A_1874 : vector<96x196xf32>
    %gt3A_1876 = arith.constant 0.000000e+00 : f32
    %gt3A_1877 = vector.broadcast %gt3A_1876 : f32 to vector<96x196xf32>
    %gt3A_1878 = arith.cmpf ogt, %get3A_1863, %gt3A_1877 : vector<96x196xf32>
    %jit3A_1879 = arith.constant 0.000000e+00 : f32
    %broadcast_in_dim3A_1880 = vector.broadcast %jit3A_1879 : f32 to vector<96x196xf32>
    %select_n3A_1881 = arith.select %gt3A_1878, %broadcast_in_dim3A_1880, %get3A_1863 : vector<96x196xi1>, vector<96x196xf32>
    %exp3A_1882 = math.exp %select_n3A_1881 : vector<96x196xf32>
    %select_n3A_1883 = arith.select %gt3A_1872, %add3A_1875, %exp3A_1882 : vector<96x196xi1>, vector<96x196xf32>
    %concatenate3A_1884 = tpu.concatenate %get3A_1869, %broadcast_in_dim3A_0 in 0 : vector<96x196xf32>, vector<1x196xf32> -> vector<97x196xf32>
    %dot_general3A_1885 = arith.constant dense<0.000000e+00> : vector<96x97xf32>
    %dot_general3A_1886 = tpu.matmul %select_n3A_1883, %concatenate3A_1884, %dot_general3A_1885 {dimension_numbers = #tpu.dot_dimension_numbers<[1], [1], [0], [0], [0, 0, 1, 0], [], []>, transpose_lhs_hint = false} : vector<96x196xf32>, vector<97x196xf32>, vector<96x97xf32> -> vector<96x97xf32>
    %iota3A_1887 = tpu.iota {dimensions = array<i32: 0>} : vector<96x96xi32>
    %jit3A_1888 = arith.constant 32 : i32
    %div3A_1889 = vector.broadcast %jit3A_1888 : i32 to vector<96x96xi32>
    %div3A_1890 = arith.divsi %iota3A_1887, %div3A_1889 : vector<96x96xi32>
    %sign3A_1891 = arith.constant 0 : i32
    %sign3A_1892 = vector.broadcast %sign3A_1891 : i32 to vector<96x96xi32>
    %sign3A_1893 = arith.cmpi sgt, %iota3A_1887, %sign3A_1892 : vector<96x96xi32>
    %sign3A_1894 = arith.extui %sign3A_1893 : vector<96x96xi1> to vector<96x96xi32>
    %sign3A_1895 = arith.constant 0 : i32
    %sign3A_1896 = vector.broadcast %sign3A_1895 : i32 to vector<96x96xi32>
    %sign3A_1897 = arith.cmpi slt, %iota3A_1887, %sign3A_1896 : vector<96x96xi32>
    %sign3A_1898 = arith.extui %sign3A_1897 : vector<96x96xi1> to vector<96x96xi32>
    %sign3A_1899 = arith.subi %sign3A_1894, %sign3A_1898 : vector<96x96xi32>
    %sign3A_1900 = arith.constant 0 : i32
    %sign3A_1901 = arith.cmpi sgt, %jit3A_1888, %sign3A_1900 : i32
    %sign3A_1902 = arith.extui %sign3A_1901 : i1 to i32
    %sign3A_1903 = arith.constant 0 : i32
    %sign3A_1904 = arith.cmpi slt, %jit3A_1888, %sign3A_1903 : i32
    %sign3A_1905 = arith.extui %sign3A_1904 : i1 to i32
    %sign3A_1906 = arith.subi %sign3A_1902, %sign3A_1905 : i32
    %ne3A_1907 = vector.broadcast %sign3A_1906 : i32 to vector<96x96xi32>
    %ne3A_1908 = arith.cmpi ne, %sign3A_1899, %ne3A_1907 : vector<96x96xi32>
    %rem3A_1909 = vector.broadcast %jit3A_1888 : i32 to vector<96x96xi32>
    %rem3A_1910 = arith.remsi %iota3A_1887, %rem3A_1909 : vector<96x96xi32>
    %ne3A_1911 = arith.constant 0 : i32
    %ne3A_1912 = vector.broadcast %ne3A_1911 : i32 to vector<96x96xi32>
    %ne3A_1913 = arith.cmpi ne, %rem3A_1910, %ne3A_1912 : vector<96x96xi32>
    %and3A_1914 = arith.andi %ne3A_1908, %ne3A_1913 : vector<96x96xi1>
    %sub3A_1915 = arith.constant 1 : i32
    %sub3A_1916 = vector.broadcast %sub3A_1915 : i32 to vector<96x96xi32>
    %sub3A_1917 = arith.subi %div3A_1890, %sub3A_1916 : vector<96x96xi32>
    %select_n3A_1918 = arith.select %and3A_1914, %sub3A_1917, %div3A_1890 : vector<96x96xi1>, vector<96x96xi32>
    %iota3A_1919 = tpu.iota {dimensions = array<i32: 1>} : vector<96x96xi32>
    %jit3A_1920 = arith.constant 32 : i32
    %div3A_1921 = vector.broadcast %jit3A_1920 : i32 to vector<96x96xi32>
    %div3A_1922 = arith.divsi %iota3A_1919, %div3A_1921 : vector<96x96xi32>
    %sign3A_1923 = arith.constant 0 : i32
    %sign3A_1924 = vector.broadcast %sign3A_1923 : i32 to vector<96x96xi32>
    %sign3A_1925 = arith.cmpi sgt, %iota3A_1919, %sign3A_1924 : vector<96x96xi32>
    %sign3A_1926 = arith.extui %sign3A_1925 : vector<96x96xi1> to vector<96x96xi32>
    %sign3A_1927 = arith.constant 0 : i32
    %sign3A_1928 = vector.broadcast %sign3A_1927 : i32 to vector<96x96xi32>
    %sign3A_1929 = arith.cmpi slt, %iota3A_1919, %sign3A_1928 : vector<96x96xi32>
    %sign3A_1930 = arith.extui %sign3A_1929 : vector<96x96xi1> to vector<96x96xi32>
    %sign3A_1931 = arith.subi %sign3A_1926, %sign3A_1930 : vector<96x96xi32>
    %sign3A_1932 = arith.constant 0 : i32
    %sign3A_1933 = arith.cmpi sgt, %jit3A_1920, %sign3A_1932 : i32
    %sign3A_1934 = arith.extui %sign3A_1933 : i1 to i32
    %sign3A_1935 = arith.constant 0 : i32
    %sign3A_1936 = arith.cmpi slt, %jit3A_1920, %sign3A_1935 : i32
    %sign3A_1937 = arith.extui %sign3A_1936 : i1 to i32
    %sign3A_1938 = arith.subi %sign3A_1934, %sign3A_1937 : i32
    %ne3A_1939 = vector.broadcast %sign3A_1938 : i32 to vector<96x96xi32>
    %ne3A_1940 = arith.cmpi ne, %sign3A_1931, %ne3A_1939 : vector<96x96xi32>
    %rem3A_1941 = vector.broadcast %jit3A_1920 : i32 to vector<96x96xi32>
    %rem3A_1942 = arith.remsi %iota3A_1919, %rem3A_1941 : vector<96x96xi32>
    %ne3A_1943 = arith.constant 0 : i32
    %ne3A_1944 = vector.broadcast %ne3A_1943 : i32 to vector<96x96xi32>
    %ne3A_1945 = arith.cmpi ne, %rem3A_1942, %ne3A_1944 : vector<96x96xi32>
    %and3A_1946 = arith.andi %ne3A_1940, %ne3A_1945 : vector<96x96xi1>
    %sub3A_1947 = arith.constant 1 : i32
    %sub3A_1948 = vector.broadcast %sub3A_1947 : i32 to vector<96x96xi32>
    %sub3A_1949 = arith.subi %div3A_1922, %sub3A_1948 : vector<96x96xi32>
    %select_n3A_1950 = arith.select %and3A_1946, %sub3A_1949, %div3A_1922 : vector<96x96xi1>, vector<96x96xi32>
    %slice3A_1951 = vector.extract_strided_slice %dot_general3A_1886 {offsets = [0, 0], sizes = [96, 96], strides = [1, 1]} : vector<96x97xf32> to vector<96x96xf32>
    %eq3A_1952 = arith.cmpi eq, %select_n3A_1918, %select_n3A_1950 : vector<96x96xi32>
    %convert_element_type3A_1953 = arith.extui %eq3A_1952 : vector<96x96xi1> to vector<96x96xi32>
    %convert_element_type3A_1954 = arith.sitofp %convert_element_type3A_1953 : vector<96x96xi32> to vector<96x96xf32>
    %mul3A_1955 = arith.mulf %slice3A_1951, %convert_element_type3A_1954 : vector<96x96xf32>
    %iota3A_1956 = tpu.iota {dimensions = array<i32: 0>} : vector<96x3xi32>
    %jit3A_1957 = arith.constant 32 : i32
    %div3A_1958 = vector.broadcast %jit3A_1957 : i32 to vector<96x3xi32>
    %div3A_1959 = arith.divsi %iota3A_1956, %div3A_1958 : vector<96x3xi32>
    %sign3A_1960 = arith.constant 0 : i32
    %sign3A_1961 = vector.broadcast %sign3A_1960 : i32 to vector<96x3xi32>
    %sign3A_1962 = arith.cmpi sgt, %iota3A_1956, %sign3A_1961 : vector<96x3xi32>
    %sign3A_1963 = arith.extui %sign3A_1962 : vector<96x3xi1> to vector<96x3xi32>
    %sign3A_1964 = arith.constant 0 : i32
    %sign3A_1965 = vector.broadcast %sign3A_1964 : i32 to vector<96x3xi32>
    %sign3A_1966 = arith.cmpi slt, %iota3A_1956, %sign3A_1965 : vector<96x3xi32>
    %sign3A_1967 = arith.extui %sign3A_1966 : vector<96x3xi1> to vector<96x3xi32>
    %sign3A_1968 = arith.subi %sign3A_1963, %sign3A_1967 : vector<96x3xi32>
    %sign3A_1969 = arith.constant 0 : i32
    %sign3A_1970 = arith.cmpi sgt, %jit3A_1957, %sign3A_1969 : i32
    %sign3A_1971 = arith.extui %sign3A_1970 : i1 to i32
    %sign3A_1972 = arith.constant 0 : i32
    %sign3A_1973 = arith.cmpi slt, %jit3A_1957, %sign3A_1972 : i32
    %sign3A_1974 = arith.extui %sign3A_1973 : i1 to i32
    %sign3A_1975 = arith.subi %sign3A_1971, %sign3A_1974 : i32
    %ne3A_1976 = vector.broadcast %sign3A_1975 : i32 to vector<96x3xi32>
    %ne3A_1977 = arith.cmpi ne, %sign3A_1968, %ne3A_1976 : vector<96x3xi32>
    %rem3A_1978 = vector.broadcast %jit3A_1957 : i32 to vector<96x3xi32>
    %rem3A_1979 = arith.remsi %iota3A_1956, %rem3A_1978 : vector<96x3xi32>
    %ne3A_1980 = arith.constant 0 : i32
    %ne3A_1981 = vector.broadcast %ne3A_1980 : i32 to vector<96x3xi32>
    %ne3A_1982 = arith.cmpi ne, %rem3A_1979, %ne3A_1981 : vector<96x3xi32>
    %and3A_1983 = arith.andi %ne3A_1977, %ne3A_1982 : vector<96x3xi1>
    %sub3A_1984 = arith.constant 1 : i32
    %sub3A_1985 = vector.broadcast %sub3A_1984 : i32 to vector<96x3xi32>
    %sub3A_1986 = arith.subi %div3A_1959, %sub3A_1985 : vector<96x3xi32>
    %select_n3A_1987 = arith.select %and3A_1983, %sub3A_1986, %div3A_1959 : vector<96x3xi1>, vector<96x3xi32>
    %iota3A_1988 = tpu.iota {dimensions = array<i32: 1>} : vector<96x3xi32>
    %slice3A_1989 = vector.extract_strided_slice %dot_general3A_1886 {offsets = [0, 96], sizes = [96, 1], strides = [1, 1]} : vector<96x97xf32> to vector<96x1xf32>
    %eq3A_1990 = arith.cmpi eq, %select_n3A_1987, %iota3A_1988 : vector<96x3xi32>
    %convert_element_type3A_1991 = arith.extui %eq3A_1990 : vector<96x3xi1> to vector<96x3xi32>
    %convert_element_type3A_1992 = arith.sitofp %convert_element_type3A_1991 : vector<96x3xi32> to vector<96x3xf32>
    %mul3A_1993 = vector.broadcast %slice3A_1989 : vector<96x1xf32> to vector<96x3xf32>
    %mul3A_1994 = arith.mulf %mul3A_1993, %convert_element_type3A_1992 : vector<96x3xf32>
    %broadcast_in_dim3A_1995 = arith.constant 0.000000e+00 : f32
    %broadcast_in_dim3A_1996 = vector.broadcast %broadcast_in_dim3A_1995 : f32 to vector<96x29xf32>
    %concatenate3A_1997 = tpu.concatenate %mul3A_1955, %mul3A_1994, %broadcast_in_dim3A_1996 in 1 : vector<96x96xf32>, vector<96x3xf32>, vector<96x29xf32> -> vector<96x128xf32>
    %convert_element_type3A_1998 = arith.truncf %concatenate3A_1997 : vector<96x128xf32> to vector<96x128xbf16>
    %swap3A_1999 = arith.constant 0 : index
    %swap3A_2000 = arith.constant 9 : index
    %swap3A_2001 = arith.constant 0 : index
    %swap3A_2002 = arith.constant 0 : index
    %swap3A_2003 = vector.load %arg8[%swap3A_1999, %swap3A_2000, %swap3A_2001, %swap3A_2002] : memref<1x16x96x128xbf16, #tpu.memory_space<vmem>>, vector<1x1x96x128xbf16>
    %swap3A_2004 = vector.shape_cast %swap3A_2003 : vector<1x1x96x128xbf16> to vector<96x128xbf16>
    %swap3A_2005 = vector.shape_cast %convert_element_type3A_1998 : vector<96x128xbf16> to vector<1x1x96x128xbf16>
    tpu.vector_store %arg8[%swap3A_1999, %swap3A_2000, %swap3A_2001, %swap3A_2002], %swap3A_2005 {strides = array<i32>} : memref<1x16x96x128xbf16, #tpu.memory_space<vmem>>, vector<1x1x96x128xbf16>,
    %concatenate3A_2006 = tpu.concatenate %get3A_1857, %get3A_1863 in 0 : vector<96x196xf32>, vector<96x196xf32> -> vector<192x196xf32>
    %bitcast_convert_type3A_2007 = tpu.bitcast %concatenate3A_2006 : vector<192x196xf32> -> vector<192x196xi32>
    %and3A_2008 = arith.constant -65536 : i32
    %and3A_2009 = vector.broadcast %and3A_2008 : i32 to vector<192x196xi32>
    %and3A_2010 = arith.andi %bitcast_convert_type3A_2007, %and3A_2009 : vector<192x196xi32>
    %bitcast_convert_type3A_2011 = tpu.bitcast %and3A_2010 : vector<192x196xi32> -> vector<192x196xf32>
    %sub3A_2012 = arith.subf %concatenate3A_2006, %bitcast_convert_type3A_2011 : vector<192x196xf32>
    %bitcast_convert_type3A_2013 = tpu.bitcast %sub3A_2012 : vector<192x196xf32> -> vector<192x196xi32>
    %and3A_2014 = arith.constant -65536 : i32
    %and3A_2015 = vector.broadcast %and3A_2014 : i32 to vector<192x196xi32>
    %and3A_2016 = arith.andi %bitcast_convert_type3A_2013, %and3A_2015 : vector<192x196xi32>
    %bitcast_convert_type3A_2017 = tpu.bitcast %and3A_2016 : vector<192x196xi32> -> vector<192x196xf32>
    %sub3A_2018 = arith.subf %sub3A_2012, %bitcast_convert_type3A_2017 : vector<192x196xf32>
    %concatenate3A_2019 = tpu.concatenate %bitcast_convert_type3A_2011, %bitcast_convert_type3A_2017, %sub3A_2018, %get3A_1869 in 0 : vector<192x196xf32>, vector<192x196xf32>, vector<192x196xf32>, vector<96x196xf32> -> vector<672x196xf32>
    %dot_general3A_2020 = arith.constant dense<0.000000e+00> : vector<1x672xf32>
    %dot_general3A_2021 = tpu.matmul %broadcast_in_dim3A_0, %concatenate3A_2019, %dot_general3A_2020 {dimension_numbers = #tpu.dot_dimension_numbers<[1], [1], [0], [0], [0, 0, 1, 0], [], []>, transpose_lhs_hint = false} : vector<1x196xf32>, vector<672x196xf32>, vector<1x672xf32> -> vector<1x672xf32>
    %slice3A_2022 = vector.extract_strided_slice %dot_general3A_2021 {offsets = [0, 0], sizes = [1, 96], strides = [1, 1]} : vector<1x672xf32> to vector<1x96xf32>
    %slice3A_2023 = vector.extract_strided_slice %dot_general3A_2021 {offsets = [0, 192], sizes = [1, 96], strides = [1, 1]} : vector<1x672xf32> to vector<1x96xf32>
    %add3A_2024 = arith.addf %slice3A_2022, %slice3A_2023 : vector<1x96xf32>
    %slice3A_2025 = vector.extract_strided_slice %dot_general3A_2021 {offsets = [0, 384], sizes = [1, 96], strides = [1, 1]} : vector<1x672xf32> to vector<1x96xf32>
    %add3A_2026 = arith.addf %add3A_2024, %slice3A_2025 : vector<1x96xf32>
    %mul3A_2027 = arith.constant 0.00510204071 : f32
    %mul3A_2028 = vector.broadcast %mul3A_2027 : f32 to vector<1x96xf32>
    %mul3A_2029 = arith.mulf %add3A_2026, %mul3A_2028 : vector<1x96xf32>
    %swap3A_2030 = arith.constant 0 : index
    %swap3A_2031 = arith.constant 9 : index
    %swap3A_2032 = arith.constant 0 : index
    %swap3A_2033 = vector.load %arg5[%swap3A_2030, %swap3A_2031, %swap3A_2032] : memref<1x16x96xf32, #tpu.memory_space<vmem>>, vector<1x1x96xf32>
    %swap3A_2034 = vector.shape_cast %swap3A_2033 : vector<1x1x96xf32> to vector<1x96xf32>
    %swap3A_2035 = vector.shape_cast %mul3A_2029 : vector<1x96xf32> to vector<1x1x96xf32>
    tpu.vector_store %arg5[%swap3A_2030, %swap3A_2031, %swap3A_2032], %swap3A_2035 {strides = array<i32>} : memref<1x16x96xf32, #tpu.memory_space<vmem>>, vector<1x1x96xf32>,
    %slice3A_2036 = vector.extract_strided_slice %dot_general3A_2021 {offsets = [0, 96], sizes = [1, 96], strides = [1, 1]} : vector<1x672xf32> to vector<1x96xf32>
    %slice3A_2037 = vector.extract_strided_slice %dot_general3A_2021 {offsets = [0, 288], sizes = [1, 96], strides = [1, 1]} : vector<1x672xf32> to vector<1x96xf32>
    %add3A_2038 = arith.addf %slice3A_2036, %slice3A_2037 : vector<1x96xf32>
    %slice3A_2039 = vector.extract_strided_slice %dot_general3A_2021 {offsets = [0, 480], sizes = [1, 96], strides = [1, 1]} : vector<1x672xf32> to vector<1x96xf32>
    %add3A_2040 = arith.addf %add3A_2038, %slice3A_2039 : vector<1x96xf32>
    %mul3A_2041 = arith.constant 0.00510204071 : f32
    %mul3A_2042 = vector.broadcast %mul3A_2041 : f32 to vector<1x96xf32>
    %mul3A_2043 = arith.mulf %add3A_2040, %mul3A_2042 : vector<1x96xf32>
    %swap3A_2044 = arith.constant 0 : index
    %swap3A_2045 = arith.constant 9 : index
    %swap3A_2046 = arith.constant 0 : index
    %swap3A_2047 = vector.load %arg6[%swap3A_2044, %swap3A_2045, %swap3A_2046] : memref<1x16x96xf32, #tpu.memory_space<vmem>>, vector<1x1x96xf32>
    %swap3A_2048 = vector.shape_cast %swap3A_2047 : vector<1x1x96xf32> to vector<1x96xf32>
    %swap3A_2049 = vector.shape_cast %mul3A_2043 : vector<1x96xf32> to vector<1x1x96xf32>
    tpu.vector_store %arg6[%swap3A_2044, %swap3A_2045, %swap3A_2046], %swap3A_2049 {strides = array<i32>} : memref<1x16x96xf32, #tpu.memory_space<vmem>>, vector<1x1x96xf32>,
    %slice3A_2050 = vector.extract_strided_slice %dot_general3A_2021 {offsets = [0, 576], sizes = [1, 96], strides = [1, 1]} : vector<1x672xf32> to vector<1x96xf32>
    %mul3A_2051 = arith.constant 0.00510204071 : f32
    %mul3A_2052 = vector.broadcast %mul3A_2051 : f32 to vector<1x96xf32>
    %mul3A_2053 = arith.mulf %slice3A_2050, %mul3A_2052 : vector<1x96xf32>
    %swap3A_2054 = arith.constant 0 : index
    %swap3A_2055 = arith.constant 9 : index
    %swap3A_2056 = arith.constant 0 : index
    %swap3A_2057 = vector.load %arg7[%swap3A_2054, %swap3A_2055, %swap3A_2056] : memref<1x16x96xf32, #tpu.memory_space<vmem>>, vector<1x1x96xf32>
    %swap3A_2058 = vector.shape_cast %swap3A_2057 : vector<1x1x96xf32> to vector<1x96xf32>
    %swap3A_2059 = vector.shape_cast %mul3A_2053 : vector<1x96xf32> to vector<1x1x96xf32>
    tpu.vector_store %arg7[%swap3A_2054, %swap3A_2055, %swap3A_2056], %swap3A_2059 {strides = array<i32>} : memref<1x16x96xf32, #tpu.memory_space<vmem>>, vector<1x1x96xf32>,
    %get3A_2060 = arith.constant 0 : index
    %get3A_2061 = arith.constant 10 : index
    %get3A_2062 = arith.constant 0 : index
    %get3A_2063 = arith.constant 0 : index
    %get3A_2064 = vector.load %arg2[%get3A_2060, %get3A_2061, %get3A_2062, %get3A_2063] : memref<1x16x96x196xf32, #tpu.memory_space<vmem>>, vector<1x1x96x196xf32>
    %get3A_2065 = vector.shape_cast %get3A_2064 : vector<1x1x96x196xf32> to vector<96x196xf32>
    %get3A_2066 = arith.constant 0 : index
    %get3A_2067 = arith.constant 10 : index
    %get3A_2068 = arith.constant 0 : index
    %get3A_2069 = arith.constant 0 : index
    %get3A_2070 = vector.load %arg3[%get3A_2066, %get3A_2067, %get3A_2068, %get3A_2069] : memref<1x16x96x196xf32, #tpu.memory_space<vmem>>, vector<1x1x96x196xf32>
    %get3A_2071 = vector.shape_cast %get3A_2070 : vector<1x1x96x196xf32> to vector<96x196xf32>
    %get3A_2072 = arith.constant 0 : index
    %get3A_2073 = arith.constant 10 : index
    %get3A_2074 = arith.constant 0 : index
    %get3A_2075 = arith.constant 0 : index
    %get3A_2076 = vector.load %arg4[%get3A_2072, %get3A_2073, %get3A_2074, %get3A_2075] : memref<1x16x96x196xf32, #tpu.memory_space<vmem>>, vector<1x1x96x196xf32>
    %get3A_2077 = vector.shape_cast %get3A_2076 : vector<1x1x96x196xf32> to vector<96x196xf32>
    %gt3A_2078 = arith.constant 0.000000e+00 : f32
    %gt3A_2079 = vector.broadcast %gt3A_2078 : f32 to vector<96x196xf32>
    %gt3A_2080 = arith.cmpf ogt, %get3A_2071, %gt3A_2079 : vector<96x196xf32>
    %add3A_2081 = arith.constant 1.000000e+00 : f32
    %add3A_2082 = vector.broadcast %add3A_2081 : f32 to vector<96x196xf32>
    %add3A_2083 = arith.addf %get3A_2071, %add3A_2082 : vector<96x196xf32>
    %gt3A_2084 = arith.constant 0.000000e+00 : f32
    %gt3A_2085 = vector.broadcast %gt3A_2084 : f32 to vector<96x196xf32>
    %gt3A_2086 = arith.cmpf ogt, %get3A_2071, %gt3A_2085 : vector<96x196xf32>
    %jit3A_2087 = arith.constant 0.000000e+00 : f32
    %broadcast_in_dim3A_2088 = vector.broadcast %jit3A_2087 : f32 to vector<96x196xf32>
    %select_n3A_2089 = arith.select %gt3A_2086, %broadcast_in_dim3A_2088, %get3A_2071 : vector<96x196xi1>, vector<96x196xf32>
    %exp3A_2090 = math.exp %select_n3A_2089 : vector<96x196xf32>
    %select_n3A_2091 = arith.select %gt3A_2080, %add3A_2083, %exp3A_2090 : vector<96x196xi1>, vector<96x196xf32>
    %concatenate3A_2092 = tpu.concatenate %get3A_2077, %broadcast_in_dim3A_0 in 0 : vector<96x196xf32>, vector<1x196xf32> -> vector<97x196xf32>
    %dot_general3A_2093 = arith.constant dense<0.000000e+00> : vector<96x97xf32>
    %dot_general3A_2094 = tpu.matmul %select_n3A_2091, %concatenate3A_2092, %dot_general3A_2093 {dimension_numbers = #tpu.dot_dimension_numbers<[1], [1], [0], [0], [0, 0, 1, 0], [], []>, transpose_lhs_hint = false} : vector<96x196xf32>, vector<97x196xf32>, vector<96x97xf32> -> vector<96x97xf32>
    %iota3A_2095 = tpu.iota {dimensions = array<i32: 0>} : vector<96x96xi32>
    %jit3A_2096 = arith.constant 32 : i32
    %div3A_2097 = vector.broadcast %jit3A_2096 : i32 to vector<96x96xi32>
    %div3A_2098 = arith.divsi %iota3A_2095, %div3A_2097 : vector<96x96xi32>
    %sign3A_2099 = arith.constant 0 : i32
    %sign3A_2100 = vector.broadcast %sign3A_2099 : i32 to vector<96x96xi32>
    %sign3A_2101 = arith.cmpi sgt, %iota3A_2095, %sign3A_2100 : vector<96x96xi32>
    %sign3A_2102 = arith.extui %sign3A_2101 : vector<96x96xi1> to vector<96x96xi32>
    %sign3A_2103 = arith.constant 0 : i32
    %sign3A_2104 = vector.broadcast %sign3A_2103 : i32 to vector<96x96xi32>
    %sign3A_2105 = arith.cmpi slt, %iota3A_2095, %sign3A_2104 : vector<96x96xi32>
    %sign3A_2106 = arith.extui %sign3A_2105 : vector<96x96xi1> to vector<96x96xi32>
    %sign3A_2107 = arith.subi %sign3A_2102, %sign3A_2106 : vector<96x96xi32>
    %sign3A_2108 = arith.constant 0 : i32
    %sign3A_2109 = arith.cmpi sgt, %jit3A_2096, %sign3A_2108 : i32
    %sign3A_2110 = arith.extui %sign3A_2109 : i1 to i32
    %sign3A_2111 = arith.constant 0 : i32
    %sign3A_2112 = arith.cmpi slt, %jit3A_2096, %sign3A_2111 : i32
    %sign3A_2113 = arith.extui %sign3A_2112 : i1 to i32
    %sign3A_2114 = arith.subi %sign3A_2110, %sign3A_2113 : i32
    %ne3A_2115 = vector.broadcast %sign3A_2114 : i32 to vector<96x96xi32>
    %ne3A_2116 = arith.cmpi ne, %sign3A_2107, %ne3A_2115 : vector<96x96xi32>
    %rem3A_2117 = vector.broadcast %jit3A_2096 : i32 to vector<96x96xi32>
    %rem3A_2118 = arith.remsi %iota3A_2095, %rem3A_2117 : vector<96x96xi32>
    %ne3A_2119 = arith.constant 0 : i32
    %ne3A_2120 = vector.broadcast %ne3A_2119 : i32 to vector<96x96xi32>
    %ne3A_2121 = arith.cmpi ne, %rem3A_2118, %ne3A_2120 : vector<96x96xi32>
    %and3A_2122 = arith.andi %ne3A_2116, %ne3A_2121 : vector<96x96xi1>
    %sub3A_2123 = arith.constant 1 : i32
    %sub3A_2124 = vector.broadcast %sub3A_2123 : i32 to vector<96x96xi32>
    %sub3A_2125 = arith.subi %div3A_2098, %sub3A_2124 : vector<96x96xi32>
    %select_n3A_2126 = arith.select %and3A_2122, %sub3A_2125, %div3A_2098 : vector<96x96xi1>, vector<96x96xi32>
    %iota3A_2127 = tpu.iota {dimensions = array<i32: 1>} : vector<96x96xi32>
    %jit3A_2128 = arith.constant 32 : i32
    %div3A_2129 = vector.broadcast %jit3A_2128 : i32 to vector<96x96xi32>
    %div3A_2130 = arith.divsi %iota3A_2127, %div3A_2129 : vector<96x96xi32>
    %sign3A_2131 = arith.constant 0 : i32
    %sign3A_2132 = vector.broadcast %sign3A_2131 : i32 to vector<96x96xi32>
    %sign3A_2133 = arith.cmpi sgt, %iota3A_2127, %sign3A_2132 : vector<96x96xi32>
    %sign3A_2134 = arith.extui %sign3A_2133 : vector<96x96xi1> to vector<96x96xi32>
    %sign3A_2135 = arith.constant 0 : i32
    %sign3A_2136 = vector.broadcast %sign3A_2135 : i32 to vector<96x96xi32>
    %sign3A_2137 = arith.cmpi slt, %iota3A_2127, %sign3A_2136 : vector<96x96xi32>
    %sign3A_2138 = arith.extui %sign3A_2137 : vector<96x96xi1> to vector<96x96xi32>
    %sign3A_2139 = arith.subi %sign3A_2134, %sign3A_2138 : vector<96x96xi32>
    %sign3A_2140 = arith.constant 0 : i32
    %sign3A_2141 = arith.cmpi sgt, %jit3A_2128, %sign3A_2140 : i32
    %sign3A_2142 = arith.extui %sign3A_2141 : i1 to i32
    %sign3A_2143 = arith.constant 0 : i32
    %sign3A_2144 = arith.cmpi slt, %jit3A_2128, %sign3A_2143 : i32
    %sign3A_2145 = arith.extui %sign3A_2144 : i1 to i32
    %sign3A_2146 = arith.subi %sign3A_2142, %sign3A_2145 : i32
    %ne3A_2147 = vector.broadcast %sign3A_2146 : i32 to vector<96x96xi32>
    %ne3A_2148 = arith.cmpi ne, %sign3A_2139, %ne3A_2147 : vector<96x96xi32>
    %rem3A_2149 = vector.broadcast %jit3A_2128 : i32 to vector<96x96xi32>
    %rem3A_2150 = arith.remsi %iota3A_2127, %rem3A_2149 : vector<96x96xi32>
    %ne3A_2151 = arith.constant 0 : i32
    %ne3A_2152 = vector.broadcast %ne3A_2151 : i32 to vector<96x96xi32>
    %ne3A_2153 = arith.cmpi ne, %rem3A_2150, %ne3A_2152 : vector<96x96xi32>
    %and3A_2154 = arith.andi %ne3A_2148, %ne3A_2153 : vector<96x96xi1>
    %sub3A_2155 = arith.constant 1 : i32
    %sub3A_2156 = vector.broadcast %sub3A_2155 : i32 to vector<96x96xi32>
    %sub3A_2157 = arith.subi %div3A_2130, %sub3A_2156 : vector<96x96xi32>
    %select_n3A_2158 = arith.select %and3A_2154, %sub3A_2157, %div3A_2130 : vector<96x96xi1>, vector<96x96xi32>
    %slice3A_2159 = vector.extract_strided_slice %dot_general3A_2094 {offsets = [0, 0], sizes = [96, 96], strides = [1, 1]} : vector<96x97xf32> to vector<96x96xf32>
    %eq3A_2160 = arith.cmpi eq, %select_n3A_2126, %select_n3A_2158 : vector<96x96xi32>
    %convert_element_type3A_2161 = arith.extui %eq3A_2160 : vector<96x96xi1> to vector<96x96xi32>
    %convert_element_type3A_2162 = arith.sitofp %convert_element_type3A_2161 : vector<96x96xi32> to vector<96x96xf32>
    %mul3A_2163 = arith.mulf %slice3A_2159, %convert_element_type3A_2162 : vector<96x96xf32>
    %iota3A_2164 = tpu.iota {dimensions = array<i32: 0>} : vector<96x3xi32>
    %jit3A_2165 = arith.constant 32 : i32
    %div3A_2166 = vector.broadcast %jit3A_2165 : i32 to vector<96x3xi32>
    %div3A_2167 = arith.divsi %iota3A_2164, %div3A_2166 : vector<96x3xi32>
    %sign3A_2168 = arith.constant 0 : i32
    %sign3A_2169 = vector.broadcast %sign3A_2168 : i32 to vector<96x3xi32>
    %sign3A_2170 = arith.cmpi sgt, %iota3A_2164, %sign3A_2169 : vector<96x3xi32>
    %sign3A_2171 = arith.extui %sign3A_2170 : vector<96x3xi1> to vector<96x3xi32>
    %sign3A_2172 = arith.constant 0 : i32
    %sign3A_2173 = vector.broadcast %sign3A_2172 : i32 to vector<96x3xi32>
    %sign3A_2174 = arith.cmpi slt, %iota3A_2164, %sign3A_2173 : vector<96x3xi32>
    %sign3A_2175 = arith.extui %sign3A_2174 : vector<96x3xi1> to vector<96x3xi32>
    %sign3A_2176 = arith.subi %sign3A_2171, %sign3A_2175 : vector<96x3xi32>
    %sign3A_2177 = arith.constant 0 : i32
    %sign3A_2178 = arith.cmpi sgt, %jit3A_2165, %sign3A_2177 : i32
    %sign3A_2179 = arith.extui %sign3A_2178 : i1 to i32
    %sign3A_2180 = arith.constant 0 : i32
    %sign3A_2181 = arith.cmpi slt, %jit3A_2165, %sign3A_2180 : i32
    %sign3A_2182 = arith.extui %sign3A_2181 : i1 to i32
    %sign3A_2183 = arith.subi %sign3A_2179, %sign3A_2182 : i32
    %ne3A_2184 = vector.broadcast %sign3A_2183 : i32 to vector<96x3xi32>
    %ne3A_2185 = arith.cmpi ne, %sign3A_2176, %ne3A_2184 : vector<96x3xi32>
    %rem3A_2186 = vector.broadcast %jit3A_2165 : i32 to vector<96x3xi32>
    %rem3A_2187 = arith.remsi %iota3A_2164, %rem3A_2186 : vector<96x3xi32>
    %ne3A_2188 = arith.constant 0 : i32
    %ne3A_2189 = vector.broadcast %ne3A_2188 : i32 to vector<96x3xi32>
    %ne3A_2190 = arith.cmpi ne, %rem3A_2187, %ne3A_2189 : vector<96x3xi32>
    %and3A_2191 = arith.andi %ne3A_2185, %ne3A_2190 : vector<96x3xi1>
    %sub3A_2192 = arith.constant 1 : i32
    %sub3A_2193 = vector.broadcast %sub3A_2192 : i32 to vector<96x3xi32>
    %sub3A_2194 = arith.subi %div3A_2167, %sub3A_2193 : vector<96x3xi32>
    %select_n3A_2195 = arith.select %and3A_2191, %sub3A_2194, %div3A_2167 : vector<96x3xi1>, vector<96x3xi32>
    %iota3A_2196 = tpu.iota {dimensions = array<i32: 1>} : vector<96x3xi32>
    %slice3A_2197 = vector.extract_strided_slice %dot_general3A_2094 {offsets = [0, 96], sizes = [96, 1], strides = [1, 1]} : vector<96x97xf32> to vector<96x1xf32>
    %eq3A_2198 = arith.cmpi eq, %select_n3A_2195, %iota3A_2196 : vector<96x3xi32>
    %convert_element_type3A_2199 = arith.extui %eq3A_2198 : vector<96x3xi1> to vector<96x3xi32>
    %convert_element_type3A_2200 = arith.sitofp %convert_element_type3A_2199 : vector<96x3xi32> to vector<96x3xf32>
    %mul3A_2201 = vector.broadcast %slice3A_2197 : vector<96x1xf32> to vector<96x3xf32>
    %mul3A_2202 = arith.mulf %mul3A_2201, %convert_element_type3A_2200 : vector<96x3xf32>
    %broadcast_in_dim3A_2203 = arith.constant 0.000000e+00 : f32
    %broadcast_in_dim3A_2204 = vector.broadcast %broadcast_in_dim3A_2203 : f32 to vector<96x29xf32>
    %concatenate3A_2205 = tpu.concatenate %mul3A_2163, %mul3A_2202, %broadcast_in_dim3A_2204 in 1 : vector<96x96xf32>, vector<96x3xf32>, vector<96x29xf32> -> vector<96x128xf32>
    %convert_element_type3A_2206 = arith.truncf %concatenate3A_2205 : vector<96x128xf32> to vector<96x128xbf16>
    %swap3A_2207 = arith.constant 0 : index
    %swap3A_2208 = arith.constant 10 : index
    %swap3A_2209 = arith.constant 0 : index
    %swap3A_2210 = arith.constant 0 : index
    %swap3A_2211 = vector.load %arg8[%swap3A_2207, %swap3A_2208, %swap3A_2209, %swap3A_2210] : memref<1x16x96x128xbf16, #tpu.memory_space<vmem>>, vector<1x1x96x128xbf16>
    %swap3A_2212 = vector.shape_cast %swap3A_2211 : vector<1x1x96x128xbf16> to vector<96x128xbf16>
    %swap3A_2213 = vector.shape_cast %convert_element_type3A_2206 : vector<96x128xbf16> to vector<1x1x96x128xbf16>
    tpu.vector_store %arg8[%swap3A_2207, %swap3A_2208, %swap3A_2209, %swap3A_2210], %swap3A_2213 {strides = array<i32>} : memref<1x16x96x128xbf16, #tpu.memory_space<vmem>>, vector<1x1x96x128xbf16>,
    %concatenate3A_2214 = tpu.concatenate %get3A_2065, %get3A_2071 in 0 : vector<96x196xf32>, vector<96x196xf32> -> vector<192x196xf32>
    %bitcast_convert_type3A_2215 = tpu.bitcast %concatenate3A_2214 : vector<192x196xf32> -> vector<192x196xi32>
    %and3A_2216 = arith.constant -65536 : i32
    %and3A_2217 = vector.broadcast %and3A_2216 : i32 to vector<192x196xi32>
    %and3A_2218 = arith.andi %bitcast_convert_type3A_2215, %and3A_2217 : vector<192x196xi32>
    %bitcast_convert_type3A_2219 = tpu.bitcast %and3A_2218 : vector<192x196xi32> -> vector<192x196xf32>
    %sub3A_2220 = arith.subf %concatenate3A_2214, %bitcast_convert_type3A_2219 : vector<192x196xf32>
    %bitcast_convert_type3A_2221 = tpu.bitcast %sub3A_2220 : vector<192x196xf32> -> vector<192x196xi32>
    %and3A_2222 = arith.constant -65536 : i32
    %and3A_2223 = vector.broadcast %and3A_2222 : i32 to vector<192x196xi32>
    %and3A_2224 = arith.andi %bitcast_convert_type3A_2221, %and3A_2223 : vector<192x196xi32>
    %bitcast_convert_type3A_2225 = tpu.bitcast %and3A_2224 : vector<192x196xi32> -> vector<192x196xf32>
    %sub3A_2226 = arith.subf %sub3A_2220, %bitcast_convert_type3A_2225 : vector<192x196xf32>
    %concatenate3A_2227 = tpu.concatenate %bitcast_convert_type3A_2219, %bitcast_convert_type3A_2225, %sub3A_2226, %get3A_2077 in 0 : vector<192x196xf32>, vector<192x196xf32>, vector<192x196xf32>, vector<96x196xf32> -> vector<672x196xf32>
    %dot_general3A_2228 = arith.constant dense<0.000000e+00> : vector<1x672xf32>
    %dot_general3A_2229 = tpu.matmul %broadcast_in_dim3A_0, %concatenate3A_2227, %dot_general3A_2228 {dimension_numbers = #tpu.dot_dimension_numbers<[1], [1], [0], [0], [0, 0, 1, 0], [], []>, transpose_lhs_hint = false} : vector<1x196xf32>, vector<672x196xf32>, vector<1x672xf32> -> vector<1x672xf32>
    %slice3A_2230 = vector.extract_strided_slice %dot_general3A_2229 {offsets = [0, 0], sizes = [1, 96], strides = [1, 1]} : vector<1x672xf32> to vector<1x96xf32>
    %slice3A_2231 = vector.extract_strided_slice %dot_general3A_2229 {offsets = [0, 192], sizes = [1, 96], strides = [1, 1]} : vector<1x672xf32> to vector<1x96xf32>
    %add3A_2232 = arith.addf %slice3A_2230, %slice3A_2231 : vector<1x96xf32>
    %slice3A_2233 = vector.extract_strided_slice %dot_general3A_2229 {offsets = [0, 384], sizes = [1, 96], strides = [1, 1]} : vector<1x672xf32> to vector<1x96xf32>
    %add3A_2234 = arith.addf %add3A_2232, %slice3A_2233 : vector<1x96xf32>
    %mul3A_2235 = arith.constant 0.00510204071 : f32
    %mul3A_2236 = vector.broadcast %mul3A_2235 : f32 to vector<1x96xf32>
    %mul3A_2237 = arith.mulf %add3A_2234, %mul3A_2236 : vector<1x96xf32>
    %swap3A_2238 = arith.constant 0 : index
    %swap3A_2239 = arith.constant 10 : index
    %swap3A_2240 = arith.constant 0 : index
    %swap3A_2241 = vector.load %arg5[%swap3A_2238, %swap3A_2239, %swap3A_2240] : memref<1x16x96xf32, #tpu.memory_space<vmem>>, vector<1x1x96xf32>
    %swap3A_2242 = vector.shape_cast %swap3A_2241 : vector<1x1x96xf32> to vector<1x96xf32>
    %swap3A_2243 = vector.shape_cast %mul3A_2237 : vector<1x96xf32> to vector<1x1x96xf32>
    tpu.vector_store %arg5[%swap3A_2238, %swap3A_2239, %swap3A_2240], %swap3A_2243 {strides = array<i32>} : memref<1x16x96xf32, #tpu.memory_space<vmem>>, vector<1x1x96xf32>,
    %slice3A_2244 = vector.extract_strided_slice %dot_general3A_2229 {offsets = [0, 96], sizes = [1, 96], strides = [1, 1]} : vector<1x672xf32> to vector<1x96xf32>
    %slice3A_2245 = vector.extract_strided_slice %dot_general3A_2229 {offsets = [0, 288], sizes = [1, 96], strides = [1, 1]} : vector<1x672xf32> to vector<1x96xf32>
    %add3A_2246 = arith.addf %slice3A_2244, %slice3A_2245 : vector<1x96xf32>
    %slice3A_2247 = vector.extract_strided_slice %dot_general3A_2229 {offsets = [0, 480], sizes = [1, 96], strides = [1, 1]} : vector<1x672xf32> to vector<1x96xf32>
    %add3A_2248 = arith.addf %add3A_2246, %slice3A_2247 : vector<1x96xf32>
    %mul3A_2249 = arith.constant 0.00510204071 : f32
    %mul3A_2250 = vector.broadcast %mul3A_2249 : f32 to vector<1x96xf32>
    %mul3A_2251 = arith.mulf %add3A_2248, %mul3A_2250 : vector<1x96xf32>
    %swap3A_2252 = arith.constant 0 : index
    %swap3A_2253 = arith.constant 10 : index
    %swap3A_2254 = arith.constant 0 : index
    %swap3A_2255 = vector.load %arg6[%swap3A_2252, %swap3A_2253, %swap3A_2254] : memref<1x16x96xf32, #tpu.memory_space<vmem>>, vector<1x1x96xf32>
    %swap3A_2256 = vector.shape_cast %swap3A_2255 : vector<1x1x96xf32> to vector<1x96xf32>
    %swap3A_2257 = vector.shape_cast %mul3A_2251 : vector<1x96xf32> to vector<1x1x96xf32>
    tpu.vector_store %arg6[%swap3A_2252, %swap3A_2253, %swap3A_2254], %swap3A_2257 {strides = array<i32>} : memref<1x16x96xf32, #tpu.memory_space<vmem>>, vector<1x1x96xf32>,
    %slice3A_2258 = vector.extract_strided_slice %dot_general3A_2229 {offsets = [0, 576], sizes = [1, 96], strides = [1, 1]} : vector<1x672xf32> to vector<1x96xf32>
    %mul3A_2259 = arith.constant 0.00510204071 : f32
    %mul3A_2260 = vector.broadcast %mul3A_2259 : f32 to vector<1x96xf32>
    %mul3A_2261 = arith.mulf %slice3A_2258, %mul3A_2260 : vector<1x96xf32>
    %swap3A_2262 = arith.constant 0 : index
    %swap3A_2263 = arith.constant 10 : index
    %swap3A_2264 = arith.constant 0 : index
    %swap3A_2265 = vector.load %arg7[%swap3A_2262, %swap3A_2263, %swap3A_2264] : memref<1x16x96xf32, #tpu.memory_space<vmem>>, vector<1x1x96xf32>
    %swap3A_2266 = vector.shape_cast %swap3A_2265 : vector<1x1x96xf32> to vector<1x96xf32>
    %swap3A_2267 = vector.shape_cast %mul3A_2261 : vector<1x96xf32> to vector<1x1x96xf32>
    tpu.vector_store %arg7[%swap3A_2262, %swap3A_2263, %swap3A_2264], %swap3A_2267 {strides = array<i32>} : memref<1x16x96xf32, #tpu.memory_space<vmem>>, vector<1x1x96xf32>,
    %get3A_2268 = arith.constant 0 : index
    %get3A_2269 = arith.constant 11 : index
    %get3A_2270 = arith.constant 0 : index
    %get3A_2271 = arith.constant 0 : index
    %get3A_2272 = vector.load %arg2[%get3A_2268, %get3A_2269, %get3A_2270, %get3A_2271] : memref<1x16x96x196xf32, #tpu.memory_space<vmem>>, vector<1x1x96x196xf32>
    %get3A_2273 = vector.shape_cast %get3A_2272 : vector<1x1x96x196xf32> to vector<96x196xf32>
    %get3A_2274 = arith.constant 0 : index
    %get3A_2275 = arith.constant 11 : index
    %get3A_2276 = arith.constant 0 : index
    %get3A_2277 = arith.constant 0 : index
    %get3A_2278 = vector.load %arg3[%get3A_2274, %get3A_2275, %get3A_2276, %get3A_2277] : memref<1x16x96x196xf32, #tpu.memory_space<vmem>>, vector<1x1x96x196xf32>
    %get3A_2279 = vector.shape_cast %get3A_2278 : vector<1x1x96x196xf32> to vector<96x196xf32>
    %get3A_2280 = arith.constant 0 : index
    %get3A_2281 = arith.constant 11 : index
    %get3A_2282 = arith.constant 0 : index
    %get3A_2283 = arith.constant 0 : index
    %get3A_2284 = vector.load %arg4[%get3A_2280, %get3A_2281, %get3A_2282, %get3A_2283] : memref<1x16x96x196xf32, #tpu.memory_space<vmem>>, vector<1x1x96x196xf32>
    %get3A_2285 = vector.shape_cast %get3A_2284 : vector<1x1x96x196xf32> to vector<96x196xf32>
    %gt3A_2286 = arith.constant 0.000000e+00 : f32
    %gt3A_2287 = vector.broadcast %gt3A_2286 : f32 to vector<96x196xf32>
    %gt3A_2288 = arith.cmpf ogt, %get3A_2279, %gt3A_2287 : vector<96x196xf32>
    %add3A_2289 = arith.constant 1.000000e+00 : f32
    %add3A_2290 = vector.broadcast %add3A_2289 : f32 to vector<96x196xf32>
    %add3A_2291 = arith.addf %get3A_2279, %add3A_2290 : vector<96x196xf32>
    %gt3A_2292 = arith.constant 0.000000e+00 : f32
    %gt3A_2293 = vector.broadcast %gt3A_2292 : f32 to vector<96x196xf32>
    %gt3A_2294 = arith.cmpf ogt, %get3A_2279, %gt3A_2293 : vector<96x196xf32>
    %jit3A_2295 = arith.constant 0.000000e+00 : f32
    %broadcast_in_dim3A_2296 = vector.broadcast %jit3A_2295 : f32 to vector<96x196xf32>
    %select_n3A_2297 = arith.select %gt3A_2294, %broadcast_in_dim3A_2296, %get3A_2279 : vector<96x196xi1>, vector<96x196xf32>
    %exp3A_2298 = math.exp %select_n3A_2297 : vector<96x196xf32>
    %select_n3A_2299 = arith.select %gt3A_2288, %add3A_2291, %exp3A_2298 : vector<96x196xi1>, vector<96x196xf32>
    %concatenate3A_2300 = tpu.concatenate %get3A_2285, %broadcast_in_dim3A_0 in 0 : vector<96x196xf32>, vector<1x196xf32> -> vector<97x196xf32>
    %dot_general3A_2301 = arith.constant dense<0.000000e+00> : vector<96x97xf32>
    %dot_general3A_2302 = tpu.matmul %select_n3A_2299, %concatenate3A_2300, %dot_general3A_2301 {dimension_numbers = #tpu.dot_dimension_numbers<[1], [1], [0], [0], [0, 0, 1, 0], [], []>, transpose_lhs_hint = false} : vector<96x196xf32>, vector<97x196xf32>, vector<96x97xf32> -> vector<96x97xf32>
    %iota3A_2303 = tpu.iota {dimensions = array<i32: 0>} : vector<96x96xi32>
    %jit3A_2304 = arith.constant 32 : i32
    %div3A_2305 = vector.broadcast %jit3A_2304 : i32 to vector<96x96xi32>
    %div3A_2306 = arith.divsi %iota3A_2303, %div3A_2305 : vector<96x96xi32>
    %sign3A_2307 = arith.constant 0 : i32
    %sign3A_2308 = vector.broadcast %sign3A_2307 : i32 to vector<96x96xi32>
    %sign3A_2309 = arith.cmpi sgt, %iota3A_2303, %sign3A_2308 : vector<96x96xi32>
    %sign3A_2310 = arith.extui %sign3A_2309 : vector<96x96xi1> to vector<96x96xi32>
    %sign3A_2311 = arith.constant 0 : i32
    %sign3A_2312 = vector.broadcast %sign3A_2311 : i32 to vector<96x96xi32>
    %sign3A_2313 = arith.cmpi slt, %iota3A_2303, %sign3A_2312 : vector<96x96xi32>
    %sign3A_2314 = arith.extui %sign3A_2313 : vector<96x96xi1> to vector<96x96xi32>
    %sign3A_2315 = arith.subi %sign3A_2310, %sign3A_2314 : vector<96x96xi32>
    %sign3A_2316 = arith.constant 0 : i32
    %sign3A_2317 = arith.cmpi sgt, %jit3A_2304, %sign3A_2316 : i32
    %sign3A_2318 = arith.extui %sign3A_2317 : i1 to i32
    %sign3A_2319 = arith.constant 0 : i32
    %sign3A_2320 = arith.cmpi slt, %jit3A_2304, %sign3A_2319 : i32
    %sign3A_2321 = arith.extui %sign3A_2320 : i1 to i32
    %sign3A_2322 = arith.subi %sign3A_2318, %sign3A_2321 : i32
    %ne3A_2323 = vector.broadcast %sign3A_2322 : i32 to vector<96x96xi32>
    %ne3A_2324 = arith.cmpi ne, %sign3A_2315, %ne3A_2323 : vector<96x96xi32>
    %rem3A_2325 = vector.broadcast %jit3A_2304 : i32 to vector<96x96xi32>
    %rem3A_2326 = arith.remsi %iota3A_2303, %rem3A_2325 : vector<96x96xi32>
    %ne3A_2327 = arith.constant 0 : i32
    %ne3A_2328 = vector.broadcast %ne3A_2327 : i32 to vector<96x96xi32>
    %ne3A_2329 = arith.cmpi ne, %rem3A_2326, %ne3A_2328 : vector<96x96xi32>
    %and3A_2330 = arith.andi %ne3A_2324, %ne3A_2329 : vector<96x96xi1>
    %sub3A_2331 = arith.constant 1 : i32
    %sub3A_2332 = vector.broadcast %sub3A_2331 : i32 to vector<96x96xi32>
    %sub3A_2333 = arith.subi %div3A_2306, %sub3A_2332 : vector<96x96xi32>
    %select_n3A_2334 = arith.select %and3A_2330, %sub3A_2333, %div3A_2306 : vector<96x96xi1>, vector<96x96xi32>
    %iota3A_2335 = tpu.iota {dimensions = array<i32: 1>} : vector<96x96xi32>
    %jit3A_2336 = arith.constant 32 : i32
    %div3A_2337 = vector.broadcast %jit3A_2336 : i32 to vector<96x96xi32>
    %div3A_2338 = arith.divsi %iota3A_2335, %div3A_2337 : vector<96x96xi32>
    %sign3A_2339 = arith.constant 0 : i32
    %sign3A_2340 = vector.broadcast %sign3A_2339 : i32 to vector<96x96xi32>
    %sign3A_2341 = arith.cmpi sgt, %iota3A_2335, %sign3A_2340 : vector<96x96xi32>
    %sign3A_2342 = arith.extui %sign3A_2341 : vector<96x96xi1> to vector<96x96xi32>
    %sign3A_2343 = arith.constant 0 : i32
    %sign3A_2344 = vector.broadcast %sign3A_2343 : i32 to vector<96x96xi32>
    %sign3A_2345 = arith.cmpi slt, %iota3A_2335, %sign3A_2344 : vector<96x96xi32>
    %sign3A_2346 = arith.extui %sign3A_2345 : vector<96x96xi1> to vector<96x96xi32>
    %sign3A_2347 = arith.subi %sign3A_2342, %sign3A_2346 : vector<96x96xi32>
    %sign3A_2348 = arith.constant 0 : i32
    %sign3A_2349 = arith.cmpi sgt, %jit3A_2336, %sign3A_2348 : i32
    %sign3A_2350 = arith.extui %sign3A_2349 : i1 to i32
    %sign3A_2351 = arith.constant 0 : i32
    %sign3A_2352 = arith.cmpi slt, %jit3A_2336, %sign3A_2351 : i32
    %sign3A_2353 = arith.extui %sign3A_2352 : i1 to i32
    %sign3A_2354 = arith.subi %sign3A_2350, %sign3A_2353 : i32
    %ne3A_2355 = vector.broadcast %sign3A_2354 : i32 to vector<96x96xi32>
    %ne3A_2356 = arith.cmpi ne, %sign3A_2347, %ne3A_2355 : vector<96x96xi32>
    %rem3A_2357 = vector.broadcast %jit3A_2336 : i32 to vector<96x96xi32>
    %rem3A_2358 = arith.remsi %iota3A_2335, %rem3A_2357 : vector<96x96xi32>
    %ne3A_2359 = arith.constant 0 : i32
    %ne3A_2360 = vector.broadcast %ne3A_2359 : i32 to vector<96x96xi32>
    %ne3A_2361 = arith.cmpi ne, %rem3A_2358, %ne3A_2360 : vector<96x96xi32>
    %and3A_2362 = arith.andi %ne3A_2356, %ne3A_2361 : vector<96x96xi1>
    %sub3A_2363 = arith.constant 1 : i32
    %sub3A_2364 = vector.broadcast %sub3A_2363 : i32 to vector<96x96xi32>
    %sub3A_2365 = arith.subi %div3A_2338, %sub3A_2364 : vector<96x96xi32>
    %select_n3A_2366 = arith.select %and3A_2362, %sub3A_2365, %div3A_2338 : vector<96x96xi1>, vector<96x96xi32>
    %slice3A_2367 = vector.extract_strided_slice %dot_general3A_2302 {offsets = [0, 0], sizes = [96, 96], strides = [1, 1]} : vector<96x97xf32> to vector<96x96xf32>
    %eq3A_2368 = arith.cmpi eq, %select_n3A_2334, %select_n3A_2366 : vector<96x96xi32>
    %convert_element_type3A_2369 = arith.extui %eq3A_2368 : vector<96x96xi1> to vector<96x96xi32>
    %convert_element_type3A_2370 = arith.sitofp %convert_element_type3A_2369 : vector<96x96xi32> to vector<96x96xf32>
    %mul3A_2371 = arith.mulf %slice3A_2367, %convert_element_type3A_2370 : vector<96x96xf32>
    %iota3A_2372 = tpu.iota {dimensions = array<i32: 0>} : vector<96x3xi32>
    %jit3A_2373 = arith.constant 32 : i32
    %div3A_2374 = vector.broadcast %jit3A_2373 : i32 to vector<96x3xi32>
    %div3A_2375 = arith.divsi %iota3A_2372, %div3A_2374 : vector<96x3xi32>
    %sign3A_2376 = arith.constant 0 : i32
    %sign3A_2377 = vector.broadcast %sign3A_2376 : i32 to vector<96x3xi32>
    %sign3A_2378 = arith.cmpi sgt, %iota3A_2372, %sign3A_2377 : vector<96x3xi32>
    %sign3A_2379 = arith.extui %sign3A_2378 : vector<96x3xi1> to vector<96x3xi32>
    %sign3A_2380 = arith.constant 0 : i32
    %sign3A_2381 = vector.broadcast %sign3A_2380 : i32 to vector<96x3xi32>
    %sign3A_2382 = arith.cmpi slt, %iota3A_2372, %sign3A_2381 : vector<96x3xi32>
    %sign3A_2383 = arith.extui %sign3A_2382 : vector<96x3xi1> to vector<96x3xi32>
    %sign3A_2384 = arith.subi %sign3A_2379, %sign3A_2383 : vector<96x3xi32>
    %sign3A_2385 = arith.constant 0 : i32
    %sign3A_2386 = arith.cmpi sgt, %jit3A_2373, %sign3A_2385 : i32
    %sign3A_2387 = arith.extui %sign3A_2386 : i1 to i32
    %sign3A_2388 = arith.constant 0 : i32
    %sign3A_2389 = arith.cmpi slt, %jit3A_2373, %sign3A_2388 : i32
    %sign3A_2390 = arith.extui %sign3A_2389 : i1 to i32
    %sign3A_2391 = arith.subi %sign3A_2387, %sign3A_2390 : i32
    %ne3A_2392 = vector.broadcast %sign3A_2391 : i32 to vector<96x3xi32>
    %ne3A_2393 = arith.cmpi ne, %sign3A_2384, %ne3A_2392 : vector<96x3xi32>
    %rem3A_2394 = vector.broadcast %jit3A_2373 : i32 to vector<96x3xi32>
    %rem3A_2395 = arith.remsi %iota3A_2372, %rem3A_2394 : vector<96x3xi32>
    %ne3A_2396 = arith.constant 0 : i32
    %ne3A_2397 = vector.broadcast %ne3A_2396 : i32 to vector<96x3xi32>
    %ne3A_2398 = arith.cmpi ne, %rem3A_2395, %ne3A_2397 : vector<96x3xi32>
    %and3A_2399 = arith.andi %ne3A_2393, %ne3A_2398 : vector<96x3xi1>
    %sub3A_2400 = arith.constant 1 : i32
    %sub3A_2401 = vector.broadcast %sub3A_2400 : i32 to vector<96x3xi32>
    %sub3A_2402 = arith.subi %div3A_2375, %sub3A_2401 : vector<96x3xi32>
    %select_n3A_2403 = arith.select %and3A_2399, %sub3A_2402, %div3A_2375 : vector<96x3xi1>, vector<96x3xi32>
    %iota3A_2404 = tpu.iota {dimensions = array<i32: 1>} : vector<96x3xi32>
    %slice3A_2405 = vector.extract_strided_slice %dot_general3A_2302 {offsets = [0, 96], sizes = [96, 1], strides = [1, 1]} : vector<96x97xf32> to vector<96x1xf32>
    %eq3A_2406 = arith.cmpi eq, %select_n3A_2403, %iota3A_2404 : vector<96x3xi32>
    %convert_element_type3A_2407 = arith.extui %eq3A_2406 : vector<96x3xi1> to vector<96x3xi32>
    %convert_element_type3A_2408 = arith.sitofp %convert_element_type3A_2407 : vector<96x3xi32> to vector<96x3xf32>
    %mul3A_2409 = vector.broadcast %slice3A_2405 : vector<96x1xf32> to vector<96x3xf32>
    %mul3A_2410 = arith.mulf %mul3A_2409, %convert_element_type3A_2408 : vector<96x3xf32>
    %broadcast_in_dim3A_2411 = arith.constant 0.000000e+00 : f32
    %broadcast_in_dim3A_2412 = vector.broadcast %broadcast_in_dim3A_2411 : f32 to vector<96x29xf32>
    %concatenate3A_2413 = tpu.concatenate %mul3A_2371, %mul3A_2410, %broadcast_in_dim3A_2412 in 1 : vector<96x96xf32>, vector<96x3xf32>, vector<96x29xf32> -> vector<96x128xf32>
    %convert_element_type3A_2414 = arith.truncf %concatenate3A_2413 : vector<96x128xf32> to vector<96x128xbf16>
    %swap3A_2415 = arith.constant 0 : index
    %swap3A_2416 = arith.constant 11 : index
    %swap3A_2417 = arith.constant 0 : index
    %swap3A_2418 = arith.constant 0 : index
    %swap3A_2419 = vector.load %arg8[%swap3A_2415, %swap3A_2416, %swap3A_2417, %swap3A_2418] : memref<1x16x96x128xbf16, #tpu.memory_space<vmem>>, vector<1x1x96x128xbf16>
    %swap3A_2420 = vector.shape_cast %swap3A_2419 : vector<1x1x96x128xbf16> to vector<96x128xbf16>
    %swap3A_2421 = vector.shape_cast %convert_element_type3A_2414 : vector<96x128xbf16> to vector<1x1x96x128xbf16>
    tpu.vector_store %arg8[%swap3A_2415, %swap3A_2416, %swap3A_2417, %swap3A_2418], %swap3A_2421 {strides = array<i32>} : memref<1x16x96x128xbf16, #tpu.memory_space<vmem>>, vector<1x1x96x128xbf16>,
    %concatenate3A_2422 = tpu.concatenate %get3A_2273, %get3A_2279 in 0 : vector<96x196xf32>, vector<96x196xf32> -> vector<192x196xf32>
    %bitcast_convert_type3A_2423 = tpu.bitcast %concatenate3A_2422 : vector<192x196xf32> -> vector<192x196xi32>
    %and3A_2424 = arith.constant -65536 : i32
    %and3A_2425 = vector.broadcast %and3A_2424 : i32 to vector<192x196xi32>
    %and3A_2426 = arith.andi %bitcast_convert_type3A_2423, %and3A_2425 : vector<192x196xi32>
    %bitcast_convert_type3A_2427 = tpu.bitcast %and3A_2426 : vector<192x196xi32> -> vector<192x196xf32>
    %sub3A_2428 = arith.subf %concatenate3A_2422, %bitcast_convert_type3A_2427 : vector<192x196xf32>
    %bitcast_convert_type3A_2429 = tpu.bitcast %sub3A_2428 : vector<192x196xf32> -> vector<192x196xi32>
    %and3A_2430 = arith.constant -65536 : i32
    %and3A_2431 = vector.broadcast %and3A_2430 : i32 to vector<192x196xi32>
    %and3A_2432 = arith.andi %bitcast_convert_type3A_2429, %and3A_2431 : vector<192x196xi32>
    %bitcast_convert_type3A_2433 = tpu.bitcast %and3A_2432 : vector<192x196xi32> -> vector<192x196xf32>
    %sub3A_2434 = arith.subf %sub3A_2428, %bitcast_convert_type3A_2433 : vector<192x196xf32>
    %concatenate3A_2435 = tpu.concatenate %bitcast_convert_type3A_2427, %bitcast_convert_type3A_2433, %sub3A_2434, %get3A_2285 in 0 : vector<192x196xf32>, vector<192x196xf32>, vector<192x196xf32>, vector<96x196xf32> -> vector<672x196xf32>
    %dot_general3A_2436 = arith.constant dense<0.000000e+00> : vector<1x672xf32>
    %dot_general3A_2437 = tpu.matmul %broadcast_in_dim3A_0, %concatenate3A_2435, %dot_general3A_2436 {dimension_numbers = #tpu.dot_dimension_numbers<[1], [1], [0], [0], [0, 0, 1, 0], [], []>, transpose_lhs_hint = false} : vector<1x196xf32>, vector<672x196xf32>, vector<1x672xf32> -> vector<1x672xf32>
    %slice3A_2438 = vector.extract_strided_slice %dot_general3A_2437 {offsets = [0, 0], sizes = [1, 96], strides = [1, 1]} : vector<1x672xf32> to vector<1x96xf32>
    %slice3A_2439 = vector.extract_strided_slice %dot_general3A_2437 {offsets = [0, 192], sizes = [1, 96], strides = [1, 1]} : vector<1x672xf32> to vector<1x96xf32>
    %add3A_2440 = arith.addf %slice3A_2438, %slice3A_2439 : vector<1x96xf32>
    %slice3A_2441 = vector.extract_strided_slice %dot_general3A_2437 {offsets = [0, 384], sizes = [1, 96], strides = [1, 1]} : vector<1x672xf32> to vector<1x96xf32>
    %add3A_2442 = arith.addf %add3A_2440, %slice3A_2441 : vector<1x96xf32>
    %mul3A_2443 = arith.constant 0.00510204071 : f32
    %mul3A_2444 = vector.broadcast %mul3A_2443 : f32 to vector<1x96xf32>
    %mul3A_2445 = arith.mulf %add3A_2442, %mul3A_2444 : vector<1x96xf32>
    %swap3A_2446 = arith.constant 0 : index
    %swap3A_2447 = arith.constant 11 : index
    %swap3A_2448 = arith.constant 0 : index
    %swap3A_2449 = vector.load %arg5[%swap3A_2446, %swap3A_2447, %swap3A_2448] : memref<1x16x96xf32, #tpu.memory_space<vmem>>, vector<1x1x96xf32>
    %swap3A_2450 = vector.shape_cast %swap3A_2449 : vector<1x1x96xf32> to vector<1x96xf32>
    %swap3A_2451 = vector.shape_cast %mul3A_2445 : vector<1x96xf32> to vector<1x1x96xf32>
    tpu.vector_store %arg5[%swap3A_2446, %swap3A_2447, %swap3A_2448], %swap3A_2451 {strides = array<i32>} : memref<1x16x96xf32, #tpu.memory_space<vmem>>, vector<1x1x96xf32>,
    %slice3A_2452 = vector.extract_strided_slice %dot_general3A_2437 {offsets = [0, 96], sizes = [1, 96], strides = [1, 1]} : vector<1x672xf32> to vector<1x96xf32>
    %slice3A_2453 = vector.extract_strided_slice %dot_general3A_2437 {offsets = [0, 288], sizes = [1, 96], strides = [1, 1]} : vector<1x672xf32> to vector<1x96xf32>
    %add3A_2454 = arith.addf %slice3A_2452, %slice3A_2453 : vector<1x96xf32>
    %slice3A_2455 = vector.extract_strided_slice %dot_general3A_2437 {offsets = [0, 480], sizes = [1, 96], strides = [1, 1]} : vector<1x672xf32> to vector<1x96xf32>
    %add3A_2456 = arith.addf %add3A_2454, %slice3A_2455 : vector<1x96xf32>
    %mul3A_2457 = arith.constant 0.00510204071 : f32
    %mul3A_2458 = vector.broadcast %mul3A_2457 : f32 to vector<1x96xf32>
    %mul3A_2459 = arith.mulf %add3A_2456, %mul3A_2458 : vector<1x96xf32>
    %swap3A_2460 = arith.constant 0 : index
    %swap3A_2461 = arith.constant 11 : index
    %swap3A_2462 = arith.constant 0 : index
    %swap3A_2463 = vector.load %arg6[%swap3A_2460, %swap3A_2461, %swap3A_2462] : memref<1x16x96xf32, #tpu.memory_space<vmem>>, vector<1x1x96xf32>
    %swap3A_2464 = vector.shape_cast %swap3A_2463 : vector<1x1x96xf32> to vector<1x96xf32>
    %swap3A_2465 = vector.shape_cast %mul3A_2459 : vector<1x96xf32> to vector<1x1x96xf32>
    tpu.vector_store %arg6[%swap3A_2460, %swap3A_2461, %swap3A_2462], %swap3A_2465 {strides = array<i32>} : memref<1x16x96xf32, #tpu.memory_space<vmem>>, vector<1x1x96xf32>,
    %slice3A_2466 = vector.extract_strided_slice %dot_general3A_2437 {offsets = [0, 576], sizes = [1, 96], strides = [1, 1]} : vector<1x672xf32> to vector<1x96xf32>
    %mul3A_2467 = arith.constant 0.00510204071 : f32
    %mul3A_2468 = vector.broadcast %mul3A_2467 : f32 to vector<1x96xf32>
    %mul3A_2469 = arith.mulf %slice3A_2466, %mul3A_2468 : vector<1x96xf32>
    %swap3A_2470 = arith.constant 0 : index
    %swap3A_2471 = arith.constant 11 : index
    %swap3A_2472 = arith.constant 0 : index
    %swap3A_2473 = vector.load %arg7[%swap3A_2470, %swap3A_2471, %swap3A_2472] : memref<1x16x96xf32, #tpu.memory_space<vmem>>, vector<1x1x96xf32>
    %swap3A_2474 = vector.shape_cast %swap3A_2473 : vector<1x1x96xf32> to vector<1x96xf32>
    %swap3A_2475 = vector.shape_cast %mul3A_2469 : vector<1x96xf32> to vector<1x1x96xf32>
    tpu.vector_store %arg7[%swap3A_2470, %swap3A_2471, %swap3A_2472], %swap3A_2475 {strides = array<i32>} : memref<1x16x96xf32, #tpu.memory_space<vmem>>, vector<1x1x96xf32>,
    %get3A_2476 = arith.constant 0 : index
    %get3A_2477 = arith.constant 12 : index
    %get3A_2478 = arith.constant 0 : index
    %get3A_2479 = arith.constant 0 : index
    %get3A_2480 = vector.load %arg2[%get3A_2476, %get3A_2477, %get3A_2478, %get3A_2479] : memref<1x16x96x196xf32, #tpu.memory_space<vmem>>, vector<1x1x96x196xf32>
    %get3A_2481 = vector.shape_cast %get3A_2480 : vector<1x1x96x196xf32> to vector<96x196xf32>
    %get3A_2482 = arith.constant 0 : index
    %get3A_2483 = arith.constant 12 : index
    %get3A_2484 = arith.constant 0 : index
    %get3A_2485 = arith.constant 0 : index
    %get3A_2486 = vector.load %arg3[%get3A_2482, %get3A_2483, %get3A_2484, %get3A_2485] : memref<1x16x96x196xf32, #tpu.memory_space<vmem>>, vector<1x1x96x196xf32>
    %get3A_2487 = vector.shape_cast %get3A_2486 : vector<1x1x96x196xf32> to vector<96x196xf32>
    %get3A_2488 = arith.constant 0 : index
    %get3A_2489 = arith.constant 12 : index
    %get3A_2490 = arith.constant 0 : index
    %get3A_2491 = arith.constant 0 : index
    %get3A_2492 = vector.load %arg4[%get3A_2488, %get3A_2489, %get3A_2490, %get3A_2491] : memref<1x16x96x196xf32, #tpu.memory_space<vmem>>, vector<1x1x96x196xf32>
    %get3A_2493 = vector.shape_cast %get3A_2492 : vector<1x1x96x196xf32> to vector<96x196xf32>
    %gt3A_2494 = arith.constant 0.000000e+00 : f32
    %gt3A_2495 = vector.broadcast %gt3A_2494 : f32 to vector<96x196xf32>
    %gt3A_2496 = arith.cmpf ogt, %get3A_2487, %gt3A_2495 : vector<96x196xf32>
    %add3A_2497 = arith.constant 1.000000e+00 : f32
    %add3A_2498 = vector.broadcast %add3A_2497 : f32 to vector<96x196xf32>
    %add3A_2499 = arith.addf %get3A_2487, %add3A_2498 : vector<96x196xf32>
    %gt3A_2500 = arith.constant 0.000000e+00 : f32
    %gt3A_2501 = vector.broadcast %gt3A_2500 : f32 to vector<96x196xf32>
    %gt3A_2502 = arith.cmpf ogt, %get3A_2487, %gt3A_2501 : vector<96x196xf32>
    %jit3A_2503 = arith.constant 0.000000e+00 : f32
    %broadcast_in_dim3A_2504 = vector.broadcast %jit3A_2503 : f32 to vector<96x196xf32>
    %select_n3A_2505 = arith.select %gt3A_2502, %broadcast_in_dim3A_2504, %get3A_2487 : vector<96x196xi1>, vector<96x196xf32>
    %exp3A_2506 = math.exp %select_n3A_2505 : vector<96x196xf32>
    %select_n3A_2507 = arith.select %gt3A_2496, %add3A_2499, %exp3A_2506 : vector<96x196xi1>, vector<96x196xf32>
    %concatenate3A_2508 = tpu.concatenate %get3A_2493, %broadcast_in_dim3A_0 in 0 : vector<96x196xf32>, vector<1x196xf32> -> vector<97x196xf32>
    %dot_general3A_2509 = arith.constant dense<0.000000e+00> : vector<96x97xf32>
    %dot_general3A_2510 = tpu.matmul %select_n3A_2507, %concatenate3A_2508, %dot_general3A_2509 {dimension_numbers = #tpu.dot_dimension_numbers<[1], [1], [0], [0], [0, 0, 1, 0], [], []>, transpose_lhs_hint = false} : vector<96x196xf32>, vector<97x196xf32>, vector<96x97xf32> -> vector<96x97xf32>
    %iota3A_2511 = tpu.iota {dimensions = array<i32: 0>} : vector<96x96xi32>
    %jit3A_2512 = arith.constant 32 : i32
    %div3A_2513 = vector.broadcast %jit3A_2512 : i32 to vector<96x96xi32>
    %div3A_2514 = arith.divsi %iota3A_2511, %div3A_2513 : vector<96x96xi32>
    %sign3A_2515 = arith.constant 0 : i32
    %sign3A_2516 = vector.broadcast %sign3A_2515 : i32 to vector<96x96xi32>
    %sign3A_2517 = arith.cmpi sgt, %iota3A_2511, %sign3A_2516 : vector<96x96xi32>
    %sign3A_2518 = arith.extui %sign3A_2517 : vector<96x96xi1> to vector<96x96xi32>
    %sign3A_2519 = arith.constant 0 : i32
    %sign3A_2520 = vector.broadcast %sign3A_2519 : i32 to vector<96x96xi32>
    %sign3A_2521 = arith.cmpi slt, %iota3A_2511, %sign3A_2520 : vector<96x96xi32>
    %sign3A_2522 = arith.extui %sign3A_2521 : vector<96x96xi1> to vector<96x96xi32>
    %sign3A_2523 = arith.subi %sign3A_2518, %sign3A_2522 : vector<96x96xi32>
    %sign3A_2524 = arith.constant 0 : i32
    %sign3A_2525 = arith.cmpi sgt, %jit3A_2512, %sign3A_2524 : i32
    %sign3A_2526 = arith.extui %sign3A_2525 : i1 to i32
    %sign3A_2527 = arith.constant 0 : i32
    %sign3A_2528 = arith.cmpi slt, %jit3A_2512, %sign3A_2527 : i32
    %sign3A_2529 = arith.extui %sign3A_2528 : i1 to i32
    %sign3A_2530 = arith.subi %sign3A_2526, %sign3A_2529 : i32
    %ne3A_2531 = vector.broadcast %sign3A_2530 : i32 to vector<96x96xi32>
    %ne3A_2532 = arith.cmpi ne, %sign3A_2523, %ne3A_2531 : vector<96x96xi32>
    %rem3A_2533 = vector.broadcast %jit3A_2512 : i32 to vector<96x96xi32>
    %rem3A_2534 = arith.remsi %iota3A_2511, %rem3A_2533 : vector<96x96xi32>
    %ne3A_2535 = arith.constant 0 : i32
    %ne3A_2536 = vector.broadcast %ne3A_2535 : i32 to vector<96x96xi32>
    %ne3A_2537 = arith.cmpi ne, %rem3A_2534, %ne3A_2536 : vector<96x96xi32>
    %and3A_2538 = arith.andi %ne3A_2532, %ne3A_2537 : vector<96x96xi1>
    %sub3A_2539 = arith.constant 1 : i32
    %sub3A_2540 = vector.broadcast %sub3A_2539 : i32 to vector<96x96xi32>
    %sub3A_2541 = arith.subi %div3A_2514, %sub3A_2540 : vector<96x96xi32>
    %select_n3A_2542 = arith.select %and3A_2538, %sub3A_2541, %div3A_2514 : vector<96x96xi1>, vector<96x96xi32>
    %iota3A_2543 = tpu.iota {dimensions = array<i32: 1>} : vector<96x96xi32>
    %jit3A_2544 = arith.constant 32 : i32
    %div3A_2545 = vector.broadcast %jit3A_2544 : i32 to vector<96x96xi32>
    %div3A_2546 = arith.divsi %iota3A_2543, %div3A_2545 : vector<96x96xi32>
    %sign3A_2547 = arith.constant 0 : i32
    %sign3A_2548 = vector.broadcast %sign3A_2547 : i32 to vector<96x96xi32>
    %sign3A_2549 = arith.cmpi sgt, %iota3A_2543, %sign3A_2548 : vector<96x96xi32>
    %sign3A_2550 = arith.extui %sign3A_2549 : vector<96x96xi1> to vector<96x96xi32>
    %sign3A_2551 = arith.constant 0 : i32
    %sign3A_2552 = vector.broadcast %sign3A_2551 : i32 to vector<96x96xi32>
    %sign3A_2553 = arith.cmpi slt, %iota3A_2543, %sign3A_2552 : vector<96x96xi32>
    %sign3A_2554 = arith.extui %sign3A_2553 : vector<96x96xi1> to vector<96x96xi32>
    %sign3A_2555 = arith.subi %sign3A_2550, %sign3A_2554 : vector<96x96xi32>
    %sign3A_2556 = arith.constant 0 : i32
    %sign3A_2557 = arith.cmpi sgt, %jit3A_2544, %sign3A_2556 : i32
    %sign3A_2558 = arith.extui %sign3A_2557 : i1 to i32
    %sign3A_2559 = arith.constant 0 : i32
    %sign3A_2560 = arith.cmpi slt, %jit3A_2544, %sign3A_2559 : i32
    %sign3A_2561 = arith.extui %sign3A_2560 : i1 to i32
    %sign3A_2562 = arith.subi %sign3A_2558, %sign3A_2561 : i32
    %ne3A_2563 = vector.broadcast %sign3A_2562 : i32 to vector<96x96xi32>
    %ne3A_2564 = arith.cmpi ne, %sign3A_2555, %ne3A_2563 : vector<96x96xi32>
    %rem3A_2565 = vector.broadcast %jit3A_2544 : i32 to vector<96x96xi32>
    %rem3A_2566 = arith.remsi %iota3A_2543, %rem3A_2565 : vector<96x96xi32>
    %ne3A_2567 = arith.constant 0 : i32
    %ne3A_2568 = vector.broadcast %ne3A_2567 : i32 to vector<96x96xi32>
    %ne3A_2569 = arith.cmpi ne, %rem3A_2566, %ne3A_2568 : vector<96x96xi32>
    %and3A_2570 = arith.andi %ne3A_2564, %ne3A_2569 : vector<96x96xi1>
    %sub3A_2571 = arith.constant 1 : i32
    %sub3A_2572 = vector.broadcast %sub3A_2571 : i32 to vector<96x96xi32>
    %sub3A_2573 = arith.subi %div3A_2546, %sub3A_2572 : vector<96x96xi32>
    %select_n3A_2574 = arith.select %and3A_2570, %sub3A_2573, %div3A_2546 : vector<96x96xi1>, vector<96x96xi32>
    %slice3A_2575 = vector.extract_strided_slice %dot_general3A_2510 {offsets = [0, 0], sizes = [96, 96], strides = [1, 1]} : vector<96x97xf32> to vector<96x96xf32>
    %eq3A_2576 = arith.cmpi eq, %select_n3A_2542, %select_n3A_2574 : vector<96x96xi32>
    %convert_element_type3A_2577 = arith.extui %eq3A_2576 : vector<96x96xi1> to vector<96x96xi32>
    %convert_element_type3A_2578 = arith.sitofp %convert_element_type3A_2577 : vector<96x96xi32> to vector<96x96xf32>
    %mul3A_2579 = arith.mulf %slice3A_2575, %convert_element_type3A_2578 : vector<96x96xf32>
    %iota3A_2580 = tpu.iota {dimensions = array<i32: 0>} : vector<96x3xi32>
    %jit3A_2581 = arith.constant 32 : i32
    %div3A_2582 = vector.broadcast %jit3A_2581 : i32 to vector<96x3xi32>
    %div3A_2583 = arith.divsi %iota3A_2580, %div3A_2582 : vector<96x3xi32>
    %sign3A_2584 = arith.constant 0 : i32
    %sign3A_2585 = vector.broadcast %sign3A_2584 : i32 to vector<96x3xi32>
    %sign3A_2586 = arith.cmpi sgt, %iota3A_2580, %sign3A_2585 : vector<96x3xi32>
    %sign3A_2587 = arith.extui %sign3A_2586 : vector<96x3xi1> to vector<96x3xi32>
    %sign3A_2588 = arith.constant 0 : i32
    %sign3A_2589 = vector.broadcast %sign3A_2588 : i32 to vector<96x3xi32>
    %sign3A_2590 = arith.cmpi slt, %iota3A_2580, %sign3A_2589 : vector<96x3xi32>
    %sign3A_2591 = arith.extui %sign3A_2590 : vector<96x3xi1> to vector<96x3xi32>
    %sign3A_2592 = arith.subi %sign3A_2587, %sign3A_2591 : vector<96x3xi32>
    %sign3A_2593 = arith.constant 0 : i32
    %sign3A_2594 = arith.cmpi sgt, %jit3A_2581, %sign3A_2593 : i32
    %sign3A_2595 = arith.extui %sign3A_2594 : i1 to i32
    %sign3A_2596 = arith.constant 0 : i32
    %sign3A_2597 = arith.cmpi slt, %jit3A_2581, %sign3A_2596 : i32
    %sign3A_2598 = arith.extui %sign3A_2597 : i1 to i32
    %sign3A_2599 = arith.subi %sign3A_2595, %sign3A_2598 : i32
    %ne3A_2600 = vector.broadcast %sign3A_2599 : i32 to vector<96x3xi32>
    %ne3A_2601 = arith.cmpi ne, %sign3A_2592, %ne3A_2600 : vector<96x3xi32>
    %rem3A_2602 = vector.broadcast %jit3A_2581 : i32 to vector<96x3xi32>
    %rem3A_2603 = arith.remsi %iota3A_2580, %rem3A_2602 : vector<96x3xi32>
    %ne3A_2604 = arith.constant 0 : i32
    %ne3A_2605 = vector.broadcast %ne3A_2604 : i32 to vector<96x3xi32>
    %ne3A_2606 = arith.cmpi ne, %rem3A_2603, %ne3A_2605 : vector<96x3xi32>
    %and3A_2607 = arith.andi %ne3A_2601, %ne3A_2606 : vector<96x3xi1>
    %sub3A_2608 = arith.constant 1 : i32
    %sub3A_2609 = vector.broadcast %sub3A_2608 : i32 to vector<96x3xi32>
    %sub3A_2610 = arith.subi %div3A_2583, %sub3A_2609 : vector<96x3xi32>
    %select_n3A_2611 = arith.select %and3A_2607, %sub3A_2610, %div3A_2583 : vector<96x3xi1>, vector<96x3xi32>
    %iota3A_2612 = tpu.iota {dimensions = array<i32: 1>} : vector<96x3xi32>
    %slice3A_2613 = vector.extract_strided_slice %dot_general3A_2510 {offsets = [0, 96], sizes = [96, 1], strides = [1, 1]} : vector<96x97xf32> to vector<96x1xf32>
    %eq3A_2614 = arith.cmpi eq, %select_n3A_2611, %iota3A_2612 : vector<96x3xi32>
    %convert_element_type3A_2615 = arith.extui %eq3A_2614 : vector<96x3xi1> to vector<96x3xi32>
    %convert_element_type3A_2616 = arith.sitofp %convert_element_type3A_2615 : vector<96x3xi32> to vector<96x3xf32>
    %mul3A_2617 = vector.broadcast %slice3A_2613 : vector<96x1xf32> to vector<96x3xf32>
    %mul3A_2618 = arith.mulf %mul3A_2617, %convert_element_type3A_2616 : vector<96x3xf32>
    %broadcast_in_dim3A_2619 = arith.constant 0.000000e+00 : f32
    %broadcast_in_dim3A_2620 = vector.broadcast %broadcast_in_dim3A_2619 : f32 to vector<96x29xf32>
    %concatenate3A_2621 = tpu.concatenate %mul3A_2579, %mul3A_2618, %broadcast_in_dim3A_2620 in 1 : vector<96x96xf32>, vector<96x3xf32>, vector<96x29xf32> -> vector<96x128xf32>
    %convert_element_type3A_2622 = arith.truncf %concatenate3A_2621 : vector<96x128xf32> to vector<96x128xbf16>
    %swap3A_2623 = arith.constant 0 : index
    %swap3A_2624 = arith.constant 12 : index
    %swap3A_2625 = arith.constant 0 : index
    %swap3A_2626 = arith.constant 0 : index
    %swap3A_2627 = vector.load %arg8[%swap3A_2623, %swap3A_2624, %swap3A_2625, %swap3A_2626] : memref<1x16x96x128xbf16, #tpu.memory_space<vmem>>, vector<1x1x96x128xbf16>
    %swap3A_2628 = vector.shape_cast %swap3A_2627 : vector<1x1x96x128xbf16> to vector<96x128xbf16>
    %swap3A_2629 = vector.shape_cast %convert_element_type3A_2622 : vector<96x128xbf16> to vector<1x1x96x128xbf16>
    tpu.vector_store %arg8[%swap3A_2623, %swap3A_2624, %swap3A_2625, %swap3A_2626], %swap3A_2629 {strides = array<i32>} : memref<1x16x96x128xbf16, #tpu.memory_space<vmem>>, vector<1x1x96x128xbf16>,
    %concatenate3A_2630 = tpu.concatenate %get3A_2481, %get3A_2487 in 0 : vector<96x196xf32>, vector<96x196xf32> -> vector<192x196xf32>
    %bitcast_convert_type3A_2631 = tpu.bitcast %concatenate3A_2630 : vector<192x196xf32> -> vector<192x196xi32>
    %and3A_2632 = arith.constant -65536 : i32
    %and3A_2633 = vector.broadcast %and3A_2632 : i32 to vector<192x196xi32>
    %and3A_2634 = arith.andi %bitcast_convert_type3A_2631, %and3A_2633 : vector<192x196xi32>
    %bitcast_convert_type3A_2635 = tpu.bitcast %and3A_2634 : vector<192x196xi32> -> vector<192x196xf32>
    %sub3A_2636 = arith.subf %concatenate3A_2630, %bitcast_convert_type3A_2635 : vector<192x196xf32>
    %bitcast_convert_type3A_2637 = tpu.bitcast %sub3A_2636 : vector<192x196xf32> -> vector<192x196xi32>
    %and3A_2638 = arith.constant -65536 : i32
    %and3A_2639 = vector.broadcast %and3A_2638 : i32 to vector<192x196xi32>
    %and3A_2640 = arith.andi %bitcast_convert_type3A_2637, %and3A_2639 : vector<192x196xi32>
    %bitcast_convert_type3A_2641 = tpu.bitcast %and3A_2640 : vector<192x196xi32> -> vector<192x196xf32>
    %sub3A_2642 = arith.subf %sub3A_2636, %bitcast_convert_type3A_2641 : vector<192x196xf32>
    %concatenate3A_2643 = tpu.concatenate %bitcast_convert_type3A_2635, %bitcast_convert_type3A_2641, %sub3A_2642, %get3A_2493 in 0 : vector<192x196xf32>, vector<192x196xf32>, vector<192x196xf32>, vector<96x196xf32> -> vector<672x196xf32>
    %dot_general3A_2644 = arith.constant dense<0.000000e+00> : vector<1x672xf32>
    %dot_general3A_2645 = tpu.matmul %broadcast_in_dim3A_0, %concatenate3A_2643, %dot_general3A_2644 {dimension_numbers = #tpu.dot_dimension_numbers<[1], [1], [0], [0], [0, 0, 1, 0], [], []>, transpose_lhs_hint = false} : vector<1x196xf32>, vector<672x196xf32>, vector<1x672xf32> -> vector<1x672xf32>
    %slice3A_2646 = vector.extract_strided_slice %dot_general3A_2645 {offsets = [0, 0], sizes = [1, 96], strides = [1, 1]} : vector<1x672xf32> to vector<1x96xf32>
    %slice3A_2647 = vector.extract_strided_slice %dot_general3A_2645 {offsets = [0, 192], sizes = [1, 96], strides = [1, 1]} : vector<1x672xf32> to vector<1x96xf32>
    %add3A_2648 = arith.addf %slice3A_2646, %slice3A_2647 : vector<1x96xf32>
    %slice3A_2649 = vector.extract_strided_slice %dot_general3A_2645 {offsets = [0, 384], sizes = [1, 96], strides = [1, 1]} : vector<1x672xf32> to vector<1x96xf32>
    %add3A_2650 = arith.addf %add3A_2648, %slice3A_2649 : vector<1x96xf32>
    %mul3A_2651 = arith.constant 0.00510204071 : f32
    %mul3A_2652 = vector.broadcast %mul3A_2651 : f32 to vector<1x96xf32>
    %mul3A_2653 = arith.mulf %add3A_2650, %mul3A_2652 : vector<1x96xf32>
    %swap3A_2654 = arith.constant 0 : index
    %swap3A_2655 = arith.constant 12 : index
    %swap3A_2656 = arith.constant 0 : index
    %swap3A_2657 = vector.load %arg5[%swap3A_2654, %swap3A_2655, %swap3A_2656] : memref<1x16x96xf32, #tpu.memory_space<vmem>>, vector<1x1x96xf32>
    %swap3A_2658 = vector.shape_cast %swap3A_2657 : vector<1x1x96xf32> to vector<1x96xf32>
    %swap3A_2659 = vector.shape_cast %mul3A_2653 : vector<1x96xf32> to vector<1x1x96xf32>
    tpu.vector_store %arg5[%swap3A_2654, %swap3A_2655, %swap3A_2656], %swap3A_2659 {strides = array<i32>} : memref<1x16x96xf32, #tpu.memory_space<vmem>>, vector<1x1x96xf32>,
    %slice3A_2660 = vector.extract_strided_slice %dot_general3A_2645 {offsets = [0, 96], sizes = [1, 96], strides = [1, 1]} : vector<1x672xf32> to vector<1x96xf32>
    %slice3A_2661 = vector.extract_strided_slice %dot_general3A_2645 {offsets = [0, 288], sizes = [1, 96], strides = [1, 1]} : vector<1x672xf32> to vector<1x96xf32>
    %add3A_2662 = arith.addf %slice3A_2660, %slice3A_2661 : vector<1x96xf32>
    %slice3A_2663 = vector.extract_strided_slice %dot_general3A_2645 {offsets = [0, 480], sizes = [1, 96], strides = [1, 1]} : vector<1x672xf32> to vector<1x96xf32>
    %add3A_2664 = arith.addf %add3A_2662, %slice3A_2663 : vector<1x96xf32>
    %mul3A_2665 = arith.constant 0.00510204071 : f32
    %mul3A_2666 = vector.broadcast %mul3A_2665 : f32 to vector<1x96xf32>
    %mul3A_2667 = arith.mulf %add3A_2664, %mul3A_2666 : vector<1x96xf32>
    %swap3A_2668 = arith.constant 0 : index
    %swap3A_2669 = arith.constant 12 : index
    %swap3A_2670 = arith.constant 0 : index
    %swap3A_2671 = vector.load %arg6[%swap3A_2668, %swap3A_2669, %swap3A_2670] : memref<1x16x96xf32, #tpu.memory_space<vmem>>, vector<1x1x96xf32>
    %swap3A_2672 = vector.shape_cast %swap3A_2671 : vector<1x1x96xf32> to vector<1x96xf32>
    %swap3A_2673 = vector.shape_cast %mul3A_2667 : vector<1x96xf32> to vector<1x1x96xf32>
    tpu.vector_store %arg6[%swap3A_2668, %swap3A_2669, %swap3A_2670], %swap3A_2673 {strides = array<i32>} : memref<1x16x96xf32, #tpu.memory_space<vmem>>, vector<1x1x96xf32>,
    %slice3A_2674 = vector.extract_strided_slice %dot_general3A_2645 {offsets = [0, 576], sizes = [1, 96], strides = [1, 1]} : vector<1x672xf32> to vector<1x96xf32>
    %mul3A_2675 = arith.constant 0.00510204071 : f32
    %mul3A_2676 = vector.broadcast %mul3A_2675 : f32 to vector<1x96xf32>
    %mul3A_2677 = arith.mulf %slice3A_2674, %mul3A_2676 : vector<1x96xf32>
    %swap3A_2678 = arith.constant 0 : index
    %swap3A_2679 = arith.constant 12 : index
    %swap3A_2680 = arith.constant 0 : index
    %swap3A_2681 = vector.load %arg7[%swap3A_2678, %swap3A_2679, %swap3A_2680] : memref<1x16x96xf32, #tpu.memory_space<vmem>>, vector<1x1x96xf32>
    %swap3A_2682 = vector.shape_cast %swap3A_2681 : vector<1x1x96xf32> to vector<1x96xf32>
    %swap3A_2683 = vector.shape_cast %mul3A_2677 : vector<1x96xf32> to vector<1x1x96xf32>
    tpu.vector_store %arg7[%swap3A_2678, %swap3A_2679, %swap3A_2680], %swap3A_2683 {strides = array<i32>} : memref<1x16x96xf32, #tpu.memory_space<vmem>>, vector<1x1x96xf32>,
    %get3A_2684 = arith.constant 0 : index
    %get3A_2685 = arith.constant 13 : index
    %get3A_2686 = arith.constant 0 : index
    %get3A_2687 = arith.constant 0 : index
    %get3A_2688 = vector.load %arg2[%get3A_2684, %get3A_2685, %get3A_2686, %get3A_2687] : memref<1x16x96x196xf32, #tpu.memory_space<vmem>>, vector<1x1x96x196xf32>
    %get3A_2689 = vector.shape_cast %get3A_2688 : vector<1x1x96x196xf32> to vector<96x196xf32>
    %get3A_2690 = arith.constant 0 : index
    %get3A_2691 = arith.constant 13 : index
    %get3A_2692 = arith.constant 0 : index
    %get3A_2693 = arith.constant 0 : index
    %get3A_2694 = vector.load %arg3[%get3A_2690, %get3A_2691, %get3A_2692, %get3A_2693] : memref<1x16x96x196xf32, #tpu.memory_space<vmem>>, vector<1x1x96x196xf32>
    %get3A_2695 = vector.shape_cast %get3A_2694 : vector<1x1x96x196xf32> to vector<96x196xf32>
    %get3A_2696 = arith.constant 0 : index
    %get3A_2697 = arith.constant 13 : index
    %get3A_2698 = arith.constant 0 : index
    %get3A_2699 = arith.constant 0 : index
    %get3A_2700 = vector.load %arg4[%get3A_2696, %get3A_2697, %get3A_2698, %get3A_2699] : memref<1x16x96x196xf32, #tpu.memory_space<vmem>>, vector<1x1x96x196xf32>
    %get3A_2701 = vector.shape_cast %get3A_2700 : vector<1x1x96x196xf32> to vector<96x196xf32>
    %gt3A_2702 = arith.constant 0.000000e+00 : f32
    %gt3A_2703 = vector.broadcast %gt3A_2702 : f32 to vector<96x196xf32>
    %gt3A_2704 = arith.cmpf ogt, %get3A_2695, %gt3A_2703 : vector<96x196xf32>
    %add3A_2705 = arith.constant 1.000000e+00 : f32
    %add3A_2706 = vector.broadcast %add3A_2705 : f32 to vector<96x196xf32>
    %add3A_2707 = arith.addf %get3A_2695, %add3A_2706 : vector<96x196xf32>
    %gt3A_2708 = arith.constant 0.000000e+00 : f32
    %gt3A_2709 = vector.broadcast %gt3A_2708 : f32 to vector<96x196xf32>
    %gt3A_2710 = arith.cmpf ogt, %get3A_2695, %gt3A_2709 : vector<96x196xf32>
    %jit3A_2711 = arith.constant 0.000000e+00 : f32
    %broadcast_in_dim3A_2712 = vector.broadcast %jit3A_2711 : f32 to vector<96x196xf32>
    %select_n3A_2713 = arith.select %gt3A_2710, %broadcast_in_dim3A_2712, %get3A_2695 : vector<96x196xi1>, vector<96x196xf32>
    %exp3A_2714 = math.exp %select_n3A_2713 : vector<96x196xf32>
    %select_n3A_2715 = arith.select %gt3A_2704, %add3A_2707, %exp3A_2714 : vector<96x196xi1>, vector<96x196xf32>
    %concatenate3A_2716 = tpu.concatenate %get3A_2701, %broadcast_in_dim3A_0 in 0 : vector<96x196xf32>, vector<1x196xf32> -> vector<97x196xf32>
    %dot_general3A_2717 = arith.constant dense<0.000000e+00> : vector<96x97xf32>
    %dot_general3A_2718 = tpu.matmul %select_n3A_2715, %concatenate3A_2716, %dot_general3A_2717 {dimension_numbers = #tpu.dot_dimension_numbers<[1], [1], [0], [0], [0, 0, 1, 0], [], []>, transpose_lhs_hint = false} : vector<96x196xf32>, vector<97x196xf32>, vector<96x97xf32> -> vector<96x97xf32>
    %iota3A_2719 = tpu.iota {dimensions = array<i32: 0>} : vector<96x96xi32>
    %jit3A_2720 = arith.constant 32 : i32
    %div3A_2721 = vector.broadcast %jit3A_2720 : i32 to vector<96x96xi32>
    %div3A_2722 = arith.divsi %iota3A_2719, %div3A_2721 : vector<96x96xi32>
    %sign3A_2723 = arith.constant 0 : i32
    %sign3A_2724 = vector.broadcast %sign3A_2723 : i32 to vector<96x96xi32>
    %sign3A_2725 = arith.cmpi sgt, %iota3A_2719, %sign3A_2724 : vector<96x96xi32>
    %sign3A_2726 = arith.extui %sign3A_2725 : vector<96x96xi1> to vector<96x96xi32>
    %sign3A_2727 = arith.constant 0 : i32
    %sign3A_2728 = vector.broadcast %sign3A_2727 : i32 to vector<96x96xi32>
    %sign3A_2729 = arith.cmpi slt, %iota3A_2719, %sign3A_2728 : vector<96x96xi32>
    %sign3A_2730 = arith.extui %sign3A_2729 : vector<96x96xi1> to vector<96x96xi32>
    %sign3A_2731 = arith.subi %sign3A_2726, %sign3A_2730 : vector<96x96xi32>
    %sign3A_2732 = arith.constant 0 : i32
    %sign3A_2733 = arith.cmpi sgt, %jit3A_2720, %sign3A_2732 : i32
    %sign3A_2734 = arith.extui %sign3A_2733 : i1 to i32
    %sign3A_2735 = arith.constant 0 : i32
    %sign3A_2736 = arith.cmpi slt, %jit3A_2720, %sign3A_2735 : i32
    %sign3A_2737 = arith.extui %sign3A_2736 : i1 to i32
    %sign3A_2738 = arith.subi %sign3A_2734, %sign3A_2737 : i32
    %ne3A_2739 = vector.broadcast %sign3A_2738 : i32 to vector<96x96xi32>
    %ne3A_2740 = arith.cmpi ne, %sign3A_2731, %ne3A_2739 : vector<96x96xi32>
    %rem3A_2741 = vector.broadcast %jit3A_2720 : i32 to vector<96x96xi32>
    %rem3A_2742 = arith.remsi %iota3A_2719, %rem3A_2741 : vector<96x96xi32>
    %ne3A_2743 = arith.constant 0 : i32
    %ne3A_2744 = vector.broadcast %ne3A_2743 : i32 to vector<96x96xi32>
    %ne3A_2745 = arith.cmpi ne, %rem3A_2742, %ne3A_2744 : vector<96x96xi32>
    %and3A_2746 = arith.andi %ne3A_2740, %ne3A_2745 : vector<96x96xi1>
    %sub3A_2747 = arith.constant 1 : i32
    %sub3A_2748 = vector.broadcast %sub3A_2747 : i32 to vector<96x96xi32>
    %sub3A_2749 = arith.subi %div3A_2722, %sub3A_2748 : vector<96x96xi32>
    %select_n3A_2750 = arith.select %and3A_2746, %sub3A_2749, %div3A_2722 : vector<96x96xi1>, vector<96x96xi32>
    %iota3A_2751 = tpu.iota {dimensions = array<i32: 1>} : vector<96x96xi32>
    %jit3A_2752 = arith.constant 32 : i32
    %div3A_2753 = vector.broadcast %jit3A_2752 : i32 to vector<96x96xi32>
    %div3A_2754 = arith.divsi %iota3A_2751, %div3A_2753 : vector<96x96xi32>
    %sign3A_2755 = arith.constant 0 : i32
    %sign3A_2756 = vector.broadcast %sign3A_2755 : i32 to vector<96x96xi32>
    %sign3A_2757 = arith.cmpi sgt, %iota3A_2751, %sign3A_2756 : vector<96x96xi32>
    %sign3A_2758 = arith.extui %sign3A_2757 : vector<96x96xi1> to vector<96x96xi32>
    %sign3A_2759 = arith.constant 0 : i32
    %sign3A_2760 = vector.broadcast %sign3A_2759 : i32 to vector<96x96xi32>
    %sign3A_2761 = arith.cmpi slt, %iota3A_2751, %sign3A_2760 : vector<96x96xi32>
    %sign3A_2762 = arith.extui %sign3A_2761 : vector<96x96xi1> to vector<96x96xi32>
    %sign3A_2763 = arith.subi %sign3A_2758, %sign3A_2762 : vector<96x96xi32>
    %sign3A_2764 = arith.constant 0 : i32
    %sign3A_2765 = arith.cmpi sgt, %jit3A_2752, %sign3A_2764 : i32
    %sign3A_2766 = arith.extui %sign3A_2765 : i1 to i32
    %sign3A_2767 = arith.constant 0 : i32
    %sign3A_2768 = arith.cmpi slt, %jit3A_2752, %sign3A_2767 : i32
    %sign3A_2769 = arith.extui %sign3A_2768 : i1 to i32
    %sign3A_2770 = arith.subi %sign3A_2766, %sign3A_2769 : i32
    %ne3A_2771 = vector.broadcast %sign3A_2770 : i32 to vector<96x96xi32>
    %ne3A_2772 = arith.cmpi ne, %sign3A_2763, %ne3A_2771 : vector<96x96xi32>
    %rem3A_2773 = vector.broadcast %jit3A_2752 : i32 to vector<96x96xi32>
    %rem3A_2774 = arith.remsi %iota3A_2751, %rem3A_2773 : vector<96x96xi32>
    %ne3A_2775 = arith.constant 0 : i32
    %ne3A_2776 = vector.broadcast %ne3A_2775 : i32 to vector<96x96xi32>
    %ne3A_2777 = arith.cmpi ne, %rem3A_2774, %ne3A_2776 : vector<96x96xi32>
    %and3A_2778 = arith.andi %ne3A_2772, %ne3A_2777 : vector<96x96xi1>
    %sub3A_2779 = arith.constant 1 : i32
    %sub3A_2780 = vector.broadcast %sub3A_2779 : i32 to vector<96x96xi32>
    %sub3A_2781 = arith.subi %div3A_2754, %sub3A_2780 : vector<96x96xi32>
    %select_n3A_2782 = arith.select %and3A_2778, %sub3A_2781, %div3A_2754 : vector<96x96xi1>, vector<96x96xi32>
    %slice3A_2783 = vector.extract_strided_slice %dot_general3A_2718 {offsets = [0, 0], sizes = [96, 96], strides = [1, 1]} : vector<96x97xf32> to vector<96x96xf32>
    %eq3A_2784 = arith.cmpi eq, %select_n3A_2750, %select_n3A_2782 : vector<96x96xi32>
    %convert_element_type3A_2785 = arith.extui %eq3A_2784 : vector<96x96xi1> to vector<96x96xi32>
    %convert_element_type3A_2786 = arith.sitofp %convert_element_type3A_2785 : vector<96x96xi32> to vector<96x96xf32>
    %mul3A_2787 = arith.mulf %slice3A_2783, %convert_element_type3A_2786 : vector<96x96xf32>
    %iota3A_2788 = tpu.iota {dimensions = array<i32: 0>} : vector<96x3xi32>
    %jit3A_2789 = arith.constant 32 : i32
    %div3A_2790 = vector.broadcast %jit3A_2789 : i32 to vector<96x3xi32>
    %div3A_2791 = arith.divsi %iota3A_2788, %div3A_2790 : vector<96x3xi32>
    %sign3A_2792 = arith.constant 0 : i32
    %sign3A_2793 = vector.broadcast %sign3A_2792 : i32 to vector<96x3xi32>
    %sign3A_2794 = arith.cmpi sgt, %iota3A_2788, %sign3A_2793 : vector<96x3xi32>
    %sign3A_2795 = arith.extui %sign3A_2794 : vector<96x3xi1> to vector<96x3xi32>
    %sign3A_2796 = arith.constant 0 : i32
    %sign3A_2797 = vector.broadcast %sign3A_2796 : i32 to vector<96x3xi32>
    %sign3A_2798 = arith.cmpi slt, %iota3A_2788, %sign3A_2797 : vector<96x3xi32>
    %sign3A_2799 = arith.extui %sign3A_2798 : vector<96x3xi1> to vector<96x3xi32>
    %sign3A_2800 = arith.subi %sign3A_2795, %sign3A_2799 : vector<96x3xi32>
    %sign3A_2801 = arith.constant 0 : i32
    %sign3A_2802 = arith.cmpi sgt, %jit3A_2789, %sign3A_2801 : i32
    %sign3A_2803 = arith.extui %sign3A_2802 : i1 to i32
    %sign3A_2804 = arith.constant 0 : i32
    %sign3A_2805 = arith.cmpi slt, %jit3A_2789, %sign3A_2804 : i32
    %sign3A_2806 = arith.extui %sign3A_2805 : i1 to i32
    %sign3A_2807 = arith.subi %sign3A_2803, %sign3A_2806 : i32
    %ne3A_2808 = vector.broadcast %sign3A_2807 : i32 to vector<96x3xi32>
    %ne3A_2809 = arith.cmpi ne, %sign3A_2800, %ne3A_2808 : vector<96x3xi32>
    %rem3A_2810 = vector.broadcast %jit3A_2789 : i32 to vector<96x3xi32>
    %rem3A_2811 = arith.remsi %iota3A_2788, %rem3A_2810 : vector<96x3xi32>
    %ne3A_2812 = arith.constant 0 : i32
    %ne3A_2813 = vector.broadcast %ne3A_2812 : i32 to vector<96x3xi32>
    %ne3A_2814 = arith.cmpi ne, %rem3A_2811, %ne3A_2813 : vector<96x3xi32>
    %and3A_2815 = arith.andi %ne3A_2809, %ne3A_2814 : vector<96x3xi1>
    %sub3A_2816 = arith.constant 1 : i32
    %sub3A_2817 = vector.broadcast %sub3A_2816 : i32 to vector<96x3xi32>
    %sub3A_2818 = arith.subi %div3A_2791, %sub3A_2817 : vector<96x3xi32>
    %select_n3A_2819 = arith.select %and3A_2815, %sub3A_2818, %div3A_2791 : vector<96x3xi1>, vector<96x3xi32>
    %iota3A_2820 = tpu.iota {dimensions = array<i32: 1>} : vector<96x3xi32>
    %slice3A_2821 = vector.extract_strided_slice %dot_general3A_2718 {offsets = [0, 96], sizes = [96, 1], strides = [1, 1]} : vector<96x97xf32> to vector<96x1xf32>
    %eq3A_2822 = arith.cmpi eq, %select_n3A_2819, %iota3A_2820 : vector<96x3xi32>
    %convert_element_type3A_2823 = arith.extui %eq3A_2822 : vector<96x3xi1> to vector<96x3xi32>
    %convert_element_type3A_2824 = arith.sitofp %convert_element_type3A_2823 : vector<96x3xi32> to vector<96x3xf32>
    %mul3A_2825 = vector.broadcast %slice3A_2821 : vector<96x1xf32> to vector<96x3xf32>
    %mul3A_2826 = arith.mulf %mul3A_2825, %convert_element_type3A_2824 : vector<96x3xf32>
    %broadcast_in_dim3A_2827 = arith.constant 0.000000e+00 : f32
    %broadcast_in_dim3A_2828 = vector.broadcast %broadcast_in_dim3A_2827 : f32 to vector<96x29xf32>
    %concatenate3A_2829 = tpu.concatenate %mul3A_2787, %mul3A_2826, %broadcast_in_dim3A_2828 in 1 : vector<96x96xf32>, vector<96x3xf32>, vector<96x29xf32> -> vector<96x128xf32>
    %convert_element_type3A_2830 = arith.truncf %concatenate3A_2829 : vector<96x128xf32> to vector<96x128xbf16>
    %swap3A_2831 = arith.constant 0 : index
    %swap3A_2832 = arith.constant 13 : index
    %swap3A_2833 = arith.constant 0 : index
    %swap3A_2834 = arith.constant 0 : index
    %swap3A_2835 = vector.load %arg8[%swap3A_2831, %swap3A_2832, %swap3A_2833, %swap3A_2834] : memref<1x16x96x128xbf16, #tpu.memory_space<vmem>>, vector<1x1x96x128xbf16>
    %swap3A_2836 = vector.shape_cast %swap3A_2835 : vector<1x1x96x128xbf16> to vector<96x128xbf16>
    %swap3A_2837 = vector.shape_cast %convert_element_type3A_2830 : vector<96x128xbf16> to vector<1x1x96x128xbf16>
    tpu.vector_store %arg8[%swap3A_2831, %swap3A_2832, %swap3A_2833, %swap3A_2834], %swap3A_2837 {strides = array<i32>} : memref<1x16x96x128xbf16, #tpu.memory_space<vmem>>, vector<1x1x96x128xbf16>,
    %concatenate3A_2838 = tpu.concatenate %get3A_2689, %get3A_2695 in 0 : vector<96x196xf32>, vector<96x196xf32> -> vector<192x196xf32>
    %bitcast_convert_type3A_2839 = tpu.bitcast %concatenate3A_2838 : vector<192x196xf32> -> vector<192x196xi32>
    %and3A_2840 = arith.constant -65536 : i32
    %and3A_2841 = vector.broadcast %and3A_2840 : i32 to vector<192x196xi32>
    %and3A_2842 = arith.andi %bitcast_convert_type3A_2839, %and3A_2841 : vector<192x196xi32>
    %bitcast_convert_type3A_2843 = tpu.bitcast %and3A_2842 : vector<192x196xi32> -> vector<192x196xf32>
    %sub3A_2844 = arith.subf %concatenate3A_2838, %bitcast_convert_type3A_2843 : vector<192x196xf32>
    %bitcast_convert_type3A_2845 = tpu.bitcast %sub3A_2844 : vector<192x196xf32> -> vector<192x196xi32>
    %and3A_2846 = arith.constant -65536 : i32
    %and3A_2847 = vector.broadcast %and3A_2846 : i32 to vector<192x196xi32>
    %and3A_2848 = arith.andi %bitcast_convert_type3A_2845, %and3A_2847 : vector<192x196xi32>
    %bitcast_convert_type3A_2849 = tpu.bitcast %and3A_2848 : vector<192x196xi32> -> vector<192x196xf32>
    %sub3A_2850 = arith.subf %sub3A_2844, %bitcast_convert_type3A_2849 : vector<192x196xf32>
    %concatenate3A_2851 = tpu.concatenate %bitcast_convert_type3A_2843, %bitcast_convert_type3A_2849, %sub3A_2850, %get3A_2701 in 0 : vector<192x196xf32>, vector<192x196xf32>, vector<192x196xf32>, vector<96x196xf32> -> vector<672x196xf32>
    %dot_general3A_2852 = arith.constant dense<0.000000e+00> : vector<1x672xf32>
    %dot_general3A_2853 = tpu.matmul %broadcast_in_dim3A_0, %concatenate3A_2851, %dot_general3A_2852 {dimension_numbers = #tpu.dot_dimension_numbers<[1], [1], [0], [0], [0, 0, 1, 0], [], []>, transpose_lhs_hint = false} : vector<1x196xf32>, vector<672x196xf32>, vector<1x672xf32> -> vector<1x672xf32>
    %slice3A_2854 = vector.extract_strided_slice %dot_general3A_2853 {offsets = [0, 0], sizes = [1, 96], strides = [1, 1]} : vector<1x672xf32> to vector<1x96xf32>
    %slice3A_2855 = vector.extract_strided_slice %dot_general3A_2853 {offsets = [0, 192], sizes = [1, 96], strides = [1, 1]} : vector<1x672xf32> to vector<1x96xf32>
    %add3A_2856 = arith.addf %slice3A_2854, %slice3A_2855 : vector<1x96xf32>
    %slice3A_2857 = vector.extract_strided_slice %dot_general3A_2853 {offsets = [0, 384], sizes = [1, 96], strides = [1, 1]} : vector<1x672xf32> to vector<1x96xf32>
    %add3A_2858 = arith.addf %add3A_2856, %slice3A_2857 : vector<1x96xf32>
    %mul3A_2859 = arith.constant 0.00510204071 : f32
    %mul3A_2860 = vector.broadcast %mul3A_2859 : f32 to vector<1x96xf32>
    %mul3A_2861 = arith.mulf %add3A_2858, %mul3A_2860 : vector<1x96xf32>
    %swap3A_2862 = arith.constant 0 : index
    %swap3A_2863 = arith.constant 13 : index
    %swap3A_2864 = arith.constant 0 : index
    %swap3A_2865 = vector.load %arg5[%swap3A_2862, %swap3A_2863, %swap3A_2864] : memref<1x16x96xf32, #tpu.memory_space<vmem>>, vector<1x1x96xf32>
    %swap3A_2866 = vector.shape_cast %swap3A_2865 : vector<1x1x96xf32> to vector<1x96xf32>
    %swap3A_2867 = vector.shape_cast %mul3A_2861 : vector<1x96xf32> to vector<1x1x96xf32>
    tpu.vector_store %arg5[%swap3A_2862, %swap3A_2863, %swap3A_2864], %swap3A_2867 {strides = array<i32>} : memref<1x16x96xf32, #tpu.memory_space<vmem>>, vector<1x1x96xf32>,
    %slice3A_2868 = vector.extract_strided_slice %dot_general3A_2853 {offsets = [0, 96], sizes = [1, 96], strides = [1, 1]} : vector<1x672xf32> to vector<1x96xf32>
    %slice3A_2869 = vector.extract_strided_slice %dot_general3A_2853 {offsets = [0, 288], sizes = [1, 96], strides = [1, 1]} : vector<1x672xf32> to vector<1x96xf32>
    %add3A_2870 = arith.addf %slice3A_2868, %slice3A_2869 : vector<1x96xf32>
    %slice3A_2871 = vector.extract_strided_slice %dot_general3A_2853 {offsets = [0, 480], sizes = [1, 96], strides = [1, 1]} : vector<1x672xf32> to vector<1x96xf32>
    %add3A_2872 = arith.addf %add3A_2870, %slice3A_2871 : vector<1x96xf32>
    %mul3A_2873 = arith.constant 0.00510204071 : f32
    %mul3A_2874 = vector.broadcast %mul3A_2873 : f32 to vector<1x96xf32>
    %mul3A_2875 = arith.mulf %add3A_2872, %mul3A_2874 : vector<1x96xf32>
    %swap3A_2876 = arith.constant 0 : index
    %swap3A_2877 = arith.constant 13 : index
    %swap3A_2878 = arith.constant 0 : index
    %swap3A_2879 = vector.load %arg6[%swap3A_2876, %swap3A_2877, %swap3A_2878] : memref<1x16x96xf32, #tpu.memory_space<vmem>>, vector<1x1x96xf32>
    %swap3A_2880 = vector.shape_cast %swap3A_2879 : vector<1x1x96xf32> to vector<1x96xf32>
    %swap3A_2881 = vector.shape_cast %mul3A_2875 : vector<1x96xf32> to vector<1x1x96xf32>
    tpu.vector_store %arg6[%swap3A_2876, %swap3A_2877, %swap3A_2878], %swap3A_2881 {strides = array<i32>} : memref<1x16x96xf32, #tpu.memory_space<vmem>>, vector<1x1x96xf32>,
    %slice3A_2882 = vector.extract_strided_slice %dot_general3A_2853 {offsets = [0, 576], sizes = [1, 96], strides = [1, 1]} : vector<1x672xf32> to vector<1x96xf32>
    %mul3A_2883 = arith.constant 0.00510204071 : f32
    %mul3A_2884 = vector.broadcast %mul3A_2883 : f32 to vector<1x96xf32>
    %mul3A_2885 = arith.mulf %slice3A_2882, %mul3A_2884 : vector<1x96xf32>
    %swap3A_2886 = arith.constant 0 : index
    %swap3A_2887 = arith.constant 13 : index
    %swap3A_2888 = arith.constant 0 : index
    %swap3A_2889 = vector.load %arg7[%swap3A_2886, %swap3A_2887, %swap3A_2888] : memref<1x16x96xf32, #tpu.memory_space<vmem>>, vector<1x1x96xf32>
    %swap3A_2890 = vector.shape_cast %swap3A_2889 : vector<1x1x96xf32> to vector<1x96xf32>
    %swap3A_2891 = vector.shape_cast %mul3A_2885 : vector<1x96xf32> to vector<1x1x96xf32>
    tpu.vector_store %arg7[%swap3A_2886, %swap3A_2887, %swap3A_2888], %swap3A_2891 {strides = array<i32>} : memref<1x16x96xf32, #tpu.memory_space<vmem>>, vector<1x1x96xf32>,
    %get3A_2892 = arith.constant 0 : index
    %get3A_2893 = arith.constant 14 : index
    %get3A_2894 = arith.constant 0 : index
    %get3A_2895 = arith.constant 0 : index
    %get3A_2896 = vector.load %arg2[%get3A_2892, %get3A_2893, %get3A_2894, %get3A_2895] : memref<1x16x96x196xf32, #tpu.memory_space<vmem>>, vector<1x1x96x196xf32>
    %get3A_2897 = vector.shape_cast %get3A_2896 : vector<1x1x96x196xf32> to vector<96x196xf32>
    %get3A_2898 = arith.constant 0 : index
    %get3A_2899 = arith.constant 14 : index
    %get3A_2900 = arith.constant 0 : index
    %get3A_2901 = arith.constant 0 : index
    %get3A_2902 = vector.load %arg3[%get3A_2898, %get3A_2899, %get3A_2900, %get3A_2901] : memref<1x16x96x196xf32, #tpu.memory_space<vmem>>, vector<1x1x96x196xf32>
    %get3A_2903 = vector.shape_cast %get3A_2902 : vector<1x1x96x196xf32> to vector<96x196xf32>
    %get3A_2904 = arith.constant 0 : index
    %get3A_2905 = arith.constant 14 : index
    %get3A_2906 = arith.constant 0 : index
    %get3A_2907 = arith.constant 0 : index
    %get3A_2908 = vector.load %arg4[%get3A_2904, %get3A_2905, %get3A_2906, %get3A_2907] : memref<1x16x96x196xf32, #tpu.memory_space<vmem>>, vector<1x1x96x196xf32>
    %get3A_2909 = vector.shape_cast %get3A_2908 : vector<1x1x96x196xf32> to vector<96x196xf32>
    %gt3A_2910 = arith.constant 0.000000e+00 : f32
    %gt3A_2911 = vector.broadcast %gt3A_2910 : f32 to vector<96x196xf32>
    %gt3A_2912 = arith.cmpf ogt, %get3A_2903, %gt3A_2911 : vector<96x196xf32>
    %add3A_2913 = arith.constant 1.000000e+00 : f32
    %add3A_2914 = vector.broadcast %add3A_2913 : f32 to vector<96x196xf32>
    %add3A_2915 = arith.addf %get3A_2903, %add3A_2914 : vector<96x196xf32>
    %gt3A_2916 = arith.constant 0.000000e+00 : f32
    %gt3A_2917 = vector.broadcast %gt3A_2916 : f32 to vector<96x196xf32>
    %gt3A_2918 = arith.cmpf ogt, %get3A_2903, %gt3A_2917 : vector<96x196xf32>
    %jit3A_2919 = arith.constant 0.000000e+00 : f32
    %broadcast_in_dim3A_2920 = vector.broadcast %jit3A_2919 : f32 to vector<96x196xf32>
    %select_n3A_2921 = arith.select %gt3A_2918, %broadcast_in_dim3A_2920, %get3A_2903 : vector<96x196xi1>, vector<96x196xf32>
    %exp3A_2922 = math.exp %select_n3A_2921 : vector<96x196xf32>
    %select_n3A_2923 = arith.select %gt3A_2912, %add3A_2915, %exp3A_2922 : vector<96x196xi1>, vector<96x196xf32>
    %concatenate3A_2924 = tpu.concatenate %get3A_2909, %broadcast_in_dim3A_0 in 0 : vector<96x196xf32>, vector<1x196xf32> -> vector<97x196xf32>
    %dot_general3A_2925 = arith.constant dense<0.000000e+00> : vector<96x97xf32>
    %dot_general3A_2926 = tpu.matmul %select_n3A_2923, %concatenate3A_2924, %dot_general3A_2925 {dimension_numbers = #tpu.dot_dimension_numbers<[1], [1], [0], [0], [0, 0, 1, 0], [], []>, transpose_lhs_hint = false} : vector<96x196xf32>, vector<97x196xf32>, vector<96x97xf32> -> vector<96x97xf32>
    %iota3A_2927 = tpu.iota {dimensions = array<i32: 0>} : vector<96x96xi32>
    %jit3A_2928 = arith.constant 32 : i32
    %div3A_2929 = vector.broadcast %jit3A_2928 : i32 to vector<96x96xi32>
    %div3A_2930 = arith.divsi %iota3A_2927, %div3A_2929 : vector<96x96xi32>
    %sign3A_2931 = arith.constant 0 : i32
    %sign3A_2932 = vector.broadcast %sign3A_2931 : i32 to vector<96x96xi32>
    %sign3A_2933 = arith.cmpi sgt, %iota3A_2927, %sign3A_2932 : vector<96x96xi32>
    %sign3A_2934 = arith.extui %sign3A_2933 : vector<96x96xi1> to vector<96x96xi32>
    %sign3A_2935 = arith.constant 0 : i32
    %sign3A_2936 = vector.broadcast %sign3A_2935 : i32 to vector<96x96xi32>
    %sign3A_2937 = arith.cmpi slt, %iota3A_2927, %sign3A_2936 : vector<96x96xi32>
    %sign3A_2938 = arith.extui %sign3A_2937 : vector<96x96xi1> to vector<96x96xi32>
    %sign3A_2939 = arith.subi %sign3A_2934, %sign3A_2938 : vector<96x96xi32>
    %sign3A_2940 = arith.constant 0 : i32
    %sign3A_2941 = arith.cmpi sgt, %jit3A_2928, %sign3A_2940 : i32
    %sign3A_2942 = arith.extui %sign3A_2941 : i1 to i32
    %sign3A_2943 = arith.constant 0 : i32
    %sign3A_2944 = arith.cmpi slt, %jit3A_2928, %sign3A_2943 : i32
    %sign3A_2945 = arith.extui %sign3A_2944 : i1 to i32
    %sign3A_2946 = arith.subi %sign3A_2942, %sign3A_2945 : i32
    %ne3A_2947 = vector.broadcast %sign3A_2946 : i32 to vector<96x96xi32>
    %ne3A_2948 = arith.cmpi ne, %sign3A_2939, %ne3A_2947 : vector<96x96xi32>
    %rem3A_2949 = vector.broadcast %jit3A_2928 : i32 to vector<96x96xi32>
    %rem3A_2950 = arith.remsi %iota3A_2927, %rem3A_2949 : vector<96x96xi32>
    %ne3A_2951 = arith.constant 0 : i32
    %ne3A_2952 = vector.broadcast %ne3A_2951 : i32 to vector<96x96xi32>
    %ne3A_2953 = arith.cmpi ne, %rem3A_2950, %ne3A_2952 : vector<96x96xi32>
    %and3A_2954 = arith.andi %ne3A_2948, %ne3A_2953 : vector<96x96xi1>
    %sub3A_2955 = arith.constant 1 : i32
    %sub3A_2956 = vector.broadcast %sub3A_2955 : i32 to vector<96x96xi32>
    %sub3A_2957 = arith.subi %div3A_2930, %sub3A_2956 : vector<96x96xi32>
    %select_n3A_2958 = arith.select %and3A_2954, %sub3A_2957, %div3A_2930 : vector<96x96xi1>, vector<96x96xi32>
    %iota3A_2959 = tpu.iota {dimensions = array<i32: 1>} : vector<96x96xi32>
    %jit3A_2960 = arith.constant 32 : i32
    %div3A_2961 = vector.broadcast %jit3A_2960 : i32 to vector<96x96xi32>
    %div3A_2962 = arith.divsi %iota3A_2959, %div3A_2961 : vector<96x96xi32>
    %sign3A_2963 = arith.constant 0 : i32
    %sign3A_2964 = vector.broadcast %sign3A_2963 : i32 to vector<96x96xi32>
    %sign3A_2965 = arith.cmpi sgt, %iota3A_2959, %sign3A_2964 : vector<96x96xi32>
    %sign3A_2966 = arith.extui %sign3A_2965 : vector<96x96xi1> to vector<96x96xi32>
    %sign3A_2967 = arith.constant 0 : i32
    %sign3A_2968 = vector.broadcast %sign3A_2967 : i32 to vector<96x96xi32>
    %sign3A_2969 = arith.cmpi slt, %iota3A_2959, %sign3A_2968 : vector<96x96xi32>
    %sign3A_2970 = arith.extui %sign3A_2969 : vector<96x96xi1> to vector<96x96xi32>
    %sign3A_2971 = arith.subi %sign3A_2966, %sign3A_2970 : vector<96x96xi32>
    %sign3A_2972 = arith.constant 0 : i32
    %sign3A_2973 = arith.cmpi sgt, %jit3A_2960, %sign3A_2972 : i32
    %sign3A_2974 = arith.extui %sign3A_2973 : i1 to i32
    %sign3A_2975 = arith.constant 0 : i32
    %sign3A_2976 = arith.cmpi slt, %jit3A_2960, %sign3A_2975 : i32
    %sign3A_2977 = arith.extui %sign3A_2976 : i1 to i32
    %sign3A_2978 = arith.subi %sign3A_2974, %sign3A_2977 : i32
    %ne3A_2979 = vector.broadcast %sign3A_2978 : i32 to vector<96x96xi32>
    %ne3A_2980 = arith.cmpi ne, %sign3A_2971, %ne3A_2979 : vector<96x96xi32>
    %rem3A_2981 = vector.broadcast %jit3A_2960 : i32 to vector<96x96xi32>
    %rem3A_2982 = arith.remsi %iota3A_2959, %rem3A_2981 : vector<96x96xi32>
    %ne3A_2983 = arith.constant 0 : i32
    %ne3A_2984 = vector.broadcast %ne3A_2983 : i32 to vector<96x96xi32>
    %ne3A_2985 = arith.cmpi ne, %rem3A_2982, %ne3A_2984 : vector<96x96xi32>
    %and3A_2986 = arith.andi %ne3A_2980, %ne3A_2985 : vector<96x96xi1>
    %sub3A_2987 = arith.constant 1 : i32
    %sub3A_2988 = vector.broadcast %sub3A_2987 : i32 to vector<96x96xi32>
    %sub3A_2989 = arith.subi %div3A_2962, %sub3A_2988 : vector<96x96xi32>
    %select_n3A_2990 = arith.select %and3A_2986, %sub3A_2989, %div3A_2962 : vector<96x96xi1>, vector<96x96xi32>
    %slice3A_2991 = vector.extract_strided_slice %dot_general3A_2926 {offsets = [0, 0], sizes = [96, 96], strides = [1, 1]} : vector<96x97xf32> to vector<96x96xf32>
    %eq3A_2992 = arith.cmpi eq, %select_n3A_2958, %select_n3A_2990 : vector<96x96xi32>
    %convert_element_type3A_2993 = arith.extui %eq3A_2992 : vector<96x96xi1> to vector<96x96xi32>
    %convert_element_type3A_2994 = arith.sitofp %convert_element_type3A_2993 : vector<96x96xi32> to vector<96x96xf32>
    %mul3A_2995 = arith.mulf %slice3A_2991, %convert_element_type3A_2994 : vector<96x96xf32>
    %iota3A_2996 = tpu.iota {dimensions = array<i32: 0>} : vector<96x3xi32>
    %jit3A_2997 = arith.constant 32 : i32
    %div3A_2998 = vector.broadcast %jit3A_2997 : i32 to vector<96x3xi32>
    %div3A_2999 = arith.divsi %iota3A_2996, %div3A_2998 : vector<96x3xi32>
    %sign3A_3000 = arith.constant 0 : i32
    %sign3A_3001 = vector.broadcast %sign3A_3000 : i32 to vector<96x3xi32>
    %sign3A_3002 = arith.cmpi sgt, %iota3A_2996, %sign3A_3001 : vector<96x3xi32>
    %sign3A_3003 = arith.extui %sign3A_3002 : vector<96x3xi1> to vector<96x3xi32>
    %sign3A_3004 = arith.constant 0 : i32
    %sign3A_3005 = vector.broadcast %sign3A_3004 : i32 to vector<96x3xi32>
    %sign3A_3006 = arith.cmpi slt, %iota3A_2996, %sign3A_3005 : vector<96x3xi32>
    %sign3A_3007 = arith.extui %sign3A_3006 : vector<96x3xi1> to vector<96x3xi32>
    %sign3A_3008 = arith.subi %sign3A_3003, %sign3A_3007 : vector<96x3xi32>
    %sign3A_3009 = arith.constant 0 : i32
    %sign3A_3010 = arith.cmpi sgt, %jit3A_2997, %sign3A_3009 : i32
    %sign3A_3011 = arith.extui %sign3A_3010 : i1 to i32
    %sign3A_3012 = arith.constant 0 : i32
    %sign3A_3013 = arith.cmpi slt, %jit3A_2997, %sign3A_3012 : i32
    %sign3A_3014 = arith.extui %sign3A_3013 : i1 to i32
    %sign3A_3015 = arith.subi %sign3A_3011, %sign3A_3014 : i32
    %ne3A_3016 = vector.broadcast %sign3A_3015 : i32 to vector<96x3xi32>
    %ne3A_3017 = arith.cmpi ne, %sign3A_3008, %ne3A_3016 : vector<96x3xi32>
    %rem3A_3018 = vector.broadcast %jit3A_2997 : i32 to vector<96x3xi32>
    %rem3A_3019 = arith.remsi %iota3A_2996, %rem3A_3018 : vector<96x3xi32>
    %ne3A_3020 = arith.constant 0 : i32
    %ne3A_3021 = vector.broadcast %ne3A_3020 : i32 to vector<96x3xi32>
    %ne3A_3022 = arith.cmpi ne, %rem3A_3019, %ne3A_3021 : vector<96x3xi32>
    %and3A_3023 = arith.andi %ne3A_3017, %ne3A_3022 : vector<96x3xi1>
    %sub3A_3024 = arith.constant 1 : i32
    %sub3A_3025 = vector.broadcast %sub3A_3024 : i32 to vector<96x3xi32>
    %sub3A_3026 = arith.subi %div3A_2999, %sub3A_3025 : vector<96x3xi32>
    %select_n3A_3027 = arith.select %and3A_3023, %sub3A_3026, %div3A_2999 : vector<96x3xi1>, vector<96x3xi32>
    %iota3A_3028 = tpu.iota {dimensions = array<i32: 1>} : vector<96x3xi32>
    %slice3A_3029 = vector.extract_strided_slice %dot_general3A_2926 {offsets = [0, 96], sizes = [96, 1], strides = [1, 1]} : vector<96x97xf32> to vector<96x1xf32>
    %eq3A_3030 = arith.cmpi eq, %select_n3A_3027, %iota3A_3028 : vector<96x3xi32>
    %convert_element_type3A_3031 = arith.extui %eq3A_3030 : vector<96x3xi1> to vector<96x3xi32>
    %convert_element_type3A_3032 = arith.sitofp %convert_element_type3A_3031 : vector<96x3xi32> to vector<96x3xf32>
    %mul3A_3033 = vector.broadcast %slice3A_3029 : vector<96x1xf32> to vector<96x3xf32>
    %mul3A_3034 = arith.mulf %mul3A_3033, %convert_element_type3A_3032 : vector<96x3xf32>
    %broadcast_in_dim3A_3035 = arith.constant 0.000000e+00 : f32
    %broadcast_in_dim3A_3036 = vector.broadcast %broadcast_in_dim3A_3035 : f32 to vector<96x29xf32>
    %concatenate3A_3037 = tpu.concatenate %mul3A_2995, %mul3A_3034, %broadcast_in_dim3A_3036 in 1 : vector<96x96xf32>, vector<96x3xf32>, vector<96x29xf32> -> vector<96x128xf32>
    %convert_element_type3A_3038 = arith.truncf %concatenate3A_3037 : vector<96x128xf32> to vector<96x128xbf16>
    %swap3A_3039 = arith.constant 0 : index
    %swap3A_3040 = arith.constant 14 : index
    %swap3A_3041 = arith.constant 0 : index
    %swap3A_3042 = arith.constant 0 : index
    %swap3A_3043 = vector.load %arg8[%swap3A_3039, %swap3A_3040, %swap3A_3041, %swap3A_3042] : memref<1x16x96x128xbf16, #tpu.memory_space<vmem>>, vector<1x1x96x128xbf16>
    %swap3A_3044 = vector.shape_cast %swap3A_3043 : vector<1x1x96x128xbf16> to vector<96x128xbf16>
    %swap3A_3045 = vector.shape_cast %convert_element_type3A_3038 : vector<96x128xbf16> to vector<1x1x96x128xbf16>
    tpu.vector_store %arg8[%swap3A_3039, %swap3A_3040, %swap3A_3041, %swap3A_3042], %swap3A_3045 {strides = array<i32>} : memref<1x16x96x128xbf16, #tpu.memory_space<vmem>>, vector<1x1x96x128xbf16>,
    %concatenate3A_3046 = tpu.concatenate %get3A_2897, %get3A_2903 in 0 : vector<96x196xf32>, vector<96x196xf32> -> vector<192x196xf32>
    %bitcast_convert_type3A_3047 = tpu.bitcast %concatenate3A_3046 : vector<192x196xf32> -> vector<192x196xi32>
    %and3A_3048 = arith.constant -65536 : i32
    %and3A_3049 = vector.broadcast %and3A_3048 : i32 to vector<192x196xi32>
    %and3A_3050 = arith.andi %bitcast_convert_type3A_3047, %and3A_3049 : vector<192x196xi32>
    %bitcast_convert_type3A_3051 = tpu.bitcast %and3A_3050 : vector<192x196xi32> -> vector<192x196xf32>
    %sub3A_3052 = arith.subf %concatenate3A_3046, %bitcast_convert_type3A_3051 : vector<192x196xf32>
    %bitcast_convert_type3A_3053 = tpu.bitcast %sub3A_3052 : vector<192x196xf32> -> vector<192x196xi32>
    %and3A_3054 = arith.constant -65536 : i32
    %and3A_3055 = vector.broadcast %and3A_3054 : i32 to vector<192x196xi32>
    %and3A_3056 = arith.andi %bitcast_convert_type3A_3053, %and3A_3055 : vector<192x196xi32>
    %bitcast_convert_type3A_3057 = tpu.bitcast %and3A_3056 : vector<192x196xi32> -> vector<192x196xf32>
    %sub3A_3058 = arith.subf %sub3A_3052, %bitcast_convert_type3A_3057 : vector<192x196xf32>
    %concatenate3A_3059 = tpu.concatenate %bitcast_convert_type3A_3051, %bitcast_convert_type3A_3057, %sub3A_3058, %get3A_2909 in 0 : vector<192x196xf32>, vector<192x196xf32>, vector<192x196xf32>, vector<96x196xf32> -> vector<672x196xf32>
    %dot_general3A_3060 = arith.constant dense<0.000000e+00> : vector<1x672xf32>
    %dot_general3A_3061 = tpu.matmul %broadcast_in_dim3A_0, %concatenate3A_3059, %dot_general3A_3060 {dimension_numbers = #tpu.dot_dimension_numbers<[1], [1], [0], [0], [0, 0, 1, 0], [], []>, transpose_lhs_hint = false} : vector<1x196xf32>, vector<672x196xf32>, vector<1x672xf32> -> vector<1x672xf32>
    %slice3A_3062 = vector.extract_strided_slice %dot_general3A_3061 {offsets = [0, 0], sizes = [1, 96], strides = [1, 1]} : vector<1x672xf32> to vector<1x96xf32>
    %slice3A_3063 = vector.extract_strided_slice %dot_general3A_3061 {offsets = [0, 192], sizes = [1, 96], strides = [1, 1]} : vector<1x672xf32> to vector<1x96xf32>
    %add3A_3064 = arith.addf %slice3A_3062, %slice3A_3063 : vector<1x96xf32>
    %slice3A_3065 = vector.extract_strided_slice %dot_general3A_3061 {offsets = [0, 384], sizes = [1, 96], strides = [1, 1]} : vector<1x672xf32> to vector<1x96xf32>
    %add3A_3066 = arith.addf %add3A_3064, %slice3A_3065 : vector<1x96xf32>
    %mul3A_3067 = arith.constant 0.00510204071 : f32
    %mul3A_3068 = vector.broadcast %mul3A_3067 : f32 to vector<1x96xf32>
    %mul3A_3069 = arith.mulf %add3A_3066, %mul3A_3068 : vector<1x96xf32>
    %swap3A_3070 = arith.constant 0 : index
    %swap3A_3071 = arith.constant 14 : index
    %swap3A_3072 = arith.constant 0 : index
    %swap3A_3073 = vector.load %arg5[%swap3A_3070, %swap3A_3071, %swap3A_3072] : memref<1x16x96xf32, #tpu.memory_space<vmem>>, vector<1x1x96xf32>
    %swap3A_3074 = vector.shape_cast %swap3A_3073 : vector<1x1x96xf32> to vector<1x96xf32>
    %swap3A_3075 = vector.shape_cast %mul3A_3069 : vector<1x96xf32> to vector<1x1x96xf32>
    tpu.vector_store %arg5[%swap3A_3070, %swap3A_3071, %swap3A_3072], %swap3A_3075 {strides = array<i32>} : memref<1x16x96xf32, #tpu.memory_space<vmem>>, vector<1x1x96xf32>,
    %slice3A_3076 = vector.extract_strided_slice %dot_general3A_3061 {offsets = [0, 96], sizes = [1, 96], strides = [1, 1]} : vector<1x672xf32> to vector<1x96xf32>
    %slice3A_3077 = vector.extract_strided_slice %dot_general3A_3061 {offsets = [0, 288], sizes = [1, 96], strides = [1, 1]} : vector<1x672xf32> to vector<1x96xf32>
    %add3A_3078 = arith.addf %slice3A_3076, %slice3A_3077 : vector<1x96xf32>
    %slice3A_3079 = vector.extract_strided_slice %dot_general3A_3061 {offsets = [0, 480], sizes = [1, 96], strides = [1, 1]} : vector<1x672xf32> to vector<1x96xf32>
    %add3A_3080 = arith.addf %add3A_3078, %slice3A_3079 : vector<1x96xf32>
    %mul3A_3081 = arith.constant 0.00510204071 : f32
    %mul3A_3082 = vector.broadcast %mul3A_3081 : f32 to vector<1x96xf32>
    %mul3A_3083 = arith.mulf %add3A_3080, %mul3A_3082 : vector<1x96xf32>
    %swap3A_3084 = arith.constant 0 : index
    %swap3A_3085 = arith.constant 14 : index
    %swap3A_3086 = arith.constant 0 : index
    %swap3A_3087 = vector.load %arg6[%swap3A_3084, %swap3A_3085, %swap3A_3086] : memref<1x16x96xf32, #tpu.memory_space<vmem>>, vector<1x1x96xf32>
    %swap3A_3088 = vector.shape_cast %swap3A_3087 : vector<1x1x96xf32> to vector<1x96xf32>
    %swap3A_3089 = vector.shape_cast %mul3A_3083 : vector<1x96xf32> to vector<1x1x96xf32>
    tpu.vector_store %arg6[%swap3A_3084, %swap3A_3085, %swap3A_3086], %swap3A_3089 {strides = array<i32>} : memref<1x16x96xf32, #tpu.memory_space<vmem>>, vector<1x1x96xf32>,
    %slice3A_3090 = vector.extract_strided_slice %dot_general3A_3061 {offsets = [0, 576], sizes = [1, 96], strides = [1, 1]} : vector<1x672xf32> to vector<1x96xf32>
    %mul3A_3091 = arith.constant 0.00510204071 : f32
    %mul3A_3092 = vector.broadcast %mul3A_3091 : f32 to vector<1x96xf32>
    %mul3A_3093 = arith.mulf %slice3A_3090, %mul3A_3092 : vector<1x96xf32>
    %swap3A_3094 = arith.constant 0 : index
    %swap3A_3095 = arith.constant 14 : index
    %swap3A_3096 = arith.constant 0 : index
    %swap3A_3097 = vector.load %arg7[%swap3A_3094, %swap3A_3095, %swap3A_3096] : memref<1x16x96xf32, #tpu.memory_space<vmem>>, vector<1x1x96xf32>
    %swap3A_3098 = vector.shape_cast %swap3A_3097 : vector<1x1x96xf32> to vector<1x96xf32>
    %swap3A_3099 = vector.shape_cast %mul3A_3093 : vector<1x96xf32> to vector<1x1x96xf32>
    tpu.vector_store %arg7[%swap3A_3094, %swap3A_3095, %swap3A_3096], %swap3A_3099 {strides = array<i32>} : memref<1x16x96xf32, #tpu.memory_space<vmem>>, vector<1x1x96xf32>,
    %get3A_3100 = arith.constant 0 : index
    %get3A_3101 = arith.constant 15 : index
    %get3A_3102 = arith.constant 0 : index
    %get3A_3103 = arith.constant 0 : index
    %get3A_3104 = vector.load %arg2[%get3A_3100, %get3A_3101, %get3A_3102, %get3A_3103] : memref<1x16x96x196xf32, #tpu.memory_space<vmem>>, vector<1x1x96x196xf32>
    %get3A_3105 = vector.shape_cast %get3A_3104 : vector<1x1x96x196xf32> to vector<96x196xf32>
    %get3A_3106 = arith.constant 0 : index
    %get3A_3107 = arith.constant 15 : index
    %get3A_3108 = arith.constant 0 : index
    %get3A_3109 = arith.constant 0 : index
    %get3A_3110 = vector.load %arg3[%get3A_3106, %get3A_3107, %get3A_3108, %get3A_3109] : memref<1x16x96x196xf32, #tpu.memory_space<vmem>>, vector<1x1x96x196xf32>
    %get3A_3111 = vector.shape_cast %get3A_3110 : vector<1x1x96x196xf32> to vector<96x196xf32>
    %get3A_3112 = arith.constant 0 : index
    %get3A_3113 = arith.constant 15 : index
    %get3A_3114 = arith.constant 0 : index
    %get3A_3115 = arith.constant 0 : index
    %get3A_3116 = vector.load %arg4[%get3A_3112, %get3A_3113, %get3A_3114, %get3A_3115] : memref<1x16x96x196xf32, #tpu.memory_space<vmem>>, vector<1x1x96x196xf32>
    %get3A_3117 = vector.shape_cast %get3A_3116 : vector<1x1x96x196xf32> to vector<96x196xf32>
    %gt3A_3118 = arith.constant 0.000000e+00 : f32
    %gt3A_3119 = vector.broadcast %gt3A_3118 : f32 to vector<96x196xf32>
    %gt3A_3120 = arith.cmpf ogt, %get3A_3111, %gt3A_3119 : vector<96x196xf32>
    %add3A_3121 = arith.constant 1.000000e+00 : f32
    %add3A_3122 = vector.broadcast %add3A_3121 : f32 to vector<96x196xf32>
    %add3A_3123 = arith.addf %get3A_3111, %add3A_3122 : vector<96x196xf32>
    %gt3A_3124 = arith.constant 0.000000e+00 : f32
    %gt3A_3125 = vector.broadcast %gt3A_3124 : f32 to vector<96x196xf32>
    %gt3A_3126 = arith.cmpf ogt, %get3A_3111, %gt3A_3125 : vector<96x196xf32>
    %jit3A_3127 = arith.constant 0.000000e+00 : f32
    %broadcast_in_dim3A_3128 = vector.broadcast %jit3A_3127 : f32 to vector<96x196xf32>
    %select_n3A_3129 = arith.select %gt3A_3126, %broadcast_in_dim3A_3128, %get3A_3111 : vector<96x196xi1>, vector<96x196xf32>
    %exp3A_3130 = math.exp %select_n3A_3129 : vector<96x196xf32>
    %select_n3A_3131 = arith.select %gt3A_3120, %add3A_3123, %exp3A_3130 : vector<96x196xi1>, vector<96x196xf32>
    %concatenate3A_3132 = tpu.concatenate %get3A_3117, %broadcast_in_dim3A_0 in 0 : vector<96x196xf32>, vector<1x196xf32> -> vector<97x196xf32>
    %dot_general3A_3133 = arith.constant dense<0.000000e+00> : vector<96x97xf32>
    %dot_general3A_3134 = tpu.matmul %select_n3A_3131, %concatenate3A_3132, %dot_general3A_3133 {dimension_numbers = #tpu.dot_dimension_numbers<[1], [1], [0], [0], [0, 0, 1, 0], [], []>, transpose_lhs_hint = false} : vector<96x196xf32>, vector<97x196xf32>, vector<96x97xf32> -> vector<96x97xf32>
    %iota3A_3135 = tpu.iota {dimensions = array<i32: 0>} : vector<96x96xi32>
    %jit3A_3136 = arith.constant 32 : i32
    %div3A_3137 = vector.broadcast %jit3A_3136 : i32 to vector<96x96xi32>
    %div3A_3138 = arith.divsi %iota3A_3135, %div3A_3137 : vector<96x96xi32>
    %sign3A_3139 = arith.constant 0 : i32
    %sign3A_3140 = vector.broadcast %sign3A_3139 : i32 to vector<96x96xi32>
    %sign3A_3141 = arith.cmpi sgt, %iota3A_3135, %sign3A_3140 : vector<96x96xi32>
    %sign3A_3142 = arith.extui %sign3A_3141 : vector<96x96xi1> to vector<96x96xi32>
    %sign3A_3143 = arith.constant 0 : i32
    %sign3A_3144 = vector.broadcast %sign3A_3143 : i32 to vector<96x96xi32>
    %sign3A_3145 = arith.cmpi slt, %iota3A_3135, %sign3A_3144 : vector<96x96xi32>
    %sign3A_3146 = arith.extui %sign3A_3145 : vector<96x96xi1> to vector<96x96xi32>
    %sign3A_3147 = arith.subi %sign3A_3142, %sign3A_3146 : vector<96x96xi32>
    %sign3A_3148 = arith.constant 0 : i32
    %sign3A_3149 = arith.cmpi sgt, %jit3A_3136, %sign3A_3148 : i32
    %sign3A_3150 = arith.extui %sign3A_3149 : i1 to i32
    %sign3A_3151 = arith.constant 0 : i32
    %sign3A_3152 = arith.cmpi slt, %jit3A_3136, %sign3A_3151 : i32
    %sign3A_3153 = arith.extui %sign3A_3152 : i1 to i32
    %sign3A_3154 = arith.subi %sign3A_3150, %sign3A_3153 : i32
    %ne3A_3155 = vector.broadcast %sign3A_3154 : i32 to vector<96x96xi32>
    %ne3A_3156 = arith.cmpi ne, %sign3A_3147, %ne3A_3155 : vector<96x96xi32>
    %rem3A_3157 = vector.broadcast %jit3A_3136 : i32 to vector<96x96xi32>
    %rem3A_3158 = arith.remsi %iota3A_3135, %rem3A_3157 : vector<96x96xi32>
    %ne3A_3159 = arith.constant 0 : i32
    %ne3A_3160 = vector.broadcast %ne3A_3159 : i32 to vector<96x96xi32>
    %ne3A_3161 = arith.cmpi ne, %rem3A_3158, %ne3A_3160 : vector<96x96xi32>
    %and3A_3162 = arith.andi %ne3A_3156, %ne3A_3161 : vector<96x96xi1>
    %sub3A_3163 = arith.constant 1 : i32
    %sub3A_3164 = vector.broadcast %sub3A_3163 : i32 to vector<96x96xi32>
    %sub3A_3165 = arith.subi %div3A_3138, %sub3A_3164 : vector<96x96xi32>
    %select_n3A_3166 = arith.select %and3A_3162, %sub3A_3165, %div3A_3138 : vector<96x96xi1>, vector<96x96xi32>
    %iota3A_3167 = tpu.iota {dimensions = array<i32: 1>} : vector<96x96xi32>
    %jit3A_3168 = arith.constant 32 : i32
    %div3A_3169 = vector.broadcast %jit3A_3168 : i32 to vector<96x96xi32>
    %div3A_3170 = arith.divsi %iota3A_3167, %div3A_3169 : vector<96x96xi32>
    %sign3A_3171 = arith.constant 0 : i32
    %sign3A_3172 = vector.broadcast %sign3A_3171 : i32 to vector<96x96xi32>
    %sign3A_3173 = arith.cmpi sgt, %iota3A_3167, %sign3A_3172 : vector<96x96xi32>
    %sign3A_3174 = arith.extui %sign3A_3173 : vector<96x96xi1> to vector<96x96xi32>
    %sign3A_3175 = arith.constant 0 : i32
    %sign3A_3176 = vector.broadcast %sign3A_3175 : i32 to vector<96x96xi32>
    %sign3A_3177 = arith.cmpi slt, %iota3A_3167, %sign3A_3176 : vector<96x96xi32>
    %sign3A_3178 = arith.extui %sign3A_3177 : vector<96x96xi1> to vector<96x96xi32>
    %sign3A_3179 = arith.subi %sign3A_3174, %sign3A_3178 : vector<96x96xi32>
    %sign3A_3180 = arith.constant 0 : i32
    %sign3A_3181 = arith.cmpi sgt, %jit3A_3168, %sign3A_3180 : i32
    %sign3A_3182 = arith.extui %sign3A_3181 : i1 to i32
    %sign3A_3183 = arith.constant 0 : i32
    %sign3A_3184 = arith.cmpi slt, %jit3A_3168, %sign3A_3183 : i32
    %sign3A_3185 = arith.extui %sign3A_3184 : i1 to i32
    %sign3A_3186 = arith.subi %sign3A_3182, %sign3A_3185 : i32
    %ne3A_3187 = vector.broadcast %sign3A_3186 : i32 to vector<96x96xi32>
    %ne3A_3188 = arith.cmpi ne, %sign3A_3179, %ne3A_3187 : vector<96x96xi32>
    %rem3A_3189 = vector.broadcast %jit3A_3168 : i32 to vector<96x96xi32>
    %rem3A_3190 = arith.remsi %iota3A_3167, %rem3A_3189 : vector<96x96xi32>
    %ne3A_3191 = arith.constant 0 : i32
    %ne3A_3192 = vector.broadcast %ne3A_3191 : i32 to vector<96x96xi32>
    %ne3A_3193 = arith.cmpi ne, %rem3A_3190, %ne3A_3192 : vector<96x96xi32>
    %and3A_3194 = arith.andi %ne3A_3188, %ne3A_3193 : vector<96x96xi1>
    %sub3A_3195 = arith.constant 1 : i32
    %sub3A_3196 = vector.broadcast %sub3A_3195 : i32 to vector<96x96xi32>
    %sub3A_3197 = arith.subi %div3A_3170, %sub3A_3196 : vector<96x96xi32>
    %select_n3A_3198 = arith.select %and3A_3194, %sub3A_3197, %div3A_3170 : vector<96x96xi1>, vector<96x96xi32>
    %slice3A_3199 = vector.extract_strided_slice %dot_general3A_3134 {offsets = [0, 0], sizes = [96, 96], strides = [1, 1]} : vector<96x97xf32> to vector<96x96xf32>
    %eq3A_3200 = arith.cmpi eq, %select_n3A_3166, %select_n3A_3198 : vector<96x96xi32>
    %convert_element_type3A_3201 = arith.extui %eq3A_3200 : vector<96x96xi1> to vector<96x96xi32>
    %convert_element_type3A_3202 = arith.sitofp %convert_element_type3A_3201 : vector<96x96xi32> to vector<96x96xf32>
    %mul3A_3203 = arith.mulf %slice3A_3199, %convert_element_type3A_3202 : vector<96x96xf32>
    %iota3A_3204 = tpu.iota {dimensions = array<i32: 0>} : vector<96x3xi32>
    %jit3A_3205 = arith.constant 32 : i32
    %div3A_3206 = vector.broadcast %jit3A_3205 : i32 to vector<96x3xi32>
    %div3A_3207 = arith.divsi %iota3A_3204, %div3A_3206 : vector<96x3xi32>
    %sign3A_3208 = arith.constant 0 : i32
    %sign3A_3209 = vector.broadcast %sign3A_3208 : i32 to vector<96x3xi32>
    %sign3A_3210 = arith.cmpi sgt, %iota3A_3204, %sign3A_3209 : vector<96x3xi32>
    %sign3A_3211 = arith.extui %sign3A_3210 : vector<96x3xi1> to vector<96x3xi32>
    %sign3A_3212 = arith.constant 0 : i32
    %sign3A_3213 = vector.broadcast %sign3A_3212 : i32 to vector<96x3xi32>
    %sign3A_3214 = arith.cmpi slt, %iota3A_3204, %sign3A_3213 : vector<96x3xi32>
    %sign3A_3215 = arith.extui %sign3A_3214 : vector<96x3xi1> to vector<96x3xi32>
    %sign3A_3216 = arith.subi %sign3A_3211, %sign3A_3215 : vector<96x3xi32>
    %sign3A_3217 = arith.constant 0 : i32
    %sign3A_3218 = arith.cmpi sgt, %jit3A_3205, %sign3A_3217 : i32
    %sign3A_3219 = arith.extui %sign3A_3218 : i1 to i32
    %sign3A_3220 = arith.constant 0 : i32
    %sign3A_3221 = arith.cmpi slt, %jit3A_3205, %sign3A_3220 : i32
    %sign3A_3222 = arith.extui %sign3A_3221 : i1 to i32
    %sign3A_3223 = arith.subi %sign3A_3219, %sign3A_3222 : i32
    %ne3A_3224 = vector.broadcast %sign3A_3223 : i32 to vector<96x3xi32>
    %ne3A_3225 = arith.cmpi ne, %sign3A_3216, %ne3A_3224 : vector<96x3xi32>
    %rem3A_3226 = vector.broadcast %jit3A_3205 : i32 to vector<96x3xi32>
    %rem3A_3227 = arith.remsi %iota3A_3204, %rem3A_3226 : vector<96x3xi32>
    %ne3A_3228 = arith.constant 0 : i32
    %ne3A_3229 = vector.broadcast %ne3A_3228 : i32 to vector<96x3xi32>
    %ne3A_3230 = arith.cmpi ne, %rem3A_3227, %ne3A_3229 : vector<96x3xi32>
    %and3A_3231 = arith.andi %ne3A_3225, %ne3A_3230 : vector<96x3xi1>
    %sub3A_3232 = arith.constant 1 : i32
    %sub3A_3233 = vector.broadcast %sub3A_3232 : i32 to vector<96x3xi32>
    %sub3A_3234 = arith.subi %div3A_3207, %sub3A_3233 : vector<96x3xi32>
    %select_n3A_3235 = arith.select %and3A_3231, %sub3A_3234, %div3A_3207 : vector<96x3xi1>, vector<96x3xi32>
    %iota3A_3236 = tpu.iota {dimensions = array<i32: 1>} : vector<96x3xi32>
    %slice3A_3237 = vector.extract_strided_slice %dot_general3A_3134 {offsets = [0, 96], sizes = [96, 1], strides = [1, 1]} : vector<96x97xf32> to vector<96x1xf32>
    %eq3A_3238 = arith.cmpi eq, %select_n3A_3235, %iota3A_3236 : vector<96x3xi32>
    %convert_element_type3A_3239 = arith.extui %eq3A_3238 : vector<96x3xi1> to vector<96x3xi32>
    %convert_element_type3A_3240 = arith.sitofp %convert_element_type3A_3239 : vector<96x3xi32> to vector<96x3xf32>
    %mul3A_3241 = vector.broadcast %slice3A_3237 : vector<96x1xf32> to vector<96x3xf32>
    %mul3A_3242 = arith.mulf %mul3A_3241, %convert_element_type3A_3240 : vector<96x3xf32>
    %broadcast_in_dim3A_3243 = arith.constant 0.000000e+00 : f32
    %broadcast_in_dim3A_3244 = vector.broadcast %broadcast_in_dim3A_3243 : f32 to vector<96x29xf32>
    %concatenate3A_3245 = tpu.concatenate %mul3A_3203, %mul3A_3242, %broadcast_in_dim3A_3244 in 1 : vector<96x96xf32>, vector<96x3xf32>, vector<96x29xf32> -> vector<96x128xf32>
    %convert_element_type3A_3246 = arith.truncf %concatenate3A_3245 : vector<96x128xf32> to vector<96x128xbf16>
    %swap3A_3247 = arith.constant 0 : index
    %swap3A_3248 = arith.constant 15 : index
    %swap3A_3249 = arith.constant 0 : index
    %swap3A_3250 = arith.constant 0 : index
    %swap3A_3251 = vector.load %arg8[%swap3A_3247, %swap3A_3248, %swap3A_3249, %swap3A_3250] : memref<1x16x96x128xbf16, #tpu.memory_space<vmem>>, vector<1x1x96x128xbf16>
    %swap3A_3252 = vector.shape_cast %swap3A_3251 : vector<1x1x96x128xbf16> to vector<96x128xbf16>
    %swap3A_3253 = vector.shape_cast %convert_element_type3A_3246 : vector<96x128xbf16> to vector<1x1x96x128xbf16>
    tpu.vector_store %arg8[%swap3A_3247, %swap3A_3248, %swap3A_3249, %swap3A_3250], %swap3A_3253 {strides = array<i32>} : memref<1x16x96x128xbf16, #tpu.memory_space<vmem>>, vector<1x1x96x128xbf16>,
    %concatenate3A_3254 = tpu.concatenate %get3A_3105, %get3A_3111 in 0 : vector<96x196xf32>, vector<96x196xf32> -> vector<192x196xf32>
    %bitcast_convert_type3A_3255 = tpu.bitcast %concatenate3A_3254 : vector<192x196xf32> -> vector<192x196xi32>
    %and3A_3256 = arith.constant -65536 : i32
    %and3A_3257 = vector.broadcast %and3A_3256 : i32 to vector<192x196xi32>
    %and3A_3258 = arith.andi %bitcast_convert_type3A_3255, %and3A_3257 : vector<192x196xi32>
    %bitcast_convert_type3A_3259 = tpu.bitcast %and3A_3258 : vector<192x196xi32> -> vector<192x196xf32>
    %sub3A_3260 = arith.subf %concatenate3A_3254, %bitcast_convert_type3A_3259 : vector<192x196xf32>
    %bitcast_convert_type3A_3261 = tpu.bitcast %sub3A_3260 : vector<192x196xf32> -> vector<192x196xi32>
    %and3A_3262 = arith.constant -65536 : i32
    %and3A_3263 = vector.broadcast %and3A_3262 : i32 to vector<192x196xi32>
    %and3A_3264 = arith.andi %bitcast_convert_type3A_3261, %and3A_3263 : vector<192x196xi32>
    %bitcast_convert_type3A_3265 = tpu.bitcast %and3A_3264 : vector<192x196xi32> -> vector<192x196xf32>
    %sub3A_3266 = arith.subf %sub3A_3260, %bitcast_convert_type3A_3265 : vector<192x196xf32>
    %concatenate3A_3267 = tpu.concatenate %bitcast_convert_type3A_3259, %bitcast_convert_type3A_3265, %sub3A_3266, %get3A_3117 in 0 : vector<192x196xf32>, vector<192x196xf32>, vector<192x196xf32>, vector<96x196xf32> -> vector<672x196xf32>
    %dot_general3A_3268 = arith.constant dense<0.000000e+00> : vector<1x672xf32>
    %dot_general3A_3269 = tpu.matmul %broadcast_in_dim3A_0, %concatenate3A_3267, %dot_general3A_3268 {dimension_numbers = #tpu.dot_dimension_numbers<[1], [1], [0], [0], [0, 0, 1, 0], [], []>, transpose_lhs_hint = false} : vector<1x196xf32>, vector<672x196xf32>, vector<1x672xf32> -> vector<1x672xf32>
    %slice3A_3270 = vector.extract_strided_slice %dot_general3A_3269 {offsets = [0, 0], sizes = [1, 96], strides = [1, 1]} : vector<1x672xf32> to vector<1x96xf32>
    %slice3A_3271 = vector.extract_strided_slice %dot_general3A_3269 {offsets = [0, 192], sizes = [1, 96], strides = [1, 1]} : vector<1x672xf32> to vector<1x96xf32>
    %add3A_3272 = arith.addf %slice3A_3270, %slice3A_3271 : vector<1x96xf32>
    %slice3A_3273 = vector.extract_strided_slice %dot_general3A_3269 {offsets = [0, 384], sizes = [1, 96], strides = [1, 1]} : vector<1x672xf32> to vector<1x96xf32>
    %add3A_3274 = arith.addf %add3A_3272, %slice3A_3273 : vector<1x96xf32>
    %mul3A_3275 = arith.constant 0.00510204071 : f32
    %mul3A_3276 = vector.broadcast %mul3A_3275 : f32 to vector<1x96xf32>
    %mul3A_3277 = arith.mulf %add3A_3274, %mul3A_3276 : vector<1x96xf32>
    %swap3A_3278 = arith.constant 0 : index
    %swap3A_3279 = arith.constant 15 : index
    %swap3A_3280 = arith.constant 0 : index
    %swap3A_3281 = vector.load %arg5[%swap3A_3278, %swap3A_3279, %swap3A_3280] : memref<1x16x96xf32, #tpu.memory_space<vmem>>, vector<1x1x96xf32>
    %swap3A_3282 = vector.shape_cast %swap3A_3281 : vector<1x1x96xf32> to vector<1x96xf32>
    %swap3A_3283 = vector.shape_cast %mul3A_3277 : vector<1x96xf32> to vector<1x1x96xf32>
    tpu.vector_store %arg5[%swap3A_3278, %swap3A_3279, %swap3A_3280], %swap3A_3283 {strides = array<i32>} : memref<1x16x96xf32, #tpu.memory_space<vmem>>, vector<1x1x96xf32>,
    %slice3A_3284 = vector.extract_strided_slice %dot_general3A_3269 {offsets = [0, 96], sizes = [1, 96], strides = [1, 1]} : vector<1x672xf32> to vector<1x96xf32>
    %slice3A_3285 = vector.extract_strided_slice %dot_general3A_3269 {offsets = [0, 288], sizes = [1, 96], strides = [1, 1]} : vector<1x672xf32> to vector<1x96xf32>
    %add3A_3286 = arith.addf %slice3A_3284, %slice3A_3285 : vector<1x96xf32>
    %slice3A_3287 = vector.extract_strided_slice %dot_general3A_3269 {offsets = [0, 480], sizes = [1, 96], strides = [1, 1]} : vector<1x672xf32> to vector<1x96xf32>
    %add3A_3288 = arith.addf %add3A_3286, %slice3A_3287 : vector<1x96xf32>
    %mul3A_3289 = arith.constant 0.00510204071 : f32
    %mul3A_3290 = vector.broadcast %mul3A_3289 : f32 to vector<1x96xf32>
    %mul3A_3291 = arith.mulf %add3A_3288, %mul3A_3290 : vector<1x96xf32>
    %swap3A_3292 = arith.constant 0 : index
    %swap3A_3293 = arith.constant 15 : index
    %swap3A_3294 = arith.constant 0 : index
    %swap3A_3295 = vector.load %arg6[%swap3A_3292, %swap3A_3293, %swap3A_3294] : memref<1x16x96xf32, #tpu.memory_space<vmem>>, vector<1x1x96xf32>
    %swap3A_3296 = vector.shape_cast %swap3A_3295 : vector<1x1x96xf32> to vector<1x96xf32>
    %swap3A_3297 = vector.shape_cast %mul3A_3291 : vector<1x96xf32> to vector<1x1x96xf32>
    tpu.vector_store %arg6[%swap3A_3292, %swap3A_3293, %swap3A_3294], %swap3A_3297 {strides = array<i32>} : memref<1x16x96xf32, #tpu.memory_space<vmem>>, vector<1x1x96xf32>,
    %slice3A_3298 = vector.extract_strided_slice %dot_general3A_3269 {offsets = [0, 576], sizes = [1, 96], strides = [1, 1]} : vector<1x672xf32> to vector<1x96xf32>
    %mul3A_3299 = arith.constant 0.00510204071 : f32
    %mul3A_3300 = vector.broadcast %mul3A_3299 : f32 to vector<1x96xf32>
    %mul3A_3301 = arith.mulf %slice3A_3298, %mul3A_3300 : vector<1x96xf32>
    %swap3A_3302 = arith.constant 0 : index
    %swap3A_3303 = arith.constant 15 : index
    %swap3A_3304 = arith.constant 0 : index
    %swap3A_3305 = vector.load %arg7[%swap3A_3302, %swap3A_3303, %swap3A_3304] : memref<1x16x96xf32, #tpu.memory_space<vmem>>, vector<1x1x96xf32>
    %swap3A_3306 = vector.shape_cast %swap3A_3305 : vector<1x1x96xf32> to vector<1x96xf32>
    %swap3A_3307 = vector.shape_cast %mul3A_3301 : vector<1x96xf32> to vector<1x1x96xf32>
    tpu.vector_store %arg7[%swap3A_3302, %swap3A_3303, %swap3A_3304], %swap3A_3307 {strides = array<i32>} : memref<1x16x96xf32, #tpu.memory_space<vmem>>, vector<1x1x96xf32>,
    return
  }
  func.func @transform_0(%arg0: i32, %arg1: i32) -> (i32, i32, i32, i32) {
    %c0_i32 = arith.constant 0 : i32
    %c0_i32_0 = arith.constant 0 : i32
    %c0_i32_1 = arith.constant 0 : i32
    return %arg0, %arg1, %c0_i32, %c0_i32_0 : i32, i32, i32, i32
  }
  func.func @transform_1(%arg0: i32, %arg1: i32) -> (i32, i32, i32, i32) {
    %c0_i32 = arith.constant 0 : i32
    %c0_i32_0 = arith.constant 0 : i32
    %c0_i32_1 = arith.constant 0 : i32
    return %arg0, %arg1, %c0_i32, %c0_i32_0 : i32, i32, i32, i32
  }
  func.func @transform_2(%arg0: i32, %arg1: i32) -> (i32, i32, i32, i32) {
    %c0_i32 = arith.constant 0 : i32
    %c0_i32_0 = arith.constant 0 : i32
    %c0_i32_1 = arith.constant 0 : i32
    return %arg0, %arg1, %c0_i32, %c0_i32_0 : i32, i32, i32, i32
  }
  func.func @transform_3(%arg0: i32, %arg1: i32) -> (i32, i32, i32) {
    %c0_i32 = arith.constant 0 : i32
    %c0_i32_0 = arith.constant 0 : i32
    return %arg0, %arg1, %c0_i32 : i32, i32, i32
  }
  func.func @transform_4(%arg0: i32, %arg1: i32) -> (i32, i32, i32) {
    %c0_i32 = arith.constant 0 : i32
    %c0_i32_0 = arith.constant 0 : i32
    return %arg0, %arg1, %c0_i32 : i32, i32, i32
  }
  func.func @transform_5(%arg0: i32, %arg1: i32) -> (i32, i32, i32) {
    %c0_i32 = arith.constant 0 : i32
    %c0_i32_0 = arith.constant 0 : i32
    return %arg0, %arg1, %c0_i32 : i32, i32, i32
  }
  func.func @transform_6(%arg0: i32, %arg1: i32) -> (i32, i32, i32, i32) {
    %c0_i32 = arith.constant 0 : i32
    %c0_i32_0 = arith.constant 0 : i32
    %c0_i32_1 = arith.constant 0 : i32
    return %arg0, %arg1, %c0_i32, %c0_i32_0 : i32, i32, i32, i32
  }
}

module attributes {stable_mosaic.version = 14 : i64} {
  func.func @_route_body(%arg0: i32, %arg1: memref<1x256x96xf32, #tpu.memory_space<vmem>>, %arg2: memref<1x256x96xf32, #tpu.memory_space<vmem>>, %arg3: memref<1x256x96xf32, #tpu.memory_space<vmem>>, %arg4: memref<1x256x12288xbf16, #tpu.memory_space<vmem>>, %arg5: memref<1x256x12288xbf16, #tpu.memory_space<vmem>>, %arg6: memref<1x96x128xf32, #tpu.memory_space<vmem>>) attributes {dimension_semantics = [#tpu.dimension_semantics<arbitrary>], iteration_bounds = array<i64: 2>, scalar_prefetch = 0 : i64, scratch_operands = 0 : i64, tpu.core_type = #tpu.core_type<tc>, window_params = [{transform_indices = @transform_0, window_bounds = array<i64: 1, 256, 96>}, {transform_indices = @transform_1, window_bounds = array<i64: 1, 256, 96>}, {transform_indices = @transform_2, window_bounds = array<i64: 1, 256, 96>}, {transform_indices = @transform_3, window_bounds = array<i64: 1, 256, 12288>}, {transform_indices = @transform_4, window_bounds = array<i64: 1, 256, 12288>}, {transform_indices = @transform_5, window_bounds = array<i64: 1, 96, 128>}]} {
    %get3A = arith.constant 0 : index
    %get3A_0 = arith.constant 0 : index
    %get3A_1 = arith.constant 0 : index
    %get3A_2 = vector.load %arg1[%get3A, %get3A_0, %get3A_1] : memref<1x256x96xf32, #tpu.memory_space<vmem>>, vector<1x256x96xf32>
    %get3A_3 = vector.shape_cast %get3A_2 : vector<1x256x96xf32> to vector<256x96xf32>
    %get3A_4 = arith.constant 0 : index
    %get3A_5 = arith.constant 0 : index
    %get3A_6 = arith.constant 0 : index
    %get3A_7 = vector.load %arg2[%get3A_4, %get3A_5, %get3A_6] : memref<1x256x96xf32, #tpu.memory_space<vmem>>, vector<1x256x96xf32>
    %get3A_8 = vector.shape_cast %get3A_7 : vector<1x256x96xf32> to vector<256x96xf32>
    %get3A_9 = arith.constant 0 : index
    %get3A_10 = arith.constant 0 : index
    %get3A_11 = arith.constant 0 : index
    %get3A_12 = vector.load %arg3[%get3A_9, %get3A_10, %get3A_11] : memref<1x256x96xf32, #tpu.memory_space<vmem>>, vector<1x256x96xf32>
    %get3A_13 = vector.shape_cast %get3A_12 : vector<1x256x96xf32> to vector<256x96xf32>
    %dot_general3A = arith.constant dense<0.000000e+00> : vector<256x256xf32>
    %dot_general3A_14 = tpu.matmul %get3A_3, %get3A_8, %dot_general3A {dimension_numbers = #tpu.dot_dimension_numbers<[1], [1], [0], [0], [0, 0, 1, 0], [], []>, transpose_lhs_hint = false} : vector<256x96xf32>, vector<256x96xf32>, vector<256x256xf32> -> vector<256x256xf32>
    %iota3A = tpu.iota {dimensions = array<i32: 1>} : vector<256x256xi32>
    %broadcast_in_dim3A = arith.constant 0.000000e+00 : f32
    %broadcast_in_dim3A_15 = vector.broadcast %broadcast_in_dim3A : f32 to vector<256x256xf32>
    %reduce_max3A = arith.constant dense<0xFF800000> : vector<256xf32>
    %reduce_max3A_16 = vector.multi_reduction <maximumf>, %dot_general3A_14, %reduce_max3A [1] : vector<256x256xf32> to vector<256xf32>
    %broadcast_in_dim3A_17 = vector.shape_cast %reduce_max3A_16 : vector<256xf32> to vector<256x1xf32>
    %eq3A = vector.broadcast %broadcast_in_dim3A_17 : vector<256x1xf32> to vector<256x256xf32>
    %eq3A_18 = arith.cmpf oeq, %dot_general3A_14, %eq3A : vector<256x256xf32>
    %jit3A = arith.constant 256 : i32
    %broadcast_in_dim3A_19 = vector.broadcast %jit3A : i32 to vector<256x256xi32>
    %select_n3A = arith.select %eq3A_18, %iota3A, %broadcast_in_dim3A_19 : vector<256x256xi1>, vector<256x256xi32>
    %reduce_min3A = arith.constant dense<2147483647> : vector<256xi32>
    %reduce_min3A_20 = vector.multi_reduction <minsi>, %select_n3A, %reduce_min3A [1] : vector<256x256xi32> to vector<256xi32>
    %broadcast_in_dim3A_21 = vector.shape_cast %reduce_min3A_20 : vector<256xi32> to vector<256x1xi32>
    %eq3A_22 = vector.broadcast %broadcast_in_dim3A_21 : vector<256x1xi32> to vector<256x256xi32>
    %eq3A_23 = arith.cmpi eq, %iota3A, %eq3A_22 : vector<256x256xi32>
    %convert_element_type3A = arith.extui %eq3A_23 : vector<256x256xi1> to vector<256x256xi32>
    %convert_element_type3A_24 = arith.sitofp %convert_element_type3A : vector<256x256xi32> to vector<256x256xf32>
    %add3A = arith.addf %broadcast_in_dim3A_15, %convert_element_type3A_24 : vector<256x256xf32>
    %jit3A_25 = arith.constant 0xFF800000 : f32
    %broadcast_in_dim3A_26 = vector.broadcast %jit3A_25 : f32 to vector<256x256xf32>
    %select_n3A_27 = arith.select %eq3A_23, %broadcast_in_dim3A_26, %dot_general3A_14 : vector<256x256xi1>, vector<256x256xf32>
    %reduce_max3A_28 = arith.constant dense<0xFF800000> : vector<256xf32>
    %reduce_max3A_29 = vector.multi_reduction <maximumf>, %select_n3A_27, %reduce_max3A_28 [1] : vector<256x256xf32> to vector<256xf32>
    %broadcast_in_dim3A_30 = vector.shape_cast %reduce_max3A_29 : vector<256xf32> to vector<256x1xf32>
    %eq3A_31 = vector.broadcast %broadcast_in_dim3A_30 : vector<256x1xf32> to vector<256x256xf32>
    %eq3A_32 = arith.cmpf oeq, %select_n3A_27, %eq3A_31 : vector<256x256xf32>
    %jit3A_33 = arith.constant 256 : i32
    %broadcast_in_dim3A_34 = vector.broadcast %jit3A_33 : i32 to vector<256x256xi32>
    %select_n3A_35 = arith.select %eq3A_32, %iota3A, %broadcast_in_dim3A_34 : vector<256x256xi1>, vector<256x256xi32>
    %reduce_min3A_36 = arith.constant dense<2147483647> : vector<256xi32>
    %reduce_min3A_37 = vector.multi_reduction <minsi>, %select_n3A_35, %reduce_min3A_36 [1] : vector<256x256xi32> to vector<256xi32>
    %broadcast_in_dim3A_38 = vector.shape_cast %reduce_min3A_37 : vector<256xi32> to vector<256x1xi32>
    %eq3A_39 = vector.broadcast %broadcast_in_dim3A_38 : vector<256x1xi32> to vector<256x256xi32>
    %eq3A_40 = arith.cmpi eq, %iota3A, %eq3A_39 : vector<256x256xi32>
    %convert_element_type3A_41 = arith.extui %eq3A_40 : vector<256x256xi1> to vector<256x256xi32>
    %convert_element_type3A_42 = arith.sitofp %convert_element_type3A_41 : vector<256x256xi32> to vector<256x256xf32>
    %add3A_43 = arith.addf %add3A, %convert_element_type3A_42 : vector<256x256xf32>
    %jit3A_44 = arith.constant 0xFF800000 : f32
    %broadcast_in_dim3A_45 = vector.broadcast %jit3A_44 : f32 to vector<256x256xf32>
    %select_n3A_46 = arith.select %eq3A_40, %broadcast_in_dim3A_45, %select_n3A_27 : vector<256x256xi1>, vector<256x256xf32>
    %reduce_max3A_47 = arith.constant dense<0xFF800000> : vector<256xf32>
    %reduce_max3A_48 = vector.multi_reduction <maximumf>, %select_n3A_46, %reduce_max3A_47 [1] : vector<256x256xf32> to vector<256xf32>
    %broadcast_in_dim3A_49 = vector.shape_cast %reduce_max3A_48 : vector<256xf32> to vector<256x1xf32>
    %eq3A_50 = vector.broadcast %broadcast_in_dim3A_49 : vector<256x1xf32> to vector<256x256xf32>
    %eq3A_51 = arith.cmpf oeq, %select_n3A_46, %eq3A_50 : vector<256x256xf32>
    %jit3A_52 = arith.constant 256 : i32
    %broadcast_in_dim3A_53 = vector.broadcast %jit3A_52 : i32 to vector<256x256xi32>
    %select_n3A_54 = arith.select %eq3A_51, %iota3A, %broadcast_in_dim3A_53 : vector<256x256xi1>, vector<256x256xi32>
    %reduce_min3A_55 = arith.constant dense<2147483647> : vector<256xi32>
    %reduce_min3A_56 = vector.multi_reduction <minsi>, %select_n3A_54, %reduce_min3A_55 [1] : vector<256x256xi32> to vector<256xi32>
    %broadcast_in_dim3A_57 = vector.shape_cast %reduce_min3A_56 : vector<256xi32> to vector<256x1xi32>
    %eq3A_58 = vector.broadcast %broadcast_in_dim3A_57 : vector<256x1xi32> to vector<256x256xi32>
    %eq3A_59 = arith.cmpi eq, %iota3A, %eq3A_58 : vector<256x256xi32>
    %convert_element_type3A_60 = arith.extui %eq3A_59 : vector<256x256xi1> to vector<256x256xi32>
    %convert_element_type3A_61 = arith.sitofp %convert_element_type3A_60 : vector<256x256xi32> to vector<256x256xf32>
    %add3A_62 = arith.addf %add3A_43, %convert_element_type3A_61 : vector<256x256xf32>
    %jit3A_63 = arith.constant 0xFF800000 : f32
    %broadcast_in_dim3A_64 = vector.broadcast %jit3A_63 : f32 to vector<256x256xf32>
    %select_n3A_65 = arith.select %eq3A_59, %broadcast_in_dim3A_64, %select_n3A_46 : vector<256x256xi1>, vector<256x256xf32>
    %reduce_max3A_66 = arith.constant dense<0xFF800000> : vector<256xf32>
    %reduce_max3A_67 = vector.multi_reduction <maximumf>, %select_n3A_65, %reduce_max3A_66 [1] : vector<256x256xf32> to vector<256xf32>
    %broadcast_in_dim3A_68 = vector.shape_cast %reduce_max3A_67 : vector<256xf32> to vector<256x1xf32>
    %eq3A_69 = vector.broadcast %broadcast_in_dim3A_68 : vector<256x1xf32> to vector<256x256xf32>
    %eq3A_70 = arith.cmpf oeq, %select_n3A_65, %eq3A_69 : vector<256x256xf32>
    %jit3A_71 = arith.constant 256 : i32
    %broadcast_in_dim3A_72 = vector.broadcast %jit3A_71 : i32 to vector<256x256xi32>
    %select_n3A_73 = arith.select %eq3A_70, %iota3A, %broadcast_in_dim3A_72 : vector<256x256xi1>, vector<256x256xi32>
    %reduce_min3A_74 = arith.constant dense<2147483647> : vector<256xi32>
    %reduce_min3A_75 = vector.multi_reduction <minsi>, %select_n3A_73, %reduce_min3A_74 [1] : vector<256x256xi32> to vector<256xi32>
    %broadcast_in_dim3A_76 = vector.shape_cast %reduce_min3A_75 : vector<256xi32> to vector<256x1xi32>
    %eq3A_77 = vector.broadcast %broadcast_in_dim3A_76 : vector<256x1xi32> to vector<256x256xi32>
    %eq3A_78 = arith.cmpi eq, %iota3A, %eq3A_77 : vector<256x256xi32>
    %convert_element_type3A_79 = arith.extui %eq3A_78 : vector<256x256xi1> to vector<256x256xi32>
    %convert_element_type3A_80 = arith.sitofp %convert_element_type3A_79 : vector<256x256xi32> to vector<256x256xf32>
    %add3A_81 = arith.addf %add3A_62, %convert_element_type3A_80 : vector<256x256xf32>
    %jit3A_82 = arith.constant 0xFF800000 : f32
    %broadcast_in_dim3A_83 = vector.broadcast %jit3A_82 : f32 to vector<256x256xf32>
    %select_n3A_84 = arith.select %eq3A_78, %broadcast_in_dim3A_83, %select_n3A_65 : vector<256x256xi1>, vector<256x256xf32>
    %reduce_max3A_85 = arith.constant dense<0xFF800000> : vector<256xf32>
    %reduce_max3A_86 = vector.multi_reduction <maximumf>, %select_n3A_84, %reduce_max3A_85 [1] : vector<256x256xf32> to vector<256xf32>
    %broadcast_in_dim3A_87 = vector.shape_cast %reduce_max3A_86 : vector<256xf32> to vector<256x1xf32>
    %eq3A_88 = vector.broadcast %broadcast_in_dim3A_87 : vector<256x1xf32> to vector<256x256xf32>
    %eq3A_89 = arith.cmpf oeq, %select_n3A_84, %eq3A_88 : vector<256x256xf32>
    %jit3A_90 = arith.constant 256 : i32
    %broadcast_in_dim3A_91 = vector.broadcast %jit3A_90 : i32 to vector<256x256xi32>
    %select_n3A_92 = arith.select %eq3A_89, %iota3A, %broadcast_in_dim3A_91 : vector<256x256xi1>, vector<256x256xi32>
    %reduce_min3A_93 = arith.constant dense<2147483647> : vector<256xi32>
    %reduce_min3A_94 = vector.multi_reduction <minsi>, %select_n3A_92, %reduce_min3A_93 [1] : vector<256x256xi32> to vector<256xi32>
    %broadcast_in_dim3A_95 = vector.shape_cast %reduce_min3A_94 : vector<256xi32> to vector<256x1xi32>
    %eq3A_96 = vector.broadcast %broadcast_in_dim3A_95 : vector<256x1xi32> to vector<256x256xi32>
    %eq3A_97 = arith.cmpi eq, %iota3A, %eq3A_96 : vector<256x256xi32>
    %convert_element_type3A_98 = arith.extui %eq3A_97 : vector<256x256xi1> to vector<256x256xi32>
    %convert_element_type3A_99 = arith.sitofp %convert_element_type3A_98 : vector<256x256xi32> to vector<256x256xf32>
    %add3A_100 = arith.addf %add3A_81, %convert_element_type3A_99 : vector<256x256xf32>
    %jit3A_101 = arith.constant 0xFF800000 : f32
    %broadcast_in_dim3A_102 = vector.broadcast %jit3A_101 : f32 to vector<256x256xf32>
    %select_n3A_103 = arith.select %eq3A_97, %broadcast_in_dim3A_102, %select_n3A_84 : vector<256x256xi1>, vector<256x256xf32>
    %reduce_max3A_104 = arith.constant dense<0xFF800000> : vector<256xf32>
    %reduce_max3A_105 = vector.multi_reduction <maximumf>, %select_n3A_103, %reduce_max3A_104 [1] : vector<256x256xf32> to vector<256xf32>
    %broadcast_in_dim3A_106 = vector.shape_cast %reduce_max3A_105 : vector<256xf32> to vector<256x1xf32>
    %eq3A_107 = vector.broadcast %broadcast_in_dim3A_106 : vector<256x1xf32> to vector<256x256xf32>
    %eq3A_108 = arith.cmpf oeq, %select_n3A_103, %eq3A_107 : vector<256x256xf32>
    %jit3A_109 = arith.constant 256 : i32
    %broadcast_in_dim3A_110 = vector.broadcast %jit3A_109 : i32 to vector<256x256xi32>
    %select_n3A_111 = arith.select %eq3A_108, %iota3A, %broadcast_in_dim3A_110 : vector<256x256xi1>, vector<256x256xi32>
    %reduce_min3A_112 = arith.constant dense<2147483647> : vector<256xi32>
    %reduce_min3A_113 = vector.multi_reduction <minsi>, %select_n3A_111, %reduce_min3A_112 [1] : vector<256x256xi32> to vector<256xi32>
    %broadcast_in_dim3A_114 = vector.shape_cast %reduce_min3A_113 : vector<256xi32> to vector<256x1xi32>
    %eq3A_115 = vector.broadcast %broadcast_in_dim3A_114 : vector<256x1xi32> to vector<256x256xi32>
    %eq3A_116 = arith.cmpi eq, %iota3A, %eq3A_115 : vector<256x256xi32>
    %convert_element_type3A_117 = arith.extui %eq3A_116 : vector<256x256xi1> to vector<256x256xi32>
    %convert_element_type3A_118 = arith.sitofp %convert_element_type3A_117 : vector<256x256xi32> to vector<256x256xf32>
    %add3A_119 = arith.addf %add3A_100, %convert_element_type3A_118 : vector<256x256xf32>
    %jit3A_120 = arith.constant 0xFF800000 : f32
    %broadcast_in_dim3A_121 = vector.broadcast %jit3A_120 : f32 to vector<256x256xf32>
    %select_n3A_122 = arith.select %eq3A_116, %broadcast_in_dim3A_121, %select_n3A_103 : vector<256x256xi1>, vector<256x256xf32>
    %reduce_max3A_123 = arith.constant dense<0xFF800000> : vector<256xf32>
    %reduce_max3A_124 = vector.multi_reduction <maximumf>, %select_n3A_122, %reduce_max3A_123 [1] : vector<256x256xf32> to vector<256xf32>
    %broadcast_in_dim3A_125 = vector.shape_cast %reduce_max3A_124 : vector<256xf32> to vector<256x1xf32>
    %eq3A_126 = vector.broadcast %broadcast_in_dim3A_125 : vector<256x1xf32> to vector<256x256xf32>
    %eq3A_127 = arith.cmpf oeq, %select_n3A_122, %eq3A_126 : vector<256x256xf32>
    %jit3A_128 = arith.constant 256 : i32
    %broadcast_in_dim3A_129 = vector.broadcast %jit3A_128 : i32 to vector<256x256xi32>
    %select_n3A_130 = arith.select %eq3A_127, %iota3A, %broadcast_in_dim3A_129 : vector<256x256xi1>, vector<256x256xi32>
    %reduce_min3A_131 = arith.constant dense<2147483647> : vector<256xi32>
    %reduce_min3A_132 = vector.multi_reduction <minsi>, %select_n3A_130, %reduce_min3A_131 [1] : vector<256x256xi32> to vector<256xi32>
    %broadcast_in_dim3A_133 = vector.shape_cast %reduce_min3A_132 : vector<256xi32> to vector<256x1xi32>
    %eq3A_134 = vector.broadcast %broadcast_in_dim3A_133 : vector<256x1xi32> to vector<256x256xi32>
    %eq3A_135 = arith.cmpi eq, %iota3A, %eq3A_134 : vector<256x256xi32>
    %convert_element_type3A_136 = arith.extui %eq3A_135 : vector<256x256xi1> to vector<256x256xi32>
    %convert_element_type3A_137 = arith.sitofp %convert_element_type3A_136 : vector<256x256xi32> to vector<256x256xf32>
    %add3A_138 = arith.addf %add3A_119, %convert_element_type3A_137 : vector<256x256xf32>
    %jit3A_139 = arith.constant 0xFF800000 : f32
    %broadcast_in_dim3A_140 = vector.broadcast %jit3A_139 : f32 to vector<256x256xf32>
    %select_n3A_141 = arith.select %eq3A_135, %broadcast_in_dim3A_140, %select_n3A_122 : vector<256x256xi1>, vector<256x256xf32>
    %reduce_max3A_142 = arith.constant dense<0xFF800000> : vector<256xf32>
    %reduce_max3A_143 = vector.multi_reduction <maximumf>, %select_n3A_141, %reduce_max3A_142 [1] : vector<256x256xf32> to vector<256xf32>
    %broadcast_in_dim3A_144 = vector.shape_cast %reduce_max3A_143 : vector<256xf32> to vector<256x1xf32>
    %eq3A_145 = vector.broadcast %broadcast_in_dim3A_144 : vector<256x1xf32> to vector<256x256xf32>
    %eq3A_146 = arith.cmpf oeq, %select_n3A_141, %eq3A_145 : vector<256x256xf32>
    %jit3A_147 = arith.constant 256 : i32
    %broadcast_in_dim3A_148 = vector.broadcast %jit3A_147 : i32 to vector<256x256xi32>
    %select_n3A_149 = arith.select %eq3A_146, %iota3A, %broadcast_in_dim3A_148 : vector<256x256xi1>, vector<256x256xi32>
    %reduce_min3A_150 = arith.constant dense<2147483647> : vector<256xi32>
    %reduce_min3A_151 = vector.multi_reduction <minsi>, %select_n3A_149, %reduce_min3A_150 [1] : vector<256x256xi32> to vector<256xi32>
    %broadcast_in_dim3A_152 = vector.shape_cast %reduce_min3A_151 : vector<256xi32> to vector<256x1xi32>
    %eq3A_153 = vector.broadcast %broadcast_in_dim3A_152 : vector<256x1xi32> to vector<256x256xi32>
    %eq3A_154 = arith.cmpi eq, %iota3A, %eq3A_153 : vector<256x256xi32>
    %convert_element_type3A_155 = arith.extui %eq3A_154 : vector<256x256xi1> to vector<256x256xi32>
    %convert_element_type3A_156 = arith.sitofp %convert_element_type3A_155 : vector<256x256xi32> to vector<256x256xf32>
    %add3A_157 = arith.addf %add3A_138, %convert_element_type3A_156 : vector<256x256xf32>
    %gt3A = arith.constant 0.000000e+00 : f32
    %gt3A_158 = vector.broadcast %gt3A : f32 to vector<256x96xf32>
    %gt3A_159 = arith.cmpf ogt, %get3A_8, %gt3A_158 : vector<256x96xf32>
    %add3A_160 = arith.constant 1.000000e+00 : f32
    %add3A_161 = vector.broadcast %add3A_160 : f32 to vector<256x96xf32>
    %add3A_162 = arith.addf %get3A_8, %add3A_161 : vector<256x96xf32>
    %gt3A_163 = arith.constant 0.000000e+00 : f32
    %gt3A_164 = vector.broadcast %gt3A_163 : f32 to vector<256x96xf32>
    %gt3A_165 = arith.cmpf ogt, %get3A_8, %gt3A_164 : vector<256x96xf32>
    %jit3A_166 = arith.constant 0.000000e+00 : f32
    %broadcast_in_dim3A_167 = vector.broadcast %jit3A_166 : f32 to vector<256x96xf32>
    %select_n3A_168 = arith.select %gt3A_165, %broadcast_in_dim3A_167, %get3A_8 : vector<256x96xi1>, vector<256x96xf32>
    %exp3A = math.exp %select_n3A_168 : vector<256x96xf32>
    %select_n3A_169 = arith.select %gt3A_159, %add3A_162, %exp3A : vector<256x96xi1>, vector<256x96xf32>
    %broadcast_in_dim3A_170 = arith.constant 1.000000e+00 : f32
    %broadcast_in_dim3A_171 = vector.broadcast %broadcast_in_dim3A_170 : f32 to vector<256x1xf32>
    %concatenate3A = tpu.concatenate %get3A_13, %broadcast_in_dim3A_171 in 1 : vector<256x96xf32>, vector<256x1xf32> -> vector<256x97xf32>
    %dot_general3A_172 = arith.constant dense<0.000000e+00> : vector<96x97xf32>
    %dot_general3A_173 = tpu.matmul %select_n3A_169, %concatenate3A, %dot_general3A_172 {dimension_numbers = #tpu.dot_dimension_numbers<[0], [0], [1], [1], [0, 1, 1, 1], [], []>, transpose_lhs_hint = false} : vector<256x96xf32>, vector<256x97xf32>, vector<96x97xf32> -> vector<96x97xf32>
    %iota3A_174 = tpu.iota {dimensions = array<i32: 0>} : vector<96x96xi32>
    %jit3A_175 = arith.constant 32 : i32
    %div3A = vector.broadcast %jit3A_175 : i32 to vector<96x96xi32>
    %div3A_176 = arith.divsi %iota3A_174, %div3A : vector<96x96xi32>
    %sign3A = arith.constant 0 : i32
    %sign3A_177 = vector.broadcast %sign3A : i32 to vector<96x96xi32>
    %sign3A_178 = arith.cmpi sgt, %iota3A_174, %sign3A_177 : vector<96x96xi32>
    %sign3A_179 = arith.extui %sign3A_178 : vector<96x96xi1> to vector<96x96xi32>
    %sign3A_180 = arith.constant 0 : i32
    %sign3A_181 = vector.broadcast %sign3A_180 : i32 to vector<96x96xi32>
    %sign3A_182 = arith.cmpi slt, %iota3A_174, %sign3A_181 : vector<96x96xi32>
    %sign3A_183 = arith.extui %sign3A_182 : vector<96x96xi1> to vector<96x96xi32>
    %sign3A_184 = arith.subi %sign3A_179, %sign3A_183 : vector<96x96xi32>
    %sign3A_185 = arith.constant 0 : i32
    %sign3A_186 = arith.cmpi sgt, %jit3A_175, %sign3A_185 : i32
    %sign3A_187 = arith.extui %sign3A_186 : i1 to i32
    %sign3A_188 = arith.constant 0 : i32
    %sign3A_189 = arith.cmpi slt, %jit3A_175, %sign3A_188 : i32
    %sign3A_190 = arith.extui %sign3A_189 : i1 to i32
    %sign3A_191 = arith.subi %sign3A_187, %sign3A_190 : i32
    %ne3A = vector.broadcast %sign3A_191 : i32 to vector<96x96xi32>
    %ne3A_192 = arith.cmpi ne, %sign3A_184, %ne3A : vector<96x96xi32>
    %rem3A = vector.broadcast %jit3A_175 : i32 to vector<96x96xi32>
    %rem3A_193 = arith.remsi %iota3A_174, %rem3A : vector<96x96xi32>
    %ne3A_194 = arith.constant 0 : i32
    %ne3A_195 = vector.broadcast %ne3A_194 : i32 to vector<96x96xi32>
    %ne3A_196 = arith.cmpi ne, %rem3A_193, %ne3A_195 : vector<96x96xi32>
    %and3A = arith.andi %ne3A_192, %ne3A_196 : vector<96x96xi1>
    %sub3A = arith.constant 1 : i32
    %sub3A_197 = vector.broadcast %sub3A : i32 to vector<96x96xi32>
    %sub3A_198 = arith.subi %div3A_176, %sub3A_197 : vector<96x96xi32>
    %select_n3A_199 = arith.select %and3A, %sub3A_198, %div3A_176 : vector<96x96xi1>, vector<96x96xi32>
    %iota3A_200 = tpu.iota {dimensions = array<i32: 1>} : vector<96x96xi32>
    %jit3A_201 = arith.constant 32 : i32
    %div3A_202 = vector.broadcast %jit3A_201 : i32 to vector<96x96xi32>
    %div3A_203 = arith.divsi %iota3A_200, %div3A_202 : vector<96x96xi32>
    %sign3A_204 = arith.constant 0 : i32
    %sign3A_205 = vector.broadcast %sign3A_204 : i32 to vector<96x96xi32>
    %sign3A_206 = arith.cmpi sgt, %iota3A_200, %sign3A_205 : vector<96x96xi32>
    %sign3A_207 = arith.extui %sign3A_206 : vector<96x96xi1> to vector<96x96xi32>
    %sign3A_208 = arith.constant 0 : i32
    %sign3A_209 = vector.broadcast %sign3A_208 : i32 to vector<96x96xi32>
    %sign3A_210 = arith.cmpi slt, %iota3A_200, %sign3A_209 : vector<96x96xi32>
    %sign3A_211 = arith.extui %sign3A_210 : vector<96x96xi1> to vector<96x96xi32>
    %sign3A_212 = arith.subi %sign3A_207, %sign3A_211 : vector<96x96xi32>
    %sign3A_213 = arith.constant 0 : i32
    %sign3A_214 = arith.cmpi sgt, %jit3A_201, %sign3A_213 : i32
    %sign3A_215 = arith.extui %sign3A_214 : i1 to i32
    %sign3A_216 = arith.constant 0 : i32
    %sign3A_217 = arith.cmpi slt, %jit3A_201, %sign3A_216 : i32
    %sign3A_218 = arith.extui %sign3A_217 : i1 to i32
    %sign3A_219 = arith.subi %sign3A_215, %sign3A_218 : i32
    %ne3A_220 = vector.broadcast %sign3A_219 : i32 to vector<96x96xi32>
    %ne3A_221 = arith.cmpi ne, %sign3A_212, %ne3A_220 : vector<96x96xi32>
    %rem3A_222 = vector.broadcast %jit3A_201 : i32 to vector<96x96xi32>
    %rem3A_223 = arith.remsi %iota3A_200, %rem3A_222 : vector<96x96xi32>
    %ne3A_224 = arith.constant 0 : i32
    %ne3A_225 = vector.broadcast %ne3A_224 : i32 to vector<96x96xi32>
    %ne3A_226 = arith.cmpi ne, %rem3A_223, %ne3A_225 : vector<96x96xi32>
    %and3A_227 = arith.andi %ne3A_221, %ne3A_226 : vector<96x96xi1>
    %sub3A_228 = arith.constant 1 : i32
    %sub3A_229 = vector.broadcast %sub3A_228 : i32 to vector<96x96xi32>
    %sub3A_230 = arith.subi %div3A_203, %sub3A_229 : vector<96x96xi32>
    %select_n3A_231 = arith.select %and3A_227, %sub3A_230, %div3A_203 : vector<96x96xi1>, vector<96x96xi32>
    %slice3A = vector.extract_strided_slice %dot_general3A_173 {offsets = [0, 0], sizes = [96, 96], strides = [1, 1]} : vector<96x97xf32> to vector<96x96xf32>
    %eq3A_232 = arith.cmpi eq, %select_n3A_199, %select_n3A_231 : vector<96x96xi32>
    %convert_element_type3A_233 = arith.extui %eq3A_232 : vector<96x96xi1> to vector<96x96xi32>
    %convert_element_type3A_234 = arith.sitofp %convert_element_type3A_233 : vector<96x96xi32> to vector<96x96xf32>
    %mul3A = arith.mulf %slice3A, %convert_element_type3A_234 : vector<96x96xf32>
    %iota3A_235 = tpu.iota {dimensions = array<i32: 0>} : vector<96x3xi32>
    %jit3A_236 = arith.constant 32 : i32
    %div3A_237 = vector.broadcast %jit3A_236 : i32 to vector<96x3xi32>
    %div3A_238 = arith.divsi %iota3A_235, %div3A_237 : vector<96x3xi32>
    %sign3A_239 = arith.constant 0 : i32
    %sign3A_240 = vector.broadcast %sign3A_239 : i32 to vector<96x3xi32>
    %sign3A_241 = arith.cmpi sgt, %iota3A_235, %sign3A_240 : vector<96x3xi32>
    %sign3A_242 = arith.extui %sign3A_241 : vector<96x3xi1> to vector<96x3xi32>
    %sign3A_243 = arith.constant 0 : i32
    %sign3A_244 = vector.broadcast %sign3A_243 : i32 to vector<96x3xi32>
    %sign3A_245 = arith.cmpi slt, %iota3A_235, %sign3A_244 : vector<96x3xi32>
    %sign3A_246 = arith.extui %sign3A_245 : vector<96x3xi1> to vector<96x3xi32>
    %sign3A_247 = arith.subi %sign3A_242, %sign3A_246 : vector<96x3xi32>
    %sign3A_248 = arith.constant 0 : i32
    %sign3A_249 = arith.cmpi sgt, %jit3A_236, %sign3A_248 : i32
    %sign3A_250 = arith.extui %sign3A_249 : i1 to i32
    %sign3A_251 = arith.constant 0 : i32
    %sign3A_252 = arith.cmpi slt, %jit3A_236, %sign3A_251 : i32
    %sign3A_253 = arith.extui %sign3A_252 : i1 to i32
    %sign3A_254 = arith.subi %sign3A_250, %sign3A_253 : i32
    %ne3A_255 = vector.broadcast %sign3A_254 : i32 to vector<96x3xi32>
    %ne3A_256 = arith.cmpi ne, %sign3A_247, %ne3A_255 : vector<96x3xi32>
    %rem3A_257 = vector.broadcast %jit3A_236 : i32 to vector<96x3xi32>
    %rem3A_258 = arith.remsi %iota3A_235, %rem3A_257 : vector<96x3xi32>
    %ne3A_259 = arith.constant 0 : i32
    %ne3A_260 = vector.broadcast %ne3A_259 : i32 to vector<96x3xi32>
    %ne3A_261 = arith.cmpi ne, %rem3A_258, %ne3A_260 : vector<96x3xi32>
    %and3A_262 = arith.andi %ne3A_256, %ne3A_261 : vector<96x3xi1>
    %sub3A_263 = arith.constant 1 : i32
    %sub3A_264 = vector.broadcast %sub3A_263 : i32 to vector<96x3xi32>
    %sub3A_265 = arith.subi %div3A_238, %sub3A_264 : vector<96x3xi32>
    %select_n3A_266 = arith.select %and3A_262, %sub3A_265, %div3A_238 : vector<96x3xi1>, vector<96x3xi32>
    %iota3A_267 = tpu.iota {dimensions = array<i32: 1>} : vector<96x3xi32>
    %slice3A_268 = vector.extract_strided_slice %dot_general3A_173 {offsets = [0, 96], sizes = [96, 1], strides = [1, 1]} : vector<96x97xf32> to vector<96x1xf32>
    %eq3A_269 = arith.cmpi eq, %select_n3A_266, %iota3A_267 : vector<96x3xi32>
    %convert_element_type3A_270 = arith.extui %eq3A_269 : vector<96x3xi1> to vector<96x3xi32>
    %convert_element_type3A_271 = arith.sitofp %convert_element_type3A_270 : vector<96x3xi32> to vector<96x3xf32>
    %mul3A_272 = vector.broadcast %slice3A_268 : vector<96x1xf32> to vector<96x3xf32>
    %mul3A_273 = arith.mulf %mul3A_272, %convert_element_type3A_271 : vector<96x3xf32>
    %broadcast_in_dim3A_274 = arith.constant 0.000000e+00 : f32
    %broadcast_in_dim3A_275 = vector.broadcast %broadcast_in_dim3A_274 : f32 to vector<96x29xf32>
    %concatenate3A_276 = tpu.concatenate %mul3A, %mul3A_273, %broadcast_in_dim3A_275 in 1 : vector<96x96xf32>, vector<96x3xf32>, vector<96x29xf32> -> vector<96x128xf32>
    %swap3A = arith.constant 0 : index
    %swap3A_277 = arith.constant 0 : index
    %swap3A_278 = arith.constant 0 : index
    %swap3A_279 = vector.load %arg6[%swap3A, %swap3A_277, %swap3A_278] : memref<1x96x128xf32, #tpu.memory_space<vmem>>, vector<1x96x128xf32>
    %swap3A_280 = vector.shape_cast %swap3A_279 : vector<1x96x128xf32> to vector<96x128xf32>
    %swap3A_281 = vector.shape_cast %concatenate3A_276 : vector<96x128xf32> to vector<1x96x128xf32>
    tpu.vector_store %arg6[%swap3A, %swap3A_277, %swap3A_278], %swap3A_281 {strides = array<i32>} : memref<1x96x128xf32, #tpu.memory_space<vmem>>, vector<1x96x128xf32>,
    %convert_element_type3A_282 = arith.truncf %add3A_157 : vector<256x256xf32> to vector<256x256xbf16>
    %get3A_283 = arith.constant 0 : index
    %get3A_284 = arith.constant 0 : index
    %get3A_285 = arith.constant 0 : index
    %get3A_286 = vector.load %arg4[%get3A_283, %get3A_284, %get3A_285] : memref<1x256x12288xbf16, #tpu.memory_space<vmem>>, vector<1x256x12288xbf16>
    %get3A_287 = vector.shape_cast %get3A_286 : vector<1x256x12288xbf16> to vector<256x12288xbf16>
    %dot_general3A_288 = arith.constant dense<0.000000e+00> : vector<256x12288xf32>
    %dot_general3A_289 = tpu.matmul %convert_element_type3A_282, %get3A_287, %dot_general3A_288 {dimension_numbers = #tpu.dot_dimension_numbers<[1], [0], [0], [1], [0, 0, 1, 1], [], []>, transpose_lhs_hint = false} : vector<256x256xbf16>, vector<256x12288xbf16>, vector<256x12288xf32> -> vector<256x12288xf32>
    %convert_element_type3A_290 = arith.truncf %dot_general3A_289 : vector<256x12288xf32> to vector<256x12288xbf16>
    %swap3A_291 = arith.constant 0 : index
    %swap3A_292 = arith.constant 0 : index
    %swap3A_293 = arith.constant 0 : index
    %swap3A_294 = vector.load %arg5[%swap3A_291, %swap3A_292, %swap3A_293] : memref<1x256x12288xbf16, #tpu.memory_space<vmem>>, vector<1x256x12288xbf16>
    %swap3A_295 = vector.shape_cast %swap3A_294 : vector<1x256x12288xbf16> to vector<256x12288xbf16>
    %swap3A_296 = vector.shape_cast %convert_element_type3A_290 : vector<256x12288xbf16> to vector<1x256x12288xbf16>
    tpu.vector_store %arg5[%swap3A_291, %swap3A_292, %swap3A_293], %swap3A_296 {strides = array<i32>} : memref<1x256x12288xbf16, #tpu.memory_space<vmem>>, vector<1x256x12288xbf16>,
    return
  }
  func.func @transform_0(%arg0: i32) -> (i32, i32, i32) {
    %c0_i32 = arith.constant 0 : i32
    %c0_i32_0 = arith.constant 0 : i32
    %c0_i32_1 = arith.constant 0 : i32
    return %arg0, %c0_i32, %c0_i32_0 : i32, i32, i32
  }
  func.func @transform_1(%arg0: i32) -> (i32, i32, i32) {
    %c0_i32 = arith.constant 0 : i32
    %c0_i32_0 = arith.constant 0 : i32
    %c0_i32_1 = arith.constant 0 : i32
    return %arg0, %c0_i32, %c0_i32_0 : i32, i32, i32
  }
  func.func @transform_2(%arg0: i32) -> (i32, i32, i32) {
    %c0_i32 = arith.constant 0 : i32
    %c0_i32_0 = arith.constant 0 : i32
    %c0_i32_1 = arith.constant 0 : i32
    return %arg0, %c0_i32, %c0_i32_0 : i32, i32, i32
  }
  func.func @transform_3(%arg0: i32) -> (i32, i32, i32) {
    %c0_i32 = arith.constant 0 : i32
    %c0_i32_0 = arith.constant 0 : i32
    %c0_i32_1 = arith.constant 0 : i32
    return %arg0, %c0_i32, %c0_i32_0 : i32, i32, i32
  }
  func.func @transform_4(%arg0: i32) -> (i32, i32, i32) {
    %c0_i32 = arith.constant 0 : i32
    %c0_i32_0 = arith.constant 0 : i32
    %c0_i32_1 = arith.constant 0 : i32
    return %arg0, %c0_i32, %c0_i32_0 : i32, i32, i32
  }
  func.func @transform_5(%arg0: i32) -> (i32, i32, i32) {
    %c0_i32 = arith.constant 0 : i32
    %c0_i32_0 = arith.constant 0 : i32
    %c0_i32_1 = arith.constant 0 : i32
    return %arg0, %c0_i32, %c0_i32_0 : i32, i32, i32
  }
}

module attributes {stable_mosaic.version = 14 : i64} {
  func.func @_attn_body(%arg0: i32, %arg1: i32, %arg2: memref<1x8x96x196xf32, #tpu.memory_space<vmem>>, %arg3: memref<1x8x96x128xbf16, #tpu.memory_space<vmem>>, %arg4: memref<1x96x128xf32, #tpu.memory_space<vmem>>, %arg5: memref<1x8x96x196xf32, #tpu.memory_space<vmem>>) attributes {dimension_semantics = [#tpu.dimension_semantics<arbitrary>, #tpu.dimension_semantics<arbitrary>], iteration_bounds = array<i64: 2, 32>, scalar_prefetch = 0 : i64, scratch_operands = 0 : i64, tpu.core_type = #tpu.core_type<tc>, window_params = [{transform_indices = @transform_0, window_bounds = array<i64: 1, 8, 96, 196>}, {transform_indices = @transform_1, window_bounds = array<i64: 1, 8, 96, 128>}, {transform_indices = @transform_2, window_bounds = array<i64: 1, 96, 128>}, {transform_indices = @transform_3, window_bounds = array<i64: 1, 8, 96, 196>}]} {
    %iota3A = tpu.iota {dimensions = array<i32: 1>} : vector<3x96xi32>
    %jit3A = arith.constant 32 : i32
    %div3A = vector.broadcast %jit3A : i32 to vector<3x96xi32>
    %div3A_0 = arith.divsi %iota3A, %div3A : vector<3x96xi32>
    %sign3A = arith.constant 0 : i32
    %sign3A_1 = vector.broadcast %sign3A : i32 to vector<3x96xi32>
    %sign3A_2 = arith.cmpi sgt, %iota3A, %sign3A_1 : vector<3x96xi32>
    %sign3A_3 = arith.extui %sign3A_2 : vector<3x96xi1> to vector<3x96xi32>
    %sign3A_4 = arith.constant 0 : i32
    %sign3A_5 = vector.broadcast %sign3A_4 : i32 to vector<3x96xi32>
    %sign3A_6 = arith.cmpi slt, %iota3A, %sign3A_5 : vector<3x96xi32>
    %sign3A_7 = arith.extui %sign3A_6 : vector<3x96xi1> to vector<3x96xi32>
    %sign3A_8 = arith.subi %sign3A_3, %sign3A_7 : vector<3x96xi32>
    %sign3A_9 = arith.constant 0 : i32
    %sign3A_10 = arith.cmpi sgt, %jit3A, %sign3A_9 : i32
    %sign3A_11 = arith.extui %sign3A_10 : i1 to i32
    %sign3A_12 = arith.constant 0 : i32
    %sign3A_13 = arith.cmpi slt, %jit3A, %sign3A_12 : i32
    %sign3A_14 = arith.extui %sign3A_13 : i1 to i32
    %sign3A_15 = arith.subi %sign3A_11, %sign3A_14 : i32
    %ne3A = vector.broadcast %sign3A_15 : i32 to vector<3x96xi32>
    %ne3A_16 = arith.cmpi ne, %sign3A_8, %ne3A : vector<3x96xi32>
    %rem3A = vector.broadcast %jit3A : i32 to vector<3x96xi32>
    %rem3A_17 = arith.remsi %iota3A, %rem3A : vector<3x96xi32>
    %ne3A_18 = arith.constant 0 : i32
    %ne3A_19 = vector.broadcast %ne3A_18 : i32 to vector<3x96xi32>
    %ne3A_20 = arith.cmpi ne, %rem3A_17, %ne3A_19 : vector<3x96xi32>
    %and3A = arith.andi %ne3A_16, %ne3A_20 : vector<3x96xi1>
    %sub3A = arith.constant 1 : i32
    %sub3A_21 = vector.broadcast %sub3A : i32 to vector<3x96xi32>
    %sub3A_22 = arith.subi %div3A_0, %sub3A_21 : vector<3x96xi32>
    %select_n3A = arith.select %and3A, %sub3A_22, %div3A_0 : vector<3x96xi1>, vector<3x96xi32>
    %iota3A_23 = tpu.iota {dimensions = array<i32: 0>} : vector<3x96xi32>
    %eq3A = arith.cmpi eq, %select_n3A, %iota3A_23 : vector<3x96xi32>
    %convert_element_type3A = arith.extui %eq3A : vector<3x96xi1> to vector<3x96xi32>
    %convert_element_type3A_24 = arith.sitofp %convert_element_type3A : vector<3x96xi32> to vector<3x96xf32>
    %get3A = arith.constant 0 : index
    %get3A_25 = arith.constant 0 : index
    %get3A_26 = arith.constant 0 : index
    %get3A_27 = vector.load %arg4[%get3A, %get3A_25, %get3A_26] : memref<1x96x128xf32, #tpu.memory_space<vmem>>, vector<1x96x128xf32>
    %get3A_28 = vector.shape_cast %get3A_27 : vector<1x96x128xf32> to vector<96x128xf32>
    %get3A_29 = arith.constant 0 : index
    %get3A_30 = arith.constant 0 : index
    %get3A_31 = arith.constant 0 : index
    %get3A_32 = arith.constant 0 : index
    %get3A_33 = vector.load %arg2[%get3A_29, %get3A_30, %get3A_31, %get3A_32] : memref<1x8x96x196xf32, #tpu.memory_space<vmem>>, vector<1x1x96x196xf32>
    %get3A_34 = vector.shape_cast %get3A_33 : vector<1x1x96x196xf32> to vector<96x196xf32>
    %gt3A = arith.constant 0.000000e+00 : f32
    %gt3A_35 = vector.broadcast %gt3A : f32 to vector<96x196xf32>
    %gt3A_36 = arith.cmpf ogt, %get3A_34, %gt3A_35 : vector<96x196xf32>
    %add3A = arith.constant 1.000000e+00 : f32
    %add3A_37 = vector.broadcast %add3A : f32 to vector<96x196xf32>
    %add3A_38 = arith.addf %get3A_34, %add3A_37 : vector<96x196xf32>
    %gt3A_39 = arith.constant 0.000000e+00 : f32
    %gt3A_40 = vector.broadcast %gt3A_39 : f32 to vector<96x196xf32>
    %gt3A_41 = arith.cmpf ogt, %get3A_34, %gt3A_40 : vector<96x196xf32>
    %jit3A_42 = arith.constant 0.000000e+00 : f32
    %broadcast_in_dim3A = vector.broadcast %jit3A_42 : f32 to vector<96x196xf32>
    %select_n3A_43 = arith.select %gt3A_41, %broadcast_in_dim3A, %get3A_34 : vector<96x196xi1>, vector<96x196xf32>
    %exp3A = math.exp %select_n3A_43 : vector<96x196xf32>
    %select_n3A_44 = arith.select %gt3A_36, %add3A_38, %exp3A : vector<96x196xi1>, vector<96x196xf32>
    %get3A_45 = arith.constant 0 : index
    %get3A_46 = arith.constant 0 : index
    %get3A_47 = arith.constant 0 : index
    %get3A_48 = arith.constant 0 : index
    %get3A_49 = vector.load %arg3[%get3A_45, %get3A_46, %get3A_47, %get3A_48] : memref<1x8x96x128xbf16, #tpu.memory_space<vmem>>, vector<1x1x96x128xbf16>
    %get3A_50 = vector.shape_cast %get3A_49 : vector<1x1x96x128xbf16> to vector<96x128xbf16>
    %convert_element_type3A_51 = arith.extf %get3A_50 : vector<96x128xbf16> to vector<96x128xf32>
    %add3A_52 = arith.addf %convert_element_type3A_51, %get3A_28 : vector<96x128xf32>
    %dot_general3A = arith.constant dense<0.000000e+00> : vector<128x196xf32>
    %dot_general3A_53 = tpu.matmul %add3A_52, %select_n3A_44, %dot_general3A {dimension_numbers = #tpu.dot_dimension_numbers<[0], [0], [1], [1], [0, 1, 1, 1], [], []>, transpose_lhs_hint = false} : vector<96x128xf32>, vector<96x196xf32>, vector<128x196xf32> -> vector<128x196xf32>
    %slice3A = vector.extract_strided_slice %dot_general3A_53 {offsets = [96, 0], sizes = [3, 196], strides = [1, 1]} : vector<128x196xf32> to vector<3x196xf32>
    %dot_general3A_54 = arith.constant dense<0.000000e+00> : vector<96x196xf32>
    %dot_general3A_55 = tpu.matmul %convert_element_type3A_24, %slice3A, %dot_general3A_54 {dimension_numbers = #tpu.dot_dimension_numbers<[0], [0], [1], [1], [0, 1, 1, 1], [], []>, transpose_lhs_hint = false} : vector<3x96xf32>, vector<3x196xf32>, vector<96x196xf32> -> vector<96x196xf32>
    %add3A_56 = arith.constant 9.99999997E-7 : f32
    %add3A_57 = vector.broadcast %add3A_56 : f32 to vector<96x196xf32>
    %add3A_58 = arith.addf %dot_general3A_55, %add3A_57 : vector<96x196xf32>
    %slice3A_59 = vector.extract_strided_slice %dot_general3A_53 {offsets = [0, 0], sizes = [96, 196], strides = [1, 1]} : vector<128x196xf32> to vector<96x196xf32>
    %div3A_60 = arith.divf %slice3A_59, %add3A_58 : vector<96x196xf32>
    %swap3A = arith.constant 0 : index
    %swap3A_61 = arith.constant 0 : index
    %swap3A_62 = arith.constant 0 : index
    %swap3A_63 = arith.constant 0 : index
    %swap3A_64 = vector.load %arg5[%swap3A, %swap3A_61, %swap3A_62, %swap3A_63] : memref<1x8x96x196xf32, #tpu.memory_space<vmem>>, vector<1x1x96x196xf32>
    %swap3A_65 = vector.shape_cast %swap3A_64 : vector<1x1x96x196xf32> to vector<96x196xf32>
    %swap3A_66 = vector.shape_cast %div3A_60 : vector<96x196xf32> to vector<1x1x96x196xf32>
    tpu.vector_store %arg5[%swap3A, %swap3A_61, %swap3A_62, %swap3A_63], %swap3A_66 {strides = array<i32>} : memref<1x8x96x196xf32, #tpu.memory_space<vmem>>, vector<1x1x96x196xf32>,
    %get3A_67 = arith.constant 0 : index
    %get3A_68 = arith.constant 1 : index
    %get3A_69 = arith.constant 0 : index
    %get3A_70 = arith.constant 0 : index
    %get3A_71 = vector.load %arg2[%get3A_67, %get3A_68, %get3A_69, %get3A_70] : memref<1x8x96x196xf32, #tpu.memory_space<vmem>>, vector<1x1x96x196xf32>
    %get3A_72 = vector.shape_cast %get3A_71 : vector<1x1x96x196xf32> to vector<96x196xf32>
    %gt3A_73 = arith.constant 0.000000e+00 : f32
    %gt3A_74 = vector.broadcast %gt3A_73 : f32 to vector<96x196xf32>
    %gt3A_75 = arith.cmpf ogt, %get3A_72, %gt3A_74 : vector<96x196xf32>
    %add3A_76 = arith.constant 1.000000e+00 : f32
    %add3A_77 = vector.broadcast %add3A_76 : f32 to vector<96x196xf32>
    %add3A_78 = arith.addf %get3A_72, %add3A_77 : vector<96x196xf32>
    %gt3A_79 = arith.constant 0.000000e+00 : f32
    %gt3A_80 = vector.broadcast %gt3A_79 : f32 to vector<96x196xf32>
    %gt3A_81 = arith.cmpf ogt, %get3A_72, %gt3A_80 : vector<96x196xf32>
    %jit3A_82 = arith.constant 0.000000e+00 : f32
    %broadcast_in_dim3A_83 = vector.broadcast %jit3A_82 : f32 to vector<96x196xf32>
    %select_n3A_84 = arith.select %gt3A_81, %broadcast_in_dim3A_83, %get3A_72 : vector<96x196xi1>, vector<96x196xf32>
    %exp3A_85 = math.exp %select_n3A_84 : vector<96x196xf32>
    %select_n3A_86 = arith.select %gt3A_75, %add3A_78, %exp3A_85 : vector<96x196xi1>, vector<96x196xf32>
    %get3A_87 = arith.constant 0 : index
    %get3A_88 = arith.constant 1 : index
    %get3A_89 = arith.constant 0 : index
    %get3A_90 = arith.constant 0 : index
    %get3A_91 = vector.load %arg3[%get3A_87, %get3A_88, %get3A_89, %get3A_90] : memref<1x8x96x128xbf16, #tpu.memory_space<vmem>>, vector<1x1x96x128xbf16>
    %get3A_92 = vector.shape_cast %get3A_91 : vector<1x1x96x128xbf16> to vector<96x128xbf16>
    %convert_element_type3A_93 = arith.extf %get3A_92 : vector<96x128xbf16> to vector<96x128xf32>
    %add3A_94 = arith.addf %convert_element_type3A_93, %get3A_28 : vector<96x128xf32>
    %dot_general3A_95 = arith.constant dense<0.000000e+00> : vector<128x196xf32>
    %dot_general3A_96 = tpu.matmul %add3A_94, %select_n3A_86, %dot_general3A_95 {dimension_numbers = #tpu.dot_dimension_numbers<[0], [0], [1], [1], [0, 1, 1, 1], [], []>, transpose_lhs_hint = false} : vector<96x128xf32>, vector<96x196xf32>, vector<128x196xf32> -> vector<128x196xf32>
    %slice3A_97 = vector.extract_strided_slice %dot_general3A_96 {offsets = [96, 0], sizes = [3, 196], strides = [1, 1]} : vector<128x196xf32> to vector<3x196xf32>
    %dot_general3A_98 = arith.constant dense<0.000000e+00> : vector<96x196xf32>
    %dot_general3A_99 = tpu.matmul %convert_element_type3A_24, %slice3A_97, %dot_general3A_98 {dimension_numbers = #tpu.dot_dimension_numbers<[0], [0], [1], [1], [0, 1, 1, 1], [], []>, transpose_lhs_hint = false} : vector<3x96xf32>, vector<3x196xf32>, vector<96x196xf32> -> vector<96x196xf32>
    %add3A_100 = arith.constant 9.99999997E-7 : f32
    %add3A_101 = vector.broadcast %add3A_100 : f32 to vector<96x196xf32>
    %add3A_102 = arith.addf %dot_general3A_99, %add3A_101 : vector<96x196xf32>
    %slice3A_103 = vector.extract_strided_slice %dot_general3A_96 {offsets = [0, 0], sizes = [96, 196], strides = [1, 1]} : vector<128x196xf32> to vector<96x196xf32>
    %div3A_104 = arith.divf %slice3A_103, %add3A_102 : vector<96x196xf32>
    %swap3A_105 = arith.constant 0 : index
    %swap3A_106 = arith.constant 1 : index
    %swap3A_107 = arith.constant 0 : index
    %swap3A_108 = arith.constant 0 : index
    %swap3A_109 = vector.load %arg5[%swap3A_105, %swap3A_106, %swap3A_107, %swap3A_108] : memref<1x8x96x196xf32, #tpu.memory_space<vmem>>, vector<1x1x96x196xf32>
    %swap3A_110 = vector.shape_cast %swap3A_109 : vector<1x1x96x196xf32> to vector<96x196xf32>
    %swap3A_111 = vector.shape_cast %div3A_104 : vector<96x196xf32> to vector<1x1x96x196xf32>
    tpu.vector_store %arg5[%swap3A_105, %swap3A_106, %swap3A_107, %swap3A_108], %swap3A_111 {strides = array<i32>} : memref<1x8x96x196xf32, #tpu.memory_space<vmem>>, vector<1x1x96x196xf32>,
    %get3A_112 = arith.constant 0 : index
    %get3A_113 = arith.constant 2 : index
    %get3A_114 = arith.constant 0 : index
    %get3A_115 = arith.constant 0 : index
    %get3A_116 = vector.load %arg2[%get3A_112, %get3A_113, %get3A_114, %get3A_115] : memref<1x8x96x196xf32, #tpu.memory_space<vmem>>, vector<1x1x96x196xf32>
    %get3A_117 = vector.shape_cast %get3A_116 : vector<1x1x96x196xf32> to vector<96x196xf32>
    %gt3A_118 = arith.constant 0.000000e+00 : f32
    %gt3A_119 = vector.broadcast %gt3A_118 : f32 to vector<96x196xf32>
    %gt3A_120 = arith.cmpf ogt, %get3A_117, %gt3A_119 : vector<96x196xf32>
    %add3A_121 = arith.constant 1.000000e+00 : f32
    %add3A_122 = vector.broadcast %add3A_121 : f32 to vector<96x196xf32>
    %add3A_123 = arith.addf %get3A_117, %add3A_122 : vector<96x196xf32>
    %gt3A_124 = arith.constant 0.000000e+00 : f32
    %gt3A_125 = vector.broadcast %gt3A_124 : f32 to vector<96x196xf32>
    %gt3A_126 = arith.cmpf ogt, %get3A_117, %gt3A_125 : vector<96x196xf32>
    %jit3A_127 = arith.constant 0.000000e+00 : f32
    %broadcast_in_dim3A_128 = vector.broadcast %jit3A_127 : f32 to vector<96x196xf32>
    %select_n3A_129 = arith.select %gt3A_126, %broadcast_in_dim3A_128, %get3A_117 : vector<96x196xi1>, vector<96x196xf32>
    %exp3A_130 = math.exp %select_n3A_129 : vector<96x196xf32>
    %select_n3A_131 = arith.select %gt3A_120, %add3A_123, %exp3A_130 : vector<96x196xi1>, vector<96x196xf32>
    %get3A_132 = arith.constant 0 : index
    %get3A_133 = arith.constant 2 : index
    %get3A_134 = arith.constant 0 : index
    %get3A_135 = arith.constant 0 : index
    %get3A_136 = vector.load %arg3[%get3A_132, %get3A_133, %get3A_134, %get3A_135] : memref<1x8x96x128xbf16, #tpu.memory_space<vmem>>, vector<1x1x96x128xbf16>
    %get3A_137 = vector.shape_cast %get3A_136 : vector<1x1x96x128xbf16> to vector<96x128xbf16>
    %convert_element_type3A_138 = arith.extf %get3A_137 : vector<96x128xbf16> to vector<96x128xf32>
    %add3A_139 = arith.addf %convert_element_type3A_138, %get3A_28 : vector<96x128xf32>
    %dot_general3A_140 = arith.constant dense<0.000000e+00> : vector<128x196xf32>
    %dot_general3A_141 = tpu.matmul %add3A_139, %select_n3A_131, %dot_general3A_140 {dimension_numbers = #tpu.dot_dimension_numbers<[0], [0], [1], [1], [0, 1, 1, 1], [], []>, transpose_lhs_hint = false} : vector<96x128xf32>, vector<96x196xf32>, vector<128x196xf32> -> vector<128x196xf32>
    %slice3A_142 = vector.extract_strided_slice %dot_general3A_141 {offsets = [96, 0], sizes = [3, 196], strides = [1, 1]} : vector<128x196xf32> to vector<3x196xf32>
    %dot_general3A_143 = arith.constant dense<0.000000e+00> : vector<96x196xf32>
    %dot_general3A_144 = tpu.matmul %convert_element_type3A_24, %slice3A_142, %dot_general3A_143 {dimension_numbers = #tpu.dot_dimension_numbers<[0], [0], [1], [1], [0, 1, 1, 1], [], []>, transpose_lhs_hint = false} : vector<3x96xf32>, vector<3x196xf32>, vector<96x196xf32> -> vector<96x196xf32>
    %add3A_145 = arith.constant 9.99999997E-7 : f32
    %add3A_146 = vector.broadcast %add3A_145 : f32 to vector<96x196xf32>
    %add3A_147 = arith.addf %dot_general3A_144, %add3A_146 : vector<96x196xf32>
    %slice3A_148 = vector.extract_strided_slice %dot_general3A_141 {offsets = [0, 0], sizes = [96, 196], strides = [1, 1]} : vector<128x196xf32> to vector<96x196xf32>
    %div3A_149 = arith.divf %slice3A_148, %add3A_147 : vector<96x196xf32>
    %swap3A_150 = arith.constant 0 : index
    %swap3A_151 = arith.constant 2 : index
    %swap3A_152 = arith.constant 0 : index
    %swap3A_153 = arith.constant 0 : index
    %swap3A_154 = vector.load %arg5[%swap3A_150, %swap3A_151, %swap3A_152, %swap3A_153] : memref<1x8x96x196xf32, #tpu.memory_space<vmem>>, vector<1x1x96x196xf32>
    %swap3A_155 = vector.shape_cast %swap3A_154 : vector<1x1x96x196xf32> to vector<96x196xf32>
    %swap3A_156 = vector.shape_cast %div3A_149 : vector<96x196xf32> to vector<1x1x96x196xf32>
    tpu.vector_store %arg5[%swap3A_150, %swap3A_151, %swap3A_152, %swap3A_153], %swap3A_156 {strides = array<i32>} : memref<1x8x96x196xf32, #tpu.memory_space<vmem>>, vector<1x1x96x196xf32>,
    %get3A_157 = arith.constant 0 : index
    %get3A_158 = arith.constant 3 : index
    %get3A_159 = arith.constant 0 : index
    %get3A_160 = arith.constant 0 : index
    %get3A_161 = vector.load %arg2[%get3A_157, %get3A_158, %get3A_159, %get3A_160] : memref<1x8x96x196xf32, #tpu.memory_space<vmem>>, vector<1x1x96x196xf32>
    %get3A_162 = vector.shape_cast %get3A_161 : vector<1x1x96x196xf32> to vector<96x196xf32>
    %gt3A_163 = arith.constant 0.000000e+00 : f32
    %gt3A_164 = vector.broadcast %gt3A_163 : f32 to vector<96x196xf32>
    %gt3A_165 = arith.cmpf ogt, %get3A_162, %gt3A_164 : vector<96x196xf32>
    %add3A_166 = arith.constant 1.000000e+00 : f32
    %add3A_167 = vector.broadcast %add3A_166 : f32 to vector<96x196xf32>
    %add3A_168 = arith.addf %get3A_162, %add3A_167 : vector<96x196xf32>
    %gt3A_169 = arith.constant 0.000000e+00 : f32
    %gt3A_170 = vector.broadcast %gt3A_169 : f32 to vector<96x196xf32>
    %gt3A_171 = arith.cmpf ogt, %get3A_162, %gt3A_170 : vector<96x196xf32>
    %jit3A_172 = arith.constant 0.000000e+00 : f32
    %broadcast_in_dim3A_173 = vector.broadcast %jit3A_172 : f32 to vector<96x196xf32>
    %select_n3A_174 = arith.select %gt3A_171, %broadcast_in_dim3A_173, %get3A_162 : vector<96x196xi1>, vector<96x196xf32>
    %exp3A_175 = math.exp %select_n3A_174 : vector<96x196xf32>
    %select_n3A_176 = arith.select %gt3A_165, %add3A_168, %exp3A_175 : vector<96x196xi1>, vector<96x196xf32>
    %get3A_177 = arith.constant 0 : index
    %get3A_178 = arith.constant 3 : index
    %get3A_179 = arith.constant 0 : index
    %get3A_180 = arith.constant 0 : index
    %get3A_181 = vector.load %arg3[%get3A_177, %get3A_178, %get3A_179, %get3A_180] : memref<1x8x96x128xbf16, #tpu.memory_space<vmem>>, vector<1x1x96x128xbf16>
    %get3A_182 = vector.shape_cast %get3A_181 : vector<1x1x96x128xbf16> to vector<96x128xbf16>
    %convert_element_type3A_183 = arith.extf %get3A_182 : vector<96x128xbf16> to vector<96x128xf32>
    %add3A_184 = arith.addf %convert_element_type3A_183, %get3A_28 : vector<96x128xf32>
    %dot_general3A_185 = arith.constant dense<0.000000e+00> : vector<128x196xf32>
    %dot_general3A_186 = tpu.matmul %add3A_184, %select_n3A_176, %dot_general3A_185 {dimension_numbers = #tpu.dot_dimension_numbers<[0], [0], [1], [1], [0, 1, 1, 1], [], []>, transpose_lhs_hint = false} : vector<96x128xf32>, vector<96x196xf32>, vector<128x196xf32> -> vector<128x196xf32>
    %slice3A_187 = vector.extract_strided_slice %dot_general3A_186 {offsets = [96, 0], sizes = [3, 196], strides = [1, 1]} : vector<128x196xf32> to vector<3x196xf32>
    %dot_general3A_188 = arith.constant dense<0.000000e+00> : vector<96x196xf32>
    %dot_general3A_189 = tpu.matmul %convert_element_type3A_24, %slice3A_187, %dot_general3A_188 {dimension_numbers = #tpu.dot_dimension_numbers<[0], [0], [1], [1], [0, 1, 1, 1], [], []>, transpose_lhs_hint = false} : vector<3x96xf32>, vector<3x196xf32>, vector<96x196xf32> -> vector<96x196xf32>
    %add3A_190 = arith.constant 9.99999997E-7 : f32
    %add3A_191 = vector.broadcast %add3A_190 : f32 to vector<96x196xf32>
    %add3A_192 = arith.addf %dot_general3A_189, %add3A_191 : vector<96x196xf32>
    %slice3A_193 = vector.extract_strided_slice %dot_general3A_186 {offsets = [0, 0], sizes = [96, 196], strides = [1, 1]} : vector<128x196xf32> to vector<96x196xf32>
    %div3A_194 = arith.divf %slice3A_193, %add3A_192 : vector<96x196xf32>
    %swap3A_195 = arith.constant 0 : index
    %swap3A_196 = arith.constant 3 : index
    %swap3A_197 = arith.constant 0 : index
    %swap3A_198 = arith.constant 0 : index
    %swap3A_199 = vector.load %arg5[%swap3A_195, %swap3A_196, %swap3A_197, %swap3A_198] : memref<1x8x96x196xf32, #tpu.memory_space<vmem>>, vector<1x1x96x196xf32>
    %swap3A_200 = vector.shape_cast %swap3A_199 : vector<1x1x96x196xf32> to vector<96x196xf32>
    %swap3A_201 = vector.shape_cast %div3A_194 : vector<96x196xf32> to vector<1x1x96x196xf32>
    tpu.vector_store %arg5[%swap3A_195, %swap3A_196, %swap3A_197, %swap3A_198], %swap3A_201 {strides = array<i32>} : memref<1x8x96x196xf32, #tpu.memory_space<vmem>>, vector<1x1x96x196xf32>,
    %get3A_202 = arith.constant 0 : index
    %get3A_203 = arith.constant 4 : index
    %get3A_204 = arith.constant 0 : index
    %get3A_205 = arith.constant 0 : index
    %get3A_206 = vector.load %arg2[%get3A_202, %get3A_203, %get3A_204, %get3A_205] : memref<1x8x96x196xf32, #tpu.memory_space<vmem>>, vector<1x1x96x196xf32>
    %get3A_207 = vector.shape_cast %get3A_206 : vector<1x1x96x196xf32> to vector<96x196xf32>
    %gt3A_208 = arith.constant 0.000000e+00 : f32
    %gt3A_209 = vector.broadcast %gt3A_208 : f32 to vector<96x196xf32>
    %gt3A_210 = arith.cmpf ogt, %get3A_207, %gt3A_209 : vector<96x196xf32>
    %add3A_211 = arith.constant 1.000000e+00 : f32
    %add3A_212 = vector.broadcast %add3A_211 : f32 to vector<96x196xf32>
    %add3A_213 = arith.addf %get3A_207, %add3A_212 : vector<96x196xf32>
    %gt3A_214 = arith.constant 0.000000e+00 : f32
    %gt3A_215 = vector.broadcast %gt3A_214 : f32 to vector<96x196xf32>
    %gt3A_216 = arith.cmpf ogt, %get3A_207, %gt3A_215 : vector<96x196xf32>
    %jit3A_217 = arith.constant 0.000000e+00 : f32
    %broadcast_in_dim3A_218 = vector.broadcast %jit3A_217 : f32 to vector<96x196xf32>
    %select_n3A_219 = arith.select %gt3A_216, %broadcast_in_dim3A_218, %get3A_207 : vector<96x196xi1>, vector<96x196xf32>
    %exp3A_220 = math.exp %select_n3A_219 : vector<96x196xf32>
    %select_n3A_221 = arith.select %gt3A_210, %add3A_213, %exp3A_220 : vector<96x196xi1>, vector<96x196xf32>
    %get3A_222 = arith.constant 0 : index
    %get3A_223 = arith.constant 4 : index
    %get3A_224 = arith.constant 0 : index
    %get3A_225 = arith.constant 0 : index
    %get3A_226 = vector.load %arg3[%get3A_222, %get3A_223, %get3A_224, %get3A_225] : memref<1x8x96x128xbf16, #tpu.memory_space<vmem>>, vector<1x1x96x128xbf16>
    %get3A_227 = vector.shape_cast %get3A_226 : vector<1x1x96x128xbf16> to vector<96x128xbf16>
    %convert_element_type3A_228 = arith.extf %get3A_227 : vector<96x128xbf16> to vector<96x128xf32>
    %add3A_229 = arith.addf %convert_element_type3A_228, %get3A_28 : vector<96x128xf32>
    %dot_general3A_230 = arith.constant dense<0.000000e+00> : vector<128x196xf32>
    %dot_general3A_231 = tpu.matmul %add3A_229, %select_n3A_221, %dot_general3A_230 {dimension_numbers = #tpu.dot_dimension_numbers<[0], [0], [1], [1], [0, 1, 1, 1], [], []>, transpose_lhs_hint = false} : vector<96x128xf32>, vector<96x196xf32>, vector<128x196xf32> -> vector<128x196xf32>
    %slice3A_232 = vector.extract_strided_slice %dot_general3A_231 {offsets = [96, 0], sizes = [3, 196], strides = [1, 1]} : vector<128x196xf32> to vector<3x196xf32>
    %dot_general3A_233 = arith.constant dense<0.000000e+00> : vector<96x196xf32>
    %dot_general3A_234 = tpu.matmul %convert_element_type3A_24, %slice3A_232, %dot_general3A_233 {dimension_numbers = #tpu.dot_dimension_numbers<[0], [0], [1], [1], [0, 1, 1, 1], [], []>, transpose_lhs_hint = false} : vector<3x96xf32>, vector<3x196xf32>, vector<96x196xf32> -> vector<96x196xf32>
    %add3A_235 = arith.constant 9.99999997E-7 : f32
    %add3A_236 = vector.broadcast %add3A_235 : f32 to vector<96x196xf32>
    %add3A_237 = arith.addf %dot_general3A_234, %add3A_236 : vector<96x196xf32>
    %slice3A_238 = vector.extract_strided_slice %dot_general3A_231 {offsets = [0, 0], sizes = [96, 196], strides = [1, 1]} : vector<128x196xf32> to vector<96x196xf32>
    %div3A_239 = arith.divf %slice3A_238, %add3A_237 : vector<96x196xf32>
    %swap3A_240 = arith.constant 0 : index
    %swap3A_241 = arith.constant 4 : index
    %swap3A_242 = arith.constant 0 : index
    %swap3A_243 = arith.constant 0 : index
    %swap3A_244 = vector.load %arg5[%swap3A_240, %swap3A_241, %swap3A_242, %swap3A_243] : memref<1x8x96x196xf32, #tpu.memory_space<vmem>>, vector<1x1x96x196xf32>
    %swap3A_245 = vector.shape_cast %swap3A_244 : vector<1x1x96x196xf32> to vector<96x196xf32>
    %swap3A_246 = vector.shape_cast %div3A_239 : vector<96x196xf32> to vector<1x1x96x196xf32>
    tpu.vector_store %arg5[%swap3A_240, %swap3A_241, %swap3A_242, %swap3A_243], %swap3A_246 {strides = array<i32>} : memref<1x8x96x196xf32, #tpu.memory_space<vmem>>, vector<1x1x96x196xf32>,
    %get3A_247 = arith.constant 0 : index
    %get3A_248 = arith.constant 5 : index
    %get3A_249 = arith.constant 0 : index
    %get3A_250 = arith.constant 0 : index
    %get3A_251 = vector.load %arg2[%get3A_247, %get3A_248, %get3A_249, %get3A_250] : memref<1x8x96x196xf32, #tpu.memory_space<vmem>>, vector<1x1x96x196xf32>
    %get3A_252 = vector.shape_cast %get3A_251 : vector<1x1x96x196xf32> to vector<96x196xf32>
    %gt3A_253 = arith.constant 0.000000e+00 : f32
    %gt3A_254 = vector.broadcast %gt3A_253 : f32 to vector<96x196xf32>
    %gt3A_255 = arith.cmpf ogt, %get3A_252, %gt3A_254 : vector<96x196xf32>
    %add3A_256 = arith.constant 1.000000e+00 : f32
    %add3A_257 = vector.broadcast %add3A_256 : f32 to vector<96x196xf32>
    %add3A_258 = arith.addf %get3A_252, %add3A_257 : vector<96x196xf32>
    %gt3A_259 = arith.constant 0.000000e+00 : f32
    %gt3A_260 = vector.broadcast %gt3A_259 : f32 to vector<96x196xf32>
    %gt3A_261 = arith.cmpf ogt, %get3A_252, %gt3A_260 : vector<96x196xf32>
    %jit3A_262 = arith.constant 0.000000e+00 : f32
    %broadcast_in_dim3A_263 = vector.broadcast %jit3A_262 : f32 to vector<96x196xf32>
    %select_n3A_264 = arith.select %gt3A_261, %broadcast_in_dim3A_263, %get3A_252 : vector<96x196xi1>, vector<96x196xf32>
    %exp3A_265 = math.exp %select_n3A_264 : vector<96x196xf32>
    %select_n3A_266 = arith.select %gt3A_255, %add3A_258, %exp3A_265 : vector<96x196xi1>, vector<96x196xf32>
    %get3A_267 = arith.constant 0 : index
    %get3A_268 = arith.constant 5 : index
    %get3A_269 = arith.constant 0 : index
    %get3A_270 = arith.constant 0 : index
    %get3A_271 = vector.load %arg3[%get3A_267, %get3A_268, %get3A_269, %get3A_270] : memref<1x8x96x128xbf16, #tpu.memory_space<vmem>>, vector<1x1x96x128xbf16>
    %get3A_272 = vector.shape_cast %get3A_271 : vector<1x1x96x128xbf16> to vector<96x128xbf16>
    %convert_element_type3A_273 = arith.extf %get3A_272 : vector<96x128xbf16> to vector<96x128xf32>
    %add3A_274 = arith.addf %convert_element_type3A_273, %get3A_28 : vector<96x128xf32>
    %dot_general3A_275 = arith.constant dense<0.000000e+00> : vector<128x196xf32>
    %dot_general3A_276 = tpu.matmul %add3A_274, %select_n3A_266, %dot_general3A_275 {dimension_numbers = #tpu.dot_dimension_numbers<[0], [0], [1], [1], [0, 1, 1, 1], [], []>, transpose_lhs_hint = false} : vector<96x128xf32>, vector<96x196xf32>, vector<128x196xf32> -> vector<128x196xf32>
    %slice3A_277 = vector.extract_strided_slice %dot_general3A_276 {offsets = [96, 0], sizes = [3, 196], strides = [1, 1]} : vector<128x196xf32> to vector<3x196xf32>
    %dot_general3A_278 = arith.constant dense<0.000000e+00> : vector<96x196xf32>
    %dot_general3A_279 = tpu.matmul %convert_element_type3A_24, %slice3A_277, %dot_general3A_278 {dimension_numbers = #tpu.dot_dimension_numbers<[0], [0], [1], [1], [0, 1, 1, 1], [], []>, transpose_lhs_hint = false} : vector<3x96xf32>, vector<3x196xf32>, vector<96x196xf32> -> vector<96x196xf32>
    %add3A_280 = arith.constant 9.99999997E-7 : f32
    %add3A_281 = vector.broadcast %add3A_280 : f32 to vector<96x196xf32>
    %add3A_282 = arith.addf %dot_general3A_279, %add3A_281 : vector<96x196xf32>
    %slice3A_283 = vector.extract_strided_slice %dot_general3A_276 {offsets = [0, 0], sizes = [96, 196], strides = [1, 1]} : vector<128x196xf32> to vector<96x196xf32>
    %div3A_284 = arith.divf %slice3A_283, %add3A_282 : vector<96x196xf32>
    %swap3A_285 = arith.constant 0 : index
    %swap3A_286 = arith.constant 5 : index
    %swap3A_287 = arith.constant 0 : index
    %swap3A_288 = arith.constant 0 : index
    %swap3A_289 = vector.load %arg5[%swap3A_285, %swap3A_286, %swap3A_287, %swap3A_288] : memref<1x8x96x196xf32, #tpu.memory_space<vmem>>, vector<1x1x96x196xf32>
    %swap3A_290 = vector.shape_cast %swap3A_289 : vector<1x1x96x196xf32> to vector<96x196xf32>
    %swap3A_291 = vector.shape_cast %div3A_284 : vector<96x196xf32> to vector<1x1x96x196xf32>
    tpu.vector_store %arg5[%swap3A_285, %swap3A_286, %swap3A_287, %swap3A_288], %swap3A_291 {strides = array<i32>} : memref<1x8x96x196xf32, #tpu.memory_space<vmem>>, vector<1x1x96x196xf32>,
    %get3A_292 = arith.constant 0 : index
    %get3A_293 = arith.constant 6 : index
    %get3A_294 = arith.constant 0 : index
    %get3A_295 = arith.constant 0 : index
    %get3A_296 = vector.load %arg2[%get3A_292, %get3A_293, %get3A_294, %get3A_295] : memref<1x8x96x196xf32, #tpu.memory_space<vmem>>, vector<1x1x96x196xf32>
    %get3A_297 = vector.shape_cast %get3A_296 : vector<1x1x96x196xf32> to vector<96x196xf32>
    %gt3A_298 = arith.constant 0.000000e+00 : f32
    %gt3A_299 = vector.broadcast %gt3A_298 : f32 to vector<96x196xf32>
    %gt3A_300 = arith.cmpf ogt, %get3A_297, %gt3A_299 : vector<96x196xf32>
    %add3A_301 = arith.constant 1.000000e+00 : f32
    %add3A_302 = vector.broadcast %add3A_301 : f32 to vector<96x196xf32>
    %add3A_303 = arith.addf %get3A_297, %add3A_302 : vector<96x196xf32>
    %gt3A_304 = arith.constant 0.000000e+00 : f32
    %gt3A_305 = vector.broadcast %gt3A_304 : f32 to vector<96x196xf32>
    %gt3A_306 = arith.cmpf ogt, %get3A_297, %gt3A_305 : vector<96x196xf32>
    %jit3A_307 = arith.constant 0.000000e+00 : f32
    %broadcast_in_dim3A_308 = vector.broadcast %jit3A_307 : f32 to vector<96x196xf32>
    %select_n3A_309 = arith.select %gt3A_306, %broadcast_in_dim3A_308, %get3A_297 : vector<96x196xi1>, vector<96x196xf32>
    %exp3A_310 = math.exp %select_n3A_309 : vector<96x196xf32>
    %select_n3A_311 = arith.select %gt3A_300, %add3A_303, %exp3A_310 : vector<96x196xi1>, vector<96x196xf32>
    %get3A_312 = arith.constant 0 : index
    %get3A_313 = arith.constant 6 : index
    %get3A_314 = arith.constant 0 : index
    %get3A_315 = arith.constant 0 : index
    %get3A_316 = vector.load %arg3[%get3A_312, %get3A_313, %get3A_314, %get3A_315] : memref<1x8x96x128xbf16, #tpu.memory_space<vmem>>, vector<1x1x96x128xbf16>
    %get3A_317 = vector.shape_cast %get3A_316 : vector<1x1x96x128xbf16> to vector<96x128xbf16>
    %convert_element_type3A_318 = arith.extf %get3A_317 : vector<96x128xbf16> to vector<96x128xf32>
    %add3A_319 = arith.addf %convert_element_type3A_318, %get3A_28 : vector<96x128xf32>
    %dot_general3A_320 = arith.constant dense<0.000000e+00> : vector<128x196xf32>
    %dot_general3A_321 = tpu.matmul %add3A_319, %select_n3A_311, %dot_general3A_320 {dimension_numbers = #tpu.dot_dimension_numbers<[0], [0], [1], [1], [0, 1, 1, 1], [], []>, transpose_lhs_hint = false} : vector<96x128xf32>, vector<96x196xf32>, vector<128x196xf32> -> vector<128x196xf32>
    %slice3A_322 = vector.extract_strided_slice %dot_general3A_321 {offsets = [96, 0], sizes = [3, 196], strides = [1, 1]} : vector<128x196xf32> to vector<3x196xf32>
    %dot_general3A_323 = arith.constant dense<0.000000e+00> : vector<96x196xf32>
    %dot_general3A_324 = tpu.matmul %convert_element_type3A_24, %slice3A_322, %dot_general3A_323 {dimension_numbers = #tpu.dot_dimension_numbers<[0], [0], [1], [1], [0, 1, 1, 1], [], []>, transpose_lhs_hint = false} : vector<3x96xf32>, vector<3x196xf32>, vector<96x196xf32> -> vector<96x196xf32>
    %add3A_325 = arith.constant 9.99999997E-7 : f32
    %add3A_326 = vector.broadcast %add3A_325 : f32 to vector<96x196xf32>
    %add3A_327 = arith.addf %dot_general3A_324, %add3A_326 : vector<96x196xf32>
    %slice3A_328 = vector.extract_strided_slice %dot_general3A_321 {offsets = [0, 0], sizes = [96, 196], strides = [1, 1]} : vector<128x196xf32> to vector<96x196xf32>
    %div3A_329 = arith.divf %slice3A_328, %add3A_327 : vector<96x196xf32>
    %swap3A_330 = arith.constant 0 : index
    %swap3A_331 = arith.constant 6 : index
    %swap3A_332 = arith.constant 0 : index
    %swap3A_333 = arith.constant 0 : index
    %swap3A_334 = vector.load %arg5[%swap3A_330, %swap3A_331, %swap3A_332, %swap3A_333] : memref<1x8x96x196xf32, #tpu.memory_space<vmem>>, vector<1x1x96x196xf32>
    %swap3A_335 = vector.shape_cast %swap3A_334 : vector<1x1x96x196xf32> to vector<96x196xf32>
    %swap3A_336 = vector.shape_cast %div3A_329 : vector<96x196xf32> to vector<1x1x96x196xf32>
    tpu.vector_store %arg5[%swap3A_330, %swap3A_331, %swap3A_332, %swap3A_333], %swap3A_336 {strides = array<i32>} : memref<1x8x96x196xf32, #tpu.memory_space<vmem>>, vector<1x1x96x196xf32>,
    %get3A_337 = arith.constant 0 : index
    %get3A_338 = arith.constant 7 : index
    %get3A_339 = arith.constant 0 : index
    %get3A_340 = arith.constant 0 : index
    %get3A_341 = vector.load %arg2[%get3A_337, %get3A_338, %get3A_339, %get3A_340] : memref<1x8x96x196xf32, #tpu.memory_space<vmem>>, vector<1x1x96x196xf32>
    %get3A_342 = vector.shape_cast %get3A_341 : vector<1x1x96x196xf32> to vector<96x196xf32>
    %gt3A_343 = arith.constant 0.000000e+00 : f32
    %gt3A_344 = vector.broadcast %gt3A_343 : f32 to vector<96x196xf32>
    %gt3A_345 = arith.cmpf ogt, %get3A_342, %gt3A_344 : vector<96x196xf32>
    %add3A_346 = arith.constant 1.000000e+00 : f32
    %add3A_347 = vector.broadcast %add3A_346 : f32 to vector<96x196xf32>
    %add3A_348 = arith.addf %get3A_342, %add3A_347 : vector<96x196xf32>
    %gt3A_349 = arith.constant 0.000000e+00 : f32
    %gt3A_350 = vector.broadcast %gt3A_349 : f32 to vector<96x196xf32>
    %gt3A_351 = arith.cmpf ogt, %get3A_342, %gt3A_350 : vector<96x196xf32>
    %jit3A_352 = arith.constant 0.000000e+00 : f32
    %broadcast_in_dim3A_353 = vector.broadcast %jit3A_352 : f32 to vector<96x196xf32>
    %select_n3A_354 = arith.select %gt3A_351, %broadcast_in_dim3A_353, %get3A_342 : vector<96x196xi1>, vector<96x196xf32>
    %exp3A_355 = math.exp %select_n3A_354 : vector<96x196xf32>
    %select_n3A_356 = arith.select %gt3A_345, %add3A_348, %exp3A_355 : vector<96x196xi1>, vector<96x196xf32>
    %get3A_357 = arith.constant 0 : index
    %get3A_358 = arith.constant 7 : index
    %get3A_359 = arith.constant 0 : index
    %get3A_360 = arith.constant 0 : index
    %get3A_361 = vector.load %arg3[%get3A_357, %get3A_358, %get3A_359, %get3A_360] : memref<1x8x96x128xbf16, #tpu.memory_space<vmem>>, vector<1x1x96x128xbf16>
    %get3A_362 = vector.shape_cast %get3A_361 : vector<1x1x96x128xbf16> to vector<96x128xbf16>
    %convert_element_type3A_363 = arith.extf %get3A_362 : vector<96x128xbf16> to vector<96x128xf32>
    %add3A_364 = arith.addf %convert_element_type3A_363, %get3A_28 : vector<96x128xf32>
    %dot_general3A_365 = arith.constant dense<0.000000e+00> : vector<128x196xf32>
    %dot_general3A_366 = tpu.matmul %add3A_364, %select_n3A_356, %dot_general3A_365 {dimension_numbers = #tpu.dot_dimension_numbers<[0], [0], [1], [1], [0, 1, 1, 1], [], []>, transpose_lhs_hint = false} : vector<96x128xf32>, vector<96x196xf32>, vector<128x196xf32> -> vector<128x196xf32>
    %slice3A_367 = vector.extract_strided_slice %dot_general3A_366 {offsets = [96, 0], sizes = [3, 196], strides = [1, 1]} : vector<128x196xf32> to vector<3x196xf32>
    %dot_general3A_368 = arith.constant dense<0.000000e+00> : vector<96x196xf32>
    %dot_general3A_369 = tpu.matmul %convert_element_type3A_24, %slice3A_367, %dot_general3A_368 {dimension_numbers = #tpu.dot_dimension_numbers<[0], [0], [1], [1], [0, 1, 1, 1], [], []>, transpose_lhs_hint = false} : vector<3x96xf32>, vector<3x196xf32>, vector<96x196xf32> -> vector<96x196xf32>
    %add3A_370 = arith.constant 9.99999997E-7 : f32
    %add3A_371 = vector.broadcast %add3A_370 : f32 to vector<96x196xf32>
    %add3A_372 = arith.addf %dot_general3A_369, %add3A_371 : vector<96x196xf32>
    %slice3A_373 = vector.extract_strided_slice %dot_general3A_366 {offsets = [0, 0], sizes = [96, 196], strides = [1, 1]} : vector<128x196xf32> to vector<96x196xf32>
    %div3A_374 = arith.divf %slice3A_373, %add3A_372 : vector<96x196xf32>
    %swap3A_375 = arith.constant 0 : index
    %swap3A_376 = arith.constant 7 : index
    %swap3A_377 = arith.constant 0 : index
    %swap3A_378 = arith.constant 0 : index
    %swap3A_379 = vector.load %arg5[%swap3A_375, %swap3A_376, %swap3A_377, %swap3A_378] : memref<1x8x96x196xf32, #tpu.memory_space<vmem>>, vector<1x1x96x196xf32>
    %swap3A_380 = vector.shape_cast %swap3A_379 : vector<1x1x96x196xf32> to vector<96x196xf32>
    %swap3A_381 = vector.shape_cast %div3A_374 : vector<96x196xf32> to vector<1x1x96x196xf32>
    tpu.vector_store %arg5[%swap3A_375, %swap3A_376, %swap3A_377, %swap3A_378], %swap3A_381 {strides = array<i32>} : memref<1x8x96x196xf32, #tpu.memory_space<vmem>>, vector<1x1x96x196xf32>,
    return
  }
  func.func @transform_0(%arg0: i32, %arg1: i32) -> (i32, i32, i32, i32) {
    %c0_i32 = arith.constant 0 : i32
    %c0_i32_0 = arith.constant 0 : i32
    %c0_i32_1 = arith.constant 0 : i32
    return %arg0, %arg1, %c0_i32, %c0_i32_0 : i32, i32, i32, i32
  }
  func.func @transform_1(%arg0: i32, %arg1: i32) -> (i32, i32, i32, i32) {
    %c0_i32 = arith.constant 0 : i32
    %c0_i32_0 = arith.constant 0 : i32
    %c0_i32_1 = arith.constant 0 : i32
    return %arg0, %arg1, %c0_i32, %c0_i32_0 : i32, i32, i32, i32
  }
  func.func @transform_2(%arg0: i32, %arg1: i32) -> (i32, i32, i32) {
    %c0_i32 = arith.constant 0 : i32
    %c0_i32_0 = arith.constant 0 : i32
    %c0_i32_1 = arith.constant 0 : i32
    return %arg0, %c0_i32, %c0_i32_0 : i32, i32, i32
  }
  func.func @transform_3(%arg0: i32, %arg1: i32) -> (i32, i32, i32, i32) {
    %c0_i32 = arith.constant 0 : i32
    %c0_i32_0 = arith.constant 0 : i32
    %c0_i32_1 = arith.constant 0 : i32
    return %arg0, %arg1, %c0_i32, %c0_i32_0 : i32, i32, i32, i32
  }
}

</mosaic_0001>

<sc_bundles>
// kernel: sparse-core-data-format-call.1.cloned.1.call-start
scs
called_computation.1_lowered:
.L_overlay_start_0:
0x0: {  	s1 =	sld [smem:$0x3FD9]  }
0x1: {  	s2 =	sld [smem:$0x3FFE];
	_ =	sdelay $0x1  }
0x2: {  	s3 =	srdreg.scid  }
0x3: {  	s0 =	sand.u32 $0x1, s3  }
0x4: {  	s17 =	sshll.u32 s0, $0xA;
	s1 =	sadd.s32 s2, s1  }
0x5: {  	s1 =	sadd.s32 s1, s17  }
0x6: {  	[smem:$0x3FC5] =	sst s1  }
0x7: {  	_ = 	snop  }
0x8: {  	(tm) =	ssettm $0x1  }
0x9: {  	s18 =	sld [smem:$0x3FFB];
	_ =	sdelay $0x3  }
0xa: {  	_ =	strace s18  }
0xb: {  	s1 =	sld [smem:$0x3FFC];
	_ =	sdelay $0x3  }
0xc: {  	_ =	strace s1  }
0xd: {  	s1 =	sld [smem:$0x3FFD];
	_ =	sdelay $0x3  }
0xe: {  	_ =	strace s1  }
0xf: {  	_ =	strace $0x8FFFFFFF  }
0x10: {  	s19 =	sld [smem:$0x3FDB];
	_ =	sdelay $0x1  }
0x11: {  	s20 =	simm.s32 $_scs_section_size  }
0x12: {  	s4 =	simm.s32 $_size__tile_overlayer_lowered;
	s5 =	simm.s32 $_tile_overlayer_lowered  }
0x13: {  	s23 =	simm.s32 $0x1BFF;
	s22 =	sshll.u32 s5, $0x1;
	s1 =	sadd.s32 s20, s19  }
0x14: {  	s6 =	simm.s32 $0x0;
	s21 =	sshll.u32 s4, $0x1;
	s4 =	sadd.s32 s22, s1  }
0x15: {  	[timem:s6], [sflag:s23] =	dma.local [hbm:s4], s21  }
0x16: {  	_ =	swait.ge [sflag:s23], s21  }
0x17: {  	s2 =	ssub.s32 $0x0, s21;
	[sflag:s23] =	ssyncset.done $0x0  }
0x18: {  	[sflag:s23] =	ssyncadd.s32 s2;
	_ =	sdelay $0x1  }
0x19: {  	s24 =	simm.s32 $0x1B8B  }
0x1a: {  	_ =	swait.ge [sflag:s24], $0x1  }
0x1b: {  	[sflag:s24] =	ssyncset.done $0x0  }
0x1c: {  	s26 =	simm.s32 $0x1B8E;
	s25 =	sld [smem:$0x3FFE];
	[sflag:s24] =	ssyncadd.s32 $0xFFFFFFFF  }
0x1d: {  	s27 =	simm.s32 $execute0_lowered;
	[smem:$0x3FD2] =	sst s26  }
0x1e: {  	s4 =	sshll.u32 s27, $0x1;
	_ =	strace $0x8000004F;
	[dreg:$0x1] =	wrdreg $0xFFFFFFFF  }
0x1f: {  	s28 =	simm.s32 $_size_execute0_lowered;
	s1 =	sadd.s32 s1, s4;
	[dreg:$0x0] =	wrdreg $0x0  }
0x20: {  	s4 =	sshll.u32 s28, $0x1;
	[dreg:$0x2] =	wrdreg s1  }
0x21: {  	[dreg:$0x3] =	wrdreg s4  }
0x22: {  	[dreg:$0x4] =	wrdreg $0xC0  }
0x23: {  	_ =	task [dreg:s6], $0x5FFFF  }
0x24: {  	[dreg:$0x1] =	wrdreg $0xFFFFFFFF  }
0x25: {  	[dreg:$0x0] =	wrdreg $0x60  }
0x26: {  	[dreg:$0x2] =	wrdreg s25  }
0x27: {  	[dreg:$0x3] =	wrdreg $0x9  }
0x28: {  	_ =	task.clear_ibuf [dreg:s6], $0x4FFFF;
	_ =	strace $0x9000004F  }
0x29: {  	s29 =	simm.s32 $0x9;
	_ =	strace $0x80000051  }
0x2a: {  	_ =	swait.ge [sflag:s29], $0x1  }
0x2b: {  	[sflag:s29] =	ssyncadd.s32 $0xFFFFFFFF  }
0x2c: {  	_ =	strace $0x90000051  }
0x2d: {  	_ =	sfence  }
0x2e: {  	s30 =	sld [smem:$0x0];
	_ =	sdelay $0x2  }
0x2f: {  	s31 =	sshll.u32 s3, $0xD;
	s3 =	sshrl.u32 s3, $0x2  }
0x30: {  	s2 =	sand.u32 $0x4000, s31;
	s1 =	sadd.s32 s3, s30  }
0x31: {  	s0 =	sor.u32 s2, s0;
	s1 =	sshll.u32 s1, $0x11  }
0x32: {  	s0 =	sor.u32 s1, s0  }
0x33: {  	s0 =	sadd.s32 $0x8F2B, s0  }
0x34: {  	[sflag:s0] =	ssyncadd.remote.s32 $0x1  }
0x35: {  	_ =	sfence.sel $0xFFFF  }
0x36: {  	[dreg:$0x0] =	wrdreg $0xFFFFFFFF;
	(pc) =	sbr.abs _section_cstart, $3  }
0x37: {  	[dreg:$0x1] =	wrdreg $0xFFFFFFFF  }
0x38: {  	_ =	task.clear_ibuf [dreg:s6], $0x2FFFF;
	_ =	strace $0x9FFFFFFF  }
0x39: {  	(tm) =	ssettm $0x7FFFFFFF  }
tec
execute0_lowered:
.L_overlay_start_1:
0x0: {  	(tag) =	ssettag $0x1  }
0x1: {  	s0 =	srdreg.scid  }
0x2: {  	s3 =	stileid.u32;
	s4 =	rddreg [dreg:$0x0]  }
0x3: {  	s7 =	simm.s32 $0x1;
	_ =	strace $0x80000050;
	s9 =	simm.s32 $0x2  }
0x4: {  	s20 =	simm.s32 $0x0;
	s13 =	simm.s32 $0x80;
	s0 =	sshll.u32 s0, $0x4  }
0x5: {  	s14 =	simm.s32 $0xE00;
	s15 =	simm.s32 $0x0;
	s0 =	sor.u32 s3, s0  }
0x6: {  	s21 =	simm.s32 $0x0;
	s1 =	sand.u32 $0x1, s3;
	s0 =	sshrl.u32 s0, $0x1  }
0x7: {  	s22 =	simm.s32 $0x0;
	s29 =	ssub.s32 $0x2, s1;
	s2 =	sand.u32 $0xC, s0  }
0x8: {  	s3 =	sand.u32 $0x6, s3;
	s5 =	sshrl.u32 s29, $0x1;
	s6 =	ssub.s32 $0x10, s2  }
0x9: {  	p0 =	sne.s32 s3, $0x6;
	s0 =	sand.u32 $0x1, s29;
	s30 =	sand.u32 $0xC, s6  }
0xa: {  	s0 =	sadd.s32 s0, s5;
	s5 =	simm.s32 $0x1;
	p1 =	sne.s32 s30, $0x0  }
0xb: {  	s7 =	simm.s32 @!p0 $0x0;
	s6 =	sshrl.u32 s6, $0x4;
	s5 =	simm.s32 @!p1 $0x0  }
0xc: {  	s23 =	simm.s32 $0x0;
	s0 =	sshll.u32 s0, s7;
	s5 =	sadd.s32 s5, s6  }
0xd: {  	s16 =	simm.s32 $0x0;
	s19 =	simm.s32 $0x0;
	s0 =	smul.u32 s5, s0  }
.Ltmp0:
0xe: {  	s10 =	sadd.s32 $0x32800, s4;
	s11 =	sadd.s32 $0x4B000, s4;
	(pc) =	sbr.rel .LBB1_1-.Ltmp0, $4  }
0xf: {  	s18 =	smov.u32 s1;
	s17 =	smov.u32 s3;
	s31 =	sshll.u32 s2, $0x8  }
0x10: {  	s8 =	sadd.s32 s31, s4;
	s6 =	simm.s32 $0x1;
	s7 =	smul.u32 $0xE, s0  }
0x11: {  	s8 =	sadd.s32 $0x301800, s8;
	s5 =	sadd.s32 $0x1800, s4;
	[sflag:s6] =	ssyncpa.u1 $0x0  }
0x12: {  	[sflag:s9] =	ssyncpa.u1 $0x0;
	s9 =	sadd.s32 $0x1A000, s4;
	s12 =	sor.u32 $0x1, s7  }
.LBB1_9:
0x13: {  	s0 =	sadd.s32 $0x1, s16  }
0x14: {  	s4 =	sadd.s32 $0x8, s17;
	s24 =	smov.u32 s17;
	p1 =	sgt.s32 s0, $0xD  }
0x15: {  	s24 =	smov.u32 @p1 s4  }
0x16: {  	s20 =	sadd.s32 $0x2, s18;
	s25 =	smov.u32 s18;
	p2 =	sgt.s32 s24, $0xD  }
0x17: {  	s25 =	smov.u32 @p2 s20  }
0x18: {  	s0 =	simm.s32 @p1 $0x0;
	p1 =	sgt.s32 s25, $0x1  }
0x19: {  	p0 =	slt.u32 s19, $0x2;
	s25 =	smov.u32 @p1 s1;
	p1 =	sne.s32 s19, s12  }
.Ltmp1:
0x1a: {  	s21 =	smov.u32 s16;
	s4 =	simm.s32 @!p0 $0x2;
	(pc) =	sbr.rel @!p1 .LBB1_10-.Ltmp1, $4  }
0x1b: {  	s22 =	smov.u32 s17;
	s23 =	smov.u32 s18;
	_ =	swait.ge @!p0 [sflag:s4], $0x4000  }
0x1c: {  	s15 =	sadd.s32 $0x4000, s15;
	s16 =	smov.u32 s0;
	[sflag:s4] =	ssyncset.done @!p0 $0x0  }
0x1d: {  	s24 =	smov.u32 @p2 s3;
	s20 =	smov.u32 s2;
	[sflag:s4] =	ssyncadd.s32 @!p0 $0xFFFFC000  }
0x1e: {  	s17 =	smov.u32 s24;
	s19 =	sadd.s32 $0x1, s19;
	s18 =	smov.u32 s25  }
.LBB1_1:
0x1f: {  	p0 =	sge.u32 s19, s7  }
0x20: {  	s0 =	smul.u32 @!p0 $0xC4000, s18  }
0x21: {  	s4 =	sxor.u32 @!p0 $0xFFFFFFFF, s19;
	s24 =	smul.u32 @!p0 $0xE000, s17  }
0x22: {  	s31 =	sadd.s32 $0xFFFFFFFF, s19;
	s4 =	sshll.u32 @!p0 s4, $0xE;
	s0 =	sadd.s32 @!p0 s0, s8  }
0x23: {  	s25 =	sshll.u32 @!p0 s16, $0xC;
	s4 =	sand.u32 @!p0 $0x4000, s4;
	s0 =	sadd.s32 @!p0 s24, s0  }
0x24: {  	s24 =	simm.s32 @!p0 $0x2000;
	s0 =	sadd.s32 @!p0 s25, s0;
	s25 =	simm.s32 @!p0 $0x70000  }
0x25: {  	[tilespmem:s4], [sflag:$0x1] =	stream.strided.gather @!p0 [hbm4b:s0+s24], $0x4000, s25, s24, $0x38;
	[tilespmem:$0x10000] =	vst v63  }
0x26: {  	p0 =	sge.u32 s31, s7  }
.Ltmp2:
0x27: {  	_ = 	snop;
	(pc) =	sbr.rel @p0 .LBB1_9-.Ltmp2, $1  }
0x28: {  	_ =	sdelay $0x3  }
0x29: {  	s0 =	sshll.u32 s15, $0x2  }
0x2a: {  	_ =	swait.ge [sflag:s6], $0x4000;
	s4 =	sshll.u32 s19, $0xE;
	p1 =	por $0x1, $0x1  }
0x2b: {  	s0 =	sand.u32 $0x10000, s0;
	[sflag:s6] =	ssyncset.done $0x0;
	s24 =	sand.u32 $0x4000, s4  }
0x2c: {  	s0 =	sshrl.u32 s0, $0x2;
	[sflag:s6] =	ssyncadd.s32 $0xFFFFC000;
	s25 =	sor.u32 $0x8000, s24  }
0x2d: {  	s26 =	sadd.s32 $0x70, s0;
	s27 =	sadd.s32 $0x8040, s0;
	s0 =	simm.s32 $0x0  }
.LBB1_3:
0x2e: {  	s4 =	sshll.u32 s0, $0xD;
	s31 =	sshll.u32 s0, $0xB  }
0x2f: {  	p0 =	por p1, p1;
	s4 =	sand.u32 $0x3FFFE000, s4;
	s0 =	sand.u32 $0x3FFFF800, s31  }
0x30: {  	s30 =	simm.s32 $0x0;
	s28 =	sadd.s32 s4, s26;
	s29 =	sadd.s32 s0, s27  }
.LBB1_4:
0x31: {  	v1 =	vmov s28;
	_ =	sdelay $0x3  }
0x32: {  	s31 =	simm.s32 $0x0  }
0x33: {  	v7 =	vld.idx.msk [tilespmem:v1+s31+$0x0 ss:$0x1], $0xffff  }
0x34: {  	v0 =	vmov s29;
	v8 =	vld.idx.msk [tilespmem:v1+s31+$0xFFFFFF90 ss:$0x1], $0xffff  }
0x35: {  	v6 =	vld.idx.msk [tilespmem:v1+s31+$0xFFFFFFA0 ss:$0x1], $0xffff  }
0x36: {  	v5 =	vld.idx.msk [tilespmem:v1+s31+$0xFFFFFFB0 ss:$0x1], $0xffff  }
0x37: {  	v4 =	vld.idx.msk [tilespmem:v1+s31+$0xFFFFFFC0 ss:$0x1], $0xffff  }
0x38: {  	v2 =	vld.idx.msk [tilespmem:v1+s31+$0xFFFFFFD0 ss:$0x1], $0xffff  }
0x39: {  	v3 =	vld.idx.msk [tilespmem:v1+s31+$0xFFFFFFE0 ss:$0x1], $0xffff;
	[tilespmem:v0+s31+$0x30 ss:$0x1] =	vst.idx.msk $0xffff, v7  }
0x3a: {  	s4 =	simm.s32 $0x80;
	s0 =	simm.s32 $0x400;
	[tilespmem:v0+s31+$0xFFFFFFC0 ss:$0x1] =	vst.idx.msk $0xffff, v8;
	v7 =	vld.idx.msk [tilespmem:v1+s31+$0xFFFFFFF0 ss:$0x1], $0xffff  }
.LBB1_5:
0x3b: {  	p1 =	sne.s32 s0, $0x1E00;
	v8 =	vld.idx.msk [tilespmem:v1+s4+$0x0 ss:$0x1], $0xffff;
	[tilespmem:v0+s31+$0xFFFFFFD0 ss:$0x1] =	vst.idx.msk $0xffff, v6  }
0x3c: {  	v9 =	vld.idx.msk [tilespmem:v1+s4+$0xFFFFFF90 ss:$0x1], $0xffff;
	[tilespmem:v0+s31+$0xFFFFFFE0 ss:$0x1] =	vst.idx.msk $0xffff, v5  }
0x3d: {  	v6 =	vld.idx.msk [tilespmem:v1+s4+$0xFFFFFFA0 ss:$0x1], $0xffff;
	[tilespmem:v0+s31+$0xFFFFFFF0 ss:$0x1] =	vst.idx.msk $0xffff, v4  }
.Ltmp3:
0x3e: {  	v5 =	vld.idx.msk [tilespmem:v1+s4+$0xFFFFFFB0 ss:$0x1], $0xffff;
	[tilespmem:v0+s31+$0x0 ss:$0x1] =	vst.idx.msk $0xffff, v2;
	(pc) =	sbr.rel @p1 .LBB1_5-.Ltmp3, $4  }
0x3f: {  	v4 =	vld.idx.msk [tilespmem:v1+s4+$0xFFFFFFC0 ss:$0x1], $0xffff;
	[tilespmem:v0+s31+$0x10 ss:$0x1] =	vst.idx.msk $0xffff, v3  }
0x40: {  	v2 =	vld.idx.msk [tilespmem:v1+s4+$0xFFFFFFD0 ss:$0x1], $0xffff;
	[tilespmem:v0+s31+$0x20 ss:$0x1] =	vst.idx.msk $0xffff, v7;
	s31 =	smov.u32 s4  }
0x41: {  	v3 =	vld.idx.msk [tilespmem:v1+s31+$0xFFFFFFE0 ss:$0x1], $0xffff;
	[tilespmem:v0+s31+$0x30 ss:$0x1] =	vst.idx.msk $0xffff, v8  }
0x42: {  	s4 =	sshra.s32 s0, $0x2;
	s0 =	sadd.s32 $0x200, s0;
	[tilespmem:v0+s31+$0xFFFFFFC0 ss:$0x1] =	vst.idx.msk $0xffff, v9;
	v7 =	vld.idx.msk [tilespmem:v1+s31+$0xFFFFFFF0 ss:$0x1], $0xffff  }
0x43: {  	_ =	sdelay $0x3  }
0x44: {  	[tilespmem:v0+s31+$0xFFFFFFD0 ss:$0x1] =	vst.idx.msk $0xffff, v6  }
0x45: {  	v56 =	vld.idx.msk [tilespmem:v1+s4+$0x0 ss:$0x1], $0xffff;
	[tilespmem:v0+s31+$0xFFFFFFE0 ss:$0x1] =	vst.idx.msk $0xffff, v5  }
0x46: {  	v57 =	vld.idx.msk [tilespmem:v1+s4+$0xFFFFFF90 ss:$0x1], $0xffff;
	[tilespmem:v0+s31+$0xFFFFFFF0 ss:$0x1] =	vst.idx.msk $0xffff, v4  }
0x47: {  	v58 =	vld.idx.msk [tilespmem:v1+s4+$0xFFFFFFA0 ss:$0x1], $0xffff;
	[tilespmem:v0+s31+$0x0 ss:$0x1] =	vst.idx.msk $0xffff, v2  }
0x48: {  	v59 =	vld.idx.msk [tilespmem:v1+s4+$0xFFFFFFB0 ss:$0x1], $0xffff;
	[tilespmem:v0+s31+$0x10 ss:$0x1] =	vst.idx.msk $0xffff, v3  }
0x49: {  	v60 =	vld.idx.msk [tilespmem:v1+s4+$0xFFFFFFC0 ss:$0x1], $0xffff;
	[tilespmem:v0+s31+$0x20 ss:$0x1] =	vst.idx.msk $0xffff, v7  }
0x4a: {  	v61 =	vld.idx.msk [tilespmem:v1+s4+$0xFFFFFFD0 ss:$0x1], $0xffff;
	[tilespmem:v0+s4+$0x30 ss:$0x1] =	vst.idx.msk $0xffff, v56  }
0x4b: {  	v62 =	vld.idx.msk [tilespmem:v1+s4+$0xFFFFFFE0 ss:$0x1], $0xffff;
	s30 =	sadd.s32 $0x1, s30;
	[tilespmem:v0+s4+$0xFFFFFFC0 ss:$0x1] =	vst.idx.msk $0xffff, v57  }
0x4c: {  	v63 =	vld.idx.msk [tilespmem:v1+s4+$0xFFFFFFF0 ss:$0x1], $0xffff;
	p1 =	sne.s32 s30, $0x4;
	[tilespmem:v0+s4+$0xFFFFFFD0 ss:$0x1] =	vst.idx.msk $0xffff, v58  }
.Ltmp4:
0x4d: {  	[tilespmem:v0+s4+$0xFFFFFFE0 ss:$0x1] =	vst.idx.msk $0xffff, v59;
	(pc) =	sbr.rel @p1 .LBB1_4-.Ltmp4, $4  }
0x4e: {  	[tilespmem:v0+s4+$0xFFFFFFF0 ss:$0x1] =	vst.idx.msk $0xffff, v60  }
0x4f: {  	[tilespmem:v0+s4+$0x0 ss:$0x1] =	vst.idx.msk $0xffff, v61  }
0x50: {  	[tilespmem:v0+s4+$0x10 ss:$0x1] =	vst.idx.msk $0xffff, v62  }
0x51: {  	s28 =	sadd.s32 $0x800, s28;
	s29 =	sadd.s32 $0x1000, s29;
	[tilespmem:v0+s4+$0x20 ss:$0x1] =	vst.idx.msk $0xffff, v63  }
.Ltmp5:
0x52: {  	(pc) =	sbr.rel @p0 .LBB1_3-.Ltmp5, $2  }
0x53: {  	_ =	sdelay $0x2  }
0x54: {  	s0 =	simm.s32 $0x1;
	p1 =	por $0x0, $0x0  }
0x55: {  	s0 =	smul.u32 $0x1C00, s22  }
0x56: {  	s4 =	sshll.u32 s21, $0x5  }
0x57: {  	s26 =	sshll.u32 s23, $0x4;
	s22 =	sadd.s32 s0, s4  }
0x58: {  	s20 =	smul.u32 $0x18800, s20;
	s21 =	sand.u32 $0x10, s26;
	s22 =	sadd.s32 s5, s22  }
0x59: {  	s22 =	sadd.s32 s21, s22  }
0x5a: {  	s27 =	sadd.s32 s0, s9;
	s22 =	sadd.s32 s20, s22  }
0x5b: {  	[hbm4b:s22+s13] =	stream.strided.scatter [tilespmem:s25], [sflag:$0x2], $0x1000, s14, s13, $0x38;
	[tilespmem:$0x10000] =	vst v63  }
0x5c: {  	s22 =	sadd.s32 s21, s27  }
0x5d: {  	s22 =	sadd.s32 s4, s22  }
0x5e: {  	s28 =	sadd.s32 $0x9000, s24;
	s29 =	sadd.s32 s0, s10;
	s22 =	sadd.s32 s20, s22  }
0x5f: {  	[hbm4b:s22+s13] =	stream.strided.scatter [tilespmem:s28], [sflag:$0x2], $0x1000, s14, s13, $0x38;
	[tilespmem:$0x10000] =	vst v63  }
0x60: {  	s0 =	sadd.s32 s0, s11;
	s22 =	sadd.s32 s21, s29  }
.Ltmp6:
0x61: {  	s0 =	sadd.s32 s21, s0;
	s22 =	sadd.s32 s4, s22;
	(pc) =	sbr.rel .LBB1_9-.Ltmp6, $4  }
0x62: {  	s30 =	sadd.s32 $0xA000, s24;
	s0 =	sadd.s32 s4, s0;
	s22 =	sadd.s32 s20, s22  }
0x63: {  	[hbm4b:s22+s13] =	stream.strided.scatter [tilespmem:s30], [sflag:$0x2], $0x1000, s14, s13, $0x38;
	[tilespmem:$0x10000] =	vst v63  }
0x64: {  	s31 =	sadd.s32 $0xB000, s24;
	s0 =	sadd.s32 s20, s0  }
0x65: {  	[hbm4b:s0+s13] =	stream.strided.scatter [tilespmem:s31], [sflag:$0x2], $0x1000, s14, s13, $0x38;
	[tilespmem:$0x10000] =	vst v63  }
.LBB1_10:
0x66: {  	_ =	sfence.sel $0x180000  }
0x67: {  	s0 =	simm.s32 $0x1;
	[bflag:$0x0] =	sbarrier.arrive $0xFFFF  }
0x68: {  	s30 =	simm.s32 $0x2;
	[sflag:s0] =	ssyncpa.u1 $0x1  }
0x69: {  	[sflag:s30] =	ssyncpa.u1 $0x1  }
0x6a: {  	_ =	strace $0x90000050  }
0x6b: {  	s31 =	stileid.u32;
	[bflag:$0x2] =	sbarrier.arrive $0xFFFF  }
0x6c: {  	p0 =	sne.s32 s31, $0x0;
	s0 =	rddreg [dreg:$0x1]  }
0x6d: {  	s0 =	sadd.s32 @!p0 $0x100000, s0  }
0x6e: {  	[sflag:s0] =	ssyncadd.tile.s32 @!p0 $0x1;
	_ =	shalt  }
.Lfunc_end1:
_tile_overlayer_lowered:
.L_overlay_start_2:
0x6f: {  	(tag) =	ssettag $0x2  }
0x70: {  	s0 =	rddreg [dreg:$0x0];
	s2 =	stileid.u32  }
0x71: {  	s1 =	rddreg [dreg:$0x1];
	p0 =	sne.s32 s2, $0x0  }
0x72: {  	s3 =	rddreg [dreg:$0x2];
	[bflag:$0x3] =	sbarrier.arrive $0xFFFF;
	s2 =	simm.s32 @!p0 $0x1C01  }
0x73: {  	[timem:s3], [sflag:s2] =	dma.local @!p0 [hbm:s0], s1  }
0x74: {  	s0 =	simm.s32 @!p0 $0x1  }
0x75: {  	_ =	swait.ge @!p0 [sflag:s0], s1  }
0x76: {  	s1 =	ssub.s32 @!p0 $0x0, s1;
	[sflag:s0] =	ssyncset.done @!p0 $0x0  }
0x77: {  	[sflag:s0] =	ssyncadd.s32 @!p0 s1  }
0x78: {  	[bflag:$0x3] =	sbarrier.arrive $0xFFFF  }
0x79: {  	_ =	shalt  }

// kernel: sparse-core-data-format-call.2.cloned.1.call-start
scs
called_computation.2_lowered:
.L_overlay_start_0:
0x0: {  	s2 =	sld [smem:$0x3FD9]  }
0x1: {  	s3 =	sld [smem:$0x3FFE];
	_ =	sdelay $0x1  }
0x2: {  	s1 =	srdreg.scid  }
0x3: {  	s0 =	sand.u32 $0x1, s1  }
0x4: {  	s18 =	sshll.u32 s0, $0xA;
	s2 =	sadd.s32 s3, s2  }
0x5: {  	s2 =	sadd.s32 s2, s18  }
0x6: {  	[smem:$0x3FC5] =	sst s2  }
0x7: {  	_ = 	snop  }
0x8: {  	(tm) =	ssettm $0x1  }
0x9: {  	s19 =	sld [smem:$0x3FFB];
	_ =	sdelay $0x3  }
0xa: {  	_ =	strace s19  }
0xb: {  	s2 =	sld [smem:$0x3FFC];
	_ =	sdelay $0x3  }
0xc: {  	_ =	strace s2  }
0xd: {  	s2 =	sld [smem:$0x3FFD];
	_ =	sdelay $0x3  }
0xe: {  	_ =	strace s2  }
0xf: {  	_ =	strace $0x8FFFFFFF  }
0x10: {  	s20 =	sld [smem:$0x3FDB];
	_ =	sdelay $0x1  }
0x11: {  	s21 =	simm.s32 $_scs_section_size  }
0x12: {  	s4 =	simm.s32 $_size__tile_overlayer_lowered;
	s5 =	simm.s32 $_tile_overlayer_lowered  }
0x13: {  	s6 =	simm.s32 $0x1BFF;
	s22 =	sshll.u32 s5, $0x1;
	s3 =	sadd.s32 s21, s20  }
0x14: {  	s23 =	simm.s32 $0x0;
	s4 =	sshll.u32 s4, $0x1;
	s5 =	sadd.s32 s22, s3  }
0x15: {  	[timem:s23], [sflag:s6] =	dma.local [hbm:s5], s4  }
0x16: {  	_ =	swait.ge [sflag:s6], s4  }
0x17: {  	s4 =	ssub.s32 $0x0, s4;
	[sflag:s6] =	ssyncset.done $0x0  }
0x18: {  	[sflag:s6] =	ssyncadd.s32 s4;
	_ =	sdelay $0x1  }
0x19: {  	s24 =	simm.s32 $0x1B8B  }
0x1a: {  	_ =	swait.ge [sflag:s24], $0x1  }
0x1b: {  	[sflag:s24] =	ssyncset.done $0x0  }
0x1c: {  	[sflag:s24] =	ssyncadd.s32 $0xFFFFFFFF  }
0x1d: {  	s4 =	sld [smem:$0x0]  }
0x1e: {  	s5 =	sand.u32 $0xFFFFFFFE, s1  }
0x1f: {  	p0 =	sne.s32 s1, s5  }
0x20: {  	s5 =	sshll.u32 @p0 s5, $0xE  }
0x21: {  	s5 =	sadd.s32 @p0 $0x11B8D, s5;
	s6 =	sshll.u32 @p0 s4, $0x11  }
0x22: {  	s5 =	sor.u32 @p0 s6, s5  }
0x23: {  	[sflag:s5] =	ssyncadd.remote.s32 @p0 $0x1;
	_ =	sdelay $0x1  }
0x24: {  	s5 =	simm.s32 @p0 $0x1B8D  }
0x25: {  	_ =	swait.eq @p0 [sflag:s5], $0x1  }
0x26: {  	[sflag:s5] =	ssyncadd.s32 @p0 $0xFFFFFFFF  }
0x27: {  	s6 =	sshll.u32 @!p0 s1, $0xE  }
0x28: {  	s6 =	sor.u32 @!p0 $0x4000, s6;
	s5 =	simm.s32 @!p0 $0x1B8D  }
0x29: {  	s4 =	sshll.u32 @!p0 s4, $0x11;
	s6 =	sadd.s32 @!p0 $0x11B8D, s6;
	_ =	swait.eq @!p0 [sflag:s5], $0x1  }
0x2a: {  	s4 =	sor.u32 @!p0 s4, s6;
	[sflag:s5] =	ssyncadd.s32 @!p0 $0xFFFFFFFF  }
0x2b: {  	s26 =	simm.s32 $0x1B8E;
	s25 =	sld [smem:$0x3FFE];
	[sflag:s4] =	ssyncadd.remote.s32 @!p0 $0x1  }
0x2c: {  	s27 =	simm.s32 $execute0_lowered;
	[smem:$0x3FD2] =	sst s26  }
0x2d: {  	s5 =	sshll.u32 s27, $0x1;
	_ =	strace $0x8000004C;
	[dreg:$0x1] =	wrdreg $0xFFFFFFFF  }
0x2e: {  	s28 =	simm.s32 $_size_execute0_lowered;
	s3 =	sadd.s32 s3, s5;
	[dreg:$0x0] =	wrdreg $0x0  }
0x2f: {  	s5 =	sshll.u32 s28, $0x1;
	[dreg:$0x2] =	wrdreg s3  }
0x30: {  	[dreg:$0x3] =	wrdreg s5  }
0x31: {  	[dreg:$0x4] =	wrdreg $0xC0  }
0x32: {  	_ =	task [dreg:s23], $0x5FFFF  }
0x33: {  	[dreg:$0x1] =	wrdreg $0xFFFFFFFF  }
0x34: {  	[dreg:$0x0] =	wrdreg $0x60  }
0x35: {  	[dreg:$0x2] =	wrdreg s25  }
0x36: {  	[dreg:$0x3] =	wrdreg $0x9  }
0x37: {  	_ =	task.clear_ibuf [dreg:s23], $0x4FFFF;
	_ =	strace $0x9000004C  }
0x38: {  	s29 =	simm.s32 $0x9;
	_ =	strace $0x8000004E  }
0x39: {  	_ =	swait.ge [sflag:s29], $0x1  }
0x3a: {  	[sflag:s29] =	ssyncadd.s32 $0xFFFFFFFF  }
0x3b: {  	_ =	strace $0x9000004E  }
0x3c: {  	_ =	sfence  }
0x3d: {  	s30 =	sld [smem:$0x0];
	_ =	sdelay $0x2  }
0x3e: {  	s31 =	sshll.u32 s1, $0xD;
	s1 =	sshrl.u32 s1, $0x2  }
0x3f: {  	s4 =	sand.u32 $0x4000, s31;
	s1 =	sadd.s32 s1, s30  }
0x40: {  	s0 =	sor.u32 s4, s0;
	s1 =	sshll.u32 s1, $0x11  }
0x41: {  	s0 =	sor.u32 s1, s0  }
0x42: {  	s0 =	sadd.s32 $0x8F2B, s0  }
0x43: {  	[sflag:s0] =	ssyncadd.remote.s32 $0x1  }
0x44: {  	_ =	sfence.sel $0xFFFF  }
0x45: {  	[dreg:$0x0] =	wrdreg $0xFFFFFFFF;
	(pc) =	sbr.abs _section_cstart, $3  }
0x46: {  	[dreg:$0x1] =	wrdreg $0xFFFFFFFF  }
0x47: {  	_ =	task.clear_ibuf [dreg:s23], $0x2FFFF;
	_ =	strace $0x9FFFFFFF  }
0x48: {  	(tm) =	ssettm $0x7FFFFFFF  }
0x49: {  	_ =	shalt  }
tec
execute0_lowered:
.L_overlay_start_1:
0x0: {  	(tag) =	ssettag $0x1  }
0x1: {  	s0 =	stileid.u32;
	s1 =	srdreg.scid  }
0x2: {  	s10 =	rddreg [dreg:$0x0];
	s8 =	simm.s32 $0x2;
	s19 =	simm.s32 $0x0  }
0x3: {  	s12 =	simm.s32 $0x2000;
	s13 =	simm.s32 $0x620000;
	s2 =	sshll.u32 s0, $0x2  }
0x4: {  	s20 =	simm.s32 $0x0;
	s3 =	sshll.u32 s1, $0x4;
	s1 =	sand.u32 $0xC, s2  }
0x5: {  	s21 =	simm.s32 $0x0;
	s30 =	sand.u32 $0x10, s3;
	s4 =	ssub.s32 $0x10, s1  }
0x6: {  	s22 =	simm.s32 $0x0;
	s2 =	sor.u32 s0, s30;
	s5 =	sand.u32 $0xC, s4  }
0x7: {  	s3 =	sshrl.u32 s2, $0x2;
	s2 =	simm.s32 $0x1;
	p0 =	sne.s32 s5, $0x0  }
0x8: {  	s4 =	sshrl.u32 s4, $0x4;
	s31 =	ssub.s32 $0x15, s3;
	s2 =	simm.s32 @!p0 $0x0  }
0x9: {  	s14 =	simm.s32 $0x0;
	s5 =	sshrl.u32 s31, $0x3;
	s4 =	sadd.s32 s2, s4  }
0xa: {  	s15 =	simm.s32 $0x0;
	s7 =	sadd.s32 $0x7A9800, s10;
	s6 =	smul.u32 s4, s5  }
.Ltmp0:
0xb: {  	s18 =	simm.s32 $0x0;
	s9 =	sadd.s32 $0x652800, s10;
	(pc) =	sbr.rel .LBB1_1-.Ltmp0, $4  }
0xc: {  	s2 =	rddreg [dreg:$0x1];
	_ =	strace $0x8000004D;
	s5 =	simm.s32 $0x1  }
0xd: {  	s17 =	smov.u32 s1;
	[sflag:s5] =	ssyncpa.u1 $0x0;
	s6 =	smul.u32 $0xE, s6  }
0xe: {  	s16 =	smov.u32 s3;
	s4 =	sadd.s32 $0x621800, s10;
	[sflag:s8] =	ssyncpa.u1 $0x0  }
0xf: {  	s8 =	sadd.s32 $0x63A000, s10;
	s10 =	sadd.s32 $0x66B000, s10;
	s11 =	sor.u32 $0x1, s6  }
.LBB1_9:
0x10: {  	s23 =	sadd.s32 $0x1, s14  }
0x11: {  	s19 =	sadd.s32 $0x10, s15;
	s24 =	smov.u32 s15;
	p1 =	sgt.s32 s23, $0xD  }
0x12: {  	s24 =	smov.u32 @p1 s19  }
0x13: {  	s25 =	smov.u32 s16;
	s19 =	sadd.s32 $0x8, s16;
	p2 =	sgt.s32 s24, $0xF  }
0x14: {  	s25 =	smov.u32 @p2 s19  }
0x15: {  	s26 =	smov.u32 s17;
	s19 =	sadd.s32 $0x10, s17;
	p3 =	sgt.s32 s25, $0xD  }
0x16: {  	s26 =	smov.u32 @p3 s19  }
0x17: {  	p0 =	slt.u32 s18, $0x2;
	s23 =	simm.s32 @p1 $0x0;
	p1 =	sgt.s32 s26, $0xF  }
0x18: {  	s27 =	simm.s32 @!p0 $0x2;
	s26 =	smov.u32 @p1 s1;
	p1 =	sne.s32 s18, s11  }
.Ltmp1:
0x19: {  	s20 =	smov.u32 s15;
	_ =	swait.ge @!p0 [sflag:s27], $0x4000;
	(pc) =	sbr.rel @!p1 .LBB1_10-.Ltmp1, $4  }
0x1a: {  	s21 =	smov.u32 s16;
	[sflag:s27] =	ssyncset.done @!p0 $0x0;
	s24 =	simm.s32 @p2 $0x0  }
0x1b: {  	s22 =	smov.u32 s17;
	[sflag:s27] =	ssyncadd.s32 @!p0 $0xFFFFC000;
	s15 =	smov.u32 s24  }
0x1c: {  	s25 =	smov.u32 @p3 s3;
	s19 =	smov.u32 s14;
	s14 =	smov.u32 s23  }
0x1d: {  	s16 =	smov.u32 s25;
	s18 =	sadd.s32 $0x1, s18;
	s17 =	smov.u32 s26  }
.LBB1_1:
0x1e: {  	p0 =	sge.u32 s18, s6  }
0x1f: {  	s23 =	smul.u32 @!p0 $0x18800, s17  }
0x20: {  	s24 =	smul.u32 @!p0 $0x1C00, s16  }
0x21: {  	s26 =	smul.u32 @!p0 $0x1C0, s15;
	s27 =	sadd.s32 @!p0 s4, s23  }
0x22: {  	s25 =	sxor.u32 @!p0 $0xFFFFFFFF, s18;
	s28 =	sshll.u32 @!p0 s14, $0x5;
	s27 =	sadd.s32 @!p0 s24, s27  }
0x23: {  	s29 =	simm.s32 @!p0 $0x100;
	s25 =	sshll.u32 @!p0 s25, $0xE;
	s27 =	sadd.s32 @!p0 s26, s27  }
0x24: {  	s30 =	simm.s32 @!p0 $0xE00;
	s25 =	sand.u32 @!p0 $0x4000, s25;
	s27 =	sadd.s32 @!p0 s28, s27  }
0x25: {  	[tilespmem:s25], [sflag:$0x1] =	stream.strided.gather @!p0 [hbm4b:s27+s29], $0x1000, s30, s29, $0x38;
	[tilespmem:$0x10000] =	vst v63  }
0x26: {  	s27 =	sadd.s32 @!p0 s23, s8  }
0x27: {  	s27 =	sadd.s32 @!p0 s24, s27  }
0x28: {  	s27 =	sadd.s32 @!p0 s26, s27  }
0x29: {  	s31 =	sor.u32 @!p0 $0x1000, s25;
	s27 =	sadd.s32 @!p0 s28, s27  }
0x2a: {  	[tilespmem:s31], [sflag:$0x1] =	stream.strided.gather @!p0 [hbm4b:s27+s29], $0x1000, s30, s29, $0x38;
	[tilespmem:$0x10000] =	vst v63  }
0x2b: {  	s27 =	sadd.s32 @!p0 s23, s9  }
0x2c: {  	s23 =	sadd.s32 @!p0 s23, s10;
	s27 =	sadd.s32 @!p0 s24, s27  }
0x2d: {  	s23 =	sadd.s32 @!p0 s24, s23;
	s27 =	sadd.s32 @!p0 s26, s27  }
0x2e: {  	s31 =	sor.u32 @!p0 $0x2000, s25;
	s23 =	sadd.s32 @!p0 s26, s23;
	s27 =	sadd.s32 @!p0 s28, s27  }
0x2f: {  	[tilespmem:s31], [sflag:$0x1] =	stream.strided.gather @!p0 [hbm4b:s27+s29], $0x1000, s30, s29, $0x38;
	[tilespmem:$0x10000] =	vst v63  }
0x30: {  	s24 =	sor.u32 @!p0 $0x3000, s25;
	s23 =	sadd.s32 @!p0 s28, s23;
	s31 =	sadd.s32 $0xFFFFFFFF, s18  }
0x31: {  	[tilespmem:s24], [sflag:$0x1] =	stream.strided.gather @!p0 [hbm4b:s23+s29], $0x1000, s30, s29, $0x38;
	[tilespmem:$0x10000] =	vst v63  }
0x32: {  	p0 =	sge.u32 s31, s6  }
.Ltmp2:
0x33: {  	_ = 	snop;
	(pc) =	sbr.rel @p0 .LBB1_9-.Ltmp2, $1  }
0x34: {  	_ =	sdelay $0x3  }
0x35: {  	_ =	swait.ge [sflag:s5], $0x4000;
	s23 =	sshll.u32 s18, $0xE  }
0x36: {  	[sflag:s5] =	ssyncset.done $0x0;
	s24 =	sand.u32 $0x4000, s23  }
0x37: {  	s25 =	simm.s32 $0x0;
	[sflag:s5] =	ssyncadd.s32 $0xFFFFC000;
	s23 =	sor.u32 $0x8000, s24  }
.LBB1_3:
0x38: {  	s26 =	sshll.u32 s25, $0xC;
	s27 =	sshll.u32 s25, $0xB  }
0x39: {  	s26 =	sand.u32 $0x3FFFF000, s26;
	s27 =	sand.u32 $0x3FFFF800, s27  }
0x3a: {  	s28 =	simm.s32 $0x0;
	s26 =	sadd.s32 s26, s24;
	s27 =	sadd.s32 s27, s23  }
.LBB1_4:
0x3b: {  	s29 =	sshll.u32 s28, $0x8  }
0x3c: {  	s29 =	sand.u32 $0x3FFFFF00, s29  }
0x3d: {  	s30 =	sshll.u32 s28, $0x7;
	s31 =	sadd.s32 s29, s26  }
0x3e: {  	s30 =	sand.u32 $0x3FFFFF80, s30;
	v0 =	vmov s31  }
0x3f: {  	s30 =	sadd.s32 s30, s27  }
0x40: {  	p0 =	por $0x1, $0x1;
	s29 =	simm.s32 $0x0;
	v1 =	vmov s30  }
.LBB1_5:
0x41: {  	s30 =	sshll.u32 s29, $0x7  }
0x42: {  	s30 =	sand.u32 $0x3FFFFF80, s30  }
0x43: {  	v2 =	vld.idx.msk [tilespmem:v0+s30+$0x0 ss:$0x1], $0xffff  }
0x44: {  	v3 =	vld.idx.msk [tilespmem:v0+s30+$0x10 ss:$0x1], $0xffff  }
0x45: {  	v4 =	vld.idx.msk [tilespmem:v0+s30+$0x20 ss:$0x1], $0xffff  }
0x46: {  	s29 =	sshll.u32 s29, $0xD;
	v5 =	vld.idx.msk [tilespmem:v0+s30+$0x30 ss:$0x1], $0xffff  }
0x47: {  	s29 =	sand.u32 $0x3FFFE000, s29;
	v6 =	vld.idx.msk [tilespmem:v0+s30+$0x40 ss:$0x1], $0xffff  }
0x48: {  	v63 =	vld.idx.msk [tilespmem:v0+s30+$0x70 ss:$0x1], $0xffff;
	[tilespmem:v1+s29+$0x0 ss:$0x1] =	vst.idx.msk $0xffff, v2  }
0x49: {  	v2 =	vld.idx.msk [tilespmem:v0+s30+$0x50 ss:$0x1], $0xffff;
	[tilespmem:v1+s29+$0x10 ss:$0x1] =	vst.idx.msk $0xffff, v3  }
0x4a: {  	p1 =	por p0, p0;
	v3 =	vld.idx.msk [tilespmem:v0+s30+$0x60 ss:$0x1], $0xffff;
	[tilespmem:v1+s29+$0x20 ss:$0x1] =	vst.idx.msk $0xffff, v4  }
.Ltmp3:
0x4b: {  	[tilespmem:v1+s29+$0x30 ss:$0x1] =	vst.idx.msk $0xffff, v5;
	(pc) =	sbr.rel @p1 .LBB1_5-.Ltmp3, $4  }
0x4c: {  	[tilespmem:v1+s29+$0x40 ss:$0x1] =	vst.idx.msk $0xffff, v6  }
0x4d: {  	[tilespmem:v1+s29+$0x70 ss:$0x1] =	vst.idx.msk $0xffff, v63  }
0x4e: {  	[tilespmem:v1+s29+$0x50 ss:$0x1] =	vst.idx.msk $0xffff, v2  }
0x4f: {  	p0 =	por $0x0, $0x0;
	[tilespmem:v1+s29+$0x60 ss:$0x1] =	vst.idx.msk $0xffff, v3;
	s29 =	simm.s32 $0x1  }
0x50: {  	s28 =	sadd.s32 $0x1, s28  }
0x51: {  	p0 =	sne.s32 s28, $0x10  }
.Ltmp4:
0x52: {  	_ = 	snop;
	(pc) =	sbr.rel @p0 .LBB1_4-.Ltmp4, $1  }
0x53: {  	_ =	sdelay $0x3  }
0x54: {  	s25 =	sadd.s32 $0x1, s25  }
0x55: {  	p0 =	sne.s32 s25, $0x4  }
.Ltmp5:
0x56: {  	_ = 	snop;
	(pc) =	sbr.rel @p0 .LBB1_3-.Ltmp5, $1  }
0x57: {  	_ =	sdelay $0x3  }
0x58: {  	s21 =	smul.u32 $0xE000, s21;
	s22 =	sshll.u32 s22, $0x8  }
.Ltmp6:
0x59: {  	s22 =	sadd.s32 s7, s22;
	(pc) =	sbr.rel .LBB1_9-.Ltmp6, $4  }
0x5a: {  	s19 =	sshll.u32 s19, $0xC;
	s20 =	sshll.u32 s20, $0x4;
	s21 =	sadd.s32 s21, s22  }
0x5b: {  	s20 =	sand.u32 $0xF0, s20;
	s19 =	sadd.s32 s19, s21  }
0x5c: {  	s19 =	sadd.s32 s20, s19  }
0x5d: {  	[hbm4b:s19+s12] =	stream.strided.scatter [tilespmem:s23], [sflag:$0x2], $0x4000, s13, s12, $0x38;
	[tilespmem:$0x10000] =	vst v63  }
.LBB1_10:
0x5e: {  	_ =	sfence.sel $0x180000  }
0x5f: {  	s1 =	simm.s32 $0x1;
	[bflag:$0x0] =	sbarrier.arrive $0xFFFF  }
0x60: {  	s31 =	simm.s32 $0x2;
	[sflag:s1] =	ssyncpa.u1 $0x1  }
0x61: {  	[sflag:s31] =	ssyncpa.u1 $0x1  }
0x62: {  	p0 =	sne.s32 s0, $0x0;
	_ =	strace $0x9000004D  }
0x63: {  	s0 =	sadd.s32 @!p0 $0x100000, s2;
	[bflag:$0x2] =	sbarrier.arrive $0xFFFF  }
0x64: {  	[sflag:s0] =	ssyncadd.tile.s32 @!p0 $0x1;
	_ =	shalt  }
.Lfunc_end1:
_tile_overlayer_lowered:
.L_overlay_start_2:
0x65: {  	(tag) =	ssettag $0x2  }
0x66: {  	s0 =	rddreg [dreg:$0x0];
	s2 =	stileid.u32  }
0x67: {  	s1 =	rddreg [dreg:$0x1];
	p0 =	sne.s32 s2, $0x0  }
0x68: {  	s3 =	rddreg [dreg:$0x2];
	[bflag:$0x3] =	sbarrier.arrive $0xFFFF;
	s2 =	simm.s32 @!p0 $0x1C01  }
0x69: {  	[timem:s3], [sflag:s2] =	dma.local @!p0 [hbm:s0], s1  }
0x6a: {  	s0 =	simm.s32 @!p0 $0x1  }
0x6b: {  	_ =	swait.ge @!p0 [sflag:s0], s1  }
0x6c: {  	s1 =	ssub.s32 @!p0 $0x0, s1;
	[sflag:s0] =	ssyncset.done @!p0 $0x0  }
0x6d: {  	[sflag:s0] =	ssyncadd.s32 @!p0 s1  }
0x6e: {  	[bflag:$0x3] =	sbarrier.arrive $0xFFFF  }
0x6f: {  	_ =	shalt  }

// kernel: sparse-core-data-format-call.3.cloned.1.call-start
scs
called_computation.3_lowered:
.L_overlay_start_0:
0x0: {  	s2 =	sld [smem:$0x3FD9]  }
0x1: {  	s3 =	sld [smem:$0x3FFE];
	_ =	sdelay $0x1  }
0x2: {  	s1 =	srdreg.scid  }
0x3: {  	s0 =	sand.u32 $0x1, s1  }
0x4: {  	s18 =	sshll.u32 s0, $0xA;
	s2 =	sadd.s32 s3, s2  }
0x5: {  	s2 =	sadd.s32 s2, s18  }
0x6: {  	[smem:$0x3FC5] =	sst s2  }
0x7: {  	_ = 	snop  }
0x8: {  	(tm) =	ssettm $0x1  }
0x9: {  	s19 =	sld [smem:$0x3FFB];
	_ =	sdelay $0x3  }
0xa: {  	_ =	strace s19  }
0xb: {  	s2 =	sld [smem:$0x3FFC];
	_ =	sdelay $0x3  }
0xc: {  	_ =	strace s2  }
0xd: {  	s2 =	sld [smem:$0x3FFD];
	_ =	sdelay $0x3  }
0xe: {  	_ =	strace s2  }
0xf: {  	_ =	strace $0x8FFFFFFF  }
0x10: {  	s20 =	sld [smem:$0x3FDB];
	_ =	sdelay $0x1  }
0x11: {  	s21 =	simm.s32 $_scs_section_size  }
0x12: {  	s4 =	simm.s32 $_size__tile_overlayer_lowered;
	s5 =	simm.s32 $_tile_overlayer_lowered  }
0x13: {  	s6 =	simm.s32 $0x1BFF;
	s22 =	sshll.u32 s5, $0x1;
	s3 =	sadd.s32 s21, s20  }
0x14: {  	s23 =	simm.s32 $0x0;
	s4 =	sshll.u32 s4, $0x1;
	s5 =	sadd.s32 s22, s3  }
0x15: {  	[timem:s23], [sflag:s6] =	dma.local [hbm:s5], s4  }
0x16: {  	_ =	swait.ge [sflag:s6], s4  }
0x17: {  	s4 =	ssub.s32 $0x0, s4;
	[sflag:s6] =	ssyncset.done $0x0  }
0x18: {  	[sflag:s6] =	ssyncadd.s32 s4;
	_ =	sdelay $0x1  }
0x19: {  	s24 =	simm.s32 $0x1B8B  }
0x1a: {  	_ =	swait.ge [sflag:s24], $0x1  }
0x1b: {  	[sflag:s24] =	ssyncset.done $0x0  }
0x1c: {  	[sflag:s24] =	ssyncadd.s32 $0xFFFFFFFF  }
0x1d: {  	s4 =	sld [smem:$0x0]  }
0x1e: {  	s5 =	sand.u32 $0xFFFFFFFE, s1  }
0x1f: {  	p0 =	sne.s32 s1, s5  }
0x20: {  	s5 =	sshll.u32 @p0 s5, $0xE  }
0x21: {  	s5 =	sadd.s32 @p0 $0x11B8D, s5;
	s6 =	sshll.u32 @p0 s4, $0x11  }
0x22: {  	s5 =	sor.u32 @p0 s6, s5  }
0x23: {  	[sflag:s5] =	ssyncadd.remote.s32 @p0 $0x1;
	_ =	sdelay $0x1  }
0x24: {  	s5 =	simm.s32 @p0 $0x1B8D  }
0x25: {  	_ =	swait.eq @p0 [sflag:s5], $0x1  }
0x26: {  	[sflag:s5] =	ssyncadd.s32 @p0 $0xFFFFFFFF  }
0x27: {  	s6 =	sshll.u32 @!p0 s1, $0xE  }
0x28: {  	s6 =	sor.u32 @!p0 $0x4000, s6;
	s5 =	simm.s32 @!p0 $0x1B8D  }
0x29: {  	s4 =	sshll.u32 @!p0 s4, $0x11;
	s6 =	sadd.s32 @!p0 $0x11B8D, s6;
	_ =	swait.eq @!p0 [sflag:s5], $0x1  }
0x2a: {  	s4 =	sor.u32 @!p0 s4, s6;
	[sflag:s5] =	ssyncadd.s32 @!p0 $0xFFFFFFFF  }
0x2b: {  	s26 =	simm.s32 $0x1B8E;
	s25 =	sld [smem:$0x3FFE];
	[sflag:s4] =	ssyncadd.remote.s32 @!p0 $0x1  }
0x2c: {  	s27 =	simm.s32 $execute0_lowered;
	[smem:$0x3FD2] =	sst s26  }
0x2d: {  	s5 =	sshll.u32 s27, $0x1;
	_ =	strace $0x80000049;
	[dreg:$0x1] =	wrdreg $0xFFFFFFFF  }
0x2e: {  	s28 =	simm.s32 $_size_execute0_lowered;
	s3 =	sadd.s32 s3, s5;
	[dreg:$0x0] =	wrdreg $0x0  }
0x2f: {  	s5 =	sshll.u32 s28, $0x1;
	[dreg:$0x2] =	wrdreg s3  }
0x30: {  	[dreg:$0x3] =	wrdreg s5  }
0x31: {  	[dreg:$0x4] =	wrdreg $0xC0  }
0x32: {  	_ =	task [dreg:s23], $0x5FFFF  }
0x33: {  	[dreg:$0x1] =	wrdreg $0xFFFFFFFF  }
0x34: {  	[dreg:$0x0] =	wrdreg $0x60  }
0x35: {  	[dreg:$0x2] =	wrdreg s25  }
0x36: {  	[dreg:$0x3] =	wrdreg $0xA  }
0x37: {  	_ =	task.clear_ibuf [dreg:s23], $0x4FFFF;
	_ =	strace $0x90000049  }
0x38: {  	s29 =	simm.s32 $0xA;
	_ =	strace $0x8000004B  }
0x39: {  	_ =	swait.ge [sflag:s29], $0x1  }
0x3a: {  	[sflag:s29] =	ssyncadd.s32 $0xFFFFFFFF  }
0x3b: {  	_ =	strace $0x9000004B  }
0x3c: {  	_ =	sfence  }
0x3d: {  	s30 =	sld [smem:$0x0];
	_ =	sdelay $0x2  }
0x3e: {  	s31 =	sshll.u32 s1, $0xD;
	s1 =	sshrl.u32 s1, $0x2  }
0x3f: {  	s4 =	sand.u32 $0x4000, s31;
	s1 =	sadd.s32 s1, s30  }
0x40: {  	s0 =	sor.u32 s4, s0;
	s1 =	sshll.u32 s1, $0x11  }
0x41: {  	s0 =	sor.u32 s1, s0  }
0x42: {  	s0 =	sadd.s32 $0x8F2B, s0  }
0x43: {  	[sflag:s0] =	ssyncadd.remote.s32 $0x1  }
0x44: {  	_ =	sfence.sel $0xFFFF  }
0x45: {  	[dreg:$0x0] =	wrdreg $0xFFFFFFFF;
	(pc) =	sbr.abs _section_cstart, $3  }
0x46: {  	[dreg:$0x1] =	wrdreg $0xFFFFFFFF  }
0x47: {  	_ =	task.clear_ibuf [dreg:s23], $0x2FFFF;
	_ =	strace $0x9FFFFFFF  }
0x48: {  	(tm) =	ssettm $0x7FFFFFFF  }
0x49: {  	_ =	shalt  }
tec
execute0_lowered:
.L_overlay_start_1:
0x0: {  	(tag) =	ssettag $0x1  }
0x1: {  	s0 =	stileid.u32;
	s1 =	srdreg.scid  }
0x2: {  	s10 =	rddreg [dreg:$0x0];
	s8 =	simm.s32 $0x2;
	s19 =	simm.s32 $0x0  }
0x3: {  	s12 =	simm.s32 $0x2000;
	s13 =	simm.s32 $0x620000;
	s2 =	sshll.u32 s0, $0x2  }
0x4: {  	s20 =	simm.s32 $0x0;
	s3 =	sshll.u32 s1, $0x4;
	s1 =	sand.u32 $0xC, s2  }
0x5: {  	s21 =	simm.s32 $0x0;
	s30 =	sand.u32 $0x10, s3;
	s4 =	ssub.s32 $0x10, s1  }
0x6: {  	s22 =	simm.s32 $0x0;
	s2 =	sor.u32 s0, s30;
	s5 =	sand.u32 $0xC, s4  }
0x7: {  	s3 =	sshrl.u32 s2, $0x2;
	s2 =	simm.s32 $0x1;
	p0 =	sne.s32 s5, $0x0  }
0x8: {  	s4 =	sshrl.u32 s4, $0x4;
	s31 =	ssub.s32 $0x15, s3;
	s2 =	simm.s32 @!p0 $0x0  }
0x9: {  	s14 =	simm.s32 $0x0;
	s5 =	sshrl.u32 s31, $0x3;
	s4 =	sadd.s32 s2, s4  }
0xa: {  	s15 =	simm.s32 $0x0;
	s7 =	sadd.s32 $0x499800, s10;
	s6 =	smul.u32 s4, s5  }
.Ltmp0:
0xb: {  	s18 =	simm.s32 $0x0;
	s9 =	sadd.s32 $0x342800, s10;
	(pc) =	sbr.rel .LBB1_1-.Ltmp0, $4  }
0xc: {  	s2 =	rddreg [dreg:$0x1];
	_ =	strace $0x8000004A;
	s5 =	simm.s32 $0x1  }
0xd: {  	s17 =	smov.u32 s1;
	[sflag:s5] =	ssyncpa.u1 $0x0;
	s6 =	smul.u32 $0xE, s6  }
0xe: {  	s16 =	smov.u32 s3;
	s4 =	sadd.s32 $0x311800, s10;
	[sflag:s8] =	ssyncpa.u1 $0x0  }
0xf: {  	s8 =	sadd.s32 $0x32A000, s10;
	s10 =	sadd.s32 $0x35B000, s10;
	s11 =	sor.u32 $0x1, s6  }
.LBB1_9:
0x10: {  	s23 =	sadd.s32 $0x1, s14  }
0x11: {  	s19 =	sadd.s32 $0x10, s15;
	s24 =	smov.u32 s15;
	p1 =	sgt.s32 s23, $0xD  }
0x12: {  	s24 =	smov.u32 @p1 s19  }
0x13: {  	s25 =	smov.u32 s16;
	s19 =	sadd.s32 $0x8, s16;
	p2 =	sgt.s32 s24, $0xF  }
0x14: {  	s25 =	smov.u32 @p2 s19  }
0x15: {  	s26 =	smov.u32 s17;
	s19 =	sadd.s32 $0x10, s17;
	p3 =	sgt.s32 s25, $0xD  }
0x16: {  	s26 =	smov.u32 @p3 s19  }
0x17: {  	p0 =	slt.u32 s18, $0x2;
	s23 =	simm.s32 @p1 $0x0;
	p1 =	sgt.s32 s26, $0xF  }
0x18: {  	s27 =	simm.s32 @!p0 $0x2;
	s26 =	smov.u32 @p1 s1;
	p1 =	sne.s32 s18, s11  }
.Ltmp1:
0x19: {  	s20 =	smov.u32 s15;
	_ =	swait.ge @!p0 [sflag:s27], $0x4000;
	(pc) =	sbr.rel @!p1 .LBB1_10-.Ltmp1, $4  }
0x1a: {  	s21 =	smov.u32 s16;
	[sflag:s27] =	ssyncset.done @!p0 $0x0;
	s24 =	simm.s32 @p2 $0x0  }
0x1b: {  	s22 =	smov.u32 s17;
	[sflag:s27] =	ssyncadd.s32 @!p0 $0xFFFFC000;
	s15 =	smov.u32 s24  }
0x1c: {  	s25 =	smov.u32 @p3 s3;
	s19 =	smov.u32 s14;
	s14 =	smov.u32 s23  }
0x1d: {  	s16 =	smov.u32 s25;
	s18 =	sadd.s32 $0x1, s18;
	s17 =	smov.u32 s26  }
.LBB1_1:
0x1e: {  	p0 =	sge.u32 s18, s6  }
0x1f: {  	s23 =	smul.u32 @!p0 $0x18800, s17  }
0x20: {  	s24 =	smul.u32 @!p0 $0x1C00, s16  }
0x21: {  	s26 =	smul.u32 @!p0 $0x1C0, s15;
	s27 =	sadd.s32 @!p0 s4, s23  }
0x22: {  	s25 =	sxor.u32 @!p0 $0xFFFFFFFF, s18;
	s28 =	sshll.u32 @!p0 s14, $0x5;
	s27 =	sadd.s32 @!p0 s24, s27  }
0x23: {  	s29 =	simm.s32 @!p0 $0x100;
	s25 =	sshll.u32 @!p0 s25, $0xE;
	s27 =	sadd.s32 @!p0 s26, s27  }
0x24: {  	s30 =	simm.s32 @!p0 $0xE00;
	s25 =	sand.u32 @!p0 $0x4000, s25;
	s27 =	sadd.s32 @!p0 s28, s27  }
0x25: {  	[tilespmem:s25], [sflag:$0x1] =	stream.strided.gather @!p0 [hbm4b:s27+s29], $0x1000, s30, s29, $0x38;
	[tilespmem:$0x10000] =	vst v63  }
0x26: {  	s27 =	sadd.s32 @!p0 s23, s8  }
0x27: {  	s27 =	sadd.s32 @!p0 s24, s27  }
0x28: {  	s27 =	sadd.s32 @!p0 s26, s27  }
0x29: {  	s31 =	sor.u32 @!p0 $0x1000, s25;
	s27 =	sadd.s32 @!p0 s28, s27  }
0x2a: {  	[tilespmem:s31], [sflag:$0x1] =	stream.strided.gather @!p0 [hbm4b:s27+s29], $0x1000, s30, s29, $0x38;
	[tilespmem:$0x10000] =	vst v63  }
0x2b: {  	s27 =	sadd.s32 @!p0 s23, s9  }
0x2c: {  	s23 =	sadd.s32 @!p0 s23, s10;
	s27 =	sadd.s32 @!p0 s24, s27  }
0x2d: {  	s23 =	sadd.s32 @!p0 s24, s23;
	s27 =	sadd.s32 @!p0 s26, s27  }
0x2e: {  	s31 =	sor.u32 @!p0 $0x2000, s25;
	s23 =	sadd.s32 @!p0 s26, s23;
	s27 =	sadd.s32 @!p0 s28, s27  }
0x2f: {  	[tilespmem:s31], [sflag:$0x1] =	stream.strided.gather @!p0 [hbm4b:s27+s29], $0x1000, s30, s29, $0x38;
	[tilespmem:$0x10000] =	vst v63  }
0x30: {  	s24 =	sor.u32 @!p0 $0x3000, s25;
	s23 =	sadd.s32 @!p0 s28, s23;
	s31 =	sadd.s32 $0xFFFFFFFF, s18  }
0x31: {  	[tilespmem:s24], [sflag:$0x1] =	stream.strided.gather @!p0 [hbm4b:s23+s29], $0x1000, s30, s29, $0x38;
	[tilespmem:$0x10000] =	vst v63  }
0x32: {  	p0 =	sge.u32 s31, s6  }
.Ltmp2:
0x33: {  	_ = 	snop;
	(pc) =	sbr.rel @p0 .LBB1_9-.Ltmp2, $1  }
0x34: {  	_ =	sdelay $0x3  }
0x35: {  	_ =	swait.ge [sflag:s5], $0x4000;
	s23 =	sshll.u32 s18, $0xE  }
0x36: {  	[sflag:s5] =	ssyncset.done $0x0;
	s24 =	sand.u32 $0x4000, s23  }
0x37: {  	s25 =	simm.s32 $0x0;
	[sflag:s5] =	ssyncadd.s32 $0xFFFFC000;
	s23 =	sor.u32 $0x8000, s24  }
.LBB1_3:
0x38: {  	s26 =	sshll.u32 s25, $0xC;
	s27 =	sshll.u32 s25, $0xB  }
0x39: {  	s26 =	sand.u32 $0x3FFFF000, s26;
	s27 =	sand.u32 $0x3FFFF800, s27  }
0x3a: {  	s28 =	simm.s32 $0x0;
	s26 =	sadd.s32 s26, s24;
	s27 =	sadd.s32 s27, s23  }
.LBB1_4:
0x3b: {  	s29 =	sshll.u32 s28, $0x8  }
0x3c: {  	s29 =	sand.u32 $0x3FFFFF00, s29  }
0x3d: {  	s30 =	sshll.u32 s28, $0x7;
	s31 =	sadd.s32 s29, s26  }
0x3e: {  	s30 =	sand.u32 $0x3FFFFF80, s30;
	v0 =	vmov s31  }
0x3f: {  	s30 =	sadd.s32 s30, s27  }
0x40: {  	p0 =	por $0x1, $0x1;
	s29 =	simm.s32 $0x0;
	v1 =	vmov s30  }
.LBB1_5:
0x41: {  	s30 =	sshll.u32 s29, $0x7  }
0x42: {  	s30 =	sand.u32 $0x3FFFFF80, s30  }
0x43: {  	v2 =	vld.idx.msk [tilespmem:v0+s30+$0x0 ss:$0x1], $0xffff  }
0x44: {  	v3 =	vld.idx.msk [tilespmem:v0+s30+$0x10 ss:$0x1], $0xffff  }
0x45: {  	v4 =	vld.idx.msk [tilespmem:v0+s30+$0x20 ss:$0x1], $0xffff  }
0x46: {  	s29 =	sshll.u32 s29, $0xD;
	v5 =	vld.idx.msk [tilespmem:v0+s30+$0x30 ss:$0x1], $0xffff  }
0x47: {  	s29 =	sand.u32 $0x3FFFE000, s29;
	v6 =	vld.idx.msk [tilespmem:v0+s30+$0x40 ss:$0x1], $0xffff  }
0x48: {  	v63 =	vld.idx.msk [tilespmem:v0+s30+$0x70 ss:$0x1], $0xffff;
	[tilespmem:v1+s29+$0x0 ss:$0x1] =	vst.idx.msk $0xffff, v2  }
0x49: {  	v2 =	vld.idx.msk [tilespmem:v0+s30+$0x50 ss:$0x1], $0xffff;
	[tilespmem:v1+s29+$0x10 ss:$0x1] =	vst.idx.msk $0xffff, v3  }
0x4a: {  	p1 =	por p0, p0;
	v3 =	vld.idx.msk [tilespmem:v0+s30+$0x60 ss:$0x1], $0xffff;
	[tilespmem:v1+s29+$0x20 ss:$0x1] =	vst.idx.msk $0xffff, v4  }
.Ltmp3:
0x4b: {  	[tilespmem:v1+s29+$0x30 ss:$0x1] =	vst.idx.msk $0xffff, v5;
	(pc) =	sbr.rel @p1 .LBB1_5-.Ltmp3, $4  }
0x4c: {  	[tilespmem:v1+s29+$0x40 ss:$0x1] =	vst.idx.msk $0xffff, v6  }
0x4d: {  	[tilespmem:v1+s29+$0x70 ss:$0x1] =	vst.idx.msk $0xffff, v63  }
0x4e: {  	[tilespmem:v1+s29+$0x50 ss:$0x1] =	vst.idx.msk $0xffff, v2  }
0x4f: {  	p0 =	por $0x0, $0x0;
	[tilespmem:v1+s29+$0x60 ss:$0x1] =	vst.idx.msk $0xffff, v3;
	s29 =	simm.s32 $0x1  }
0x50: {  	s28 =	sadd.s32 $0x1, s28  }
0x51: {  	p0 =	sne.s32 s28, $0x10  }
.Ltmp4:
0x52: {  	_ = 	snop;
	(pc) =	sbr.rel @p0 .LBB1_4-.Ltmp4, $1  }
0x53: {  	_ =	sdelay $0x3  }
0x54: {  	s25 =	sadd.s32 $0x1, s25  }
0x55: {  	p0 =	sne.s32 s25, $0x4  }
.Ltmp5:
0x56: {  	_ = 	snop;
	(pc) =	sbr.rel @p0 .LBB1_3-.Ltmp5, $1  }
0x57: {  	_ =	sdelay $0x3  }
0x58: {  	s21 =	smul.u32 $0xE000, s21;
	s22 =	sshll.u32 s22, $0x8  }
.Ltmp6:
0x59: {  	s22 =	sadd.s32 s7, s22;
	(pc) =	sbr.rel .LBB1_9-.Ltmp6, $4  }
0x5a: {  	s19 =	sshll.u32 s19, $0xC;
	s20 =	sshll.u32 s20, $0x4;
	s21 =	sadd.s32 s21, s22  }
0x5b: {  	s20 =	sand.u32 $0xF0, s20;
	s19 =	sadd.s32 s19, s21  }
0x5c: {  	s19 =	sadd.s32 s20, s19  }
0x5d: {  	[hbm4b:s19+s12] =	stream.strided.scatter [tilespmem:s23], [sflag:$0x2], $0x4000, s13, s12, $0x38;
	[tilespmem:$0x10000] =	vst v63  }
.LBB1_10:
0x5e: {  	_ =	sfence.sel $0x180000  }
0x5f: {  	s1 =	simm.s32 $0x1;
	[bflag:$0x0] =	sbarrier.arrive $0xFFFF  }
0x60: {  	s31 =	simm.s32 $0x2;
	[sflag:s1] =	ssyncpa.u1 $0x1  }
0x61: {  	[sflag:s31] =	ssyncpa.u1 $0x1  }
0x62: {  	p0 =	sne.s32 s0, $0x0;
	_ =	strace $0x9000004A  }
0x63: {  	s0 =	sadd.s32 @!p0 $0x100000, s2;
	[bflag:$0x2] =	sbarrier.arrive $0xFFFF  }
0x64: {  	[sflag:s0] =	ssyncadd.tile.s32 @!p0 $0x1;
	_ =	shalt  }
.Lfunc_end1:
_tile_overlayer_lowered:
.L_overlay_start_2:
0x65: {  	(tag) =	ssettag $0x2  }
0x66: {  	s0 =	rddreg [dreg:$0x0];
	s2 =	stileid.u32  }
0x67: {  	s1 =	rddreg [dreg:$0x1];
	p0 =	sne.s32 s2, $0x0  }
0x68: {  	s3 =	rddreg [dreg:$0x2];
	[bflag:$0x3] =	sbarrier.arrive $0xFFFF;
	s2 =	simm.s32 @!p0 $0x1C01  }
0x69: {  	[timem:s3], [sflag:s2] =	dma.local @!p0 [hbm:s0], s1  }
0x6a: {  	s0 =	simm.s32 @!p0 $0x1  }
0x6b: {  	_ =	swait.ge @!p0 [sflag:s0], s1  }
0x6c: {  	s1 =	ssub.s32 @!p0 $0x0, s1;
	[sflag:s0] =	ssyncset.done @!p0 $0x0  }
0x6d: {  	[sflag:s0] =	ssyncadd.s32 @!p0 s1  }
0x6e: {  	[bflag:$0x3] =	sbarrier.arrive $0xFFFF  }
0x6f: {  	_ =	shalt  }

// kernel: sparse-core-data-format-call.4.cloned.1.call-start
scs
called_computation.4_lowered:
.L_overlay_start_0:
0x0: {  	s1 =	sld [smem:$0x3FD9]  }
0x1: {  	s2 =	sld [smem:$0x3FFE];
	_ =	sdelay $0x1  }
0x2: {  	s3 =	srdreg.scid  }
0x3: {  	s0 =	sand.u32 $0x1, s3  }
0x4: {  	s17 =	sshll.u32 s0, $0xA;
	s1 =	sadd.s32 s2, s1  }
0x5: {  	s1 =	sadd.s32 s1, s17  }
0x6: {  	[smem:$0x3FC5] =	sst s1  }
0x7: {  	_ = 	snop  }
0x8: {  	(tm) =	ssettm $0x1  }
0x9: {  	s18 =	sld [smem:$0x3FFB];
	_ =	sdelay $0x3  }
0xa: {  	_ =	strace s18  }
0xb: {  	s1 =	sld [smem:$0x3FFC];
	_ =	sdelay $0x3  }
0xc: {  	_ =	strace s1  }
0xd: {  	s1 =	sld [smem:$0x3FFD];
	_ =	sdelay $0x3  }
0xe: {  	_ =	strace s1  }
0xf: {  	_ =	strace $0x8FFFFFFF  }
0x10: {  	s19 =	sld [smem:$0x3FDB];
	_ =	sdelay $0x1  }
0x11: {  	s20 =	simm.s32 $_scs_section_size  }
0x12: {  	s4 =	simm.s32 $_size__tile_overlayer_lowered;
	s5 =	simm.s32 $_tile_overlayer_lowered  }
0x13: {  	s23 =	simm.s32 $0x1BFF;
	s22 =	sshll.u32 s5, $0x1;
	s1 =	sadd.s32 s20, s19  }
0x14: {  	s6 =	simm.s32 $0x0;
	s21 =	sshll.u32 s4, $0x1;
	s4 =	sadd.s32 s22, s1  }
0x15: {  	[timem:s6], [sflag:s23] =	dma.local [hbm:s4], s21  }
0x16: {  	_ =	swait.ge [sflag:s23], s21  }
0x17: {  	s2 =	ssub.s32 $0x0, s21;
	[sflag:s23] =	ssyncset.done $0x0  }
0x18: {  	[sflag:s23] =	ssyncadd.s32 s2;
	_ =	sdelay $0x1  }
0x19: {  	s24 =	simm.s32 $0x1B8B  }
0x1a: {  	_ =	swait.ge [sflag:s24], $0x1  }
0x1b: {  	[sflag:s24] =	ssyncset.done $0x0  }
0x1c: {  	s26 =	simm.s32 $0x1B8E;
	s25 =	sld [smem:$0x3FFE];
	[sflag:s24] =	ssyncadd.s32 $0xFFFFFFFF  }
0x1d: {  	s27 =	simm.s32 $execute0_lowered;
	[smem:$0x3FD2] =	sst s26  }
0x1e: {  	s4 =	sshll.u32 s27, $0x1;
	_ =	strace $0x80000046;
	[dreg:$0x1] =	wrdreg $0xFFFFFFFF  }
0x1f: {  	s28 =	simm.s32 $_size_execute0_lowered;
	s1 =	sadd.s32 s1, s4;
	[dreg:$0x0] =	wrdreg $0x0  }
0x20: {  	s4 =	sshll.u32 s28, $0x1;
	[dreg:$0x2] =	wrdreg s1  }
0x21: {  	[dreg:$0x3] =	wrdreg s4  }
0x22: {  	[dreg:$0x4] =	wrdreg $0xC0  }
0x23: {  	_ =	task [dreg:s6], $0x5FFFF  }
0x24: {  	[dreg:$0x1] =	wrdreg $0xFFFFFFFF  }
0x25: {  	[dreg:$0x0] =	wrdreg $0x60  }
0x26: {  	[dreg:$0x2] =	wrdreg s25  }
0x27: {  	[dreg:$0x3] =	wrdreg $0xB  }
0x28: {  	_ =	task.clear_ibuf [dreg:s6], $0x4FFFF;
	_ =	strace $0x90000046  }
0x29: {  	s29 =	simm.s32 $0xB;
	_ =	strace $0x80000048  }
0x2a: {  	_ =	swait.ge [sflag:s29], $0x1  }
0x2b: {  	[sflag:s29] =	ssyncadd.s32 $0xFFFFFFFF  }
0x2c: {  	_ =	strace $0x90000048  }
0x2d: {  	_ =	sfence  }
0x2e: {  	s30 =	sld [smem:$0x0];
	_ =	sdelay $0x2  }
0x2f: {  	s31 =	sshll.u32 s3, $0xD;
	s3 =	sshrl.u32 s3, $0x2  }
0x30: {  	s2 =	sand.u32 $0x4000, s31;
	s1 =	sadd.s32 s3, s30  }
0x31: {  	s0 =	sor.u32 s2, s0;
	s1 =	sshll.u32 s1, $0x11  }
0x32: {  	s0 =	sor.u32 s1, s0  }
0x33: {  	s0 =	sadd.s32 $0x8F2B, s0  }
0x34: {  	[sflag:s0] =	ssyncadd.remote.s32 $0x1  }
0x35: {  	_ =	sfence.sel $0xFFFF  }
0x36: {  	[dreg:$0x0] =	wrdreg $0xFFFFFFFF;
	(pc) =	sbr.abs _section_cstart, $3  }
0x37: {  	[dreg:$0x1] =	wrdreg $0xFFFFFFFF  }
0x38: {  	_ =	task.clear_ibuf [dreg:s6], $0x2FFFF;
	_ =	strace $0x9FFFFFFF  }
0x39: {  	(tm) =	ssettm $0x7FFFFFFF  }
tec
execute0_lowered:
.L_overlay_start_1:
0x0: {  	(tag) =	ssettag $0x1  }
0x1: {  	s0 =	stileid.u32;
	s1 =	srdreg.scid  }
0x2: {  	s10 =	rddreg [dreg:$0x0];
	s8 =	simm.s32 $0x2;
	s19 =	simm.s32 $0x0  }
0x3: {  	s12 =	simm.s32 $0x2000;
	s13 =	simm.s32 $0x620000;
	s2 =	sshll.u32 s0, $0x2  }
0x4: {  	s20 =	simm.s32 $0x0;
	s3 =	sshll.u32 s1, $0x4;
	s1 =	sand.u32 $0xC, s2  }
0x5: {  	s21 =	simm.s32 $0x0;
	s30 =	sand.u32 $0x10, s3;
	s4 =	ssub.s32 $0x10, s1  }
0x6: {  	s22 =	simm.s32 $0x0;
	s2 =	sor.u32 s0, s30;
	s5 =	sand.u32 $0xC, s4  }
0x7: {  	s3 =	sshrl.u32 s2, $0x2;
	s2 =	simm.s32 $0x1;
	p0 =	sne.s32 s5, $0x0  }
0x8: {  	s4 =	sshrl.u32 s4, $0x4;
	s31 =	ssub.s32 $0x15, s3;
	s2 =	simm.s32 @!p0 $0x0  }
0x9: {  	s14 =	simm.s32 $0x0;
	s5 =	sshrl.u32 s31, $0x3;
	s4 =	sadd.s32 s2, s4  }
0xa: {  	s15 =	simm.s32 $0x0;
	s18 =	simm.s32 $0x0;
	s6 =	smul.u32 s4, s5  }
.Ltmp0:
0xb: {  	s7 =	sadd.s32 $0x189800, s10;
	s9 =	sadd.s32 $0x32800, s10;
	(pc) =	sbr.rel .LBB1_1-.Ltmp0, $4  }
0xc: {  	s2 =	rddreg [dreg:$0x1];
	_ =	strace $0x80000047;
	s5 =	simm.s32 $0x1  }
0xd: {  	s17 =	smov.u32 s1;
	[sflag:s5] =	ssyncpa.u1 $0x0;
	s6 =	smul.u32 $0xE, s6  }
0xe: {  	s16 =	smov.u32 s3;
	s4 =	sadd.s32 $0x1800, s10;
	[sflag:s8] =	ssyncpa.u1 $0x0  }
0xf: {  	s8 =	sadd.s32 $0x1A000, s10;
	s10 =	sadd.s32 $0x4B000, s10;
	s11 =	sor.u32 $0x1, s6  }
.LBB1_9:
0x10: {  	s23 =	sadd.s32 $0x1, s14  }
0x11: {  	s19 =	sadd.s32 $0x10, s15;
	s24 =	smov.u32 s15;
	p1 =	sgt.s32 s23, $0xD  }
0x12: {  	s24 =	smov.u32 @p1 s19  }
0x13: {  	s25 =	smov.u32 s16;
	s19 =	sadd.s32 $0x8, s16;
	p2 =	sgt.s32 s24, $0xF  }
0x14: {  	s25 =	smov.u32 @p2 s19  }
0x15: {  	s26 =	smov.u32 s17;
	s19 =	sadd.s32 $0x10, s17;
	p3 =	sgt.s32 s25, $0xD  }
0x16: {  	s26 =	smov.u32 @p3 s19  }
0x17: {  	p0 =	slt.u32 s18, $0x2;
	s23 =	simm.s32 @p1 $0x0;
	p1 =	sgt.s32 s26, $0xF  }
0x18: {  	s27 =	simm.s32 @!p0 $0x2;
	s26 =	smov.u32 @p1 s1;
	p1 =	sne.s32 s18, s11  }
.Ltmp1:
0x19: {  	s20 =	smov.u32 s15;
	_ =	swait.ge @!p0 [sflag:s27], $0x4000;
	(pc) =	sbr.rel @!p1 .LBB1_10-.Ltmp1, $4  }
0x1a: {  	s21 =	smov.u32 s16;
	[sflag:s27] =	ssyncset.done @!p0 $0x0;
	s24 =	simm.s32 @p2 $0x0  }
0x1b: {  	s22 =	smov.u32 s17;
	[sflag:s27] =	ssyncadd.s32 @!p0 $0xFFFFC000;
	s15 =	smov.u32 s24  }
0x1c: {  	s25 =	smov.u32 @p3 s3;
	s19 =	smov.u32 s14;
	s14 =	smov.u32 s23  }
0x1d: {  	s16 =	smov.u32 s25;
	s18 =	sadd.s32 $0x1, s18;
	s17 =	smov.u32 s26  }
.LBB1_1:
0x1e: {  	p0 =	sge.u32 s18, s6  }
0x1f: {  	s23 =	smul.u32 @!p0 $0x18800, s17  }
0x20: {  	s24 =	smul.u32 @!p0 $0x1C00, s16  }
0x21: {  	s26 =	smul.u32 @!p0 $0x1C0, s15;
	s27 =	sadd.s32 @!p0 s4, s23  }
0x22: {  	s25 =	sxor.u32 @!p0 $0xFFFFFFFF, s18;
	s28 =	sshll.u32 @!p0 s14, $0x5;
	s27 =	sadd.s32 @!p0 s24, s27  }
0x23: {  	s29 =	simm.s32 @!p0 $0x100;
	s25 =	sshll.u32 @!p0 s25, $0xE;
	s27 =	sadd.s32 @!p0 s26, s27  }
0x24: {  	s30 =	simm.s32 @!p0 $0xE00;
	s25 =	sand.u32 @!p0 $0x4000, s25;
	s27 =	sadd.s32 @!p0 s28, s27  }
0x25: {  	[tilespmem:s25], [sflag:$0x1] =	stream.strided.gather @!p0 [hbm4b:s27+s29], $0x1000, s30, s29, $0x38;
	[tilespmem:$0x10000] =	vst v63  }
0x26: {  	s27 =	sadd.s32 @!p0 s23, s8  }
0x27: {  	s27 =	sadd.s32 @!p0 s24, s27  }
0x28: {  	s27 =	sadd.s32 @!p0 s26, s27  }
0x29: {  	s31 =	sor.u32 @!p0 $0x1000, s25;
	s27 =	sadd.s32 @!p0 s28, s27  }
0x2a: {  	[tilespmem:s31], [sflag:$0x1] =	stream.strided.gather @!p0 [hbm4b:s27+s29], $0x1000, s30, s29, $0x38;
	[tilespmem:$0x10000] =	vst v63  }
0x2b: {  	s27 =	sadd.s32 @!p0 s23, s9  }
0x2c: {  	s23 =	sadd.s32 @!p0 s23, s10;
	s27 =	sadd.s32 @!p0 s24, s27  }
0x2d: {  	s23 =	sadd.s32 @!p0 s24, s23;
	s27 =	sadd.s32 @!p0 s26, s27  }
0x2e: {  	s31 =	sor.u32 @!p0 $0x2000, s25;
	s23 =	sadd.s32 @!p0 s26, s23;
	s27 =	sadd.s32 @!p0 s28, s27  }
0x2f: {  	[tilespmem:s31], [sflag:$0x1] =	stream.strided.gather @!p0 [hbm4b:s27+s29], $0x1000, s30, s29, $0x38;
	[tilespmem:$0x10000] =	vst v63  }
0x30: {  	s24 =	sor.u32 @!p0 $0x3000, s25;
	s23 =	sadd.s32 @!p0 s28, s23;
	s31 =	sadd.s32 $0xFFFFFFFF, s18  }
0x31: {  	[tilespmem:s24], [sflag:$0x1] =	stream.strided.gather @!p0 [hbm4b:s23+s29], $0x1000, s30, s29, $0x38;
	[tilespmem:$0x10000] =	vst v63  }
0x32: {  	p0 =	sge.u32 s31, s6  }
.Ltmp2:
0x33: {  	_ = 	snop;
	(pc) =	sbr.rel @p0 .LBB1_9-.Ltmp2, $1  }
0x34: {  	_ =	sdelay $0x3  }
0x35: {  	_ =	swait.ge [sflag:s5], $0x4000;
	s23 =	sshll.u32 s18, $0xE  }
0x36: {  	[sflag:s5] =	ssyncset.done $0x0;
	s24 =	sand.u32 $0x4000, s23  }
0x37: {  	s25 =	simm.s32 $0x0;
	[sflag:s5] =	ssyncadd.s32 $0xFFFFC000;
	s23 =	sor.u32 $0x8000, s24  }
.LBB1_3:
0x38: {  	s26 =	sshll.u32 s25, $0xC;
	s27 =	sshll.u32 s25, $0xB  }
0x39: {  	s26 =	sand.u32 $0x3FFFF000, s26;
	s27 =	sand.u32 $0x3FFFF800, s27  }
0x3a: {  	s28 =	simm.s32 $0x0;
	s26 =	sadd.s32 s26, s24;
	s27 =	sadd.s32 s27, s23  }
.LBB1_4:
0x3b: {  	s29 =	sshll.u32 s28, $0x8  }
0x3c: {  	s29 =	sand.u32 $0x3FFFFF00, s29  }
0x3d: {  	s30 =	sshll.u32 s28, $0x7;
	s31 =	sadd.s32 s29, s26  }
0x3e: {  	s30 =	sand.u32 $0x3FFFFF80, s30;
	v0 =	vmov s31  }
0x3f: {  	s30 =	sadd.s32 s30, s27  }
0x40: {  	p0 =	por $0x1, $0x1;
	s29 =	simm.s32 $0x0;
	v1 =	vmov s30  }
.LBB1_5:
0x41: {  	s30 =	sshll.u32 s29, $0x7  }
0x42: {  	s30 =	sand.u32 $0x3FFFFF80, s30  }
0x43: {  	v2 =	vld.idx.msk [tilespmem:v0+s30+$0x0 ss:$0x1], $0xffff  }
0x44: {  	v3 =	vld.idx.msk [tilespmem:v0+s30+$0x10 ss:$0x1], $0xffff  }
0x45: {  	v4 =	vld.idx.msk [tilespmem:v0+s30+$0x20 ss:$0x1], $0xffff  }
0x46: {  	s29 =	sshll.u32 s29, $0xD;
	v5 =	vld.idx.msk [tilespmem:v0+s30+$0x30 ss:$0x1], $0xffff  }
0x47: {  	s29 =	sand.u32 $0x3FFFE000, s29;
	v6 =	vld.idx.msk [tilespmem:v0+s30+$0x40 ss:$0x1], $0xffff  }
0x48: {  	v63 =	vld.idx.msk [tilespmem:v0+s30+$0x70 ss:$0x1], $0xffff;
	[tilespmem:v1+s29+$0x0 ss:$0x1] =	vst.idx.msk $0xffff, v2  }
0x49: {  	v2 =	vld.idx.msk [tilespmem:v0+s30+$0x50 ss:$0x1], $0xffff;
	[tilespmem:v1+s29+$0x10 ss:$0x1] =	vst.idx.msk $0xffff, v3  }
0x4a: {  	p1 =	por p0, p0;
	v3 =	vld.idx.msk [tilespmem:v0+s30+$0x60 ss:$0x1], $0xffff;
	[tilespmem:v1+s29+$0x20 ss:$0x1] =	vst.idx.msk $0xffff, v4  }
.Ltmp3:
0x4b: {  	[tilespmem:v1+s29+$0x30 ss:$0x1] =	vst.idx.msk $0xffff, v5;
	(pc) =	sbr.rel @p1 .LBB1_5-.Ltmp3, $4  }
0x4c: {  	[tilespmem:v1+s29+$0x40 ss:$0x1] =	vst.idx.msk $0xffff, v6  }
0x4d: {  	[tilespmem:v1+s29+$0x70 ss:$0x1] =	vst.idx.msk $0xffff, v63  }
0x4e: {  	[tilespmem:v1+s29+$0x50 ss:$0x1] =	vst.idx.msk $0xffff, v2  }
0x4f: {  	p0 =	por $0x0, $0x0;
	[tilespmem:v1+s29+$0x60 ss:$0x1] =	vst.idx.msk $0xffff, v3;
	s29 =	simm.s32 $0x1  }
0x50: {  	s28 =	sadd.s32 $0x1, s28  }
0x51: {  	p0 =	sne.s32 s28, $0x10  }
.Ltmp4:
0x52: {  	_ = 	snop;
	(pc) =	sbr.rel @p0 .LBB1_4-.Ltmp4, $1  }
0x53: {  	_ =	sdelay $0x3  }
0x54: {  	s25 =	sadd.s32 $0x1, s25  }
0x55: {  	p0 =	sne.s32 s25, $0x4  }
.Ltmp5:
0x56: {  	_ = 	snop;
	(pc) =	sbr.rel @p0 .LBB1_3-.Ltmp5, $1  }
0x57: {  	_ =	sdelay $0x3  }
0x58: {  	s21 =	smul.u32 $0xE000, s21;
	s22 =	sshll.u32 s22, $0x8  }
.Ltmp6:
0x59: {  	s22 =	sadd.s32 s7, s22;
	(pc) =	sbr.rel .LBB1_9-.Ltmp6, $4  }
0x5a: {  	s19 =	sshll.u32 s19, $0xC;
	s20 =	sshll.u32 s20, $0x4;
	s21 =	sadd.s32 s21, s22  }
0x5b: {  	s20 =	sand.u32 $0xF0, s20;
	s19 =	sadd.s32 s19, s21  }
0x5c: {  	s19 =	sadd.s32 s20, s19  }
0x5d: {  	[hbm4b:s19+s12] =	stream.strided.scatter [tilespmem:s23], [sflag:$0x2], $0x4000, s13, s12, $0x38;
	[tilespmem:$0x10000] =	vst v63  }
.LBB1_10:
0x5e: {  	_ =	sfence.sel $0x180000  }
0x5f: {  	s1 =	simm.s32 $0x1;
	[bflag:$0x0] =	sbarrier.arrive $0xFFFF  }
0x60: {  	s31 =	simm.s32 $0x2;
	[sflag:s1] =	ssyncpa.u1 $0x1  }
0x61: {  	[sflag:s31] =	ssyncpa.u1 $0x1  }
0x62: {  	p0 =	sne.s32 s0, $0x0;
	_ =	strace $0x90000047  }
0x63: {  	s0 =	sadd.s32 @!p0 $0x100000, s2;
	[bflag:$0x2] =	sbarrier.arrive $0xFFFF  }
0x64: {  	[sflag:s0] =	ssyncadd.tile.s32 @!p0 $0x1;
	_ =	shalt  }
.Lfunc_end1:
_tile_overlayer_lowered:
.L_overlay_start_2:
0x65: {  	(tag) =	ssettag $0x2  }
0x66: {  	s0 =	rddreg [dreg:$0x0];
	s2 =	stileid.u32  }
0x67: {  	s1 =	rddreg [dreg:$0x1];
	p0 =	sne.s32 s2, $0x0  }
0x68: {  	s3 =	rddreg [dreg:$0x2];
	[bflag:$0x3] =	sbarrier.arrive $0xFFFF;
	s2 =	simm.s32 @!p0 $0x1C01  }
0x69: {  	[timem:s3], [sflag:s2] =	dma.local @!p0 [hbm:s0], s1  }
0x6a: {  	s0 =	simm.s32 @!p0 $0x1  }
0x6b: {  	_ =	swait.ge @!p0 [sflag:s0], s1  }
0x6c: {  	s1 =	ssub.s32 @!p0 $0x0, s1;
	[sflag:s0] =	ssyncset.done @!p0 $0x0  }
0x6d: {  	[sflag:s0] =	ssyncadd.s32 @!p0 s1  }
0x6e: {  	[bflag:$0x3] =	sbarrier.arrive $0xFFFF  }
0x6f: {  	_ =	shalt  }

// kernel: sparse-core-data-format-call.cloned.1.call-start
scs
called_computation_lowered:
.L_overlay_start_0:
0x0: {  	s2 =	sld [smem:$0x3FD9]  }
0x1: {  	s3 =	sld [smem:$0x3FFE];
	_ =	sdelay $0x1  }
0x2: {  	s1 =	srdreg.scid  }
0x3: {  	s0 =	sand.u32 $0x1, s1  }
0x4: {  	s18 =	sshll.u32 s0, $0xA;
	s2 =	sadd.s32 s3, s2  }
0x5: {  	s2 =	sadd.s32 s2, s18  }
0x6: {  	[smem:$0x3FC5] =	sst s2  }
0x7: {  	_ = 	snop  }
0x8: {  	s2 =	sld [smem:$0x3FD0];
	(tm) =	ssettm $0x1  }
0x9: {  	s19 =	sld [smem:$0x3FFB];
	_ =	sdelay $0x3  }
0xa: {  	_ =	strace s19  }
0xb: {  	s3 =	sld [smem:$0x3FFC];
	_ =	sdelay $0x3  }
0xc: {  	_ =	strace s3  }
0xd: {  	s3 =	sld [smem:$0x3FFD];
	_ =	sdelay $0x3  }
0xe: {  	_ =	strace s3  }
0xf: {  	_ =	strace $0x8FFFFFFF  }
0x10: {  	s20 =	sld [smem:$0x3FDB];
	_ =	sdelay $0x1  }
0x11: {  	s4 =	simm.s32 $_scs_section_size  }
0x12: {  	s5 =	simm.s32 $_size__tile_overlayer_lowered;
	s6 =	simm.s32 $_tile_overlayer_lowered  }
0x13: {  	s23 =	simm.s32 $0x1BFF;
	s22 =	sshll.u32 s6, $0x1;
	s3 =	sadd.s32 s4, s20  }
0x14: {  	s7 =	simm.s32 $0x0;
	s21 =	sshll.u32 s5, $0x1;
	s5 =	sadd.s32 s22, s3  }
0x15: {  	[timem:s7], [sflag:s23] =	dma.local [hbm:s5], s21  }
0x16: {  	_ =	swait.ge [sflag:s23], s21  }
0x17: {  	s4 =	ssub.s32 $0x0, s21;
	[sflag:s23] =	ssyncset.done $0x0  }
0x18: {  	[sflag:s23] =	ssyncadd.s32 s4;
	_ =	sdelay $0x1  }
0x19: {  	s24 =	simm.s32 $0x1B8B  }
0x1a: {  	_ =	swait.ge [sflag:s24], $0x1  }
0x1b: {  	[sflag:s24] =	ssyncset.done $0x0  }
0x1c: {  	s26 =	simm.s32 $0x1B8E;
	s25 =	sld [smem:$0x3FFE];
	[sflag:s24] =	ssyncadd.s32 $0xFFFFFFFF  }
0x1d: {  	s27 =	simm.s32 $execute0_lowered;
	[smem:$0x3FD2] =	sst s26  }
0x1e: {  	s5 =	sshll.u32 s27, $0x1;
	_ =	strace $0x80000052;
	[dreg:$0x1] =	wrdreg $0xFFFFFFFF  }
0x1f: {  	s28 =	simm.s32 $_size_execute0_lowered;
	s3 =	sadd.s32 s3, s5;
	[dreg:$0x0] =	wrdreg $0x0  }
0x20: {  	s5 =	sshll.u32 s28, $0x1;
	[dreg:$0x2] =	wrdreg s3  }
0x21: {  	[dreg:$0x3] =	wrdreg s5  }
0x22: {  	[dreg:$0x4] =	wrdreg $0xC0  }
0x23: {  	_ =	task [dreg:s7], $0x5FFFF  }
0x24: {  	[dreg:$0x1] =	wrdreg $0xFFFFFFFF  }
0x25: {  	[dreg:$0x0] =	wrdreg $0x60  }
0x26: {  	[dreg:$0x2] =	wrdreg s25  }
0x27: {  	[dreg:$0x3] =	wrdreg s2  }
0x28: {  	[dreg:$0x4] =	wrdreg $0x9  }
0x29: {  	_ =	task.clear_ibuf [dreg:s7], $0x5FFFF;
	_ =	strace $0x90000052  }
0x2a: {  	s29 =	simm.s32 $0x9;
	_ =	strace $0x80000054  }
0x2b: {  	_ =	swait.ge [sflag:s29], $0x1  }
0x2c: {  	[sflag:s29] =	ssyncadd.s32 $0xFFFFFFFF  }
0x2d: {  	_ =	strace $0x90000054  }
0x2e: {  	_ =	sfence  }
0x2f: {  	s30 =	sld [smem:$0x0];
	_ =	sdelay $0x2  }
0x30: {  	s31 =	sshll.u32 s1, $0xD;
	s1 =	sshrl.u32 s1, $0x2  }
0x31: {  	s3 =	sand.u32 $0x4000, s31;
	s1 =	sadd.s32 s1, s30  }
0x32: {  	s0 =	sor.u32 s3, s0;
	s1 =	sshll.u32 s1, $0x11  }
0x33: {  	s0 =	sor.u32 s1, s0  }
0x34: {  	s0 =	sadd.s32 $0x8F2B, s0  }
0x35: {  	[sflag:s0] =	ssyncadd.remote.s32 $0x1  }
0x36: {  	_ =	sfence.sel $0xFFFF  }
0x37: {  	[dreg:$0x0] =	wrdreg $0xFFFFFFFF;
	(pc) =	sbr.abs _section_cstart, $3  }
0x38: {  	[dreg:$0x1] =	wrdreg $0xFFFFFFFF  }
0x39: {  	_ =	task.clear_ibuf [dreg:s7], $0x2FFFF;
	_ =	strace $0x9FFFFFFF  }
0x3a: {  	(tm) =	ssettm $0x7FFFFFFF  }
0x3b: {  	_ =	shalt  }
tec
execute0_lowered:
.L_overlay_start_1:
0x0: {  	(tag) =	ssettag $0x1  }
0x1: {  	s0 =	rddreg [dreg:$0x0];
	s1 =	srdreg.scid;
	_ =	strace $0x80000053  }
0x2: {  	s30 =	stileid.u32;
	s4 =	simm.s32 $0x1;
	s31 =	simm.s32 $0x2  }
0x3: {  	s14 =	simm.s32 $0x0;
	p0 =	por $0x0, $0x0;
	s15 =	simm.s32 $0x0  }
.Ltmp0:
0x4: {  	s16 =	simm.s32 $0x0;
	s7 =	simm.s32 $0x0;
	(pc) =	sbr.rel .LBB1_1-.Ltmp0, $4  }
0x5: {  	s9 =	simm.s32 $0x0;
	s10 =	simm.s32 $0x0;
	s29 =	sshll.u32 s1, $0x4  }
0x6: {  	s11 =	simm.s32 $0x0;
	s3 =	sadd.s32 $0x1800, s0;
	s0 =	sand.u32 $0x10, s29  }
0x7: {  	s12 =	simm.s32 $0x0;
	[sflag:s4] =	ssyncpa.u1 $0x0;
	s5 =	sor.u32 s30, s0  }
0x8: {  	s8 =	simm.s32 $0x0;
	[sflag:s31] =	ssyncpa.u1 $0x0;
	s13 =	smov.u32 s5  }
.LBB1_13:
0x9: {  	s0 =	sshll.u32 s10, $0x8;
	s1 =	sshll.u32 s9, $0x3;
	p1 =	sgt.s32 s9, $0x80  }
0xa: {  	s2 =	smov.u32 s9;
	s6 =	sshll.u32 s10, $0x7;
	s22 =	smul.u32 $0x4080, s21  }
0xb: {  	s0 =	sand.u32 $0xFFFFF800, s0;
	s1 =	sand.u32 $0xFFFFFC00, s1;
	s2 =	simm.s32 @!p1 $0x80  }
0xc: {  	s20 =	sand.u32 $0x300, s6;
	s0 =	sadd.s32 s0, s1;
	s2 =	sadd.s32 s17, s2  }
0xd: {  	s19 =	smul.u32 $0xA8000, s7;
	s0 =	sor.u32 s20, s0;
	s23 =	sadd.s32 $0xFFFFFF80, s2  }
0xe: {  	s1 =	ssub.s32 $0x100, s2;
	s0 =	sshrl.u32 s0, $0x8;
	p1 =	sgt.s32 s23, $0x7F  }
0xf: {  	s25 =	sand.u32 $0x78, s9;
	s24 =	smulhi.u32 $0x124924A, s0;
	s1 =	simm.s32 @p1 $0x0  }
0x10: {  	s27 =	rddreg [dreg:$0x1];
	s6 =	sand.u32 $0x80, s6;
	s1 =	smul.u32 s1, s18  }
0x11: {  	s28 =	sand.u32 $0x7, s9;
	s6 =	sor.u32 s25, s6;
	s2 =	smul.u32 $0xE0, s24  }
0x12: {  	s31 =	simm.s32 $0xE000;
	s29 =	sshll.u32 s28, $0x12;
	s26 =	sshrl.u32 s6, $0x3  }
0x13: {  	s6 =	sadd.s32 s27, s19;
	s1 =	smul.u32 $0x60, s1;
	s0 =	ssub.s32 s0, s2  }
0x14: {  	s17 =	sor.u32 $0x8000, s22;
	s2 =	sadd.s32 s26, s6;
	s0 =	sshll.u32 s0, $0x5  }
0x15: {  	s30 =	sor.u32 $0x80, s29;
	s1 =	sand.u32 $0x3FFFFFE0, s1;
	s0 =	sadd.s32 s0, s2  }
0x16: {  	[hbm4b:s0+s30] =	stream.strided.scatter [tilespmem:s17], [sflag:$0x2], s1, s31, s30, $0x20;
	[tilespmem:$0x10100] =	vst v63  }
.LBB1_14:
0x17: {  	p1 =	slt.u32 s8, $0x2;
	s0 =	smov.u32 s16  }
0x18: {  	s17 =	smov.u32 s12;
	p2 =	sgt.s32 @!p1 s14, $0x1;
	p3 =	sgt.s32 @!p1 s16, $0xDF  }
0x19: {  	s1 =	sshra.s32 @!p1 s16, $0x1F;
	s2 =	sshra.s32 @!p1 s14, $0x1F;
	p2 =	por !p2, p1  }
0x1a: {  	p3 =	por !p3, p1;
	s1 =	sand.u32 @!p1 s1, s16;
	s2 =	sand.u32 @!p1 s2, s14  }
0x1b: {  	s0 =	simm.s32 @p3 $0xDF;
	p3 =	sgt.s32 @!p1 s15, $0x80;
	s14 =	simm.s32 @p2 $0x1  }
0x1c: {  	s0 =	ssub.s32 @!p1 s0, s1;
	s1 =	sshra.s32 @!p1 s15, $0x1F;
	p3 =	por !p3, p1  }
0x1d: {  	s2 =	sxor.u32 @!p1 $0xFFFFFFFF, s2;
	s1 =	sand.u32 @!p1 s1, s15;
	s15 =	simm.s32 @p3 $0x80  }
0x1e: {  	s2 =	sadd.s32 @!p1 s2, s14;
	s6 =	sadd.s32 @!p1 $0xFFFFFF21, s0;
	s1 =	ssub.s32 @!p1 s15, s1  }
0x1f: {  	s14 =	ssub.s32 @!p1 $0x1, s2;
	p2 =	sgt.s32 @!p1 s6, $0x0;
	s6 =	sadd.s32 @!p1 $0xFFFFFF80, s1  }
0x20: {  	s0 =	ssub.s32 @!p1 $0xE0, s0;
	p2 =	por !p2, p1;
	p3 =	sgt.s32 @!p1 s6, $0x7F  }
0x21: {  	s1 =	ssub.s32 @!p1 $0x100, s1;
	s0 =	simm.s32 @!p2 $0x0;
	p2 =	por !p3, p1  }
0x22: {  	p3 =	sgt.s32 @!p1 s2, $0x0;
	s2 =	smul.u32 @!p1 $0x60, s14;
	s1 =	simm.s32 @!p2 $0x0  }
0x23: {  	p2 =	por !p3, p1;
	s0 =	smul.u32 @!p1 s0, s1;
	s1 =	sadd.s32 $0x1, s11  }
0x24: {  	s6 =	sadd.s32 $0x80, s12;
	s2 =	simm.s32 @!p2 $0x0;
	p2 =	sgt.s32 s1, $0x1  }
0x25: {  	s0 =	smul.u32 @!p1 s2, s0;
	s17 =	smov.u32 @p2 s6  }
0x26: {  	s2 =	sadd.s32 $0x20, s13;
	s6 =	smov.u32 s13;
	p3 =	sgt.s32 s17, $0xDF  }
0x27: {  	s8 =	sadd.s32 $0x1, s8;
	p0 =	por !p0, !p0;
	s6 =	smov.u32 @p3 s2  }
0x28: {  	s16 =	smov.u32 s10;
	s1 =	simm.s32 @p2 $0x0;
	p2 =	sgt.s32 s6, $0xDF  }
0x29: {  	s10 =	smov.u32 s13;
	s6 =	smov.u32 @p2 s5;
	p2 =	sne.s32 s8, $0x1E  }
.Ltmp1:
0x2a: {  	s15 =	smov.u32 s9;
	s9 =	smov.u32 s12;
	(pc) =	sbr.rel @!p2 .LBB1_15-.Ltmp1, $4  }
0x2b: {  	s14 =	smov.u32 s7;
	s0 =	sand.u32 @!p1 $0x3FFFFFE0, s0;
	s2 =	simm.s32 @!p1 $0x2  }
0x2c: {  	s7 =	smov.u32 s11;
	s11 =	smov.u32 s1;
	_ =	swait.ge @!p1 [sflag:s2], s0  }
0x2d: {  	s17 =	simm.s32 @p3 $0x0;
	s0 =	ssub.s32 @!p1 $0x0, s0;
	[sflag:s2] =	ssyncset.done @!p1 $0x0  }
0x2e: {  	s12 =	smov.u32 s17;
	[sflag:s2] =	ssyncadd.s32 @!p1 s0;
	s13 =	smov.u32 s6  }
.LBB1_1:
0x2f: {  	p1 =	sgt.u32 s8, $0x1B;
	s0 =	smov.u32 s13  }
0x30: {  	s6 =	smov.u32 s12;
	p2 =	sgt.s32 @!p1 s13, $0xDF;
	s1 =	sxor.u32 @!p1 $0xFFFFFFFF, s8  }
0x31: {  	s2 =	sshra.s32 @!p1 s13, $0x1F;
	s17 =	sshra.s32 @!p1 s12, $0x1F;
	p2 =	por !p2, p1  }
0x32: {  	s2 =	sand.u32 @!p1 s2, s13;
	s0 =	simm.s32 @p2 $0xDF;
	p2 =	sgt.s32 @!p1 s12, $0x60  }
0x33: {  	s17 =	sand.u32 @!p1 s17, s12;
	p2 =	por !p2, p1;
	s0 =	ssub.s32 @!p1 s0, s2  }
0x34: {  	s6 =	simm.s32 @p2 $0x60;
	p2 =	sgt.s32 @!p1 s11, $0x1;
	s0 =	sadd.s32 @!p1 $0xFFFFFF21, s0  }
0x35: {  	s2 =	ssub.s32 @!p1 s6, s17;
	p2 =	por !p2, p1;
	s17 =	smov.u32 s11  }
0x36: {  	s6 =	sadd.s32 @!p1 $0xFFFFFFA0, s2;
	s17 =	simm.s32 @p2 $0x1;
	p2 =	sgt.s32 @!p1 s0, $0x0  }
0x37: {  	s0 =	sshll.u32 @!p1 s0, $0x7;
	p3 =	sgt.s32 @!p1 s6, $0x7F;
	s6 =	sshra.s32 @!p1 s11, $0x1F  }
0x38: {  	s2 =	ssub.s32 @!p1 $0xE0, s2;
	s0 =	ssub.s32 @!p1 $0x80, s0;
	s6 =	sand.u32 @!p1 s6, s11  }
0x39: {  	p2 =	por !p2, p1;
	p3 =	por !p3, p1;
	s6 =	sxor.u32 @!p1 $0xFFFFFFFF, s6  }
0x3a: {  	s0 =	simm.s32 @!p2 $0x0;
	s2 =	simm.s32 @!p3 $0x0;
	s6 =	sadd.s32 @!p1 s6, s17  }
0x3b: {  	s1 =	sshll.u32 @!p1 s1, $0xE;
	s0 =	smul.u32 @!p1 s2, s0;
	p3 =	sgt.s32 @!p1 s6, $0x0  }
0x3c: {  	s2 =	smul.u32 @!p1 $0x1C00, s13;
	s6 =	ssub.s32 @!p1 $0x1, s6;
	p2 =	por !p3, p1  }
0x3d: {  	s1 =	sand.u32 @!p1 $0x4000, s1;
	s17 =	sshll.u32 @!p1 s11, $0x4;
	s6 =	simm.s32 @!p2 $0x0  }
0x3e: {  	s2 =	sadd.s32 @!p1 s3, s2;
	s0 =	smul.u32 @!p1 s6, s0;
	s6 =	sshll.u32 @!p1 s12, $0x5  }
0x3f: {  	s17 =	sand.u32 @!p1 $0x10, s17;
	s2 =	sadd.s32 @!p1 s6, s2;
	s6 =	simm.s32 @!p1 $0x80  }
0x40: {  	s0 =	sand.u32 @!p1 $0x3FFFFF80, s0;
	s2 =	sadd.s32 @!p1 s17, s2;
	s17 =	simm.s32 @!p1 $0x100  }
0x41: {  	[tilespmem:s1], [sflag:$0x1] =	stream.strided.gather @!p1 [hbm4b:s2+s6], s0, s17, s6, $0x38;
	[tilespmem:$0x10100] =	vst v63  }
0x42: {  	p1 =	seq.s32 s8, $0x0  }
0x43: {  	p2 =	seq.s32 @!p1 s8, $0x1D  }
0x44: {  	p1 =	por p1, p2  }
.Ltmp2:
0x45: {  	_ = 	snop;
	(pc) =	sbr.rel @p1 .LBB1_14-.Ltmp2, $1  }
0x46: {  	_ =	sdelay $0x3  }
0x47: {  	p1 =	sgt.s32 s10, $0xDF;
	s0 =	smov.u32 s10  }
0x48: {  	s1 =	sshra.s32 s10, $0x1F;
	s2 =	ssub.s32 $0x0, s9;
	s6 =	sshra.s32 s9, $0x1F  }
0x49: {  	s28 =	sshra.s32 s7, $0x1F;
	s0 =	simm.s32 @!p1 $0xDF;
	s1 =	sand.u32 s1, s10  }
0x4a: {  	p2 =	sgt.s32 s9, $0x60;
	p3 =	sgt.s32 s7, $0x1;
	s0 =	ssub.s32 s0, s1  }
0x4b: {  	s17 =	sand.u32 s2, s6;
	s2 =	smov.u32 s9;
	s1 =	sadd.s32 $0xFFFFFF21, s0  }
0x4c: {  	s6 =	smov.u32 s7;
	p1 =	sgt.s32 s1, $0x0;
	s1 =	sand.u32 s28, s7  }
0x4d: {  	s2 =	simm.s32 @!p2 $0x60;
	s6 =	simm.s32 @!p3 $0x1;
	s1 =	sxor.u32 $0xFFFFFFFF, s1  }
0x4e: {  	s0 =	ssub.s32 $0xE0, s0;
	s2 =	sadd.s32 s17, s2;
	s1 =	sadd.s32 s1, s6  }
0x4f: {  	s29 =	sadd.s32 $0xFFFFFFA0, s2;
	p2 =	sgt.s32 s1, $0x0;
	s1 =	ssub.s32 $0x1, s1  }
0x50: {  	s2 =	ssub.s32 $0xE0, s2;
	s0 =	simm.s32 @p1 $0x0;
	s1 =	simm.s32 @p2 $0x0  }
0x51: {  	p1 =	sgt.s32 s29, $0x7F;
	s18 =	smul.u32 s0, s1;
	s0 =	sadd.s32 $0x1, s10  }
0x52: {  	s2 =	simm.s32 @p1 $0x0;
	s1 =	sadd.s32 $0x80, s9;
	p1 =	slt.s32 s0, $0xE0  }
0x53: {  	s0 =	simm.s32 @!p1 $0xE0;
	p1 =	slt.s32 s1, $0xE0  }
0x54: {  	s19 =	ssub.s32 s0, s10;
	s1 =	simm.s32 @!p1 $0xE0;
	s0 =	sadd.s32 $0x1, s7  }
0x55: {  	s20 =	ssub.s32 s1, s9;
	p2 =	slt.s32 s0, $0x2;
	p1 =	slt.s32 s19, $0x1  }
0x56: {  	s0 =	simm.s32 @!p2 $0x2;
	p2 =	slt.s32 @!p1 s20, $0x1  }
0x57: {  	s22 =	ssub.s32 s0, s7;
	p2 =	por p1, p2  }
0x58: {  	s2 =	smul.u32 s2, s18;
	p3 =	slt.s32 @!p2 s22, $0x1  }
0x59: {  	p2 =	por p2, p3  }
.Ltmp3:
0x5a: {  	s30 =	sshll.u32 s2, $0x7;
	(pc) =	sbr.rel @p2 .LBB1_13-.Ltmp3, $4  }
0x5b: {  	s1 =	sand.u32 $0x3FFFFF80, s30  }
0x5c: {  	_ =	swait.ge [sflag:s4], s1  }
0x5d: {  	s31 =	ssub.s32 $0x0, s1;
	[sflag:s4] =	ssyncset.done $0x0  }
0x5e: {  	s21 =	sand.u32 $0x1, s8;
	[sflag:s4] =	ssyncadd.s32 s31  }
0x5f: {  	s0 =	simm.s32 $0x1  }
.Ltmp4:
0x60: {  	s0 =	simm.s32 @!p0 $0x0;
	(pc) =	sbr.rel .LBB1_4-.Ltmp4, $3  }
0x61: {  	s0 =	smul.u32 $0x10200, s0;
	_ =	sdelay $0x1  }
0x62: {  	s23 =	sshll.u32 @!p1 s21, $0xE;
	s0 =	sshrl.u32 s0, $0x2  }
0x63: {  	s25 =	simm.s32 $0x0;
	s26 =	simm.s32 $0x0;
	s24 =	sor.u32 $0x8000, s0  }
.LBB1_12:
0x64: {  	s26 =	sadd.s32 $0x1, s26  }
0x65: {  	p1 =	sne.s32 s26, s19  }
.Ltmp5:
0x66: {  	_ = 	snop;
	(pc) =	sbr.rel @!p1 .LBB1_13-.Ltmp5, $2  }
0x67: {  	_ =	sdelay $0x2  }
0x68: {  	s25 =	sadd.s32 $0x1, s25  }
.LBB1_4:
0x69: {  	s0 =	sand.u32 $0x7, s25  }
0x6a: {  	s0 =	smul.u32 $0x204, s0  }
0x6b: {  	s1 =	sshll.u32 s26, $0x10  }
0x6c: {  	s29 =	simm.s32 $0x0;
	s1 =	sshra.s32 s1, $0x2;
	s0 =	sshrl.u32 s0, $0x2  }
0x6d: {  	s30 =	simm.s32 $0x0;
	s27 =	sadd.s32 s1, s23;
	s28 =	sadd.s32 s0, s24  }
.LBB1_5:
0x6e: {  	s0 =	sshll.u32 s30, $0x9  }
0x6f: {  	s0 =	sshra.s32 s0, $0x2  }
0x70: {  	s0 =	sadd.s32 s0, s27  }
0x71: {  	v0 =	vmov s0;
	_ =	sdelay $0x2  }
0x72: {  	s6 =	simm.s32 $0x0  }
0x73: {  	p2 =	sne.s32 s22, $0x1;
	s2 =	sand.u32 $0x80, s6  }
.Ltmp6:
0x74: {  	v7 =	vld.idx.msk [tilespmem:v0+s2+$0x50 ss:$0x1], $0xffff;
	(pc) =	sbr.rel @!p2 .LBB1_6-.Ltmp6, $4  }
0x75: {  	v8 =	vld.idx.msk [tilespmem:v0+s2+$0x0 ss:$0x1], $0xffff  }
0x76: {  	v10 =	vld.idx.msk [tilespmem:v0+s2+$0x10 ss:$0x1], $0xffff  }
0x77: {  	s31 =	sand.u32 $0x7F, s29;
	p1 =	por $0x0, $0x0;
	v11 =	vld.idx.msk [tilespmem:v0+s2+$0x20 ss:$0x1], $0xffff  }
0x78: {  	s1 =	sadd.s32 s31, s28;
	s6 =	sadd.s32 $0xFFFFFFFF, s22;
	s0 =	simm.s32 $0x80;
	v9 =	vld.idx.msk [tilespmem:v0+s2+$0x30 ss:$0x1], $0xffff  }
0x79: {  	_ =	sdelay $0x3  }
0x7a: {  	s0 =	sand.u32 $0x80, s0;
	v1 =	vld.idx.msk [tilespmem:v0+s2+$0x40 ss:$0x1], $0xffff;
	p2 =	sne.s32 s6, $0x1  }
.Ltmp7:
0x7b: {  	[tilespmem:s1+$0x2850 ss:$0x81] =	vst.msk $0xffff, v7;
	v4 =	vld.idx.msk [tilespmem:v0+s0+$0x50 ss:$0x1], $0xffff;
	(pc) =	sbr.rel @!p2 .LBB1_8-.Ltmp7, $4  }
0x7c: {  	v2 =	vld.idx.msk [tilespmem:v0+s0+$0x0 ss:$0x1], $0xffff;
	[tilespmem:s1+$0x0 ss:$0x81] =	vst.msk $0xffff, v8  }
0x7d: {  	v3 =	vld.idx.msk [tilespmem:v0+s0+$0x10 ss:$0x1], $0xffff;
	[tilespmem:s1+$0x810 ss:$0x81] =	vst.msk $0xffff, v10  }
0x7e: {  	s2 =	sadd.s32 $0xFFFFFFFF, s6;
	v5 =	vld.idx.msk [tilespmem:v0+s0+$0x20 ss:$0x1], $0xffff;
	[tilespmem:s1+$0x1020 ss:$0x81] =	vst.msk $0xffff, v11  }
0x7f: {  	s6 =	simm.s32 $0x100;
	s31 =	sadd.s32 $0x4080, s1;
	p1 =	por $0x1, $0x1;
	v6 =	vld.idx.msk [tilespmem:v0+s0+$0x30 ss:$0x1], $0xffff;
	[tilespmem:s1+$0x1830 ss:$0x81] =	vst.msk $0xffff, v9  }
.LBB1_9:
0x80: {  	p2 =	sne.s32 s2, $0x1;
	s2 =	sadd.s32 $0xFFFFFFFF, s2;
	[tilespmem:s1+$0x2040 ss:$0x81] =	vst.msk $0xffff, v1;
	v1 =	vld.idx.msk [tilespmem:v0+s0+$0x40 ss:$0x1], $0xffff;
	s0 =	sand.u32 $0x80, s6  }
.Ltmp8:
0x81: {  	s1 =	smov.u32 s31;
	[tilespmem:s31+$0x2850 ss:$0x81] =	vst.msk $0xffff, v4;
	v4 =	vld.idx.msk [tilespmem:v0+s0+$0x50 ss:$0x1], $0xffff;
	(pc) =	sbr.rel @p2 .LBB1_9-.Ltmp8, $4  }
0x82: {  	[tilespmem:s31+$0x0 ss:$0x81] =	vst.msk $0xffff, v2;
	v2 =	vld.idx.msk [tilespmem:v0+s0+$0x0 ss:$0x1], $0xffff  }
0x83: {  	[tilespmem:s31+$0x810 ss:$0x81] =	vst.msk $0xffff, v3;
	v3 =	vld.idx.msk [tilespmem:v0+s0+$0x10 ss:$0x1], $0xffff  }
0x84: {  	[tilespmem:s31+$0x1020 ss:$0x81] =	vst.msk $0xffff, v5;
	v5 =	vld.idx.msk [tilespmem:v0+s0+$0x20 ss:$0x1], $0xffff  }
0x85: {  	s6 =	sadd.s32 $0x80, s6;
	s31 =	sadd.s32 $0x4080, s31;
	[tilespmem:s1+$0x1830 ss:$0x81] =	vst.msk $0xffff, v6;
	v6 =	vld.idx.msk [tilespmem:v0+s0+$0x30 ss:$0x1], $0xffff  }
0x86: {  	_ =	sdelay $0x3  }
0x87: {  	s6 =	smov.u32 s1;
	s2 =	smov.u32 s0;
	v7 =	vmovc v4;
	s1 =	smov.u32 s31;
	v8 =	vmovc v2;
	v10 =	vmov v3;
	v11 =	vmov v5;
	v9 =	vmov v6  }
.LBB1_11:
0x88: {  	_ =	sdelay $0x2  }
0x89: {  	[tilespmem:s6+$0x2040 ss:$0x81] =	vst.msk @p1 $0xffff, v1;
	s30 =	sadd.s32 $0x1, s30  }
0x8a: {  	v0 =	vld.idx.msk [tilespmem:v0+s2+$0x40 ss:$0x1], $0xffff;
	[tilespmem:s1+$0x2850 ss:$0x81] =	vst.msk $0xffff, v7;
	p1 =	sne.s32 s30, s20  }
.Ltmp9:
0x8b: {  	[tilespmem:s1+$0x0 ss:$0x81] =	vst.msk $0xffff, v8;
	(pc) =	sbr.rel @p1 .LBB1_5-.Ltmp9, $4  }
.Ltmp10:
0x8c: {  	[tilespmem:s1+$0x810 ss:$0x81] =	vst.msk $0xffff, v10;
	(pc) =	sbr.rel @!p1 .LBB1_12-.Ltmp10, $4  }
0x8d: {  	[tilespmem:s1+$0x1020 ss:$0x81] =	vst.msk $0xffff, v11  }
0x8e: {  	[tilespmem:s1+$0x1830 ss:$0x81] =	vst.msk $0xffff, v9  }
0x8f: {  	s29 =	sadd.s32 $0x1, s29;
	[tilespmem:s1+$0x2040 ss:$0x81] =	vst.msk $0xffff, v0  }
0x90: {  	_ = 	snop  }
.LBB1_6:
.Ltmp11:
0x91: {  	(pc) =	sbr.rel .LBB1_11-.Ltmp11, $2  }
0x92: {  	_ =	sdelay $0x2  }
0x93: {  	_ = 	snop  }
.LBB1_8:
.Ltmp12:
0x94: {  	_ = 	snop;
	(pc) =	sbr.rel .LBB1_11-.Ltmp12, $2  }
0x95: {  	_ =	sdelay $0x2  }
0x96: {  	s6 =	smov.u32 s1;
	s2 =	smov.u32 s0;
	v7 =	vmovc v4;
	s1 =	smov.u32 s31;
	v8 =	vmovc v2;
	v10 =	vmov v3;
	v11 =	vmov v5;
	v9 =	vmov v6  }
.LBB1_15:
0x97: {  	_ =	sfence.sel $0x180000  }
0x98: {  	s0 =	simm.s32 $0x1;
	[bflag:$0x0] =	sbarrier.arrive $0xFFFF  }
0x99: {  	s30 =	simm.s32 $0x2;
	[sflag:s0] =	ssyncpa.u1 $0x1  }
0x9a: {  	[sflag:s30] =	ssyncpa.u1 $0x1  }
0x9b: {  	_ =	strace $0x90000053  }
0x9c: {  	s31 =	stileid.u32;
	[bflag:$0x2] =	sbarrier.arrive $0xFFFF  }
0x9d: {  	p0 =	sne.s32 s31, $0x0;
	s0 =	rddreg [dreg:$0x2]  }
0x9e: {  	s0 =	sadd.s32 @!p0 $0x100000, s0  }
0x9f: {  	[sflag:s0] =	ssyncadd.tile.s32 @!p0 $0x1;
	_ =	shalt  }
.Lfunc_end1:
_tile_overlayer_lowered:
.L_overlay_start_2:
0xa0: {  	(tag) =	ssettag $0x2  }
0xa1: {  	s0 =	rddreg [dreg:$0x0];
	s2 =	stileid.u32  }
0xa2: {  	s1 =	rddreg [dreg:$0x1];
	p0 =	sne.s32 s2, $0x0  }
0xa3: {  	s3 =	rddreg [dreg:$0x2];
	[bflag:$0x3] =	sbarrier.arrive $0xFFFF;
	s2 =	simm.s32 @!p0 $0x1C01  }
0xa4: {  	[timem:s3], [sflag:s2] =	dma.local @!p0 [hbm:s0], s1  }
0xa5: {  	s0 =	simm.s32 @!p0 $0x1  }
0xa6: {  	_ =	swait.ge @!p0 [sflag:s0], s1  }
0xa7: {  	s1 =	ssub.s32 @!p0 $0x0, s1;
	[sflag:s0] =	ssyncset.done @!p0 $0x0  }
0xa8: {  	[sflag:s0] =	ssyncadd.s32 @!p0 s1  }
0xa9: {  	[bflag:$0x3] =	sbarrier.arrive $0xFFFF  }
0xaa: {  	_ =	shalt  }

</sc_bundles>
